<compile_context>
chip_gen: v7x
topology: tpu7x:2x2x1
jax: 0.10.2.dev20260603
libtpu: 0.0.44.dev20260713+nightly
codegen_flags: <defaults>
</compile_context>

<pallas_src>
import functools

import jax
import jax.numpy as jnp
from jax import lax
from jax.experimental import pallas as pl
from jax.experimental.pallas import tpu as pltpu
from jax.experimental.pallas import tpu_sc as plsc

D = 64
DP = 128
CHUNK = 128
L = 16
EPS = 1e-5
NRING = 4
NOUT = 2


def _rsqrt(a):
    i = plsc.bitcast(a, jnp.int32)
    i = jnp.int32(0x5F3759DF) - lax.shift_right_logical(i, 1)
    y = plsc.bitcast(i, jnp.float32)
    half = a * 0.5
    for _ in range(3):
        y = y * (1.5 - half * y * y)
    return y


@functools.lru_cache(maxsize=None)
def _make_kernel(n_rows):
    info = plsc.get_sparse_core_info()
    nc, ns = info.num_cores, info.num_subcores
    nw = nc * ns
    rows_per_w = n_rows // nw
    n_chunks = rows_per_w // CHUNK
    n4 = n_chunks // NRING
    assert rows_per_w % CHUNK == 0 and n_rows % nw == 0
    assert n_chunks % NRING == 0 and NRING % NOUT == 0
    mesh = plsc.VectorSubcoreMesh(core_axis_name="c", subcore_axis_name="s")

    @functools.partial(
        pl.kernel,
        mesh=mesh,
        out_type=jax.ShapeDtypeStruct((n_rows, D), jnp.float32),
        compiler_params=pltpu.CompilerParams(needs_layout_passes=False),
        scratch_types=[
            pltpu.VMEM((n_chunks, CHUNK), jnp.int32),
            [pltpu.VMEM((CHUNK,), jnp.int32) for _ in range(NRING)],
            [pltpu.VMEM((CHUNK, DP), jnp.float32) for _ in range(NRING)],
            [pltpu.VMEM((CHUNK, D), jnp.float32) for _ in range(NOUT)],
            pltpu.VMEM((D,), jnp.float32),
            pltpu.VMEM((D,), jnp.float32),
            pltpu.VMEM((D // 8, DP), jnp.float32),
            pltpu.VMEM((D // 8, DP), jnp.float32),
            [pltpu.SemaphoreType.DMA for _ in range(NRING)],
            [pltpu.SemaphoreType.DMA for _ in range(NOUT)],
        ],
    )
    def k(x_hbm, table_hbm, gamma_hbm, beta_hbm, out_hbm,
          idx_v, sidx, rows, obuf, gamma_v, beta_v, dgam, dbet, gsem, wsem):
        wid = lax.axis_index("s") * nc + lax.axis_index("c")
        base0 = wid * rows_per_w
        pltpu.sync_copy(gamma_hbm, gamma_v)
        pltpu.sync_copy(beta_hbm, beta_v)
        pltpu.sync_copy(x_hbm.at[pl.ds(wid * n_chunks, n_chunks), :], idx_v)
        lanes = lax.iota(jnp.int32, L)

        for j0 in range(D):
            cd0 = (lanes + j0) & (D - 1)
            dgam[j0 // 8, pl.ds((j0 % 8) * L, L)] = plsc.load_gather(
                gamma_v, [cd0])
            dbet[j0 // 8, pl.ds((j0 % 8) * L, L)] = plsc.load_gather(
                beta_v, [cd0])

        def prep(g, sb):
            for bb in range(CHUNK // L):
                sb[pl.ds(bb * L, L)] = lax.shift_right_logical(
                    idx_v[g, pl.ds(bb * L, L)], 1)

        def gather(g, r):
            return pltpu.make_async_copy(
                table_hbm.at[sidx[r]], rows[r], gsem[r]
            )

        def writeback(g, p):
            return pltpu.make_async_copy(
                obuf[p],
                out_hbm.at[pl.ds(base0 + g * CHUNK, CHUNK)],
                wsem[p],
            )

        zero = jnp.zeros((L,), jnp.float32)

        def compute(g, rbuf, wbuf):
            def block_body(b, carry2):
                row_idx = b * L + lanes
                off = (idx_v[g, pl.ds(b * L, L)] & 1) * D

                def p1(jo, accs):
                    s0, s1, q0, q1 = accs
                    loaded = []
                    for ji in range(8):
                        cd = ((lanes + (jo * 8 + ji)) & (D - 1)) + off
                        loaded.append(plsc.load_gather(rbuf, [row_idx, cd]))
                    for ji, v in enumerate(loaded):
                        if ji % 2 == 0:
                            s0 = s0 + v
                            q0 = q0 + v * v
                        else:
                            s1 = s1 + v
                            q1 = q1 + v * v
                    return s0, s1, q0, q1

                s0, s1, q0, q1 = lax.fori_loop(
                    0, D // 8, p1, (zero, zero, zero, zero)
                )
                mean = (s0 + s1) * (1.0 / D)
                var = (q0 + q1) * (1.0 / D) - mean * mean
                rstd = _rsqrt(var + EPS)
                mrs = mean * rstd

                def p2(jo, carry3):
                    loaded = []
                    for ji in range(8):
                        j = jo * 8 + ji
                        cd0 = (lanes + j) & (D - 1)
                        v = plsc.load_gather(rbuf, [row_idx, cd0 + off])
                        dg = dgam[jo, pl.ds(ji * L, L)]
                        db = dbet[jo, pl.ds(ji * L, L)]
                        loaded.append((v, cd0, dg, db))
                    for v, cd0, dg, db in loaded:
                        o = (v * rstd - mrs) * dg + db
                        plsc.store_scatter(wbuf, [row_idx, cd0], o)
                    return carry3

                lax.fori_loop(0, D // 8, p2, 0)
                return carry2

            lax.fori_loop(0, CHUNK // L, block_body, 0)

        for r in range(NRING):
            prep(r, sidx[r])
            gather(r, r).start()

        def body(i, carry):
            for r in range(NRING):
                g = NRING * i + r
                p = r % NOUT
                gather(g, r).wait()
                if r < NOUT:
                    @pl.when(i > 0)
                    def _():
                        writeback(g - NOUT, p).wait()
                else:
                    writeback(g - NOUT, p).wait()
                compute(g, rows[r], obuf[p])
                writeback(g, p).start()

                @pl.when(i < n4 - 1)
                def _():
                    prep(g + NRING, sidx[r])
                    gather(g + NRING, r).start()
            return carry

        lax.fori_loop(0, n4, body, 0)
        writeback(n_chunks - 2, 0).wait()
        writeback(n_chunks - 1, 1).wait()

    return k


def kernel(x, table, gamma, beta):
    b, s = x.shape
    n = b * s
    v = table.shape[0]
    out = _make_kernel(n)(
        x.reshape(n // CHUNK, CHUNK),
        table.reshape(v // 2, DP),
        gamma,
        beta,
    )
    return out.reshape(b, s, D)

# --- scband reference (transcript-rebuilt; emitter-appended) ---
"""Pipeline reference for scband-embedding-1288490188993 (READ-ONLY COPY).

The authoritative reference and input builder live on the scoring server;
editing this copy changes nothing except your own understanding.
"""

import jax, jax.numpy as jnp
import numpy as np

VOCAB = 1000000
D_MODEL = 64
BATCH = 4096
SEQ = 200
EPS = 1e-5


def setup_inputs(seed: int = 0) -> dict:
    key = jax.random.key(seed)
    k1, k2 = jax.random.split(key)
    x = jax.random.randint(k1, (BATCH, SEQ), 0, VOCAB, dtype=jnp.int32)
    table = jax.random.normal(k2, (VOCAB, D_MODEL), dtype=jnp.float32)
    gamma = jnp.ones((D_MODEL,), dtype=jnp.float32)
    beta = jnp.zeros((D_MODEL,), dtype=jnp.float32)
    return {"x": x, "table": table, "gamma": gamma, "beta": beta}


def reference(x, table, gamma, beta):
    # nn.Embedding: row gather from the table
    emb = jnp.take(table, x, axis=0)  # [B, S, D]
    # nn.LayerNorm over last dim (elementwise affine)
    mean = jnp.mean(emb, axis=-1, keepdims=True)
    var = jnp.mean(jnp.square(emb - mean), axis=-1, keepdims=True)
    normed = (emb - mean) / jnp.sqrt(var + EPS)
    return normed * gamma + beta

if __name__ == "__main__":
    import jax
    _d = setup_inputs()
    print(jax.jit(kernel)(*tuple(_d.values())))

</pallas_src>

<mosaic_0001>
#map = affine_map<(d0, d1) -> (0, 0)>
#map1 = affine_map<(d0, d1) -> (0)>
module attributes {stable_mosaic.version = 14 : i64} {
  func.func @k(%arg0: i32, %arg1: i32, %arg2: memref<6400x128xi32, #tpu.memory_space<hbm>>, %arg3: memref<500000x128xf32, #tpu.memory_space<hbm>>, %arg4: memref<64xf32, #tpu.memory_space<hbm>>, %arg5: memref<64xf32, #tpu.memory_space<hbm>>, %arg6: memref<819200x64xf32, #tpu.memory_space<hbm>>, %arg7: memref<200x128xi32, #tpu.memory_space<vmem>>, %arg8: memref<128xi32, #tpu.memory_space<vmem>>, %arg9: memref<128xi32, #tpu.memory_space<vmem>>, %arg10: memref<128xi32, #tpu.memory_space<vmem>>, %arg11: memref<128xi32, #tpu.memory_space<vmem>>, %arg12: memref<128x128xf32, #tpu.memory_space<vmem>>, %arg13: memref<128x128xf32, #tpu.memory_space<vmem>>, %arg14: memref<128x128xf32, #tpu.memory_space<vmem>>, %arg15: memref<128x128xf32, #tpu.memory_space<vmem>>, %arg16: memref<128x64xf32, #tpu.memory_space<vmem>>, %arg17: memref<128x64xf32, #tpu.memory_space<vmem>>, %arg18: memref<64xf32, #tpu.memory_space<vmem>>, %arg19: memref<64xf32, #tpu.memory_space<vmem>>, %arg20: memref<8x128xf32, #tpu.memory_space<vmem>>, %arg21: memref<8x128xf32, #tpu.memory_space<vmem>>, %arg22: memref<!tpu.dma_semaphore, #tpu.memory_space<semaphore_mem>>, %arg23: memref<!tpu.dma_semaphore, #tpu.memory_space<semaphore_mem>>, %arg24: memref<!tpu.dma_semaphore, #tpu.memory_space<semaphore_mem>>, %arg25: memref<!tpu.dma_semaphore, #tpu.memory_space<semaphore_mem>>, %arg26: memref<!tpu.dma_semaphore, #tpu.memory_space<semaphore_mem>>, %arg27: memref<!tpu.dma_semaphore, #tpu.memory_space<semaphore_mem>>) attributes {dimension_semantics = [#tpu.dimension_semantics<core_parallel>, #tpu.dimension_semantics<subcore_parallel>], iteration_bounds = array<i64: 2, 16>, scalar_prefetch = 0 : i64, scratch_operands = 21 : i64, tpu.core_type = #tpu.core_type<sc_vector_subcore>, window_params = [{transform_indices = #map}, {transform_indices = #map}, {transform_indices = #map1}, {transform_indices = #map1}, {transform_indices = #map}]} {
    %mul3A = arith.constant 2 : i32
    %mul3A_0 = arith.muli %arg1, %mul3A : i32
    %add3A = arith.addi %mul3A_0, %arg0 : i32
    %mul3A_1 = arith.constant 25600 : i32
    %mul3A_2 = arith.muli %add3A, %mul3A_1 : i32
    "tpu.region"() ({
      %run_scoped3A = tpu.sem_alloc : memref<!tpu.dma_semaphore, #tpu.memory_space<semaphore_mem>>
      tpu.enqueue_dma source(%arg4 : memref<64xf32, #tpu.memory_space<hbm>>) target(%arg18 : memref<64xf32, #tpu.memory_space<vmem>>) target_semaphore(%run_scoped3A : memref<!tpu.dma_semaphore, #tpu.memory_space<semaphore_mem>>)
      tpu.wait_dma2 semaphore(%run_scoped3A : memref<!tpu.dma_semaphore, #tpu.memory_space<semaphore_mem>>) src(%arg4 : memref<64xf32, #tpu.memory_space<hbm>>) dst(%arg18 : memref<64xf32, #tpu.memory_space<vmem>>)
      tpu.yield
    }) : () -> ()
    "tpu.region"() ({
      %run_scoped3A = tpu.sem_alloc : memref<!tpu.dma_semaphore, #tpu.memory_space<semaphore_mem>>
      tpu.enqueue_dma source(%arg5 : memref<64xf32, #tpu.memory_space<hbm>>) target(%arg19 : memref<64xf32, #tpu.memory_space<vmem>>) target_semaphore(%run_scoped3A : memref<!tpu.dma_semaphore, #tpu.memory_space<semaphore_mem>>)
      tpu.wait_dma2 semaphore(%run_scoped3A : memref<!tpu.dma_semaphore, #tpu.memory_space<semaphore_mem>>) src(%arg5 : memref<64xf32, #tpu.memory_space<hbm>>) dst(%arg19 : memref<64xf32, #tpu.memory_space<vmem>>)
      tpu.yield
    }) : () -> ()
    %mul3A_3 = arith.constant 200 : i32
    %mul3A_4 = arith.muli %add3A, %mul3A_3 : i32
    "tpu.region"() ({
      %run_scoped3A = tpu.sem_alloc : memref<!tpu.dma_semaphore, #tpu.memory_space<semaphore_mem>>
      %dma_start3A_1340 = arith.constant 0 : i32
      %dma_start3A_1341 = tpu.memref_slice %arg2[%mul3A_4, %dma_start3A_1340] : memref<6400x128xi32, #tpu.memory_space<hbm>> -> memref<200x128xi32, #tpu.memory_space<hbm>>
      %dma_start3A_1342 = arith.constant 0 : i32
      %dma_start3A_1343 = tpu.memref_slice %arg2[%mul3A_4, %dma_start3A_1342] : memref<6400x128xi32, #tpu.memory_space<hbm>> -> memref<200x128xi32, #tpu.memory_space<hbm>>
      tpu.enqueue_dma source(%dma_start3A_1343 : memref<200x128xi32, #tpu.memory_space<hbm>>) target(%arg7 : memref<200x128xi32, #tpu.memory_space<vmem>>) target_semaphore(%run_scoped3A : memref<!tpu.dma_semaphore, #tpu.memory_space<semaphore_mem>>)
      %dma_wait3A_1344 = arith.constant 0 : i32
      %dma_wait3A_1345 = tpu.memref_slice %arg2[%mul3A_4, %dma_wait3A_1344] : memref<6400x128xi32, #tpu.memory_space<hbm>> -> memref<200x128xi32, #tpu.memory_space<hbm>>
      %dma_wait3A_1346 = arith.constant 0 : i32
      %dma_wait3A_1347 = tpu.memref_slice %arg2[%mul3A_4, %dma_wait3A_1346] : memref<6400x128xi32, #tpu.memory_space<hbm>> -> memref<200x128xi32, #tpu.memory_space<hbm>>
      tpu.wait_dma2 semaphore(%run_scoped3A : memref<!tpu.dma_semaphore, #tpu.memory_space<semaphore_mem>>) src(%dma_wait3A_1347 : memref<200x128xi32, #tpu.memory_space<hbm>>) dst(%arg7 : memref<200x128xi32, #tpu.memory_space<vmem>>)
      tpu.yield
    }) : () -> ()
    %iota3A = tpu.iota {dimensions = array<i32: 0>} : vector<16xi32>
    %add3A_5 = arith.constant 0 : i32
    %add3A_6 = vector.broadcast %add3A_5 : i32 to vector<16xi32>
    %add3A_7 = arith.addi %iota3A, %add3A_6 : vector<16xi32>
    %and3A = arith.constant 63 : i32
    %and3A_8 = vector.broadcast %and3A : i32 to vector<16xi32>
    %and3A_9 = arith.andi %add3A_7, %and3A_8 : vector<16xi32>
    %gather3A = tpu.vector_load_idx %arg18[%and3A_9] : memref<64xf32, #tpu.memory_space<vmem>>[vector<16xi32>], vector<16xf32>,
    %swap3A = arith.constant 0 : i32
    %swap3A_10 = arith.index_cast %swap3A : i32 to index
    %swap3A_11 = arith.constant 0 : index
    %swap3A_12 = tpu.vector_load %arg20[%swap3A_10, %swap3A_11] {strides = array<i32>} : memref<8x128xf32, #tpu.memory_space<vmem>>, vector<16xf32>,
    tpu.vector_store %arg20[%swap3A_10, %swap3A_11], %gather3A {strides = array<i32>} : memref<8x128xf32, #tpu.memory_space<vmem>>, vector<16xf32>,
    %gather3A_13 = tpu.vector_load_idx %arg19[%and3A_9] : memref<64xf32, #tpu.memory_space<vmem>>[vector<16xi32>], vector<16xf32>,
    %swap3A_14 = arith.constant 0 : i32
    %swap3A_15 = arith.index_cast %swap3A_14 : i32 to index
    %swap3A_16 = arith.constant 0 : index
    %swap3A_17 = tpu.vector_load %arg21[%swap3A_15, %swap3A_16] {strides = array<i32>} : memref<8x128xf32, #tpu.memory_space<vmem>>, vector<16xf32>,
    tpu.vector_store %arg21[%swap3A_15, %swap3A_16], %gather3A_13 {strides = array<i32>} : memref<8x128xf32, #tpu.memory_space<vmem>>, vector<16xf32>,
    %add3A_18 = arith.constant 1 : i32
    %add3A_19 = vector.broadcast %add3A_18 : i32 to vector<16xi32>
    %add3A_20 = arith.addi %iota3A, %add3A_19 : vector<16xi32>
    %and3A_21 = arith.constant 63 : i32
    %and3A_22 = vector.broadcast %and3A_21 : i32 to vector<16xi32>
    %and3A_23 = arith.andi %add3A_20, %and3A_22 : vector<16xi32>
    %gather3A_24 = tpu.vector_load_idx %arg18[%and3A_23] : memref<64xf32, #tpu.memory_space<vmem>>[vector<16xi32>], vector<16xf32>,
    %swap3A_25 = arith.constant 0 : i32
    %swap3A_26 = arith.index_cast %swap3A_25 : i32 to index
    %swap3A_27 = arith.constant 16 : index
    %swap3A_28 = tpu.vector_load %arg20[%swap3A_26, %swap3A_27] {strides = array<i32>} : memref<8x128xf32, #tpu.memory_space<vmem>>, vector<16xf32>,
    tpu.vector_store %arg20[%swap3A_26, %swap3A_27], %gather3A_24 {strides = array<i32>} : memref<8x128xf32, #tpu.memory_space<vmem>>, vector<16xf32>,
    %gather3A_29 = tpu.vector_load_idx %arg19[%and3A_23] : memref<64xf32, #tpu.memory_space<vmem>>[vector<16xi32>], vector<16xf32>,
    %swap3A_30 = arith.constant 0 : i32
    %swap3A_31 = arith.index_cast %swap3A_30 : i32 to index
    %swap3A_32 = arith.constant 16 : index
    %swap3A_33 = tpu.vector_load %arg21[%swap3A_31, %swap3A_32] {strides = array<i32>} : memref<8x128xf32, #tpu.memory_space<vmem>>, vector<16xf32>,
    tpu.vector_store %arg21[%swap3A_31, %swap3A_32], %gather3A_29 {strides = array<i32>} : memref<8x128xf32, #tpu.memory_space<vmem>>, vector<16xf32>,
    %add3A_34 = arith.constant 2 : i32
    %add3A_35 = vector.broadcast %add3A_34 : i32 to vector<16xi32>
    %add3A_36 = arith.addi %iota3A, %add3A_35 : vector<16xi32>
    %and3A_37 = arith.constant 63 : i32
    %and3A_38 = vector.broadcast %and3A_37 : i32 to vector<16xi32>
    %and3A_39 = arith.andi %add3A_36, %and3A_38 : vector<16xi32>
    %gather3A_40 = tpu.vector_load_idx %arg18[%and3A_39] : memref<64xf32, #tpu.memory_space<vmem>>[vector<16xi32>], vector<16xf32>,
    %swap3A_41 = arith.constant 0 : i32
    %swap3A_42 = arith.index_cast %swap3A_41 : i32 to index
    %swap3A_43 = arith.constant 32 : index
    %swap3A_44 = tpu.vector_load %arg20[%swap3A_42, %swap3A_43] {strides = array<i32>} : memref<8x128xf32, #tpu.memory_space<vmem>>, vector<16xf32>,
    tpu.vector_store %arg20[%swap3A_42, %swap3A_43], %gather3A_40 {strides = array<i32>} : memref<8x128xf32, #tpu.memory_space<vmem>>, vector<16xf32>,
    %gather3A_45 = tpu.vector_load_idx %arg19[%and3A_39] : memref<64xf32, #tpu.memory_space<vmem>>[vector<16xi32>], vector<16xf32>,
    %swap3A_46 = arith.constant 0 : i32
    %swap3A_47 = arith.index_cast %swap3A_46 : i32 to index
    %swap3A_48 = arith.constant 32 : index
    %swap3A_49 = tpu.vector_load %arg21[%swap3A_47, %swap3A_48] {strides = array<i32>} : memref<8x128xf32, #tpu.memory_space<vmem>>, vector<16xf32>,
    tpu.vector_store %arg21[%swap3A_47, %swap3A_48], %gather3A_45 {strides = array<i32>} : memref<8x128xf32, #tpu.memory_space<vmem>>, vector<16xf32>,
    %add3A_50 = arith.constant 3 : i32
    %add3A_51 = vector.broadcast %add3A_50 : i32 to vector<16xi32>
    %add3A_52 = arith.addi %iota3A, %add3A_51 : vector<16xi32>
    %and3A_53 = arith.constant 63 : i32
    %and3A_54 = vector.broadcast %and3A_53 : i32 to vector<16xi32>
    %and3A_55 = arith.andi %add3A_52, %and3A_54 : vector<16xi32>
    %gather3A_56 = tpu.vector_load_idx %arg18[%and3A_55] : memref<64xf32, #tpu.memory_space<vmem>>[vector<16xi32>], vector<16xf32>,
    %swap3A_57 = arith.constant 0 : i32
    %swap3A_58 = arith.index_cast %swap3A_57 : i32 to index
    %swap3A_59 = arith.constant 48 : index
    %swap3A_60 = tpu.vector_load %arg20[%swap3A_58, %swap3A_59] {strides = array<i32>} : memref<8x128xf32, #tpu.memory_space<vmem>>, vector<16xf32>,
    tpu.vector_store %arg20[%swap3A_58, %swap3A_59], %gather3A_56 {strides = array<i32>} : memref<8x128xf32, #tpu.memory_space<vmem>>, vector<16xf32>,
    %gather3A_61 = tpu.vector_load_idx %arg19[%and3A_55] : memref<64xf32, #tpu.memory_space<vmem>>[vector<16xi32>], vector<16xf32>,
    %swap3A_62 = arith.constant 0 : i32
    %swap3A_63 = arith.index_cast %swap3A_62 : i32 to index
    %swap3A_64 = arith.constant 48 : index
    %swap3A_65 = tpu.vector_load %arg21[%swap3A_63, %swap3A_64] {strides = array<i32>} : memref<8x128xf32, #tpu.memory_space<vmem>>, vector<16xf32>,
    tpu.vector_store %arg21[%swap3A_63, %swap3A_64], %gather3A_61 {strides = array<i32>} : memref<8x128xf32, #tpu.memory_space<vmem>>, vector<16xf32>,
    %add3A_66 = arith.constant 4 : i32
    %add3A_67 = vector.broadcast %add3A_66 : i32 to vector<16xi32>
    %add3A_68 = arith.addi %iota3A, %add3A_67 : vector<16xi32>
    %and3A_69 = arith.constant 63 : i32
    %and3A_70 = vector.broadcast %and3A_69 : i32 to vector<16xi32>
    %and3A_71 = arith.andi %add3A_68, %and3A_70 : vector<16xi32>
    %gather3A_72 = tpu.vector_load_idx %arg18[%and3A_71] : memref<64xf32, #tpu.memory_space<vmem>>[vector<16xi32>], vector<16xf32>,
    %swap3A_73 = arith.constant 0 : i32
    %swap3A_74 = arith.index_cast %swap3A_73 : i32 to index
    %swap3A_75 = arith.constant 64 : index
    %swap3A_76 = tpu.vector_load %arg20[%swap3A_74, %swap3A_75] {strides = array<i32>} : memref<8x128xf32, #tpu.memory_space<vmem>>, vector<16xf32>,
    tpu.vector_store %arg20[%swap3A_74, %swap3A_75], %gather3A_72 {strides = array<i32>} : memref<8x128xf32, #tpu.memory_space<vmem>>, vector<16xf32>,
    %gather3A_77 = tpu.vector_load_idx %arg19[%and3A_71] : memref<64xf32, #tpu.memory_space<vmem>>[vector<16xi32>], vector<16xf32>,
    %swap3A_78 = arith.constant 0 : i32
    %swap3A_79 = arith.index_cast %swap3A_78 : i32 to index
    %swap3A_80 = arith.constant 64 : index
    %swap3A_81 = tpu.vector_load %arg21[%swap3A_79, %swap3A_80] {strides = array<i32>} : memref<8x128xf32, #tpu.memory_space<vmem>>, vector<16xf32>,
    tpu.vector_store %arg21[%swap3A_79, %swap3A_80], %gather3A_77 {strides = array<i32>} : memref<8x128xf32, #tpu.memory_space<vmem>>, vector<16xf32>,
    %add3A_82 = arith.constant 5 : i32
    %add3A_83 = vector.broadcast %add3A_82 : i32 to vector<16xi32>
    %add3A_84 = arith.addi %iota3A, %add3A_83 : vector<16xi32>
    %and3A_85 = arith.constant 63 : i32
    %and3A_86 = vector.broadcast %and3A_85 : i32 to vector<16xi32>
    %and3A_87 = arith.andi %add3A_84, %and3A_86 : vector<16xi32>
    %gather3A_88 = tpu.vector_load_idx %arg18[%and3A_87] : memref<64xf32, #tpu.memory_space<vmem>>[vector<16xi32>], vector<16xf32>,
    %swap3A_89 = arith.constant 0 : i32
    %swap3A_90 = arith.index_cast %swap3A_89 : i32 to index
    %swap3A_91 = arith.constant 80 : index
    %swap3A_92 = tpu.vector_load %arg20[%swap3A_90, %swap3A_91] {strides = array<i32>} : memref<8x128xf32, #tpu.memory_space<vmem>>, vector<16xf32>,
    tpu.vector_store %arg20[%swap3A_90, %swap3A_91], %gather3A_88 {strides = array<i32>} : memref<8x128xf32, #tpu.memory_space<vmem>>, vector<16xf32>,
    %gather3A_93 = tpu.vector_load_idx %arg19[%and3A_87] : memref<64xf32, #tpu.memory_space<vmem>>[vector<16xi32>], vector<16xf32>,
    %swap3A_94 = arith.constant 0 : i32
    %swap3A_95 = arith.index_cast %swap3A_94 : i32 to index
    %swap3A_96 = arith.constant 80 : index
    %swap3A_97 = tpu.vector_load %arg21[%swap3A_95, %swap3A_96] {strides = array<i32>} : memref<8x128xf32, #tpu.memory_space<vmem>>, vector<16xf32>,
    tpu.vector_store %arg21[%swap3A_95, %swap3A_96], %gather3A_93 {strides = array<i32>} : memref<8x128xf32, #tpu.memory_space<vmem>>, vector<16xf32>,
    %add3A_98 = arith.constant 6 : i32
    %add3A_99 = vector.broadcast %add3A_98 : i32 to vector<16xi32>
    %add3A_100 = arith.addi %iota3A, %add3A_99 : vector<16xi32>
    %and3A_101 = arith.constant 63 : i32
    %and3A_102 = vector.broadcast %and3A_101 : i32 to vector<16xi32>
    %and3A_103 = arith.andi %add3A_100, %and3A_102 : vector<16xi32>
    %gather3A_104 = tpu.vector_load_idx %arg18[%and3A_103] : memref<64xf32, #tpu.memory_space<vmem>>[vector<16xi32>], vector<16xf32>,
    %swap3A_105 = arith.constant 0 : i32
    %swap3A_106 = arith.index_cast %swap3A_105 : i32 to index
    %swap3A_107 = arith.constant 96 : index
    %swap3A_108 = tpu.vector_load %arg20[%swap3A_106, %swap3A_107] {strides = array<i32>} : memref<8x128xf32, #tpu.memory_space<vmem>>, vector<16xf32>,
    tpu.vector_store %arg20[%swap3A_106, %swap3A_107], %gather3A_104 {strides = array<i32>} : memref<8x128xf32, #tpu.memory_space<vmem>>, vector<16xf32>,
    %gather3A_109 = tpu.vector_load_idx %arg19[%and3A_103] : memref<64xf32, #tpu.memory_space<vmem>>[vector<16xi32>], vector<16xf32>,
    %swap3A_110 = arith.constant 0 : i32
    %swap3A_111 = arith.index_cast %swap3A_110 : i32 to index
    %swap3A_112 = arith.constant 96 : index
    %swap3A_113 = tpu.vector_load %arg21[%swap3A_111, %swap3A_112] {strides = array<i32>} : memref<8x128xf32, #tpu.memory_space<vmem>>, vector<16xf32>,
    tpu.vector_store %arg21[%swap3A_111, %swap3A_112], %gather3A_109 {strides = array<i32>} : memref<8x128xf32, #tpu.memory_space<vmem>>, vector<16xf32>,
    %add3A_114 = arith.constant 7 : i32
    %add3A_115 = vector.broadcast %add3A_114 : i32 to vector<16xi32>
    %add3A_116 = arith.addi %iota3A, %add3A_115 : vector<16xi32>
    %and3A_117 = arith.constant 63 : i32
    %and3A_118 = vector.broadcast %and3A_117 : i32 to vector<16xi32>
    %and3A_119 = arith.andi %add3A_116, %and3A_118 : vector<16xi32>
    %gather3A_120 = tpu.vector_load_idx %arg18[%and3A_119] : memref<64xf32, #tpu.memory_space<vmem>>[vector<16xi32>], vector<16xf32>,
    %swap3A_121 = arith.constant 0 : i32
    %swap3A_122 = arith.index_cast %swap3A_121 : i32 to index
    %swap3A_123 = arith.constant 112 : index
    %swap3A_124 = tpu.vector_load %arg20[%swap3A_122, %swap3A_123] {strides = array<i32>} : memref<8x128xf32, #tpu.memory_space<vmem>>, vector<16xf32>,
    tpu.vector_store %arg20[%swap3A_122, %swap3A_123], %gather3A_120 {strides = array<i32>} : memref<8x128xf32, #tpu.memory_space<vmem>>, vector<16xf32>,
    %gather3A_125 = tpu.vector_load_idx %arg19[%and3A_119] : memref<64xf32, #tpu.memory_space<vmem>>[vector<16xi32>], vector<16xf32>,
    %swap3A_126 = arith.constant 0 : i32
    %swap3A_127 = arith.index_cast %swap3A_126 : i32 to index
    %swap3A_128 = arith.constant 112 : index
    %swap3A_129 = tpu.vector_load %arg21[%swap3A_127, %swap3A_128] {strides = array<i32>} : memref<8x128xf32, #tpu.memory_space<vmem>>, vector<16xf32>,
    tpu.vector_store %arg21[%swap3A_127, %swap3A_128], %gather3A_125 {strides = array<i32>} : memref<8x128xf32, #tpu.memory_space<vmem>>, vector<16xf32>,
    %add3A_130 = arith.constant 8 : i32
    %add3A_131 = vector.broadcast %add3A_130 : i32 to vector<16xi32>
    %add3A_132 = arith.addi %iota3A, %add3A_131 : vector<16xi32>
    %and3A_133 = arith.constant 63 : i32
    %and3A_134 = vector.broadcast %and3A_133 : i32 to vector<16xi32>
    %and3A_135 = arith.andi %add3A_132, %and3A_134 : vector<16xi32>
    %gather3A_136 = tpu.vector_load_idx %arg18[%and3A_135] : memref<64xf32, #tpu.memory_space<vmem>>[vector<16xi32>], vector<16xf32>,
    %swap3A_137 = arith.constant 1 : i32
    %swap3A_138 = arith.index_cast %swap3A_137 : i32 to index
    %swap3A_139 = arith.constant 0 : index
    %swap3A_140 = tpu.vector_load %arg20[%swap3A_138, %swap3A_139] {strides = array<i32>} : memref<8x128xf32, #tpu.memory_space<vmem>>, vector<16xf32>,
    tpu.vector_store %arg20[%swap3A_138, %swap3A_139], %gather3A_136 {strides = array<i32>} : memref<8x128xf32, #tpu.memory_space<vmem>>, vector<16xf32>,
    %gather3A_141 = tpu.vector_load_idx %arg19[%and3A_135] : memref<64xf32, #tpu.memory_space<vmem>>[vector<16xi32>], vector<16xf32>,
    %swap3A_142 = arith.constant 1 : i32
    %swap3A_143 = arith.index_cast %swap3A_142 : i32 to index
    %swap3A_144 = arith.constant 0 : index
    %swap3A_145 = tpu.vector_load %arg21[%swap3A_143, %swap3A_144] {strides = array<i32>} : memref<8x128xf32, #tpu.memory_space<vmem>>, vector<16xf32>,
    tpu.vector_store %arg21[%swap3A_143, %swap3A_144], %gather3A_141 {strides = array<i32>} : memref<8x128xf32, #tpu.memory_space<vmem>>, vector<16xf32>,
    %add3A_146 = arith.constant 9 : i32
    %add3A_147 = vector.broadcast %add3A_146 : i32 to vector<16xi32>
    %add3A_148 = arith.addi %iota3A, %add3A_147 : vector<16xi32>
    %and3A_149 = arith.constant 63 : i32
    %and3A_150 = vector.broadcast %and3A_149 : i32 to vector<16xi32>
    %and3A_151 = arith.andi %add3A_148, %and3A_150 : vector<16xi32>
    %gather3A_152 = tpu.vector_load_idx %arg18[%and3A_151] : memref<64xf32, #tpu.memory_space<vmem>>[vector<16xi32>], vector<16xf32>,
    %swap3A_153 = arith.constant 1 : i32
    %swap3A_154 = arith.index_cast %swap3A_153 : i32 to index
    %swap3A_155 = arith.constant 16 : index
    %swap3A_156 = tpu.vector_load %arg20[%swap3A_154, %swap3A_155] {strides = array<i32>} : memref<8x128xf32, #tpu.memory_space<vmem>>, vector<16xf32>,
    tpu.vector_store %arg20[%swap3A_154, %swap3A_155], %gather3A_152 {strides = array<i32>} : memref<8x128xf32, #tpu.memory_space<vmem>>, vector<16xf32>,
    %gather3A_157 = tpu.vector_load_idx %arg19[%and3A_151] : memref<64xf32, #tpu.memory_space<vmem>>[vector<16xi32>], vector<16xf32>,
    %swap3A_158 = arith.constant 1 : i32
    %swap3A_159 = arith.index_cast %swap3A_158 : i32 to index
    %swap3A_160 = arith.constant 16 : index
    %swap3A_161 = tpu.vector_load %arg21[%swap3A_159, %swap3A_160] {strides = array<i32>} : memref<8x128xf32, #tpu.memory_space<vmem>>, vector<16xf32>,
    tpu.vector_store %arg21[%swap3A_159, %swap3A_160], %gather3A_157 {strides = array<i32>} : memref<8x128xf32, #tpu.memory_space<vmem>>, vector<16xf32>,
    %add3A_162 = arith.constant 10 : i32
    %add3A_163 = vector.broadcast %add3A_162 : i32 to vector<16xi32>
    %add3A_164 = arith.addi %iota3A, %add3A_163 : vector<16xi32>
    %and3A_165 = arith.constant 63 : i32
    %and3A_166 = vector.broadcast %and3A_165 : i32 to vector<16xi32>
    %and3A_167 = arith.andi %add3A_164, %and3A_166 : vector<16xi32>
    %gather3A_168 = tpu.vector_load_idx %arg18[%and3A_167] : memref<64xf32, #tpu.memory_space<vmem>>[vector<16xi32>], vector<16xf32>,
    %swap3A_169 = arith.constant 1 : i32
    %swap3A_170 = arith.index_cast %swap3A_169 : i32 to index
    %swap3A_171 = arith.constant 32 : index
    %swap3A_172 = tpu.vector_load %arg20[%swap3A_170, %swap3A_171] {strides = array<i32>} : memref<8x128xf32, #tpu.memory_space<vmem>>, vector<16xf32>,
    tpu.vector_store %arg20[%swap3A_170, %swap3A_171], %gather3A_168 {strides = array<i32>} : memref<8x128xf32, #tpu.memory_space<vmem>>, vector<16xf32>,
    %gather3A_173 = tpu.vector_load_idx %arg19[%and3A_167] : memref<64xf32, #tpu.memory_space<vmem>>[vector<16xi32>], vector<16xf32>,
    %swap3A_174 = arith.constant 1 : i32
    %swap3A_175 = arith.index_cast %swap3A_174 : i32 to index
    %swap3A_176 = arith.constant 32 : index
    %swap3A_177 = tpu.vector_load %arg21[%swap3A_175, %swap3A_176] {strides = array<i32>} : memref<8x128xf32, #tpu.memory_space<vmem>>, vector<16xf32>,
    tpu.vector_store %arg21[%swap3A_175, %swap3A_176], %gather3A_173 {strides = array<i32>} : memref<8x128xf32, #tpu.memory_space<vmem>>, vector<16xf32>,
    %add3A_178 = arith.constant 11 : i32
    %add3A_179 = vector.broadcast %add3A_178 : i32 to vector<16xi32>
    %add3A_180 = arith.addi %iota3A, %add3A_179 : vector<16xi32>
    %and3A_181 = arith.constant 63 : i32
    %and3A_182 = vector.broadcast %and3A_181 : i32 to vector<16xi32>
    %and3A_183 = arith.andi %add3A_180, %and3A_182 : vector<16xi32>
    %gather3A_184 = tpu.vector_load_idx %arg18[%and3A_183] : memref<64xf32, #tpu.memory_space<vmem>>[vector<16xi32>], vector<16xf32>,
    %swap3A_185 = arith.constant 1 : i32
    %swap3A_186 = arith.index_cast %swap3A_185 : i32 to index
    %swap3A_187 = arith.constant 48 : index
    %swap3A_188 = tpu.vector_load %arg20[%swap3A_186, %swap3A_187] {strides = array<i32>} : memref<8x128xf32, #tpu.memory_space<vmem>>, vector<16xf32>,
    tpu.vector_store %arg20[%swap3A_186, %swap3A_187], %gather3A_184 {strides = array<i32>} : memref<8x128xf32, #tpu.memory_space<vmem>>, vector<16xf32>,
    %gather3A_189 = tpu.vector_load_idx %arg19[%and3A_183] : memref<64xf32, #tpu.memory_space<vmem>>[vector<16xi32>], vector<16xf32>,
    %swap3A_190 = arith.constant 1 : i32
    %swap3A_191 = arith.index_cast %swap3A_190 : i32 to index
    %swap3A_192 = arith.constant 48 : index
    %swap3A_193 = tpu.vector_load %arg21[%swap3A_191, %swap3A_192] {strides = array<i32>} : memref<8x128xf32, #tpu.memory_space<vmem>>, vector<16xf32>,
    tpu.vector_store %arg21[%swap3A_191, %swap3A_192], %gather3A_189 {strides = array<i32>} : memref<8x128xf32, #tpu.memory_space<vmem>>, vector<16xf32>,
    %add3A_194 = arith.constant 12 : i32
    %add3A_195 = vector.broadcast %add3A_194 : i32 to vector<16xi32>
    %add3A_196 = arith.addi %iota3A, %add3A_195 : vector<16xi32>
    %and3A_197 = arith.constant 63 : i32
    %and3A_198 = vector.broadcast %and3A_197 : i32 to vector<16xi32>
    %and3A_199 = arith.andi %add3A_196, %and3A_198 : vector<16xi32>
    %gather3A_200 = tpu.vector_load_idx %arg18[%and3A_199] : memref<64xf32, #tpu.memory_space<vmem>>[vector<16xi32>], vector<16xf32>,
    %swap3A_201 = arith.constant 1 : i32
    %swap3A_202 = arith.index_cast %swap3A_201 : i32 to index
    %swap3A_203 = arith.constant 64 : index
    %swap3A_204 = tpu.vector_load %arg20[%swap3A_202, %swap3A_203] {strides = array<i32>} : memref<8x128xf32, #tpu.memory_space<vmem>>, vector<16xf32>,
    tpu.vector_store %arg20[%swap3A_202, %swap3A_203], %gather3A_200 {strides = array<i32>} : memref<8x128xf32, #tpu.memory_space<vmem>>, vector<16xf32>,
    %gather3A_205 = tpu.vector_load_idx %arg19[%and3A_199] : memref<64xf32, #tpu.memory_space<vmem>>[vector<16xi32>], vector<16xf32>,
    %swap3A_206 = arith.constant 1 : i32
    %swap3A_207 = arith.index_cast %swap3A_206 : i32 to index
    %swap3A_208 = arith.constant 64 : index
    %swap3A_209 = tpu.vector_load %arg21[%swap3A_207, %swap3A_208] {strides = array<i32>} : memref<8x128xf32, #tpu.memory_space<vmem>>, vector<16xf32>,
    tpu.vector_store %arg21[%swap3A_207, %swap3A_208], %gather3A_205 {strides = array<i32>} : memref<8x128xf32, #tpu.memory_space<vmem>>, vector<16xf32>,
    %add3A_210 = arith.constant 13 : i32
    %add3A_211 = vector.broadcast %add3A_210 : i32 to vector<16xi32>
    %add3A_212 = arith.addi %iota3A, %add3A_211 : vector<16xi32>
    %and3A_213 = arith.constant 63 : i32
    %and3A_214 = vector.broadcast %and3A_213 : i32 to vector<16xi32>
    %and3A_215 = arith.andi %add3A_212, %and3A_214 : vector<16xi32>
    %gather3A_216 = tpu.vector_load_idx %arg18[%and3A_215] : memref<64xf32, #tpu.memory_space<vmem>>[vector<16xi32>], vector<16xf32>,
    %swap3A_217 = arith.constant 1 : i32
    %swap3A_218 = arith.index_cast %swap3A_217 : i32 to index
    %swap3A_219 = arith.constant 80 : index
    %swap3A_220 = tpu.vector_load %arg20[%swap3A_218, %swap3A_219] {strides = array<i32>} : memref<8x128xf32, #tpu.memory_space<vmem>>, vector<16xf32>,
    tpu.vector_store %arg20[%swap3A_218, %swap3A_219], %gather3A_216 {strides = array<i32>} : memref<8x128xf32, #tpu.memory_space<vmem>>, vector<16xf32>,
    %gather3A_221 = tpu.vector_load_idx %arg19[%and3A_215] : memref<64xf32, #tpu.memory_space<vmem>>[vector<16xi32>], vector<16xf32>,
    %swap3A_222 = arith.constant 1 : i32
    %swap3A_223 = arith.index_cast %swap3A_222 : i32 to index
    %swap3A_224 = arith.constant 80 : index
    %swap3A_225 = tpu.vector_load %arg21[%swap3A_223, %swap3A_224] {strides = array<i32>} : memref<8x128xf32, #tpu.memory_space<vmem>>, vector<16xf32>,
    tpu.vector_store %arg21[%swap3A_223, %swap3A_224], %gather3A_221 {strides = array<i32>} : memref<8x128xf32, #tpu.memory_space<vmem>>, vector<16xf32>,
    %add3A_226 = arith.constant 14 : i32
    %add3A_227 = vector.broadcast %add3A_226 : i32 to vector<16xi32>
    %add3A_228 = arith.addi %iota3A, %add3A_227 : vector<16xi32>
    %and3A_229 = arith.constant 63 : i32
    %and3A_230 = vector.broadcast %and3A_229 : i32 to vector<16xi32>
    %and3A_231 = arith.andi %add3A_228, %and3A_230 : vector<16xi32>
    %gather3A_232 = tpu.vector_load_idx %arg18[%and3A_231] : memref<64xf32, #tpu.memory_space<vmem>>[vector<16xi32>], vector<16xf32>,
    %swap3A_233 = arith.constant 1 : i32
    %swap3A_234 = arith.index_cast %swap3A_233 : i32 to index
    %swap3A_235 = arith.constant 96 : index
    %swap3A_236 = tpu.vector_load %arg20[%swap3A_234, %swap3A_235] {strides = array<i32>} : memref<8x128xf32, #tpu.memory_space<vmem>>, vector<16xf32>,
    tpu.vector_store %arg20[%swap3A_234, %swap3A_235], %gather3A_232 {strides = array<i32>} : memref<8x128xf32, #tpu.memory_space<vmem>>, vector<16xf32>,
    %gather3A_237 = tpu.vector_load_idx %arg19[%and3A_231] : memref<64xf32, #tpu.memory_space<vmem>>[vector<16xi32>], vector<16xf32>,
    %swap3A_238 = arith.constant 1 : i32
    %swap3A_239 = arith.index_cast %swap3A_238 : i32 to index
    %swap3A_240 = arith.constant 96 : index
    %swap3A_241 = tpu.vector_load %arg21[%swap3A_239, %swap3A_240] {strides = array<i32>} : memref<8x128xf32, #tpu.memory_space<vmem>>, vector<16xf32>,
    tpu.vector_store %arg21[%swap3A_239, %swap3A_240], %gather3A_237 {strides = array<i32>} : memref<8x128xf32, #tpu.memory_space<vmem>>, vector<16xf32>,
    %add3A_242 = arith.constant 15 : i32
    %add3A_243 = vector.broadcast %add3A_242 : i32 to vector<16xi32>
    %add3A_244 = arith.addi %iota3A, %add3A_243 : vector<16xi32>
    %and3A_245 = arith.constant 63 : i32
    %and3A_246 = vector.broadcast %and3A_245 : i32 to vector<16xi32>
    %and3A_247 = arith.andi %add3A_244, %and3A_246 : vector<16xi32>
    %gather3A_248 = tpu.vector_load_idx %arg18[%and3A_247] : memref<64xf32, #tpu.memory_space<vmem>>[vector<16xi32>], vector<16xf32>,
    %swap3A_249 = arith.constant 1 : i32
    %swap3A_250 = arith.index_cast %swap3A_249 : i32 to index
    %swap3A_251 = arith.constant 112 : index
    %swap3A_252 = tpu.vector_load %arg20[%swap3A_250, %swap3A_251] {strides = array<i32>} : memref<8x128xf32, #tpu.memory_space<vmem>>, vector<16xf32>,
    tpu.vector_store %arg20[%swap3A_250, %swap3A_251], %gather3A_248 {strides = array<i32>} : memref<8x128xf32, #tpu.memory_space<vmem>>, vector<16xf32>,
    %gather3A_253 = tpu.vector_load_idx %arg19[%and3A_247] : memref<64xf32, #tpu.memory_space<vmem>>[vector<16xi32>], vector<16xf32>,
    %swap3A_254 = arith.constant 1 : i32
    %swap3A_255 = arith.index_cast %swap3A_254 : i32 to index
    %swap3A_256 = arith.constant 112 : index
    %swap3A_257 = tpu.vector_load %arg21[%swap3A_255, %swap3A_256] {strides = array<i32>} : memref<8x128xf32, #tpu.memory_space<vmem>>, vector<16xf32>,
    tpu.vector_store %arg21[%swap3A_255, %swap3A_256], %gather3A_253 {strides = array<i32>} : memref<8x128xf32, #tpu.memory_space<vmem>>, vector<16xf32>,
    %add3A_258 = arith.constant 16 : i32
    %add3A_259 = vector.broadcast %add3A_258 : i32 to vector<16xi32>
    %add3A_260 = arith.addi %iota3A, %add3A_259 : vector<16xi32>
    %and3A_261 = arith.constant 63 : i32
    %and3A_262 = vector.broadcast %and3A_261 : i32 to vector<16xi32>
    %and3A_263 = arith.andi %add3A_260, %and3A_262 : vector<16xi32>
    %gather3A_264 = tpu.vector_load_idx %arg18[%and3A_263] : memref<64xf32, #tpu.memory_space<vmem>>[vector<16xi32>], vector<16xf32>,
    %swap3A_265 = arith.constant 2 : i32
    %swap3A_266 = arith.index_cast %swap3A_265 : i32 to index
    %swap3A_267 = arith.constant 0 : index
    %swap3A_268 = tpu.vector_load %arg20[%swap3A_266, %swap3A_267] {strides = array<i32>} : memref<8x128xf32, #tpu.memory_space<vmem>>, vector<16xf32>,
    tpu.vector_store %arg20[%swap3A_266, %swap3A_267], %gather3A_264 {strides = array<i32>} : memref<8x128xf32, #tpu.memory_space<vmem>>, vector<16xf32>,
    %gather3A_269 = tpu.vector_load_idx %arg19[%and3A_263] : memref<64xf32, #tpu.memory_space<vmem>>[vector<16xi32>], vector<16xf32>,
    %swap3A_270 = arith.constant 2 : i32
    %swap3A_271 = arith.index_cast %swap3A_270 : i32 to index
    %swap3A_272 = arith.constant 0 : index
    %swap3A_273 = tpu.vector_load %arg21[%swap3A_271, %swap3A_272] {strides = array<i32>} : memref<8x128xf32, #tpu.memory_space<vmem>>, vector<16xf32>,
    tpu.vector_store %arg21[%swap3A_271, %swap3A_272], %gather3A_269 {strides = array<i32>} : memref<8x128xf32, #tpu.memory_space<vmem>>, vector<16xf32>,
    %add3A_274 = arith.constant 17 : i32
    %add3A_275 = vector.broadcast %add3A_274 : i32 to vector<16xi32>
    %add3A_276 = arith.addi %iota3A, %add3A_275 : vector<16xi32>
    %and3A_277 = arith.constant 63 : i32
    %and3A_278 = vector.broadcast %and3A_277 : i32 to vector<16xi32>
    %and3A_279 = arith.andi %add3A_276, %and3A_278 : vector<16xi32>
    %gather3A_280 = tpu.vector_load_idx %arg18[%and3A_279] : memref<64xf32, #tpu.memory_space<vmem>>[vector<16xi32>], vector<16xf32>,
    %swap3A_281 = arith.constant 2 : i32
    %swap3A_282 = arith.index_cast %swap3A_281 : i32 to index
    %swap3A_283 = arith.constant 16 : index
    %swap3A_284 = tpu.vector_load %arg20[%swap3A_282, %swap3A_283] {strides = array<i32>} : memref<8x128xf32, #tpu.memory_space<vmem>>, vector<16xf32>,
    tpu.vector_store %arg20[%swap3A_282, %swap3A_283], %gather3A_280 {strides = array<i32>} : memref<8x128xf32, #tpu.memory_space<vmem>>, vector<16xf32>,
    %gather3A_285 = tpu.vector_load_idx %arg19[%and3A_279] : memref<64xf32, #tpu.memory_space<vmem>>[vector<16xi32>], vector<16xf32>,
    %swap3A_286 = arith.constant 2 : i32
    %swap3A_287 = arith.index_cast %swap3A_286 : i32 to index
    %swap3A_288 = arith.constant 16 : index
    %swap3A_289 = tpu.vector_load %arg21[%swap3A_287, %swap3A_288] {strides = array<i32>} : memref<8x128xf32, #tpu.memory_space<vmem>>, vector<16xf32>,
    tpu.vector_store %arg21[%swap3A_287, %swap3A_288], %gather3A_285 {strides = array<i32>} : memref<8x128xf32, #tpu.memory_space<vmem>>, vector<16xf32>,
    %add3A_290 = arith.constant 18 : i32
    %add3A_291 = vector.broadcast %add3A_290 : i32 to vector<16xi32>
    %add3A_292 = arith.addi %iota3A, %add3A_291 : vector<16xi32>
    %and3A_293 = arith.constant 63 : i32
    %and3A_294 = vector.broadcast %and3A_293 : i32 to vector<16xi32>
    %and3A_295 = arith.andi %add3A_292, %and3A_294 : vector<16xi32>
    %gather3A_296 = tpu.vector_load_idx %arg18[%and3A_295] : memref<64xf32, #tpu.memory_space<vmem>>[vector<16xi32>], vector<16xf32>,
    %swap3A_297 = arith.constant 2 : i32
    %swap3A_298 = arith.index_cast %swap3A_297 : i32 to index
    %swap3A_299 = arith.constant 32 : index
    %swap3A_300 = tpu.vector_load %arg20[%swap3A_298, %swap3A_299] {strides = array<i32>} : memref<8x128xf32, #tpu.memory_space<vmem>>, vector<16xf32>,
    tpu.vector_store %arg20[%swap3A_298, %swap3A_299], %gather3A_296 {strides = array<i32>} : memref<8x128xf32, #tpu.memory_space<vmem>>, vector<16xf32>,
    %gather3A_301 = tpu.vector_load_idx %arg19[%and3A_295] : memref<64xf32, #tpu.memory_space<vmem>>[vector<16xi32>], vector<16xf32>,
    %swap3A_302 = arith.constant 2 : i32
    %swap3A_303 = arith.index_cast %swap3A_302 : i32 to index
    %swap3A_304 = arith.constant 32 : index
    %swap3A_305 = tpu.vector_load %arg21[%swap3A_303, %swap3A_304] {strides = array<i32>} : memref<8x128xf32, #tpu.memory_space<vmem>>, vector<16xf32>,
    tpu.vector_store %arg21[%swap3A_303, %swap3A_304], %gather3A_301 {strides = array<i32>} : memref<8x128xf32, #tpu.memory_space<vmem>>, vector<16xf32>,
    %add3A_306 = arith.constant 19 : i32
    %add3A_307 = vector.broadcast %add3A_306 : i32 to vector<16xi32>
    %add3A_308 = arith.addi %iota3A, %add3A_307 : vector<16xi32>
    %and3A_309 = arith.constant 63 : i32
    %and3A_310 = vector.broadcast %and3A_309 : i32 to vector<16xi32>
    %and3A_311 = arith.andi %add3A_308, %and3A_310 : vector<16xi32>
    %gather3A_312 = tpu.vector_load_idx %arg18[%and3A_311] : memref<64xf32, #tpu.memory_space<vmem>>[vector<16xi32>], vector<16xf32>,
    %swap3A_313 = arith.constant 2 : i32
    %swap3A_314 = arith.index_cast %swap3A_313 : i32 to index
    %swap3A_315 = arith.constant 48 : index
    %swap3A_316 = tpu.vector_load %arg20[%swap3A_314, %swap3A_315] {strides = array<i32>} : memref<8x128xf32, #tpu.memory_space<vmem>>, vector<16xf32>,
    tpu.vector_store %arg20[%swap3A_314, %swap3A_315], %gather3A_312 {strides = array<i32>} : memref<8x128xf32, #tpu.memory_space<vmem>>, vector<16xf32>,
    %gather3A_317 = tpu.vector_load_idx %arg19[%and3A_311] : memref<64xf32, #tpu.memory_space<vmem>>[vector<16xi32>], vector<16xf32>,
    %swap3A_318 = arith.constant 2 : i32
    %swap3A_319 = arith.index_cast %swap3A_318 : i32 to index
    %swap3A_320 = arith.constant 48 : index
    %swap3A_321 = tpu.vector_load %arg21[%swap3A_319, %swap3A_320] {strides = array<i32>} : memref<8x128xf32, #tpu.memory_space<vmem>>, vector<16xf32>,
    tpu.vector_store %arg21[%swap3A_319, %swap3A_320], %gather3A_317 {strides = array<i32>} : memref<8x128xf32, #tpu.memory_space<vmem>>, vector<16xf32>,
    %add3A_322 = arith.constant 20 : i32
    %add3A_323 = vector.broadcast %add3A_322 : i32 to vector<16xi32>
    %add3A_324 = arith.addi %iota3A, %add3A_323 : vector<16xi32>
    %and3A_325 = arith.constant 63 : i32
    %and3A_326 = vector.broadcast %and3A_325 : i32 to vector<16xi32>
    %and3A_327 = arith.andi %add3A_324, %and3A_326 : vector<16xi32>
    %gather3A_328 = tpu.vector_load_idx %arg18[%and3A_327] : memref<64xf32, #tpu.memory_space<vmem>>[vector<16xi32>], vector<16xf32>,
    %swap3A_329 = arith.constant 2 : i32
    %swap3A_330 = arith.index_cast %swap3A_329 : i32 to index
    %swap3A_331 = arith.constant 64 : index
    %swap3A_332 = tpu.vector_load %arg20[%swap3A_330, %swap3A_331] {strides = array<i32>} : memref<8x128xf32, #tpu.memory_space<vmem>>, vector<16xf32>,
    tpu.vector_store %arg20[%swap3A_330, %swap3A_331], %gather3A_328 {strides = array<i32>} : memref<8x128xf32, #tpu.memory_space<vmem>>, vector<16xf32>,
    %gather3A_333 = tpu.vector_load_idx %arg19[%and3A_327] : memref<64xf32, #tpu.memory_space<vmem>>[vector<16xi32>], vector<16xf32>,
    %swap3A_334 = arith.constant 2 : i32
    %swap3A_335 = arith.index_cast %swap3A_334 : i32 to index
    %swap3A_336 = arith.constant 64 : index
    %swap3A_337 = tpu.vector_load %arg21[%swap3A_335, %swap3A_336] {strides = array<i32>} : memref<8x128xf32, #tpu.memory_space<vmem>>, vector<16xf32>,
    tpu.vector_store %arg21[%swap3A_335, %swap3A_336], %gather3A_333 {strides = array<i32>} : memref<8x128xf32, #tpu.memory_space<vmem>>, vector<16xf32>,
    %add3A_338 = arith.constant 21 : i32
    %add3A_339 = vector.broadcast %add3A_338 : i32 to vector<16xi32>
    %add3A_340 = arith.addi %iota3A, %add3A_339 : vector<16xi32>
    %and3A_341 = arith.constant 63 : i32
    %and3A_342 = vector.broadcast %and3A_341 : i32 to vector<16xi32>
    %and3A_343 = arith.andi %add3A_340, %and3A_342 : vector<16xi32>
    %gather3A_344 = tpu.vector_load_idx %arg18[%and3A_343] : memref<64xf32, #tpu.memory_space<vmem>>[vector<16xi32>], vector<16xf32>,
    %swap3A_345 = arith.constant 2 : i32
    %swap3A_346 = arith.index_cast %swap3A_345 : i32 to index
    %swap3A_347 = arith.constant 80 : index
    %swap3A_348 = tpu.vector_load %arg20[%swap3A_346, %swap3A_347] {strides = array<i32>} : memref<8x128xf32, #tpu.memory_space<vmem>>, vector<16xf32>,
    tpu.vector_store %arg20[%swap3A_346, %swap3A_347], %gather3A_344 {strides = array<i32>} : memref<8x128xf32, #tpu.memory_space<vmem>>, vector<16xf32>,
    %gather3A_349 = tpu.vector_load_idx %arg19[%and3A_343] : memref<64xf32, #tpu.memory_space<vmem>>[vector<16xi32>], vector<16xf32>,
    %swap3A_350 = arith.constant 2 : i32
    %swap3A_351 = arith.index_cast %swap3A_350 : i32 to index
    %swap3A_352 = arith.constant 80 : index
    %swap3A_353 = tpu.vector_load %arg21[%swap3A_351, %swap3A_352] {strides = array<i32>} : memref<8x128xf32, #tpu.memory_space<vmem>>, vector<16xf32>,
    tpu.vector_store %arg21[%swap3A_351, %swap3A_352], %gather3A_349 {strides = array<i32>} : memref<8x128xf32, #tpu.memory_space<vmem>>, vector<16xf32>,
    %add3A_354 = arith.constant 22 : i32
    %add3A_355 = vector.broadcast %add3A_354 : i32 to vector<16xi32>
    %add3A_356 = arith.addi %iota3A, %add3A_355 : vector<16xi32>
    %and3A_357 = arith.constant 63 : i32
    %and3A_358 = vector.broadcast %and3A_357 : i32 to vector<16xi32>
    %and3A_359 = arith.andi %add3A_356, %and3A_358 : vector<16xi32>
    %gather3A_360 = tpu.vector_load_idx %arg18[%and3A_359] : memref<64xf32, #tpu.memory_space<vmem>>[vector<16xi32>], vector<16xf32>,
    %swap3A_361 = arith.constant 2 : i32
    %swap3A_362 = arith.index_cast %swap3A_361 : i32 to index
    %swap3A_363 = arith.constant 96 : index
    %swap3A_364 = tpu.vector_load %arg20[%swap3A_362, %swap3A_363] {strides = array<i32>} : memref<8x128xf32, #tpu.memory_space<vmem>>, vector<16xf32>,
    tpu.vector_store %arg20[%swap3A_362, %swap3A_363], %gather3A_360 {strides = array<i32>} : memref<8x128xf32, #tpu.memory_space<vmem>>, vector<16xf32>,
    %gather3A_365 = tpu.vector_load_idx %arg19[%and3A_359] : memref<64xf32, #tpu.memory_space<vmem>>[vector<16xi32>], vector<16xf32>,
    %swap3A_366 = arith.constant 2 : i32
    %swap3A_367 = arith.index_cast %swap3A_366 : i32 to index
    %swap3A_368 = arith.constant 96 : index
    %swap3A_369 = tpu.vector_load %arg21[%swap3A_367, %swap3A_368] {strides = array<i32>} : memref<8x128xf32, #tpu.memory_space<vmem>>, vector<16xf32>,
    tpu.vector_store %arg21[%swap3A_367, %swap3A_368], %gather3A_365 {strides = array<i32>} : memref<8x128xf32, #tpu.memory_space<vmem>>, vector<16xf32>,
    %add3A_370 = arith.constant 23 : i32
    %add3A_371 = vector.broadcast %add3A_370 : i32 to vector<16xi32>
    %add3A_372 = arith.addi %iota3A, %add3A_371 : vector<16xi32>
    %and3A_373 = arith.constant 63 : i32
    %and3A_374 = vector.broadcast %and3A_373 : i32 to vector<16xi32>
    %and3A_375 = arith.andi %add3A_372, %and3A_374 : vector<16xi32>
    %gather3A_376 = tpu.vector_load_idx %arg18[%and3A_375] : memref<64xf32, #tpu.memory_space<vmem>>[vector<16xi32>], vector<16xf32>,
    %swap3A_377 = arith.constant 2 : i32
    %swap3A_378 = arith.index_cast %swap3A_377 : i32 to index
    %swap3A_379 = arith.constant 112 : index
    %swap3A_380 = tpu.vector_load %arg20[%swap3A_378, %swap3A_379] {strides = array<i32>} : memref<8x128xf32, #tpu.memory_space<vmem>>, vector<16xf32>,
    tpu.vector_store %arg20[%swap3A_378, %swap3A_379], %gather3A_376 {strides = array<i32>} : memref<8x128xf32, #tpu.memory_space<vmem>>, vector<16xf32>,
    %gather3A_381 = tpu.vector_load_idx %arg19[%and3A_375] : memref<64xf32, #tpu.memory_space<vmem>>[vector<16xi32>], vector<16xf32>,
    %swap3A_382 = arith.constant 2 : i32
    %swap3A_383 = arith.index_cast %swap3A_382 : i32 to index
    %swap3A_384 = arith.constant 112 : index
    %swap3A_385 = tpu.vector_load %arg21[%swap3A_383, %swap3A_384] {strides = array<i32>} : memref<8x128xf32, #tpu.memory_space<vmem>>, vector<16xf32>,
    tpu.vector_store %arg21[%swap3A_383, %swap3A_384], %gather3A_381 {strides = array<i32>} : memref<8x128xf32, #tpu.memory_space<vmem>>, vector<16xf32>,
    %add3A_386 = arith.constant 24 : i32
    %add3A_387 = vector.broadcast %add3A_386 : i32 to vector<16xi32>
    %add3A_388 = arith.addi %iota3A, %add3A_387 : vector<16xi32>
    %and3A_389 = arith.constant 63 : i32
    %and3A_390 = vector.broadcast %and3A_389 : i32 to vector<16xi32>
    %and3A_391 = arith.andi %add3A_388, %and3A_390 : vector<16xi32>
    %gather3A_392 = tpu.vector_load_idx %arg18[%and3A_391] : memref<64xf32, #tpu.memory_space<vmem>>[vector<16xi32>], vector<16xf32>,
    %swap3A_393 = arith.constant 3 : i32
    %swap3A_394 = arith.index_cast %swap3A_393 : i32 to index
    %swap3A_395 = arith.constant 0 : index
    %swap3A_396 = tpu.vector_load %arg20[%swap3A_394, %swap3A_395] {strides = array<i32>} : memref<8x128xf32, #tpu.memory_space<vmem>>, vector<16xf32>,
    tpu.vector_store %arg20[%swap3A_394, %swap3A_395], %gather3A_392 {strides = array<i32>} : memref<8x128xf32, #tpu.memory_space<vmem>>, vector<16xf32>,
    %gather3A_397 = tpu.vector_load_idx %arg19[%and3A_391] : memref<64xf32, #tpu.memory_space<vmem>>[vector<16xi32>], vector<16xf32>,
    %swap3A_398 = arith.constant 3 : i32
    %swap3A_399 = arith.index_cast %swap3A_398 : i32 to index
    %swap3A_400 = arith.constant 0 : index
    %swap3A_401 = tpu.vector_load %arg21[%swap3A_399, %swap3A_400] {strides = array<i32>} : memref<8x128xf32, #tpu.memory_space<vmem>>, vector<16xf32>,
    tpu.vector_store %arg21[%swap3A_399, %swap3A_400], %gather3A_397 {strides = array<i32>} : memref<8x128xf32, #tpu.memory_space<vmem>>, vector<16xf32>,
    %add3A_402 = arith.constant 25 : i32
    %add3A_403 = vector.broadcast %add3A_402 : i32 to vector<16xi32>
    %add3A_404 = arith.addi %iota3A, %add3A_403 : vector<16xi32>
    %and3A_405 = arith.constant 63 : i32
    %and3A_406 = vector.broadcast %and3A_405 : i32 to vector<16xi32>
    %and3A_407 = arith.andi %add3A_404, %and3A_406 : vector<16xi32>
    %gather3A_408 = tpu.vector_load_idx %arg18[%and3A_407] : memref<64xf32, #tpu.memory_space<vmem>>[vector<16xi32>], vector<16xf32>,
    %swap3A_409 = arith.constant 3 : i32
    %swap3A_410 = arith.index_cast %swap3A_409 : i32 to index
    %swap3A_411 = arith.constant 16 : index
    %swap3A_412 = tpu.vector_load %arg20[%swap3A_410, %swap3A_411] {strides = array<i32>} : memref<8x128xf32, #tpu.memory_space<vmem>>, vector<16xf32>,
    tpu.vector_store %arg20[%swap3A_410, %swap3A_411], %gather3A_408 {strides = array<i32>} : memref<8x128xf32, #tpu.memory_space<vmem>>, vector<16xf32>,
    %gather3A_413 = tpu.vector_load_idx %arg19[%and3A_407] : memref<64xf32, #tpu.memory_space<vmem>>[vector<16xi32>], vector<16xf32>,
    %swap3A_414 = arith.constant 3 : i32
    %swap3A_415 = arith.index_cast %swap3A_414 : i32 to index
    %swap3A_416 = arith.constant 16 : index
    %swap3A_417 = tpu.vector_load %arg21[%swap3A_415, %swap3A_416] {strides = array<i32>} : memref<8x128xf32, #tpu.memory_space<vmem>>, vector<16xf32>,
    tpu.vector_store %arg21[%swap3A_415, %swap3A_416], %gather3A_413 {strides = array<i32>} : memref<8x128xf32, #tpu.memory_space<vmem>>, vector<16xf32>,
    %add3A_418 = arith.constant 26 : i32
    %add3A_419 = vector.broadcast %add3A_418 : i32 to vector<16xi32>
    %add3A_420 = arith.addi %iota3A, %add3A_419 : vector<16xi32>
    %and3A_421 = arith.constant 63 : i32
    %and3A_422 = vector.broadcast %and3A_421 : i32 to vector<16xi32>
    %and3A_423 = arith.andi %add3A_420, %and3A_422 : vector<16xi32>
    %gather3A_424 = tpu.vector_load_idx %arg18[%and3A_423] : memref<64xf32, #tpu.memory_space<vmem>>[vector<16xi32>], vector<16xf32>,
    %swap3A_425 = arith.constant 3 : i32
    %swap3A_426 = arith.index_cast %swap3A_425 : i32 to index
    %swap3A_427 = arith.constant 32 : index
    %swap3A_428 = tpu.vector_load %arg20[%swap3A_426, %swap3A_427] {strides = array<i32>} : memref<8x128xf32, #tpu.memory_space<vmem>>, vector<16xf32>,
    tpu.vector_store %arg20[%swap3A_426, %swap3A_427], %gather3A_424 {strides = array<i32>} : memref<8x128xf32, #tpu.memory_space<vmem>>, vector<16xf32>,
    %gather3A_429 = tpu.vector_load_idx %arg19[%and3A_423] : memref<64xf32, #tpu.memory_space<vmem>>[vector<16xi32>], vector<16xf32>,
    %swap3A_430 = arith.constant 3 : i32
    %swap3A_431 = arith.index_cast %swap3A_430 : i32 to index
    %swap3A_432 = arith.constant 32 : index
    %swap3A_433 = tpu.vector_load %arg21[%swap3A_431, %swap3A_432] {strides = array<i32>} : memref<8x128xf32, #tpu.memory_space<vmem>>, vector<16xf32>,
    tpu.vector_store %arg21[%swap3A_431, %swap3A_432], %gather3A_429 {strides = array<i32>} : memref<8x128xf32, #tpu.memory_space<vmem>>, vector<16xf32>,
    %add3A_434 = arith.constant 27 : i32
    %add3A_435 = vector.broadcast %add3A_434 : i32 to vector<16xi32>
    %add3A_436 = arith.addi %iota3A, %add3A_435 : vector<16xi32>
    %and3A_437 = arith.constant 63 : i32
    %and3A_438 = vector.broadcast %and3A_437 : i32 to vector<16xi32>
    %and3A_439 = arith.andi %add3A_436, %and3A_438 : vector<16xi32>
    %gather3A_440 = tpu.vector_load_idx %arg18[%and3A_439] : memref<64xf32, #tpu.memory_space<vmem>>[vector<16xi32>], vector<16xf32>,
    %swap3A_441 = arith.constant 3 : i32
    %swap3A_442 = arith.index_cast %swap3A_441 : i32 to index
    %swap3A_443 = arith.constant 48 : index
    %swap3A_444 = tpu.vector_load %arg20[%swap3A_442, %swap3A_443] {strides = array<i32>} : memref<8x128xf32, #tpu.memory_space<vmem>>, vector<16xf32>,
    tpu.vector_store %arg20[%swap3A_442, %swap3A_443], %gather3A_440 {strides = array<i32>} : memref<8x128xf32, #tpu.memory_space<vmem>>, vector<16xf32>,
    %gather3A_445 = tpu.vector_load_idx %arg19[%and3A_439] : memref<64xf32, #tpu.memory_space<vmem>>[vector<16xi32>], vector<16xf32>,
    %swap3A_446 = arith.constant 3 : i32
    %swap3A_447 = arith.index_cast %swap3A_446 : i32 to index
    %swap3A_448 = arith.constant 48 : index
    %swap3A_449 = tpu.vector_load %arg21[%swap3A_447, %swap3A_448] {strides = array<i32>} : memref<8x128xf32, #tpu.memory_space<vmem>>, vector<16xf32>,
    tpu.vector_store %arg21[%swap3A_447, %swap3A_448], %gather3A_445 {strides = array<i32>} : memref<8x128xf32, #tpu.memory_space<vmem>>, vector<16xf32>,
    %add3A_450 = arith.constant 28 : i32
    %add3A_451 = vector.broadcast %add3A_450 : i32 to vector<16xi32>
    %add3A_452 = arith.addi %iota3A, %add3A_451 : vector<16xi32>
    %and3A_453 = arith.constant 63 : i32
    %and3A_454 = vector.broadcast %and3A_453 : i32 to vector<16xi32>
    %and3A_455 = arith.andi %add3A_452, %and3A_454 : vector<16xi32>
    %gather3A_456 = tpu.vector_load_idx %arg18[%and3A_455] : memref<64xf32, #tpu.memory_space<vmem>>[vector<16xi32>], vector<16xf32>,
    %swap3A_457 = arith.constant 3 : i32
    %swap3A_458 = arith.index_cast %swap3A_457 : i32 to index
    %swap3A_459 = arith.constant 64 : index
    %swap3A_460 = tpu.vector_load %arg20[%swap3A_458, %swap3A_459] {strides = array<i32>} : memref<8x128xf32, #tpu.memory_space<vmem>>, vector<16xf32>,
    tpu.vector_store %arg20[%swap3A_458, %swap3A_459], %gather3A_456 {strides = array<i32>} : memref<8x128xf32, #tpu.memory_space<vmem>>, vector<16xf32>,
    %gather3A_461 = tpu.vector_load_idx %arg19[%and3A_455] : memref<64xf32, #tpu.memory_space<vmem>>[vector<16xi32>], vector<16xf32>,
    %swap3A_462 = arith.constant 3 : i32
    %swap3A_463 = arith.index_cast %swap3A_462 : i32 to index
    %swap3A_464 = arith.constant 64 : index
    %swap3A_465 = tpu.vector_load %arg21[%swap3A_463, %swap3A_464] {strides = array<i32>} : memref<8x128xf32, #tpu.memory_space<vmem>>, vector<16xf32>,
    tpu.vector_store %arg21[%swap3A_463, %swap3A_464], %gather3A_461 {strides = array<i32>} : memref<8x128xf32, #tpu.memory_space<vmem>>, vector<16xf32>,
    %add3A_466 = arith.constant 29 : i32
    %add3A_467 = vector.broadcast %add3A_466 : i32 to vector<16xi32>
    %add3A_468 = arith.addi %iota3A, %add3A_467 : vector<16xi32>
    %and3A_469 = arith.constant 63 : i32
    %and3A_470 = vector.broadcast %and3A_469 : i32 to vector<16xi32>
    %and3A_471 = arith.andi %add3A_468, %and3A_470 : vector<16xi32>
    %gather3A_472 = tpu.vector_load_idx %arg18[%and3A_471] : memref<64xf32, #tpu.memory_space<vmem>>[vector<16xi32>], vector<16xf32>,
    %swap3A_473 = arith.constant 3 : i32
    %swap3A_474 = arith.index_cast %swap3A_473 : i32 to index
    %swap3A_475 = arith.constant 80 : index
    %swap3A_476 = tpu.vector_load %arg20[%swap3A_474, %swap3A_475] {strides = array<i32>} : memref<8x128xf32, #tpu.memory_space<vmem>>, vector<16xf32>,
    tpu.vector_store %arg20[%swap3A_474, %swap3A_475], %gather3A_472 {strides = array<i32>} : memref<8x128xf32, #tpu.memory_space<vmem>>, vector<16xf32>,
    %gather3A_477 = tpu.vector_load_idx %arg19[%and3A_471] : memref<64xf32, #tpu.memory_space<vmem>>[vector<16xi32>], vector<16xf32>,
    %swap3A_478 = arith.constant 3 : i32
    %swap3A_479 = arith.index_cast %swap3A_478 : i32 to index
    %swap3A_480 = arith.constant 80 : index
    %swap3A_481 = tpu.vector_load %arg21[%swap3A_479, %swap3A_480] {strides = array<i32>} : memref<8x128xf32, #tpu.memory_space<vmem>>, vector<16xf32>,
    tpu.vector_store %arg21[%swap3A_479, %swap3A_480], %gather3A_477 {strides = array<i32>} : memref<8x128xf32, #tpu.memory_space<vmem>>, vector<16xf32>,
    %add3A_482 = arith.constant 30 : i32
    %add3A_483 = vector.broadcast %add3A_482 : i32 to vector<16xi32>
    %add3A_484 = arith.addi %iota3A, %add3A_483 : vector<16xi32>
    %and3A_485 = arith.constant 63 : i32
    %and3A_486 = vector.broadcast %and3A_485 : i32 to vector<16xi32>
    %and3A_487 = arith.andi %add3A_484, %and3A_486 : vector<16xi32>
    %gather3A_488 = tpu.vector_load_idx %arg18[%and3A_487] : memref<64xf32, #tpu.memory_space<vmem>>[vector<16xi32>], vector<16xf32>,
    %swap3A_489 = arith.constant 3 : i32
    %swap3A_490 = arith.index_cast %swap3A_489 : i32 to index
    %swap3A_491 = arith.constant 96 : index
    %swap3A_492 = tpu.vector_load %arg20[%swap3A_490, %swap3A_491] {strides = array<i32>} : memref<8x128xf32, #tpu.memory_space<vmem>>, vector<16xf32>,
    tpu.vector_store %arg20[%swap3A_490, %swap3A_491], %gather3A_488 {strides = array<i32>} : memref<8x128xf32, #tpu.memory_space<vmem>>, vector<16xf32>,
    %gather3A_493 = tpu.vector_load_idx %arg19[%and3A_487] : memref<64xf32, #tpu.memory_space<vmem>>[vector<16xi32>], vector<16xf32>,
    %swap3A_494 = arith.constant 3 : i32
    %swap3A_495 = arith.index_cast %swap3A_494 : i32 to index
    %swap3A_496 = arith.constant 96 : index
    %swap3A_497 = tpu.vector_load %arg21[%swap3A_495, %swap3A_496] {strides = array<i32>} : memref<8x128xf32, #tpu.memory_space<vmem>>, vector<16xf32>,
    tpu.vector_store %arg21[%swap3A_495, %swap3A_496], %gather3A_493 {strides = array<i32>} : memref<8x128xf32, #tpu.memory_space<vmem>>, vector<16xf32>,
    %add3A_498 = arith.constant 31 : i32
    %add3A_499 = vector.broadcast %add3A_498 : i32 to vector<16xi32>
    %add3A_500 = arith.addi %iota3A, %add3A_499 : vector<16xi32>
    %and3A_501 = arith.constant 63 : i32
    %and3A_502 = vector.broadcast %and3A_501 : i32 to vector<16xi32>
    %and3A_503 = arith.andi %add3A_500, %and3A_502 : vector<16xi32>
    %gather3A_504 = tpu.vector_load_idx %arg18[%and3A_503] : memref<64xf32, #tpu.memory_space<vmem>>[vector<16xi32>], vector<16xf32>,
    %swap3A_505 = arith.constant 3 : i32
    %swap3A_506 = arith.index_cast %swap3A_505 : i32 to index
    %swap3A_507 = arith.constant 112 : index
    %swap3A_508 = tpu.vector_load %arg20[%swap3A_506, %swap3A_507] {strides = array<i32>} : memref<8x128xf32, #tpu.memory_space<vmem>>, vector<16xf32>,
    tpu.vector_store %arg20[%swap3A_506, %swap3A_507], %gather3A_504 {strides = array<i32>} : memref<8x128xf32, #tpu.memory_space<vmem>>, vector<16xf32>,
    %gather3A_509 = tpu.vector_load_idx %arg19[%and3A_503] : memref<64xf32, #tpu.memory_space<vmem>>[vector<16xi32>], vector<16xf32>,
    %swap3A_510 = arith.constant 3 : i32
    %swap3A_511 = arith.index_cast %swap3A_510 : i32 to index
    %swap3A_512 = arith.constant 112 : index
    %swap3A_513 = tpu.vector_load %arg21[%swap3A_511, %swap3A_512] {strides = array<i32>} : memref<8x128xf32, #tpu.memory_space<vmem>>, vector<16xf32>,
    tpu.vector_store %arg21[%swap3A_511, %swap3A_512], %gather3A_509 {strides = array<i32>} : memref<8x128xf32, #tpu.memory_space<vmem>>, vector<16xf32>,
    %add3A_514 = arith.constant 32 : i32
    %add3A_515 = vector.broadcast %add3A_514 : i32 to vector<16xi32>
    %add3A_516 = arith.addi %iota3A, %add3A_515 : vector<16xi32>
    %and3A_517 = arith.constant 63 : i32
    %and3A_518 = vector.broadcast %and3A_517 : i32 to vector<16xi32>
    %and3A_519 = arith.andi %add3A_516, %and3A_518 : vector<16xi32>
    %gather3A_520 = tpu.vector_load_idx %arg18[%and3A_519] : memref<64xf32, #tpu.memory_space<vmem>>[vector<16xi32>], vector<16xf32>,
    %swap3A_521 = arith.constant 4 : i32
    %swap3A_522 = arith.index_cast %swap3A_521 : i32 to index
    %swap3A_523 = arith.constant 0 : index
    %swap3A_524 = tpu.vector_load %arg20[%swap3A_522, %swap3A_523] {strides = array<i32>} : memref<8x128xf32, #tpu.memory_space<vmem>>, vector<16xf32>,
    tpu.vector_store %arg20[%swap3A_522, %swap3A_523], %gather3A_520 {strides = array<i32>} : memref<8x128xf32, #tpu.memory_space<vmem>>, vector<16xf32>,
    %gather3A_525 = tpu.vector_load_idx %arg19[%and3A_519] : memref<64xf32, #tpu.memory_space<vmem>>[vector<16xi32>], vector<16xf32>,
    %swap3A_526 = arith.constant 4 : i32
    %swap3A_527 = arith.index_cast %swap3A_526 : i32 to index
    %swap3A_528 = arith.constant 0 : index
    %swap3A_529 = tpu.vector_load %arg21[%swap3A_527, %swap3A_528] {strides = array<i32>} : memref<8x128xf32, #tpu.memory_space<vmem>>, vector<16xf32>,
    tpu.vector_store %arg21[%swap3A_527, %swap3A_528], %gather3A_525 {strides = array<i32>} : memref<8x128xf32, #tpu.memory_space<vmem>>, vector<16xf32>,
    %add3A_530 = arith.constant 33 : i32
    %add3A_531 = vector.broadcast %add3A_530 : i32 to vector<16xi32>
    %add3A_532 = arith.addi %iota3A, %add3A_531 : vector<16xi32>
    %and3A_533 = arith.constant 63 : i32
    %and3A_534 = vector.broadcast %and3A_533 : i32 to vector<16xi32>
    %and3A_535 = arith.andi %add3A_532, %and3A_534 : vector<16xi32>
    %gather3A_536 = tpu.vector_load_idx %arg18[%and3A_535] : memref<64xf32, #tpu.memory_space<vmem>>[vector<16xi32>], vector<16xf32>,
    %swap3A_537 = arith.constant 4 : i32
    %swap3A_538 = arith.index_cast %swap3A_537 : i32 to index
    %swap3A_539 = arith.constant 16 : index
    %swap3A_540 = tpu.vector_load %arg20[%swap3A_538, %swap3A_539] {strides = array<i32>} : memref<8x128xf32, #tpu.memory_space<vmem>>, vector<16xf32>,
    tpu.vector_store %arg20[%swap3A_538, %swap3A_539], %gather3A_536 {strides = array<i32>} : memref<8x128xf32, #tpu.memory_space<vmem>>, vector<16xf32>,
    %gather3A_541 = tpu.vector_load_idx %arg19[%and3A_535] : memref<64xf32, #tpu.memory_space<vmem>>[vector<16xi32>], vector<16xf32>,
    %swap3A_542 = arith.constant 4 : i32
    %swap3A_543 = arith.index_cast %swap3A_542 : i32 to index
    %swap3A_544 = arith.constant 16 : index
    %swap3A_545 = tpu.vector_load %arg21[%swap3A_543, %swap3A_544] {strides = array<i32>} : memref<8x128xf32, #tpu.memory_space<vmem>>, vector<16xf32>,
    tpu.vector_store %arg21[%swap3A_543, %swap3A_544], %gather3A_541 {strides = array<i32>} : memref<8x128xf32, #tpu.memory_space<vmem>>, vector<16xf32>,
    %add3A_546 = arith.constant 34 : i32
    %add3A_547 = vector.broadcast %add3A_546 : i32 to vector<16xi32>
    %add3A_548 = arith.addi %iota3A, %add3A_547 : vector<16xi32>
    %and3A_549 = arith.constant 63 : i32
    %and3A_550 = vector.broadcast %and3A_549 : i32 to vector<16xi32>
    %and3A_551 = arith.andi %add3A_548, %and3A_550 : vector<16xi32>
    %gather3A_552 = tpu.vector_load_idx %arg18[%and3A_551] : memref<64xf32, #tpu.memory_space<vmem>>[vector<16xi32>], vector<16xf32>,
    %swap3A_553 = arith.constant 4 : i32
    %swap3A_554 = arith.index_cast %swap3A_553 : i32 to index
    %swap3A_555 = arith.constant 32 : index
    %swap3A_556 = tpu.vector_load %arg20[%swap3A_554, %swap3A_555] {strides = array<i32>} : memref<8x128xf32, #tpu.memory_space<vmem>>, vector<16xf32>,
    tpu.vector_store %arg20[%swap3A_554, %swap3A_555], %gather3A_552 {strides = array<i32>} : memref<8x128xf32, #tpu.memory_space<vmem>>, vector<16xf32>,
    %gather3A_557 = tpu.vector_load_idx %arg19[%and3A_551] : memref<64xf32, #tpu.memory_space<vmem>>[vector<16xi32>], vector<16xf32>,
    %swap3A_558 = arith.constant 4 : i32
    %swap3A_559 = arith.index_cast %swap3A_558 : i32 to index
    %swap3A_560 = arith.constant 32 : index
    %swap3A_561 = tpu.vector_load %arg21[%swap3A_559, %swap3A_560] {strides = array<i32>} : memref<8x128xf32, #tpu.memory_space<vmem>>, vector<16xf32>,
    tpu.vector_store %arg21[%swap3A_559, %swap3A_560], %gather3A_557 {strides = array<i32>} : memref<8x128xf32, #tpu.memory_space<vmem>>, vector<16xf32>,
    %add3A_562 = arith.constant 35 : i32
    %add3A_563 = vector.broadcast %add3A_562 : i32 to vector<16xi32>
    %add3A_564 = arith.addi %iota3A, %add3A_563 : vector<16xi32>
    %and3A_565 = arith.constant 63 : i32
    %and3A_566 = vector.broadcast %and3A_565 : i32 to vector<16xi32>
    %and3A_567 = arith.andi %add3A_564, %and3A_566 : vector<16xi32>
    %gather3A_568 = tpu.vector_load_idx %arg18[%and3A_567] : memref<64xf32, #tpu.memory_space<vmem>>[vector<16xi32>], vector<16xf32>,
    %swap3A_569 = arith.constant 4 : i32
    %swap3A_570 = arith.index_cast %swap3A_569 : i32 to index
    %swap3A_571 = arith.constant 48 : index
    %swap3A_572 = tpu.vector_load %arg20[%swap3A_570, %swap3A_571] {strides = array<i32>} : memref<8x128xf32, #tpu.memory_space<vmem>>, vector<16xf32>,
    tpu.vector_store %arg20[%swap3A_570, %swap3A_571], %gather3A_568 {strides = array<i32>} : memref<8x128xf32, #tpu.memory_space<vmem>>, vector<16xf32>,
    %gather3A_573 = tpu.vector_load_idx %arg19[%and3A_567] : memref<64xf32, #tpu.memory_space<vmem>>[vector<16xi32>], vector<16xf32>,
    %swap3A_574 = arith.constant 4 : i32
    %swap3A_575 = arith.index_cast %swap3A_574 : i32 to index
    %swap3A_576 = arith.constant 48 : index
    %swap3A_577 = tpu.vector_load %arg21[%swap3A_575, %swap3A_576] {strides = array<i32>} : memref<8x128xf32, #tpu.memory_space<vmem>>, vector<16xf32>,
    tpu.vector_store %arg21[%swap3A_575, %swap3A_576], %gather3A_573 {strides = array<i32>} : memref<8x128xf32, #tpu.memory_space<vmem>>, vector<16xf32>,
    %add3A_578 = arith.constant 36 : i32
    %add3A_579 = vector.broadcast %add3A_578 : i32 to vector<16xi32>
    %add3A_580 = arith.addi %iota3A, %add3A_579 : vector<16xi32>
    %and3A_581 = arith.constant 63 : i32
    %and3A_582 = vector.broadcast %and3A_581 : i32 to vector<16xi32>
    %and3A_583 = arith.andi %add3A_580, %and3A_582 : vector<16xi32>
    %gather3A_584 = tpu.vector_load_idx %arg18[%and3A_583] : memref<64xf32, #tpu.memory_space<vmem>>[vector<16xi32>], vector<16xf32>,
    %swap3A_585 = arith.constant 4 : i32
    %swap3A_586 = arith.index_cast %swap3A_585 : i32 to index
    %swap3A_587 = arith.constant 64 : index
    %swap3A_588 = tpu.vector_load %arg20[%swap3A_586, %swap3A_587] {strides = array<i32>} : memref<8x128xf32, #tpu.memory_space<vmem>>, vector<16xf32>,
    tpu.vector_store %arg20[%swap3A_586, %swap3A_587], %gather3A_584 {strides = array<i32>} : memref<8x128xf32, #tpu.memory_space<vmem>>, vector<16xf32>,
    %gather3A_589 = tpu.vector_load_idx %arg19[%and3A_583] : memref<64xf32, #tpu.memory_space<vmem>>[vector<16xi32>], vector<16xf32>,
    %swap3A_590 = arith.constant 4 : i32
    %swap3A_591 = arith.index_cast %swap3A_590 : i32 to index
    %swap3A_592 = arith.constant 64 : index
    %swap3A_593 = tpu.vector_load %arg21[%swap3A_591, %swap3A_592] {strides = array<i32>} : memref<8x128xf32, #tpu.memory_space<vmem>>, vector<16xf32>,
    tpu.vector_store %arg21[%swap3A_591, %swap3A_592], %gather3A_589 {strides = array<i32>} : memref<8x128xf32, #tpu.memory_space<vmem>>, vector<16xf32>,
    %add3A_594 = arith.constant 37 : i32
    %add3A_595 = vector.broadcast %add3A_594 : i32 to vector<16xi32>
    %add3A_596 = arith.addi %iota3A, %add3A_595 : vector<16xi32>
    %and3A_597 = arith.constant 63 : i32
    %and3A_598 = vector.broadcast %and3A_597 : i32 to vector<16xi32>
    %and3A_599 = arith.andi %add3A_596, %and3A_598 : vector<16xi32>
    %gather3A_600 = tpu.vector_load_idx %arg18[%and3A_599] : memref<64xf32, #tpu.memory_space<vmem>>[vector<16xi32>], vector<16xf32>,
    %swap3A_601 = arith.constant 4 : i32
    %swap3A_602 = arith.index_cast %swap3A_601 : i32 to index
    %swap3A_603 = arith.constant 80 : index
    %swap3A_604 = tpu.vector_load %arg20[%swap3A_602, %swap3A_603] {strides = array<i32>} : memref<8x128xf32, #tpu.memory_space<vmem>>, vector<16xf32>,
    tpu.vector_store %arg20[%swap3A_602, %swap3A_603], %gather3A_600 {strides = array<i32>} : memref<8x128xf32, #tpu.memory_space<vmem>>, vector<16xf32>,
    %gather3A_605 = tpu.vector_load_idx %arg19[%and3A_599] : memref<64xf32, #tpu.memory_space<vmem>>[vector<16xi32>], vector<16xf32>,
    %swap3A_606 = arith.constant 4 : i32
    %swap3A_607 = arith.index_cast %swap3A_606 : i32 to index
    %swap3A_608 = arith.constant 80 : index
    %swap3A_609 = tpu.vector_load %arg21[%swap3A_607, %swap3A_608] {strides = array<i32>} : memref<8x128xf32, #tpu.memory_space<vmem>>, vector<16xf32>,
    tpu.vector_store %arg21[%swap3A_607, %swap3A_608], %gather3A_605 {strides = array<i32>} : memref<8x128xf32, #tpu.memory_space<vmem>>, vector<16xf32>,
    %add3A_610 = arith.constant 38 : i32
    %add3A_611 = vector.broadcast %add3A_610 : i32 to vector<16xi32>
    %add3A_612 = arith.addi %iota3A, %add3A_611 : vector<16xi32>
    %and3A_613 = arith.constant 63 : i32
    %and3A_614 = vector.broadcast %and3A_613 : i32 to vector<16xi32>
    %and3A_615 = arith.andi %add3A_612, %and3A_614 : vector<16xi32>
    %gather3A_616 = tpu.vector_load_idx %arg18[%and3A_615] : memref<64xf32, #tpu.memory_space<vmem>>[vector<16xi32>], vector<16xf32>,
    %swap3A_617 = arith.constant 4 : i32
    %swap3A_618 = arith.index_cast %swap3A_617 : i32 to index
    %swap3A_619 = arith.constant 96 : index
    %swap3A_620 = tpu.vector_load %arg20[%swap3A_618, %swap3A_619] {strides = array<i32>} : memref<8x128xf32, #tpu.memory_space<vmem>>, vector<16xf32>,
    tpu.vector_store %arg20[%swap3A_618, %swap3A_619], %gather3A_616 {strides = array<i32>} : memref<8x128xf32, #tpu.memory_space<vmem>>, vector<16xf32>,
    %gather3A_621 = tpu.vector_load_idx %arg19[%and3A_615] : memref<64xf32, #tpu.memory_space<vmem>>[vector<16xi32>], vector<16xf32>,
    %swap3A_622 = arith.constant 4 : i32
    %swap3A_623 = arith.index_cast %swap3A_622 : i32 to index
    %swap3A_624 = arith.constant 96 : index
    %swap3A_625 = tpu.vector_load %arg21[%swap3A_623, %swap3A_624] {strides = array<i32>} : memref<8x128xf32, #tpu.memory_space<vmem>>, vector<16xf32>,
    tpu.vector_store %arg21[%swap3A_623, %swap3A_624], %gather3A_621 {strides = array<i32>} : memref<8x128xf32, #tpu.memory_space<vmem>>, vector<16xf32>,
    %add3A_626 = arith.constant 39 : i32
    %add3A_627 = vector.broadcast %add3A_626 : i32 to vector<16xi32>
    %add3A_628 = arith.addi %iota3A, %add3A_627 : vector<16xi32>
    %and3A_629 = arith.constant 63 : i32
    %and3A_630 = vector.broadcast %and3A_629 : i32 to vector<16xi32>
    %and3A_631 = arith.andi %add3A_628, %and3A_630 : vector<16xi32>
    %gather3A_632 = tpu.vector_load_idx %arg18[%and3A_631] : memref<64xf32, #tpu.memory_space<vmem>>[vector<16xi32>], vector<16xf32>,
    %swap3A_633 = arith.constant 4 : i32
    %swap3A_634 = arith.index_cast %swap3A_633 : i32 to index
    %swap3A_635 = arith.constant 112 : index
    %swap3A_636 = tpu.vector_load %arg20[%swap3A_634, %swap3A_635] {strides = array<i32>} : memref<8x128xf32, #tpu.memory_space<vmem>>, vector<16xf32>,
    tpu.vector_store %arg20[%swap3A_634, %swap3A_635], %gather3A_632 {strides = array<i32>} : memref<8x128xf32, #tpu.memory_space<vmem>>, vector<16xf32>,
    %gather3A_637 = tpu.vector_load_idx %arg19[%and3A_631] : memref<64xf32, #tpu.memory_space<vmem>>[vector<16xi32>], vector<16xf32>,
    %swap3A_638 = arith.constant 4 : i32
    %swap3A_639 = arith.index_cast %swap3A_638 : i32 to index
    %swap3A_640 = arith.constant 112 : index
    %swap3A_641 = tpu.vector_load %arg21[%swap3A_639, %swap3A_640] {strides = array<i32>} : memref<8x128xf32, #tpu.memory_space<vmem>>, vector<16xf32>,
    tpu.vector_store %arg21[%swap3A_639, %swap3A_640], %gather3A_637 {strides = array<i32>} : memref<8x128xf32, #tpu.memory_space<vmem>>, vector<16xf32>,
    %add3A_642 = arith.constant 40 : i32
    %add3A_643 = vector.broadcast %add3A_642 : i32 to vector<16xi32>
    %add3A_644 = arith.addi %iota3A, %add3A_643 : vector<16xi32>
    %and3A_645 = arith.constant 63 : i32
    %and3A_646 = vector.broadcast %and3A_645 : i32 to vector<16xi32>
    %and3A_647 = arith.andi %add3A_644, %and3A_646 : vector<16xi32>
    %gather3A_648 = tpu.vector_load_idx %arg18[%and3A_647] : memref<64xf32, #tpu.memory_space<vmem>>[vector<16xi32>], vector<16xf32>,
    %swap3A_649 = arith.constant 5 : i32
    %swap3A_650 = arith.index_cast %swap3A_649 : i32 to index
    %swap3A_651 = arith.constant 0 : index
    %swap3A_652 = tpu.vector_load %arg20[%swap3A_650, %swap3A_651] {strides = array<i32>} : memref<8x128xf32, #tpu.memory_space<vmem>>, vector<16xf32>,
    tpu.vector_store %arg20[%swap3A_650, %swap3A_651], %gather3A_648 {strides = array<i32>} : memref<8x128xf32, #tpu.memory_space<vmem>>, vector<16xf32>,
    %gather3A_653 = tpu.vector_load_idx %arg19[%and3A_647] : memref<64xf32, #tpu.memory_space<vmem>>[vector<16xi32>], vector<16xf32>,
    %swap3A_654 = arith.constant 5 : i32
    %swap3A_655 = arith.index_cast %swap3A_654 : i32 to index
    %swap3A_656 = arith.constant 0 : index
    %swap3A_657 = tpu.vector_load %arg21[%swap3A_655, %swap3A_656] {strides = array<i32>} : memref<8x128xf32, #tpu.memory_space<vmem>>, vector<16xf32>,
    tpu.vector_store %arg21[%swap3A_655, %swap3A_656], %gather3A_653 {strides = array<i32>} : memref<8x128xf32, #tpu.memory_space<vmem>>, vector<16xf32>,
    %add3A_658 = arith.constant 41 : i32
    %add3A_659 = vector.broadcast %add3A_658 : i32 to vector<16xi32>
    %add3A_660 = arith.addi %iota3A, %add3A_659 : vector<16xi32>
    %and3A_661 = arith.constant 63 : i32
    %and3A_662 = vector.broadcast %and3A_661 : i32 to vector<16xi32>
    %and3A_663 = arith.andi %add3A_660, %and3A_662 : vector<16xi32>
    %gather3A_664 = tpu.vector_load_idx %arg18[%and3A_663] : memref<64xf32, #tpu.memory_space<vmem>>[vector<16xi32>], vector<16xf32>,
    %swap3A_665 = arith.constant 5 : i32
    %swap3A_666 = arith.index_cast %swap3A_665 : i32 to index
    %swap3A_667 = arith.constant 16 : index
    %swap3A_668 = tpu.vector_load %arg20[%swap3A_666, %swap3A_667] {strides = array<i32>} : memref<8x128xf32, #tpu.memory_space<vmem>>, vector<16xf32>,
    tpu.vector_store %arg20[%swap3A_666, %swap3A_667], %gather3A_664 {strides = array<i32>} : memref<8x128xf32, #tpu.memory_space<vmem>>, vector<16xf32>,
    %gather3A_669 = tpu.vector_load_idx %arg19[%and3A_663] : memref<64xf32, #tpu.memory_space<vmem>>[vector<16xi32>], vector<16xf32>,
    %swap3A_670 = arith.constant 5 : i32
    %swap3A_671 = arith.index_cast %swap3A_670 : i32 to index
    %swap3A_672 = arith.constant 16 : index
    %swap3A_673 = tpu.vector_load %arg21[%swap3A_671, %swap3A_672] {strides = array<i32>} : memref<8x128xf32, #tpu.memory_space<vmem>>, vector<16xf32>,
    tpu.vector_store %arg21[%swap3A_671, %swap3A_672], %gather3A_669 {strides = array<i32>} : memref<8x128xf32, #tpu.memory_space<vmem>>, vector<16xf32>,
    %add3A_674 = arith.constant 42 : i32
    %add3A_675 = vector.broadcast %add3A_674 : i32 to vector<16xi32>
    %add3A_676 = arith.addi %iota3A, %add3A_675 : vector<16xi32>
    %and3A_677 = arith.constant 63 : i32
    %and3A_678 = vector.broadcast %and3A_677 : i32 to vector<16xi32>
    %and3A_679 = arith.andi %add3A_676, %and3A_678 : vector<16xi32>
    %gather3A_680 = tpu.vector_load_idx %arg18[%and3A_679] : memref<64xf32, #tpu.memory_space<vmem>>[vector<16xi32>], vector<16xf32>,
    %swap3A_681 = arith.constant 5 : i32
    %swap3A_682 = arith.index_cast %swap3A_681 : i32 to index
    %swap3A_683 = arith.constant 32 : index
    %swap3A_684 = tpu.vector_load %arg20[%swap3A_682, %swap3A_683] {strides = array<i32>} : memref<8x128xf32, #tpu.memory_space<vmem>>, vector<16xf32>,
    tpu.vector_store %arg20[%swap3A_682, %swap3A_683], %gather3A_680 {strides = array<i32>} : memref<8x128xf32, #tpu.memory_space<vmem>>, vector<16xf32>,
    %gather3A_685 = tpu.vector_load_idx %arg19[%and3A_679] : memref<64xf32, #tpu.memory_space<vmem>>[vector<16xi32>], vector<16xf32>,
    %swap3A_686 = arith.constant 5 : i32
    %swap3A_687 = arith.index_cast %swap3A_686 : i32 to index
    %swap3A_688 = arith.constant 32 : index
    %swap3A_689 = tpu.vector_load %arg21[%swap3A_687, %swap3A_688] {strides = array<i32>} : memref<8x128xf32, #tpu.memory_space<vmem>>, vector<16xf32>,
    tpu.vector_store %arg21[%swap3A_687, %swap3A_688], %gather3A_685 {strides = array<i32>} : memref<8x128xf32, #tpu.memory_space<vmem>>, vector<16xf32>,
    %add3A_690 = arith.constant 43 : i32
    %add3A_691 = vector.broadcast %add3A_690 : i32 to vector<16xi32>
    %add3A_692 = arith.addi %iota3A, %add3A_691 : vector<16xi32>
    %and3A_693 = arith.constant 63 : i32
    %and3A_694 = vector.broadcast %and3A_693 : i32 to vector<16xi32>
    %and3A_695 = arith.andi %add3A_692, %and3A_694 : vector<16xi32>
    %gather3A_696 = tpu.vector_load_idx %arg18[%and3A_695] : memref<64xf32, #tpu.memory_space<vmem>>[vector<16xi32>], vector<16xf32>,
    %swap3A_697 = arith.constant 5 : i32
    %swap3A_698 = arith.index_cast %swap3A_697 : i32 to index
    %swap3A_699 = arith.constant 48 : index
    %swap3A_700 = tpu.vector_load %arg20[%swap3A_698, %swap3A_699] {strides = array<i32>} : memref<8x128xf32, #tpu.memory_space<vmem>>, vector<16xf32>,
    tpu.vector_store %arg20[%swap3A_698, %swap3A_699], %gather3A_696 {strides = array<i32>} : memref<8x128xf32, #tpu.memory_space<vmem>>, vector<16xf32>,
    %gather3A_701 = tpu.vector_load_idx %arg19[%and3A_695] : memref<64xf32, #tpu.memory_space<vmem>>[vector<16xi32>], vector<16xf32>,
    %swap3A_702 = arith.constant 5 : i32
    %swap3A_703 = arith.index_cast %swap3A_702 : i32 to index
    %swap3A_704 = arith.constant 48 : index
    %swap3A_705 = tpu.vector_load %arg21[%swap3A_703, %swap3A_704] {strides = array<i32>} : memref<8x128xf32, #tpu.memory_space<vmem>>, vector<16xf32>,
    tpu.vector_store %arg21[%swap3A_703, %swap3A_704], %gather3A_701 {strides = array<i32>} : memref<8x128xf32, #tpu.memory_space<vmem>>, vector<16xf32>,
    %add3A_706 = arith.constant 44 : i32
    %add3A_707 = vector.broadcast %add3A_706 : i32 to vector<16xi32>
    %add3A_708 = arith.addi %iota3A, %add3A_707 : vector<16xi32>
    %and3A_709 = arith.constant 63 : i32
    %and3A_710 = vector.broadcast %and3A_709 : i32 to vector<16xi32>
    %and3A_711 = arith.andi %add3A_708, %and3A_710 : vector<16xi32>
    %gather3A_712 = tpu.vector_load_idx %arg18[%and3A_711] : memref<64xf32, #tpu.memory_space<vmem>>[vector<16xi32>], vector<16xf32>,
    %swap3A_713 = arith.constant 5 : i32
    %swap3A_714 = arith.index_cast %swap3A_713 : i32 to index
    %swap3A_715 = arith.constant 64 : index
    %swap3A_716 = tpu.vector_load %arg20[%swap3A_714, %swap3A_715] {strides = array<i32>} : memref<8x128xf32, #tpu.memory_space<vmem>>, vector<16xf32>,
    tpu.vector_store %arg20[%swap3A_714, %swap3A_715], %gather3A_712 {strides = array<i32>} : memref<8x128xf32, #tpu.memory_space<vmem>>, vector<16xf32>,
    %gather3A_717 = tpu.vector_load_idx %arg19[%and3A_711] : memref<64xf32, #tpu.memory_space<vmem>>[vector<16xi32>], vector<16xf32>,
    %swap3A_718 = arith.constant 5 : i32
    %swap3A_719 = arith.index_cast %swap3A_718 : i32 to index
    %swap3A_720 = arith.constant 64 : index
    %swap3A_721 = tpu.vector_load %arg21[%swap3A_719, %swap3A_720] {strides = array<i32>} : memref<8x128xf32, #tpu.memory_space<vmem>>, vector<16xf32>,
    tpu.vector_store %arg21[%swap3A_719, %swap3A_720], %gather3A_717 {strides = array<i32>} : memref<8x128xf32, #tpu.memory_space<vmem>>, vector<16xf32>,
    %add3A_722 = arith.constant 45 : i32
    %add3A_723 = vector.broadcast %add3A_722 : i32 to vector<16xi32>
    %add3A_724 = arith.addi %iota3A, %add3A_723 : vector<16xi32>
    %and3A_725 = arith.constant 63 : i32
    %and3A_726 = vector.broadcast %and3A_725 : i32 to vector<16xi32>
    %and3A_727 = arith.andi %add3A_724, %and3A_726 : vector<16xi32>
    %gather3A_728 = tpu.vector_load_idx %arg18[%and3A_727] : memref<64xf32, #tpu.memory_space<vmem>>[vector<16xi32>], vector<16xf32>,
    %swap3A_729 = arith.constant 5 : i32
    %swap3A_730 = arith.index_cast %swap3A_729 : i32 to index
    %swap3A_731 = arith.constant 80 : index
    %swap3A_732 = tpu.vector_load %arg20[%swap3A_730, %swap3A_731] {strides = array<i32>} : memref<8x128xf32, #tpu.memory_space<vmem>>, vector<16xf32>,
    tpu.vector_store %arg20[%swap3A_730, %swap3A_731], %gather3A_728 {strides = array<i32>} : memref<8x128xf32, #tpu.memory_space<vmem>>, vector<16xf32>,
    %gather3A_733 = tpu.vector_load_idx %arg19[%and3A_727] : memref<64xf32, #tpu.memory_space<vmem>>[vector<16xi32>], vector<16xf32>,
    %swap3A_734 = arith.constant 5 : i32
    %swap3A_735 = arith.index_cast %swap3A_734 : i32 to index
    %swap3A_736 = arith.constant 80 : index
    %swap3A_737 = tpu.vector_load %arg21[%swap3A_735, %swap3A_736] {strides = array<i32>} : memref<8x128xf32, #tpu.memory_space<vmem>>, vector<16xf32>,
    tpu.vector_store %arg21[%swap3A_735, %swap3A_736], %gather3A_733 {strides = array<i32>} : memref<8x128xf32, #tpu.memory_space<vmem>>, vector<16xf32>,
    %add3A_738 = arith.constant 46 : i32
    %add3A_739 = vector.broadcast %add3A_738 : i32 to vector<16xi32>
    %add3A_740 = arith.addi %iota3A, %add3A_739 : vector<16xi32>
    %and3A_741 = arith.constant 63 : i32
    %and3A_742 = vector.broadcast %and3A_741 : i32 to vector<16xi32>
    %and3A_743 = arith.andi %add3A_740, %and3A_742 : vector<16xi32>
    %gather3A_744 = tpu.vector_load_idx %arg18[%and3A_743] : memref<64xf32, #tpu.memory_space<vmem>>[vector<16xi32>], vector<16xf32>,
    %swap3A_745 = arith.constant 5 : i32
    %swap3A_746 = arith.index_cast %swap3A_745 : i32 to index
    %swap3A_747 = arith.constant 96 : index
    %swap3A_748 = tpu.vector_load %arg20[%swap3A_746, %swap3A_747] {strides = array<i32>} : memref<8x128xf32, #tpu.memory_space<vmem>>, vector<16xf32>,
    tpu.vector_store %arg20[%swap3A_746, %swap3A_747], %gather3A_744 {strides = array<i32>} : memref<8x128xf32, #tpu.memory_space<vmem>>, vector<16xf32>,
    %gather3A_749 = tpu.vector_load_idx %arg19[%and3A_743] : memref<64xf32, #tpu.memory_space<vmem>>[vector<16xi32>], vector<16xf32>,
    %swap3A_750 = arith.constant 5 : i32
    %swap3A_751 = arith.index_cast %swap3A_750 : i32 to index
    %swap3A_752 = arith.constant 96 : index
    %swap3A_753 = tpu.vector_load %arg21[%swap3A_751, %swap3A_752] {strides = array<i32>} : memref<8x128xf32, #tpu.memory_space<vmem>>, vector<16xf32>,
    tpu.vector_store %arg21[%swap3A_751, %swap3A_752], %gather3A_749 {strides = array<i32>} : memref<8x128xf32, #tpu.memory_space<vmem>>, vector<16xf32>,
    %add3A_754 = arith.constant 47 : i32
    %add3A_755 = vector.broadcast %add3A_754 : i32 to vector<16xi32>
    %add3A_756 = arith.addi %iota3A, %add3A_755 : vector<16xi32>
    %and3A_757 = arith.constant 63 : i32
    %and3A_758 = vector.broadcast %and3A_757 : i32 to vector<16xi32>
    %and3A_759 = arith.andi %add3A_756, %and3A_758 : vector<16xi32>
    %gather3A_760 = tpu.vector_load_idx %arg18[%and3A_759] : memref<64xf32, #tpu.memory_space<vmem>>[vector<16xi32>], vector<16xf32>,
    %swap3A_761 = arith.constant 5 : i32
    %swap3A_762 = arith.index_cast %swap3A_761 : i32 to index
    %swap3A_763 = arith.constant 112 : index
    %swap3A_764 = tpu.vector_load %arg20[%swap3A_762, %swap3A_763] {strides = array<i32>} : memref<8x128xf32, #tpu.memory_space<vmem>>, vector<16xf32>,
    tpu.vector_store %arg20[%swap3A_762, %swap3A_763], %gather3A_760 {strides = array<i32>} : memref<8x128xf32, #tpu.memory_space<vmem>>, vector<16xf32>,
    %gather3A_765 = tpu.vector_load_idx %arg19[%and3A_759] : memref<64xf32, #tpu.memory_space<vmem>>[vector<16xi32>], vector<16xf32>,
    %swap3A_766 = arith.constant 5 : i32
    %swap3A_767 = arith.index_cast %swap3A_766 : i32 to index
    %swap3A_768 = arith.constant 112 : index
    %swap3A_769 = tpu.vector_load %arg21[%swap3A_767, %swap3A_768] {strides = array<i32>} : memref<8x128xf32, #tpu.memory_space<vmem>>, vector<16xf32>,
    tpu.vector_store %arg21[%swap3A_767, %swap3A_768], %gather3A_765 {strides = array<i32>} : memref<8x128xf32, #tpu.memory_space<vmem>>, vector<16xf32>,
    %add3A_770 = arith.constant 48 : i32
    %add3A_771 = vector.broadcast %add3A_770 : i32 to vector<16xi32>
    %add3A_772 = arith.addi %iota3A, %add3A_771 : vector<16xi32>
    %and3A_773 = arith.constant 63 : i32
    %and3A_774 = vector.broadcast %and3A_773 : i32 to vector<16xi32>
    %and3A_775 = arith.andi %add3A_772, %and3A_774 : vector<16xi32>
    %gather3A_776 = tpu.vector_load_idx %arg18[%and3A_775] : memref<64xf32, #tpu.memory_space<vmem>>[vector<16xi32>], vector<16xf32>,
    %swap3A_777 = arith.constant 6 : i32
    %swap3A_778 = arith.index_cast %swap3A_777 : i32 to index
    %swap3A_779 = arith.constant 0 : index
    %swap3A_780 = tpu.vector_load %arg20[%swap3A_778, %swap3A_779] {strides = array<i32>} : memref<8x128xf32, #tpu.memory_space<vmem>>, vector<16xf32>,
    tpu.vector_store %arg20[%swap3A_778, %swap3A_779], %gather3A_776 {strides = array<i32>} : memref<8x128xf32, #tpu.memory_space<vmem>>, vector<16xf32>,
    %gather3A_781 = tpu.vector_load_idx %arg19[%and3A_775] : memref<64xf32, #tpu.memory_space<vmem>>[vector<16xi32>], vector<16xf32>,
    %swap3A_782 = arith.constant 6 : i32
    %swap3A_783 = arith.index_cast %swap3A_782 : i32 to index
    %swap3A_784 = arith.constant 0 : index
    %swap3A_785 = tpu.vector_load %arg21[%swap3A_783, %swap3A_784] {strides = array<i32>} : memref<8x128xf32, #tpu.memory_space<vmem>>, vector<16xf32>,
    tpu.vector_store %arg21[%swap3A_783, %swap3A_784], %gather3A_781 {strides = array<i32>} : memref<8x128xf32, #tpu.memory_space<vmem>>, vector<16xf32>,
    %add3A_786 = arith.constant 49 : i32
    %add3A_787 = vector.broadcast %add3A_786 : i32 to vector<16xi32>
    %add3A_788 = arith.addi %iota3A, %add3A_787 : vector<16xi32>
    %and3A_789 = arith.constant 63 : i32
    %and3A_790 = vector.broadcast %and3A_789 : i32 to vector<16xi32>
    %and3A_791 = arith.andi %add3A_788, %and3A_790 : vector<16xi32>
    %gather3A_792 = tpu.vector_load_idx %arg18[%and3A_791] : memref<64xf32, #tpu.memory_space<vmem>>[vector<16xi32>], vector<16xf32>,
    %swap3A_793 = arith.constant 6 : i32
    %swap3A_794 = arith.index_cast %swap3A_793 : i32 to index
    %swap3A_795 = arith.constant 16 : index
    %swap3A_796 = tpu.vector_load %arg20[%swap3A_794, %swap3A_795] {strides = array<i32>} : memref<8x128xf32, #tpu.memory_space<vmem>>, vector<16xf32>,
    tpu.vector_store %arg20[%swap3A_794, %swap3A_795], %gather3A_792 {strides = array<i32>} : memref<8x128xf32, #tpu.memory_space<vmem>>, vector<16xf32>,
    %gather3A_797 = tpu.vector_load_idx %arg19[%and3A_791] : memref<64xf32, #tpu.memory_space<vmem>>[vector<16xi32>], vector<16xf32>,
    %swap3A_798 = arith.constant 6 : i32
    %swap3A_799 = arith.index_cast %swap3A_798 : i32 to index
    %swap3A_800 = arith.constant 16 : index
    %swap3A_801 = tpu.vector_load %arg21[%swap3A_799, %swap3A_800] {strides = array<i32>} : memref<8x128xf32, #tpu.memory_space<vmem>>, vector<16xf32>,
    tpu.vector_store %arg21[%swap3A_799, %swap3A_800], %gather3A_797 {strides = array<i32>} : memref<8x128xf32, #tpu.memory_space<vmem>>, vector<16xf32>,
    %add3A_802 = arith.constant 50 : i32
    %add3A_803 = vector.broadcast %add3A_802 : i32 to vector<16xi32>
    %add3A_804 = arith.addi %iota3A, %add3A_803 : vector<16xi32>
    %and3A_805 = arith.constant 63 : i32
    %and3A_806 = vector.broadcast %and3A_805 : i32 to vector<16xi32>
    %and3A_807 = arith.andi %add3A_804, %and3A_806 : vector<16xi32>
    %gather3A_808 = tpu.vector_load_idx %arg18[%and3A_807] : memref<64xf32, #tpu.memory_space<vmem>>[vector<16xi32>], vector<16xf32>,
    %swap3A_809 = arith.constant 6 : i32
    %swap3A_810 = arith.index_cast %swap3A_809 : i32 to index
    %swap3A_811 = arith.constant 32 : index
    %swap3A_812 = tpu.vector_load %arg20[%swap3A_810, %swap3A_811] {strides = array<i32>} : memref<8x128xf32, #tpu.memory_space<vmem>>, vector<16xf32>,
    tpu.vector_store %arg20[%swap3A_810, %swap3A_811], %gather3A_808 {strides = array<i32>} : memref<8x128xf32, #tpu.memory_space<vmem>>, vector<16xf32>,
    %gather3A_813 = tpu.vector_load_idx %arg19[%and3A_807] : memref<64xf32, #tpu.memory_space<vmem>>[vector<16xi32>], vector<16xf32>,
    %swap3A_814 = arith.constant 6 : i32
    %swap3A_815 = arith.index_cast %swap3A_814 : i32 to index
    %swap3A_816 = arith.constant 32 : index
    %swap3A_817 = tpu.vector_load %arg21[%swap3A_815, %swap3A_816] {strides = array<i32>} : memref<8x128xf32, #tpu.memory_space<vmem>>, vector<16xf32>,
    tpu.vector_store %arg21[%swap3A_815, %swap3A_816], %gather3A_813 {strides = array<i32>} : memref<8x128xf32, #tpu.memory_space<vmem>>, vector<16xf32>,
    %add3A_818 = arith.constant 51 : i32
    %add3A_819 = vector.broadcast %add3A_818 : i32 to vector<16xi32>
    %add3A_820 = arith.addi %iota3A, %add3A_819 : vector<16xi32>
    %and3A_821 = arith.constant 63 : i32
    %and3A_822 = vector.broadcast %and3A_821 : i32 to vector<16xi32>
    %and3A_823 = arith.andi %add3A_820, %and3A_822 : vector<16xi32>
    %gather3A_824 = tpu.vector_load_idx %arg18[%and3A_823] : memref<64xf32, #tpu.memory_space<vmem>>[vector<16xi32>], vector<16xf32>,
    %swap3A_825 = arith.constant 6 : i32
    %swap3A_826 = arith.index_cast %swap3A_825 : i32 to index
    %swap3A_827 = arith.constant 48 : index
    %swap3A_828 = tpu.vector_load %arg20[%swap3A_826, %swap3A_827] {strides = array<i32>} : memref<8x128xf32, #tpu.memory_space<vmem>>, vector<16xf32>,
    tpu.vector_store %arg20[%swap3A_826, %swap3A_827], %gather3A_824 {strides = array<i32>} : memref<8x128xf32, #tpu.memory_space<vmem>>, vector<16xf32>,
    %gather3A_829 = tpu.vector_load_idx %arg19[%and3A_823] : memref<64xf32, #tpu.memory_space<vmem>>[vector<16xi32>], vector<16xf32>,
    %swap3A_830 = arith.constant 6 : i32
    %swap3A_831 = arith.index_cast %swap3A_830 : i32 to index
    %swap3A_832 = arith.constant 48 : index
    %swap3A_833 = tpu.vector_load %arg21[%swap3A_831, %swap3A_832] {strides = array<i32>} : memref<8x128xf32, #tpu.memory_space<vmem>>, vector<16xf32>,
    tpu.vector_store %arg21[%swap3A_831, %swap3A_832], %gather3A_829 {strides = array<i32>} : memref<8x128xf32, #tpu.memory_space<vmem>>, vector<16xf32>,
    %add3A_834 = arith.constant 52 : i32
    %add3A_835 = vector.broadcast %add3A_834 : i32 to vector<16xi32>
    %add3A_836 = arith.addi %iota3A, %add3A_835 : vector<16xi32>
    %and3A_837 = arith.constant 63 : i32
    %and3A_838 = vector.broadcast %and3A_837 : i32 to vector<16xi32>
    %and3A_839 = arith.andi %add3A_836, %and3A_838 : vector<16xi32>
    %gather3A_840 = tpu.vector_load_idx %arg18[%and3A_839] : memref<64xf32, #tpu.memory_space<vmem>>[vector<16xi32>], vector<16xf32>,
    %swap3A_841 = arith.constant 6 : i32
    %swap3A_842 = arith.index_cast %swap3A_841 : i32 to index
    %swap3A_843 = arith.constant 64 : index
    %swap3A_844 = tpu.vector_load %arg20[%swap3A_842, %swap3A_843] {strides = array<i32>} : memref<8x128xf32, #tpu.memory_space<vmem>>, vector<16xf32>,
    tpu.vector_store %arg20[%swap3A_842, %swap3A_843], %gather3A_840 {strides = array<i32>} : memref<8x128xf32, #tpu.memory_space<vmem>>, vector<16xf32>,
    %gather3A_845 = tpu.vector_load_idx %arg19[%and3A_839] : memref<64xf32, #tpu.memory_space<vmem>>[vector<16xi32>], vector<16xf32>,
    %swap3A_846 = arith.constant 6 : i32
    %swap3A_847 = arith.index_cast %swap3A_846 : i32 to index
    %swap3A_848 = arith.constant 64 : index
    %swap3A_849 = tpu.vector_load %arg21[%swap3A_847, %swap3A_848] {strides = array<i32>} : memref<8x128xf32, #tpu.memory_space<vmem>>, vector<16xf32>,
    tpu.vector_store %arg21[%swap3A_847, %swap3A_848], %gather3A_845 {strides = array<i32>} : memref<8x128xf32, #tpu.memory_space<vmem>>, vector<16xf32>,
    %add3A_850 = arith.constant 53 : i32
    %add3A_851 = vector.broadcast %add3A_850 : i32 to vector<16xi32>
    %add3A_852 = arith.addi %iota3A, %add3A_851 : vector<16xi32>
    %and3A_853 = arith.constant 63 : i32
    %and3A_854 = vector.broadcast %and3A_853 : i32 to vector<16xi32>
    %and3A_855 = arith.andi %add3A_852, %and3A_854 : vector<16xi32>
    %gather3A_856 = tpu.vector_load_idx %arg18[%and3A_855] : memref<64xf32, #tpu.memory_space<vmem>>[vector<16xi32>], vector<16xf32>,
    %swap3A_857 = arith.constant 6 : i32
    %swap3A_858 = arith.index_cast %swap3A_857 : i32 to index
    %swap3A_859 = arith.constant 80 : index
    %swap3A_860 = tpu.vector_load %arg20[%swap3A_858, %swap3A_859] {strides = array<i32>} : memref<8x128xf32, #tpu.memory_space<vmem>>, vector<16xf32>,
    tpu.vector_store %arg20[%swap3A_858, %swap3A_859], %gather3A_856 {strides = array<i32>} : memref<8x128xf32, #tpu.memory_space<vmem>>, vector<16xf32>,
    %gather3A_861 = tpu.vector_load_idx %arg19[%and3A_855] : memref<64xf32, #tpu.memory_space<vmem>>[vector<16xi32>], vector<16xf32>,
    %swap3A_862 = arith.constant 6 : i32
    %swap3A_863 = arith.index_cast %swap3A_862 : i32 to index
    %swap3A_864 = arith.constant 80 : index
    %swap3A_865 = tpu.vector_load %arg21[%swap3A_863, %swap3A_864] {strides = array<i32>} : memref<8x128xf32, #tpu.memory_space<vmem>>, vector<16xf32>,
    tpu.vector_store %arg21[%swap3A_863, %swap3A_864], %gather3A_861 {strides = array<i32>} : memref<8x128xf32, #tpu.memory_space<vmem>>, vector<16xf32>,
    %add3A_866 = arith.constant 54 : i32
    %add3A_867 = vector.broadcast %add3A_866 : i32 to vector<16xi32>
    %add3A_868 = arith.addi %iota3A, %add3A_867 : vector<16xi32>
    %and3A_869 = arith.constant 63 : i32
    %and3A_870 = vector.broadcast %and3A_869 : i32 to vector<16xi32>
    %and3A_871 = arith.andi %add3A_868, %and3A_870 : vector<16xi32>
    %gather3A_872 = tpu.vector_load_idx %arg18[%and3A_871] : memref<64xf32, #tpu.memory_space<vmem>>[vector<16xi32>], vector<16xf32>,
    %swap3A_873 = arith.constant 6 : i32
    %swap3A_874 = arith.index_cast %swap3A_873 : i32 to index
    %swap3A_875 = arith.constant 96 : index
    %swap3A_876 = tpu.vector_load %arg20[%swap3A_874, %swap3A_875] {strides = array<i32>} : memref<8x128xf32, #tpu.memory_space<vmem>>, vector<16xf32>,
    tpu.vector_store %arg20[%swap3A_874, %swap3A_875], %gather3A_872 {strides = array<i32>} : memref<8x128xf32, #tpu.memory_space<vmem>>, vector<16xf32>,
    %gather3A_877 = tpu.vector_load_idx %arg19[%and3A_871] : memref<64xf32, #tpu.memory_space<vmem>>[vector<16xi32>], vector<16xf32>,
    %swap3A_878 = arith.constant 6 : i32
    %swap3A_879 = arith.index_cast %swap3A_878 : i32 to index
    %swap3A_880 = arith.constant 96 : index
    %swap3A_881 = tpu.vector_load %arg21[%swap3A_879, %swap3A_880] {strides = array<i32>} : memref<8x128xf32, #tpu.memory_space<vmem>>, vector<16xf32>,
    tpu.vector_store %arg21[%swap3A_879, %swap3A_880], %gather3A_877 {strides = array<i32>} : memref<8x128xf32, #tpu.memory_space<vmem>>, vector<16xf32>,
    %add3A_882 = arith.constant 55 : i32
    %add3A_883 = vector.broadcast %add3A_882 : i32 to vector<16xi32>
    %add3A_884 = arith.addi %iota3A, %add3A_883 : vector<16xi32>
    %and3A_885 = arith.constant 63 : i32
    %and3A_886 = vector.broadcast %and3A_885 : i32 to vector<16xi32>
    %and3A_887 = arith.andi %add3A_884, %and3A_886 : vector<16xi32>
    %gather3A_888 = tpu.vector_load_idx %arg18[%and3A_887] : memref<64xf32, #tpu.memory_space<vmem>>[vector<16xi32>], vector<16xf32>,
    %swap3A_889 = arith.constant 6 : i32
    %swap3A_890 = arith.index_cast %swap3A_889 : i32 to index
    %swap3A_891 = arith.constant 112 : index
    %swap3A_892 = tpu.vector_load %arg20[%swap3A_890, %swap3A_891] {strides = array<i32>} : memref<8x128xf32, #tpu.memory_space<vmem>>, vector<16xf32>,
    tpu.vector_store %arg20[%swap3A_890, %swap3A_891], %gather3A_888 {strides = array<i32>} : memref<8x128xf32, #tpu.memory_space<vmem>>, vector<16xf32>,
    %gather3A_893 = tpu.vector_load_idx %arg19[%and3A_887] : memref<64xf32, #tpu.memory_space<vmem>>[vector<16xi32>], vector<16xf32>,
    %swap3A_894 = arith.constant 6 : i32
    %swap3A_895 = arith.index_cast %swap3A_894 : i32 to index
    %swap3A_896 = arith.constant 112 : index
    %swap3A_897 = tpu.vector_load %arg21[%swap3A_895, %swap3A_896] {strides = array<i32>} : memref<8x128xf32, #tpu.memory_space<vmem>>, vector<16xf32>,
    tpu.vector_store %arg21[%swap3A_895, %swap3A_896], %gather3A_893 {strides = array<i32>} : memref<8x128xf32, #tpu.memory_space<vmem>>, vector<16xf32>,
    %add3A_898 = arith.constant 56 : i32
    %add3A_899 = vector.broadcast %add3A_898 : i32 to vector<16xi32>
    %add3A_900 = arith.addi %iota3A, %add3A_899 : vector<16xi32>
    %and3A_901 = arith.constant 63 : i32
    %and3A_902 = vector.broadcast %and3A_901 : i32 to vector<16xi32>
    %and3A_903 = arith.andi %add3A_900, %and3A_902 : vector<16xi32>
    %gather3A_904 = tpu.vector_load_idx %arg18[%and3A_903] : memref<64xf32, #tpu.memory_space<vmem>>[vector<16xi32>], vector<16xf32>,
    %swap3A_905 = arith.constant 7 : i32
    %swap3A_906 = arith.index_cast %swap3A_905 : i32 to index
    %swap3A_907 = arith.constant 0 : index
    %swap3A_908 = tpu.vector_load %arg20[%swap3A_906, %swap3A_907] {strides = array<i32>} : memref<8x128xf32, #tpu.memory_space<vmem>>, vector<16xf32>,
    tpu.vector_store %arg20[%swap3A_906, %swap3A_907], %gather3A_904 {strides = array<i32>} : memref<8x128xf32, #tpu.memory_space<vmem>>, vector<16xf32>,
    %gather3A_909 = tpu.vector_load_idx %arg19[%and3A_903] : memref<64xf32, #tpu.memory_space<vmem>>[vector<16xi32>], vector<16xf32>,
    %swap3A_910 = arith.constant 7 : i32
    %swap3A_911 = arith.index_cast %swap3A_910 : i32 to index
    %swap3A_912 = arith.constant 0 : index
    %swap3A_913 = tpu.vector_load %arg21[%swap3A_911, %swap3A_912] {strides = array<i32>} : memref<8x128xf32, #tpu.memory_space<vmem>>, vector<16xf32>,
    tpu.vector_store %arg21[%swap3A_911, %swap3A_912], %gather3A_909 {strides = array<i32>} : memref<8x128xf32, #tpu.memory_space<vmem>>, vector<16xf32>,
    %add3A_914 = arith.constant 57 : i32
    %add3A_915 = vector.broadcast %add3A_914 : i32 to vector<16xi32>
    %add3A_916 = arith.addi %iota3A, %add3A_915 : vector<16xi32>
    %and3A_917 = arith.constant 63 : i32
    %and3A_918 = vector.broadcast %and3A_917 : i32 to vector<16xi32>
    %and3A_919 = arith.andi %add3A_916, %and3A_918 : vector<16xi32>
    %gather3A_920 = tpu.vector_load_idx %arg18[%and3A_919] : memref<64xf32, #tpu.memory_space<vmem>>[vector<16xi32>], vector<16xf32>,
    %swap3A_921 = arith.constant 7 : i32
    %swap3A_922 = arith.index_cast %swap3A_921 : i32 to index
    %swap3A_923 = arith.constant 16 : index
    %swap3A_924 = tpu.vector_load %arg20[%swap3A_922, %swap3A_923] {strides = array<i32>} : memref<8x128xf32, #tpu.memory_space<vmem>>, vector<16xf32>,
    tpu.vector_store %arg20[%swap3A_922, %swap3A_923], %gather3A_920 {strides = array<i32>} : memref<8x128xf32, #tpu.memory_space<vmem>>, vector<16xf32>,
    %gather3A_925 = tpu.vector_load_idx %arg19[%and3A_919] : memref<64xf32, #tpu.memory_space<vmem>>[vector<16xi32>], vector<16xf32>,
    %swap3A_926 = arith.constant 7 : i32
    %swap3A_927 = arith.index_cast %swap3A_926 : i32 to index
    %swap3A_928 = arith.constant 16 : index
    %swap3A_929 = tpu.vector_load %arg21[%swap3A_927, %swap3A_928] {strides = array<i32>} : memref<8x128xf32, #tpu.memory_space<vmem>>, vector<16xf32>,
    tpu.vector_store %arg21[%swap3A_927, %swap3A_928], %gather3A_925 {strides = array<i32>} : memref<8x128xf32, #tpu.memory_space<vmem>>, vector<16xf32>,
    %add3A_930 = arith.constant 58 : i32
    %add3A_931 = vector.broadcast %add3A_930 : i32 to vector<16xi32>
    %add3A_932 = arith.addi %iota3A, %add3A_931 : vector<16xi32>
    %and3A_933 = arith.constant 63 : i32
    %and3A_934 = vector.broadcast %and3A_933 : i32 to vector<16xi32>
    %and3A_935 = arith.andi %add3A_932, %and3A_934 : vector<16xi32>
    %gather3A_936 = tpu.vector_load_idx %arg18[%and3A_935] : memref<64xf32, #tpu.memory_space<vmem>>[vector<16xi32>], vector<16xf32>,
    %swap3A_937 = arith.constant 7 : i32
    %swap3A_938 = arith.index_cast %swap3A_937 : i32 to index
    %swap3A_939 = arith.constant 32 : index
    %swap3A_940 = tpu.vector_load %arg20[%swap3A_938, %swap3A_939] {strides = array<i32>} : memref<8x128xf32, #tpu.memory_space<vmem>>, vector<16xf32>,
    tpu.vector_store %arg20[%swap3A_938, %swap3A_939], %gather3A_936 {strides = array<i32>} : memref<8x128xf32, #tpu.memory_space<vmem>>, vector<16xf32>,
    %gather3A_941 = tpu.vector_load_idx %arg19[%and3A_935] : memref<64xf32, #tpu.memory_space<vmem>>[vector<16xi32>], vector<16xf32>,
    %swap3A_942 = arith.constant 7 : i32
    %swap3A_943 = arith.index_cast %swap3A_942 : i32 to index
    %swap3A_944 = arith.constant 32 : index
    %swap3A_945 = tpu.vector_load %arg21[%swap3A_943, %swap3A_944] {strides = array<i32>} : memref<8x128xf32, #tpu.memory_space<vmem>>, vector<16xf32>,
    tpu.vector_store %arg21[%swap3A_943, %swap3A_944], %gather3A_941 {strides = array<i32>} : memref<8x128xf32, #tpu.memory_space<vmem>>, vector<16xf32>,
    %add3A_946 = arith.constant 59 : i32
    %add3A_947 = vector.broadcast %add3A_946 : i32 to vector<16xi32>
    %add3A_948 = arith.addi %iota3A, %add3A_947 : vector<16xi32>
    %and3A_949 = arith.constant 63 : i32
    %and3A_950 = vector.broadcast %and3A_949 : i32 to vector<16xi32>
    %and3A_951 = arith.andi %add3A_948, %and3A_950 : vector<16xi32>
    %gather3A_952 = tpu.vector_load_idx %arg18[%and3A_951] : memref<64xf32, #tpu.memory_space<vmem>>[vector<16xi32>], vector<16xf32>,
    %swap3A_953 = arith.constant 7 : i32
    %swap3A_954 = arith.index_cast %swap3A_953 : i32 to index
    %swap3A_955 = arith.constant 48 : index
    %swap3A_956 = tpu.vector_load %arg20[%swap3A_954, %swap3A_955] {strides = array<i32>} : memref<8x128xf32, #tpu.memory_space<vmem>>, vector<16xf32>,
    tpu.vector_store %arg20[%swap3A_954, %swap3A_955], %gather3A_952 {strides = array<i32>} : memref<8x128xf32, #tpu.memory_space<vmem>>, vector<16xf32>,
    %gather3A_957 = tpu.vector_load_idx %arg19[%and3A_951] : memref<64xf32, #tpu.memory_space<vmem>>[vector<16xi32>], vector<16xf32>,
    %swap3A_958 = arith.constant 7 : i32
    %swap3A_959 = arith.index_cast %swap3A_958 : i32 to index
    %swap3A_960 = arith.constant 48 : index
    %swap3A_961 = tpu.vector_load %arg21[%swap3A_959, %swap3A_960] {strides = array<i32>} : memref<8x128xf32, #tpu.memory_space<vmem>>, vector<16xf32>,
    tpu.vector_store %arg21[%swap3A_959, %swap3A_960], %gather3A_957 {strides = array<i32>} : memref<8x128xf32, #tpu.memory_space<vmem>>, vector<16xf32>,
    %add3A_962 = arith.constant 60 : i32
    %add3A_963 = vector.broadcast %add3A_962 : i32 to vector<16xi32>
    %add3A_964 = arith.addi %iota3A, %add3A_963 : vector<16xi32>
    %and3A_965 = arith.constant 63 : i32
    %and3A_966 = vector.broadcast %and3A_965 : i32 to vector<16xi32>
    %and3A_967 = arith.andi %add3A_964, %and3A_966 : vector<16xi32>
    %gather3A_968 = tpu.vector_load_idx %arg18[%and3A_967] : memref<64xf32, #tpu.memory_space<vmem>>[vector<16xi32>], vector<16xf32>,
    %swap3A_969 = arith.constant 7 : i32
    %swap3A_970 = arith.index_cast %swap3A_969 : i32 to index
    %swap3A_971 = arith.constant 64 : index
    %swap3A_972 = tpu.vector_load %arg20[%swap3A_970, %swap3A_971] {strides = array<i32>} : memref<8x128xf32, #tpu.memory_space<vmem>>, vector<16xf32>,
    tpu.vector_store %arg20[%swap3A_970, %swap3A_971], %gather3A_968 {strides = array<i32>} : memref<8x128xf32, #tpu.memory_space<vmem>>, vector<16xf32>,
    %gather3A_973 = tpu.vector_load_idx %arg19[%and3A_967] : memref<64xf32, #tpu.memory_space<vmem>>[vector<16xi32>], vector<16xf32>,
    %swap3A_974 = arith.constant 7 : i32
    %swap3A_975 = arith.index_cast %swap3A_974 : i32 to index
    %swap3A_976 = arith.constant 64 : index
    %swap3A_977 = tpu.vector_load %arg21[%swap3A_975, %swap3A_976] {strides = array<i32>} : memref<8x128xf32, #tpu.memory_space<vmem>>, vector<16xf32>,
    tpu.vector_store %arg21[%swap3A_975, %swap3A_976], %gather3A_973 {strides = array<i32>} : memref<8x128xf32, #tpu.memory_space<vmem>>, vector<16xf32>,
    %add3A_978 = arith.constant 61 : i32
    %add3A_979 = vector.broadcast %add3A_978 : i32 to vector<16xi32>
    %add3A_980 = arith.addi %iota3A, %add3A_979 : vector<16xi32>
    %and3A_981 = arith.constant 63 : i32
    %and3A_982 = vector.broadcast %and3A_981 : i32 to vector<16xi32>
    %and3A_983 = arith.andi %add3A_980, %and3A_982 : vector<16xi32>
    %gather3A_984 = tpu.vector_load_idx %arg18[%and3A_983] : memref<64xf32, #tpu.memory_space<vmem>>[vector<16xi32>], vector<16xf32>,
    %swap3A_985 = arith.constant 7 : i32
    %swap3A_986 = arith.index_cast %swap3A_985 : i32 to index
    %swap3A_987 = arith.constant 80 : index
    %swap3A_988 = tpu.vector_load %arg20[%swap3A_986, %swap3A_987] {strides = array<i32>} : memref<8x128xf32, #tpu.memory_space<vmem>>, vector<16xf32>,
    tpu.vector_store %arg20[%swap3A_986, %swap3A_987], %gather3A_984 {strides = array<i32>} : memref<8x128xf32, #tpu.memory_space<vmem>>, vector<16xf32>,
    %gather3A_989 = tpu.vector_load_idx %arg19[%and3A_983] : memref<64xf32, #tpu.memory_space<vmem>>[vector<16xi32>], vector<16xf32>,
    %swap3A_990 = arith.constant 7 : i32
    %swap3A_991 = arith.index_cast %swap3A_990 : i32 to index
    %swap3A_992 = arith.constant 80 : index
    %swap3A_993 = tpu.vector_load %arg21[%swap3A_991, %swap3A_992] {strides = array<i32>} : memref<8x128xf32, #tpu.memory_space<vmem>>, vector<16xf32>,
    tpu.vector_store %arg21[%swap3A_991, %swap3A_992], %gather3A_989 {strides = array<i32>} : memref<8x128xf32, #tpu.memory_space<vmem>>, vector<16xf32>,
    %add3A_994 = arith.constant 62 : i32
    %add3A_995 = vector.broadcast %add3A_994 : i32 to vector<16xi32>
    %add3A_996 = arith.addi %iota3A, %add3A_995 : vector<16xi32>
    %and3A_997 = arith.constant 63 : i32
    %and3A_998 = vector.broadcast %and3A_997 : i32 to vector<16xi32>
    %and3A_999 = arith.andi %add3A_996, %and3A_998 : vector<16xi32>
    %gather3A_1000 = tpu.vector_load_idx %arg18[%and3A_999] : memref<64xf32, #tpu.memory_space<vmem>>[vector<16xi32>], vector<16xf32>,
    %swap3A_1001 = arith.constant 7 : i32
    %swap3A_1002 = arith.index_cast %swap3A_1001 : i32 to index
    %swap3A_1003 = arith.constant 96 : index
    %swap3A_1004 = tpu.vector_load %arg20[%swap3A_1002, %swap3A_1003] {strides = array<i32>} : memref<8x128xf32, #tpu.memory_space<vmem>>, vector<16xf32>,
    tpu.vector_store %arg20[%swap3A_1002, %swap3A_1003], %gather3A_1000 {strides = array<i32>} : memref<8x128xf32, #tpu.memory_space<vmem>>, vector<16xf32>,
    %gather3A_1005 = tpu.vector_load_idx %arg19[%and3A_999] : memref<64xf32, #tpu.memory_space<vmem>>[vector<16xi32>], vector<16xf32>,
    %swap3A_1006 = arith.constant 7 : i32
    %swap3A_1007 = arith.index_cast %swap3A_1006 : i32 to index
    %swap3A_1008 = arith.constant 96 : index
    %swap3A_1009 = tpu.vector_load %arg21[%swap3A_1007, %swap3A_1008] {strides = array<i32>} : memref<8x128xf32, #tpu.memory_space<vmem>>, vector<16xf32>,
    tpu.vector_store %arg21[%swap3A_1007, %swap3A_1008], %gather3A_1005 {strides = array<i32>} : memref<8x128xf32, #tpu.memory_space<vmem>>, vector<16xf32>,
    %add3A_1010 = arith.constant 63 : i32
    %add3A_1011 = vector.broadcast %add3A_1010 : i32 to vector<16xi32>
    %add3A_1012 = arith.addi %iota3A, %add3A_1011 : vector<16xi32>
    %and3A_1013 = arith.constant 63 : i32
    %and3A_1014 = vector.broadcast %and3A_1013 : i32 to vector<16xi32>
    %and3A_1015 = arith.andi %add3A_1012, %and3A_1014 : vector<16xi32>
    %gather3A_1016 = tpu.vector_load_idx %arg18[%and3A_1015] : memref<64xf32, #tpu.memory_space<vmem>>[vector<16xi32>], vector<16xf32>,
    %swap3A_1017 = arith.constant 7 : i32
    %swap3A_1018 = arith.index_cast %swap3A_1017 : i32 to index
    %swap3A_1019 = arith.constant 112 : index
    %swap3A_1020 = tpu.vector_load %arg20[%swap3A_1018, %swap3A_1019] {strides = array<i32>} : memref<8x128xf32, #tpu.memory_space<vmem>>, vector<16xf32>,
    tpu.vector_store %arg20[%swap3A_1018, %swap3A_1019], %gather3A_1016 {strides = array<i32>} : memref<8x128xf32, #tpu.memory_space<vmem>>, vector<16xf32>,
    %gather3A_1021 = tpu.vector_load_idx %arg19[%and3A_1015] : memref<64xf32, #tpu.memory_space<vmem>>[vector<16xi32>], vector<16xf32>,
    %swap3A_1022 = arith.constant 7 : i32
    %swap3A_1023 = arith.index_cast %swap3A_1022 : i32 to index
    %swap3A_1024 = arith.constant 112 : index
    %swap3A_1025 = tpu.vector_load %arg21[%swap3A_1023, %swap3A_1024] {strides = array<i32>} : memref<8x128xf32, #tpu.memory_space<vmem>>, vector<16xf32>,
    tpu.vector_store %arg21[%swap3A_1023, %swap3A_1024], %gather3A_1021 {strides = array<i32>} : memref<8x128xf32, #tpu.memory_space<vmem>>, vector<16xf32>,
    %broadcast_in_dim3A = arith.constant 0.000000e+00 : f32
    %broadcast_in_dim3A_1026 = vector.broadcast %broadcast_in_dim3A : f32 to vector<16xf32>
    %get3A = arith.constant 0 : i32
    %get3A_1027 = arith.index_cast %get3A : i32 to index
    %get3A_1028 = arith.constant 0 : index
    %get3A_1029 = tpu.vector_load %arg7[%get3A_1027, %get3A_1028] {strides = array<i32>} : memref<200x128xi32, #tpu.memory_space<vmem>>, vector<16xi32>,
    %shift_right_logical3A = arith.constant 1 : i32
    %shift_right_logical3A_1030 = vector.broadcast %shift_right_logical3A : i32 to vector<16xi32>
    %shift_right_logical3A_1031 = arith.shrui %get3A_1029, %shift_right_logical3A_1030 : vector<16xi32>
    %swap3A_1032 = arith.constant 0 : index
    %swap3A_1033 = tpu.vector_load %arg8[%swap3A_1032] {strides = array<i32>} : memref<128xi32, #tpu.memory_space<vmem>>, vector<16xi32>,
    tpu.vector_store %arg8[%swap3A_1032], %shift_right_logical3A_1031 {strides = array<i32>} : memref<128xi32, #tpu.memory_space<vmem>>, vector<16xi32>,
    %get3A_1034 = arith.constant 0 : i32
    %get3A_1035 = arith.index_cast %get3A_1034 : i32 to index
    %get3A_1036 = arith.constant 16 : index
    %get3A_1037 = tpu.vector_load %arg7[%get3A_1035, %get3A_1036] {strides = array<i32>} : memref<200x128xi32, #tpu.memory_space<vmem>>, vector<16xi32>,
    %shift_right_logical3A_1038 = arith.constant 1 : i32
    %shift_right_logical3A_1039 = vector.broadcast %shift_right_logical3A_1038 : i32 to vector<16xi32>
    %shift_right_logical3A_1040 = arith.shrui %get3A_1037, %shift_right_logical3A_1039 : vector<16xi32>
    %swap3A_1041 = arith.constant 16 : index
    %swap3A_1042 = tpu.vector_load %arg8[%swap3A_1041] {strides = array<i32>} : memref<128xi32, #tpu.memory_space<vmem>>, vector<16xi32>,
    tpu.vector_store %arg8[%swap3A_1041], %shift_right_logical3A_1040 {strides = array<i32>} : memref<128xi32, #tpu.memory_space<vmem>>, vector<16xi32>,
    %get3A_1043 = arith.constant 0 : i32
    %get3A_1044 = arith.index_cast %get3A_1043 : i32 to index
    %get3A_1045 = arith.constant 32 : index
    %get3A_1046 = tpu.vector_load %arg7[%get3A_1044, %get3A_1045] {strides = array<i32>} : memref<200x128xi32, #tpu.memory_space<vmem>>, vector<16xi32>,
    %shift_right_logical3A_1047 = arith.constant 1 : i32
    %shift_right_logical3A_1048 = vector.broadcast %shift_right_logical3A_1047 : i32 to vector<16xi32>
    %shift_right_logical3A_1049 = arith.shrui %get3A_1046, %shift_right_logical3A_1048 : vector<16xi32>
    %swap3A_1050 = arith.constant 32 : index
    %swap3A_1051 = tpu.vector_load %arg8[%swap3A_1050] {strides = array<i32>} : memref<128xi32, #tpu.memory_space<vmem>>, vector<16xi32>,
    tpu.vector_store %arg8[%swap3A_1050], %shift_right_logical3A_1049 {strides = array<i32>} : memref<128xi32, #tpu.memory_space<vmem>>, vector<16xi32>,
    %get3A_1052 = arith.constant 0 : i32
    %get3A_1053 = arith.index_cast %get3A_1052 : i32 to index
    %get3A_1054 = arith.constant 48 : index
    %get3A_1055 = tpu.vector_load %arg7[%get3A_1053, %get3A_1054] {strides = array<i32>} : memref<200x128xi32, #tpu.memory_space<vmem>>, vector<16xi32>,
    %shift_right_logical3A_1056 = arith.constant 1 : i32
    %shift_right_logical3A_1057 = vector.broadcast %shift_right_logical3A_1056 : i32 to vector<16xi32>
    %shift_right_logical3A_1058 = arith.shrui %get3A_1055, %shift_right_logical3A_1057 : vector<16xi32>
    %swap3A_1059 = arith.constant 48 : index
    %swap3A_1060 = tpu.vector_load %arg8[%swap3A_1059] {strides = array<i32>} : memref<128xi32, #tpu.memory_space<vmem>>, vector<16xi32>,
    tpu.vector_store %arg8[%swap3A_1059], %shift_right_logical3A_1058 {strides = array<i32>} : memref<128xi32, #tpu.memory_space<vmem>>, vector<16xi32>,
    %get3A_1061 = arith.constant 0 : i32
    %get3A_1062 = arith.index_cast %get3A_1061 : i32 to index
    %get3A_1063 = arith.constant 64 : index
    %get3A_1064 = tpu.vector_load %arg7[%get3A_1062, %get3A_1063] {strides = array<i32>} : memref<200x128xi32, #tpu.memory_space<vmem>>, vector<16xi32>,
    %shift_right_logical3A_1065 = arith.constant 1 : i32
    %shift_right_logical3A_1066 = vector.broadcast %shift_right_logical3A_1065 : i32 to vector<16xi32>
    %shift_right_logical3A_1067 = arith.shrui %get3A_1064, %shift_right_logical3A_1066 : vector<16xi32>
    %swap3A_1068 = arith.constant 64 : index
    %swap3A_1069 = tpu.vector_load %arg8[%swap3A_1068] {strides = array<i32>} : memref<128xi32, #tpu.memory_space<vmem>>, vector<16xi32>,
    tpu.vector_store %arg8[%swap3A_1068], %shift_right_logical3A_1067 {strides = array<i32>} : memref<128xi32, #tpu.memory_space<vmem>>, vector<16xi32>,
    %get3A_1070 = arith.constant 0 : i32
    %get3A_1071 = arith.index_cast %get3A_1070 : i32 to index
    %get3A_1072 = arith.constant 80 : index
    %get3A_1073 = tpu.vector_load %arg7[%get3A_1071, %get3A_1072] {strides = array<i32>} : memref<200x128xi32, #tpu.memory_space<vmem>>, vector<16xi32>,
    %shift_right_logical3A_1074 = arith.constant 1 : i32
    %shift_right_logical3A_1075 = vector.broadcast %shift_right_logical3A_1074 : i32 to vector<16xi32>
    %shift_right_logical3A_1076 = arith.shrui %get3A_1073, %shift_right_logical3A_1075 : vector<16xi32>
    %swap3A_1077 = arith.constant 80 : index
    %swap3A_1078 = tpu.vector_load %arg8[%swap3A_1077] {strides = array<i32>} : memref<128xi32, #tpu.memory_space<vmem>>, vector<16xi32>,
    tpu.vector_store %arg8[%swap3A_1077], %shift_right_logical3A_1076 {strides = array<i32>} : memref<128xi32, #tpu.memory_space<vmem>>, vector<16xi32>,
    %get3A_1079 = arith.constant 0 : i32
    %get3A_1080 = arith.index_cast %get3A_1079 : i32 to index
    %get3A_1081 = arith.constant 96 : index
    %get3A_1082 = tpu.vector_load %arg7[%get3A_1080, %get3A_1081] {strides = array<i32>} : memref<200x128xi32, #tpu.memory_space<vmem>>, vector<16xi32>,
    %shift_right_logical3A_1083 = arith.constant 1 : i32
    %shift_right_logical3A_1084 = vector.broadcast %shift_right_logical3A_1083 : i32 to vector<16xi32>
    %shift_right_logical3A_1085 = arith.shrui %get3A_1082, %shift_right_logical3A_1084 : vector<16xi32>
    %swap3A_1086 = arith.constant 96 : index
    %swap3A_1087 = tpu.vector_load %arg8[%swap3A_1086] {strides = array<i32>} : memref<128xi32, #tpu.memory_space<vmem>>, vector<16xi32>,
    tpu.vector_store %arg8[%swap3A_1086], %shift_right_logical3A_1085 {strides = array<i32>} : memref<128xi32, #tpu.memory_space<vmem>>, vector<16xi32>,
    %get3A_1088 = arith.constant 0 : i32
    %get3A_1089 = arith.index_cast %get3A_1088 : i32 to index
    %get3A_1090 = arith.constant 112 : index
    %get3A_1091 = tpu.vector_load %arg7[%get3A_1089, %get3A_1090] {strides = array<i32>} : memref<200x128xi32, #tpu.memory_space<vmem>>, vector<16xi32>,
    %shift_right_logical3A_1092 = arith.constant 1 : i32
    %shift_right_logical3A_1093 = vector.broadcast %shift_right_logical3A_1092 : i32 to vector<16xi32>
    %shift_right_logical3A_1094 = arith.shrui %get3A_1091, %shift_right_logical3A_1093 : vector<16xi32>
    %swap3A_1095 = arith.constant 112 : index
    %swap3A_1096 = tpu.vector_load %arg8[%swap3A_1095] {strides = array<i32>} : memref<128xi32, #tpu.memory_space<vmem>>, vector<16xi32>,
    tpu.vector_store %arg8[%swap3A_1095], %shift_right_logical3A_1094 {strides = array<i32>} : memref<128xi32, #tpu.memory_space<vmem>>, vector<16xi32>,
    %dma_start3A = arith.constant 0 : i32
    %dma_start3A_1097 = arith.constant 0 : i32
    %dma_start3A_1098 = tpu.memref_slice %arg3[%dma_start3A, %dma_start3A_1097] : memref<500000x128xf32, #tpu.memory_space<hbm>> -> memref<500000x128xf32, #tpu.memory_space<hbm>>
    tpu.enqueue_indirect_dma source(%dma_start3A_1098 : memref<500000x128xf32, #tpu.memory_space<hbm>>) target(%arg12 : memref<128x128xf32, #tpu.memory_space<vmem>>) offsets(%arg8 : memref<128xi32, #tpu.memory_space<vmem>>) semaphore(%arg22 : memref<!tpu.dma_semaphore, #tpu.memory_space<semaphore_mem>>)
    %get3A_1099 = arith.constant 1 : i32
    %get3A_1100 = arith.index_cast %get3A_1099 : i32 to index
    %get3A_1101 = arith.constant 0 : index
    %get3A_1102 = tpu.vector_load %arg7[%get3A_1100, %get3A_1101] {strides = array<i32>} : memref<200x128xi32, #tpu.memory_space<vmem>>, vector<16xi32>,
    %shift_right_logical3A_1103 = arith.constant 1 : i32
    %shift_right_logical3A_1104 = vector.broadcast %shift_right_logical3A_1103 : i32 to vector<16xi32>
    %shift_right_logical3A_1105 = arith.shrui %get3A_1102, %shift_right_logical3A_1104 : vector<16xi32>
    %swap3A_1106 = arith.constant 0 : index
    %swap3A_1107 = tpu.vector_load %arg9[%swap3A_1106] {strides = array<i32>} : memref<128xi32, #tpu.memory_space<vmem>>, vector<16xi32>,
    tpu.vector_store %arg9[%swap3A_1106], %shift_right_logical3A_1105 {strides = array<i32>} : memref<128xi32, #tpu.memory_space<vmem>>, vector<16xi32>,
    %get3A_1108 = arith.constant 1 : i32
    %get3A_1109 = arith.index_cast %get3A_1108 : i32 to index
    %get3A_1110 = arith.constant 16 : index
    %get3A_1111 = tpu.vector_load %arg7[%get3A_1109, %get3A_1110] {strides = array<i32>} : memref<200x128xi32, #tpu.memory_space<vmem>>, vector<16xi32>,
    %shift_right_logical3A_1112 = arith.constant 1 : i32
    %shift_right_logical3A_1113 = vector.broadcast %shift_right_logical3A_1112 : i32 to vector<16xi32>
    %shift_right_logical3A_1114 = arith.shrui %get3A_1111, %shift_right_logical3A_1113 : vector<16xi32>
    %swap3A_1115 = arith.constant 16 : index
    %swap3A_1116 = tpu.vector_load %arg9[%swap3A_1115] {strides = array<i32>} : memref<128xi32, #tpu.memory_space<vmem>>, vector<16xi32>,
    tpu.vector_store %arg9[%swap3A_1115], %shift_right_logical3A_1114 {strides = array<i32>} : memref<128xi32, #tpu.memory_space<vmem>>, vector<16xi32>,
    %get3A_1117 = arith.constant 1 : i32
    %get3A_1118 = arith.index_cast %get3A_1117 : i32 to index
    %get3A_1119 = arith.constant 32 : index
    %get3A_1120 = tpu.vector_load %arg7[%get3A_1118, %get3A_1119] {strides = array<i32>} : memref<200x128xi32, #tpu.memory_space<vmem>>, vector<16xi32>,
    %shift_right_logical3A_1121 = arith.constant 1 : i32
    %shift_right_logical3A_1122 = vector.broadcast %shift_right_logical3A_1121 : i32 to vector<16xi32>
    %shift_right_logical3A_1123 = arith.shrui %get3A_1120, %shift_right_logical3A_1122 : vector<16xi32>
    %swap3A_1124 = arith.constant 32 : index
    %swap3A_1125 = tpu.vector_load %arg9[%swap3A_1124] {strides = array<i32>} : memref<128xi32, #tpu.memory_space<vmem>>, vector<16xi32>,
    tpu.vector_store %arg9[%swap3A_1124], %shift_right_logical3A_1123 {strides = array<i32>} : memref<128xi32, #tpu.memory_space<vmem>>, vector<16xi32>,
    %get3A_1126 = arith.constant 1 : i32
    %get3A_1127 = arith.index_cast %get3A_1126 : i32 to index
    %get3A_1128 = arith.constant 48 : index
    %get3A_1129 = tpu.vector_load %arg7[%get3A_1127, %get3A_1128] {strides = array<i32>} : memref<200x128xi32, #tpu.memory_space<vmem>>, vector<16xi32>,
    %shift_right_logical3A_1130 = arith.constant 1 : i32
    %shift_right_logical3A_1131 = vector.broadcast %shift_right_logical3A_1130 : i32 to vector<16xi32>
    %shift_right_logical3A_1132 = arith.shrui %get3A_1129, %shift_right_logical3A_1131 : vector<16xi32>
    %swap3A_1133 = arith.constant 48 : index
    %swap3A_1134 = tpu.vector_load %arg9[%swap3A_1133] {strides = array<i32>} : memref<128xi32, #tpu.memory_space<vmem>>, vector<16xi32>,
    tpu.vector_store %arg9[%swap3A_1133], %shift_right_logical3A_1132 {strides = array<i32>} : memref<128xi32, #tpu.memory_space<vmem>>, vector<16xi32>,
    %get3A_1135 = arith.constant 1 : i32
    %get3A_1136 = arith.index_cast %get3A_1135 : i32 to index
    %get3A_1137 = arith.constant 64 : index
    %get3A_1138 = tpu.vector_load %arg7[%get3A_1136, %get3A_1137] {strides = array<i32>} : memref<200x128xi32, #tpu.memory_space<vmem>>, vector<16xi32>,
    %shift_right_logical3A_1139 = arith.constant 1 : i32
    %shift_right_logical3A_1140 = vector.broadcast %shift_right_logical3A_1139 : i32 to vector<16xi32>
    %shift_right_logical3A_1141 = arith.shrui %get3A_1138, %shift_right_logical3A_1140 : vector<16xi32>
    %swap3A_1142 = arith.constant 64 : index
    %swap3A_1143 = tpu.vector_load %arg9[%swap3A_1142] {strides = array<i32>} : memref<128xi32, #tpu.memory_space<vmem>>, vector<16xi32>,
    tpu.vector_store %arg9[%swap3A_1142], %shift_right_logical3A_1141 {strides = array<i32>} : memref<128xi32, #tpu.memory_space<vmem>>, vector<16xi32>,
    %get3A_1144 = arith.constant 1 : i32
    %get3A_1145 = arith.index_cast %get3A_1144 : i32 to index
    %get3A_1146 = arith.constant 80 : index
    %get3A_1147 = tpu.vector_load %arg7[%get3A_1145, %get3A_1146] {strides = array<i32>} : memref<200x128xi32, #tpu.memory_space<vmem>>, vector<16xi32>,
    %shift_right_logical3A_1148 = arith.constant 1 : i32
    %shift_right_logical3A_1149 = vector.broadcast %shift_right_logical3A_1148 : i32 to vector<16xi32>
    %shift_right_logical3A_1150 = arith.shrui %get3A_1147, %shift_right_logical3A_1149 : vector<16xi32>
    %swap3A_1151 = arith.constant 80 : index
    %swap3A_1152 = tpu.vector_load %arg9[%swap3A_1151] {strides = array<i32>} : memref<128xi32, #tpu.memory_space<vmem>>, vector<16xi32>,
    tpu.vector_store %arg9[%swap3A_1151], %shift_right_logical3A_1150 {strides = array<i32>} : memref<128xi32, #tpu.memory_space<vmem>>, vector<16xi32>,
    %get3A_1153 = arith.constant 1 : i32
    %get3A_1154 = arith.index_cast %get3A_1153 : i32 to index
    %get3A_1155 = arith.constant 96 : index
    %get3A_1156 = tpu.vector_load %arg7[%get3A_1154, %get3A_1155] {strides = array<i32>} : memref<200x128xi32, #tpu.memory_space<vmem>>, vector<16xi32>,
    %shift_right_logical3A_1157 = arith.constant 1 : i32
    %shift_right_logical3A_1158 = vector.broadcast %shift_right_logical3A_1157 : i32 to vector<16xi32>
    %shift_right_logical3A_1159 = arith.shrui %get3A_1156, %shift_right_logical3A_1158 : vector<16xi32>
    %swap3A_1160 = arith.constant 96 : index
    %swap3A_1161 = tpu.vector_load %arg9[%swap3A_1160] {strides = array<i32>} : memref<128xi32, #tpu.memory_space<vmem>>, vector<16xi32>,
    tpu.vector_store %arg9[%swap3A_1160], %shift_right_logical3A_1159 {strides = array<i32>} : memref<128xi32, #tpu.memory_space<vmem>>, vector<16xi32>,
    %get3A_1162 = arith.constant 1 : i32
    %get3A_1163 = arith.index_cast %get3A_1162 : i32 to index
    %get3A_1164 = arith.constant 112 : index
    %get3A_1165 = tpu.vector_load %arg7[%get3A_1163, %get3A_1164] {strides = array<i32>} : memref<200x128xi32, #tpu.memory_space<vmem>>, vector<16xi32>,
    %shift_right_logical3A_1166 = arith.constant 1 : i32
    %shift_right_logical3A_1167 = vector.broadcast %shift_right_logical3A_1166 : i32 to vector<16xi32>
    %shift_right_logical3A_1168 = arith.shrui %get3A_1165, %shift_right_logical3A_1167 : vector<16xi32>
    %swap3A_1169 = arith.constant 112 : index
    %swap3A_1170 = tpu.vector_load %arg9[%swap3A_1169] {strides = array<i32>} : memref<128xi32, #tpu.memory_space<vmem>>, vector<16xi32>,
    tpu.vector_store %arg9[%swap3A_1169], %shift_right_logical3A_1168 {strides = array<i32>} : memref<128xi32, #tpu.memory_space<vmem>>, vector<16xi32>,
    %dma_start3A_1171 = arith.constant 0 : i32
    %dma_start3A_1172 = arith.constant 0 : i32
    %dma_start3A_1173 = tpu.memref_slice %arg3[%dma_start3A_1171, %dma_start3A_1172] : memref<500000x128xf32, #tpu.memory_space<hbm>> -> memref<500000x128xf32, #tpu.memory_space<hbm>>
    tpu.enqueue_indirect_dma source(%dma_start3A_1173 : memref<500000x128xf32, #tpu.memory_space<hbm>>) target(%arg13 : memref<128x128xf32, #tpu.memory_space<vmem>>) offsets(%arg9 : memref<128xi32, #tpu.memory_space<vmem>>) semaphore(%arg23 : memref<!tpu.dma_semaphore, #tpu.memory_space<semaphore_mem>>)
    %get3A_1174 = arith.constant 2 : i32
    %get3A_1175 = arith.index_cast %get3A_1174 : i32 to index
    %get3A_1176 = arith.constant 0 : index
    %get3A_1177 = tpu.vector_load %arg7[%get3A_1175, %get3A_1176] {strides = array<i32>} : memref<200x128xi32, #tpu.memory_space<vmem>>, vector<16xi32>,
    %shift_right_logical3A_1178 = arith.constant 1 : i32
    %shift_right_logical3A_1179 = vector.broadcast %shift_right_logical3A_1178 : i32 to vector<16xi32>
    %shift_right_logical3A_1180 = arith.shrui %get3A_1177, %shift_right_logical3A_1179 : vector<16xi32>
    %swap3A_1181 = arith.constant 0 : index
    %swap3A_1182 = tpu.vector_load %arg10[%swap3A_1181] {strides = array<i32>} : memref<128xi32, #tpu.memory_space<vmem>>, vector<16xi32>,
    tpu.vector_store %arg10[%swap3A_1181], %shift_right_logical3A_1180 {strides = array<i32>} : memref<128xi32, #tpu.memory_space<vmem>>, vector<16xi32>,
    %get3A_1183 = arith.constant 2 : i32
    %get3A_1184 = arith.index_cast %get3A_1183 : i32 to index
    %get3A_1185 = arith.constant 16 : index
    %get3A_1186 = tpu.vector_load %arg7[%get3A_1184, %get3A_1185] {strides = array<i32>} : memref<200x128xi32, #tpu.memory_space<vmem>>, vector<16xi32>,
    %shift_right_logical3A_1187 = arith.constant 1 : i32
    %shift_right_logical3A_1188 = vector.broadcast %shift_right_logical3A_1187 : i32 to vector<16xi32>
    %shift_right_logical3A_1189 = arith.shrui %get3A_1186, %shift_right_logical3A_1188 : vector<16xi32>
    %swap3A_1190 = arith.constant 16 : index
    %swap3A_1191 = tpu.vector_load %arg10[%swap3A_1190] {strides = array<i32>} : memref<128xi32, #tpu.memory_space<vmem>>, vector<16xi32>,
    tpu.vector_store %arg10[%swap3A_1190], %shift_right_logical3A_1189 {strides = array<i32>} : memref<128xi32, #tpu.memory_space<vmem>>, vector<16xi32>,
    %get3A_1192 = arith.constant 2 : i32
    %get3A_1193 = arith.index_cast %get3A_1192 : i32 to index
    %get3A_1194 = arith.constant 32 : index
    %get3A_1195 = tpu.vector_load %arg7[%get3A_1193, %get3A_1194] {strides = array<i32>} : memref<200x128xi32, #tpu.memory_space<vmem>>, vector<16xi32>,
    %shift_right_logical3A_1196 = arith.constant 1 : i32
    %shift_right_logical3A_1197 = vector.broadcast %shift_right_logical3A_1196 : i32 to vector<16xi32>
    %shift_right_logical3A_1198 = arith.shrui %get3A_1195, %shift_right_logical3A_1197 : vector<16xi32>
    %swap3A_1199 = arith.constant 32 : index
    %swap3A_1200 = tpu.vector_load %arg10[%swap3A_1199] {strides = array<i32>} : memref<128xi32, #tpu.memory_space<vmem>>, vector<16xi32>,
    tpu.vector_store %arg10[%swap3A_1199], %shift_right_logical3A_1198 {strides = array<i32>} : memref<128xi32, #tpu.memory_space<vmem>>, vector<16xi32>,
    %get3A_1201 = arith.constant 2 : i32
    %get3A_1202 = arith.index_cast %get3A_1201 : i32 to index
    %get3A_1203 = arith.constant 48 : index
    %get3A_1204 = tpu.vector_load %arg7[%get3A_1202, %get3A_1203] {strides = array<i32>} : memref<200x128xi32, #tpu.memory_space<vmem>>, vector<16xi32>,
    %shift_right_logical3A_1205 = arith.constant 1 : i32
    %shift_right_logical3A_1206 = vector.broadcast %shift_right_logical3A_1205 : i32 to vector<16xi32>
    %shift_right_logical3A_1207 = arith.shrui %get3A_1204, %shift_right_logical3A_1206 : vector<16xi32>
    %swap3A_1208 = arith.constant 48 : index
    %swap3A_1209 = tpu.vector_load %arg10[%swap3A_1208] {strides = array<i32>} : memref<128xi32, #tpu.memory_space<vmem>>, vector<16xi32>,
    tpu.vector_store %arg10[%swap3A_1208], %shift_right_logical3A_1207 {strides = array<i32>} : memref<128xi32, #tpu.memory_space<vmem>>, vector<16xi32>,
    %get3A_1210 = arith.constant 2 : i32
    %get3A_1211 = arith.index_cast %get3A_1210 : i32 to index
    %get3A_1212 = arith.constant 64 : index
    %get3A_1213 = tpu.vector_load %arg7[%get3A_1211, %get3A_1212] {strides = array<i32>} : memref<200x128xi32, #tpu.memory_space<vmem>>, vector<16xi32>,
    %shift_right_logical3A_1214 = arith.constant 1 : i32
    %shift_right_logical3A_1215 = vector.broadcast %shift_right_logical3A_1214 : i32 to vector<16xi32>
    %shift_right_logical3A_1216 = arith.shrui %get3A_1213, %shift_right_logical3A_1215 : vector<16xi32>
    %swap3A_1217 = arith.constant 64 : index
    %swap3A_1218 = tpu.vector_load %arg10[%swap3A_1217] {strides = array<i32>} : memref<128xi32, #tpu.memory_space<vmem>>, vector<16xi32>,
    tpu.vector_store %arg10[%swap3A_1217], %shift_right_logical3A_1216 {strides = array<i32>} : memref<128xi32, #tpu.memory_space<vmem>>, vector<16xi32>,
    %get3A_1219 = arith.constant 2 : i32
    %get3A_1220 = arith.index_cast %get3A_1219 : i32 to index
    %get3A_1221 = arith.constant 80 : index
    %get3A_1222 = tpu.vector_load %arg7[%get3A_1220, %get3A_1221] {strides = array<i32>} : memref<200x128xi32, #tpu.memory_space<vmem>>, vector<16xi32>,
    %shift_right_logical3A_1223 = arith.constant 1 : i32
    %shift_right_logical3A_1224 = vector.broadcast %shift_right_logical3A_1223 : i32 to vector<16xi32>
    %shift_right_logical3A_1225 = arith.shrui %get3A_1222, %shift_right_logical3A_1224 : vector<16xi32>
    %swap3A_1226 = arith.constant 80 : index
    %swap3A_1227 = tpu.vector_load %arg10[%swap3A_1226] {strides = array<i32>} : memref<128xi32, #tpu.memory_space<vmem>>, vector<16xi32>,
    tpu.vector_store %arg10[%swap3A_1226], %shift_right_logical3A_1225 {strides = array<i32>} : memref<128xi32, #tpu.memory_space<vmem>>, vector<16xi32>,
    %get3A_1228 = arith.constant 2 : i32
    %get3A_1229 = arith.index_cast %get3A_1228 : i32 to index
    %get3A_1230 = arith.constant 96 : index
    %get3A_1231 = tpu.vector_load %arg7[%get3A_1229, %get3A_1230] {strides = array<i32>} : memref<200x128xi32, #tpu.memory_space<vmem>>, vector<16xi32>,
    %shift_right_logical3A_1232 = arith.constant 1 : i32
    %shift_right_logical3A_1233 = vector.broadcast %shift_right_logical3A_1232 : i32 to vector<16xi32>
    %shift_right_logical3A_1234 = arith.shrui %get3A_1231, %shift_right_logical3A_1233 : vector<16xi32>
    %swap3A_1235 = arith.constant 96 : index
    %swap3A_1236 = tpu.vector_load %arg10[%swap3A_1235] {strides = array<i32>} : memref<128xi32, #tpu.memory_space<vmem>>, vector<16xi32>,
    tpu.vector_store %arg10[%swap3A_1235], %shift_right_logical3A_1234 {strides = array<i32>} : memref<128xi32, #tpu.memory_space<vmem>>, vector<16xi32>,
    %get3A_1237 = arith.constant 2 : i32
    %get3A_1238 = arith.index_cast %get3A_1237 : i32 to index
    %get3A_1239 = arith.constant 112 : index
    %get3A_1240 = tpu.vector_load %arg7[%get3A_1238, %get3A_1239] {strides = array<i32>} : memref<200x128xi32, #tpu.memory_space<vmem>>, vector<16xi32>,
    %shift_right_logical3A_1241 = arith.constant 1 : i32
    %shift_right_logical3A_1242 = vector.broadcast %shift_right_logical3A_1241 : i32 to vector<16xi32>
    %shift_right_logical3A_1243 = arith.shrui %get3A_1240, %shift_right_logical3A_1242 : vector<16xi32>
    %swap3A_1244 = arith.constant 112 : index
    %swap3A_1245 = tpu.vector_load %arg10[%swap3A_1244] {strides = array<i32>} : memref<128xi32, #tpu.memory_space<vmem>>, vector<16xi32>,
    tpu.vector_store %arg10[%swap3A_1244], %shift_right_logical3A_1243 {strides = array<i32>} : memref<128xi32, #tpu.memory_space<vmem>>, vector<16xi32>,
    %dma_start3A_1246 = arith.constant 0 : i32
    %dma_start3A_1247 = arith.constant 0 : i32
    %dma_start3A_1248 = tpu.memref_slice %arg3[%dma_start3A_1246, %dma_start3A_1247] : memref<500000x128xf32, #tpu.memory_space<hbm>> -> memref<500000x128xf32, #tpu.memory_space<hbm>>
    tpu.enqueue_indirect_dma source(%dma_start3A_1248 : memref<500000x128xf32, #tpu.memory_space<hbm>>) target(%arg14 : memref<128x128xf32, #tpu.memory_space<vmem>>) offsets(%arg10 : memref<128xi32, #tpu.memory_space<vmem>>) semaphore(%arg24 : memref<!tpu.dma_semaphore, #tpu.memory_space<semaphore_mem>>)
    %get3A_1249 = arith.constant 3 : i32
    %get3A_1250 = arith.index_cast %get3A_1249 : i32 to index
    %get3A_1251 = arith.constant 0 : index
    %get3A_1252 = tpu.vector_load %arg7[%get3A_1250, %get3A_1251] {strides = array<i32>} : memref<200x128xi32, #tpu.memory_space<vmem>>, vector<16xi32>,
    %shift_right_logical3A_1253 = arith.constant 1 : i32
    %shift_right_logical3A_1254 = vector.broadcast %shift_right_logical3A_1253 : i32 to vector<16xi32>
    %shift_right_logical3A_1255 = arith.shrui %get3A_1252, %shift_right_logical3A_1254 : vector<16xi32>
    %swap3A_1256 = arith.constant 0 : index
    %swap3A_1257 = tpu.vector_load %arg11[%swap3A_1256] {strides = array<i32>} : memref<128xi32, #tpu.memory_space<vmem>>, vector<16xi32>,
    tpu.vector_store %arg11[%swap3A_1256], %shift_right_logical3A_1255 {strides = array<i32>} : memref<128xi32, #tpu.memory_space<vmem>>, vector<16xi32>,
    %get3A_1258 = arith.constant 3 : i32
    %get3A_1259 = arith.index_cast %get3A_1258 : i32 to index
    %get3A_1260 = arith.constant 16 : index
    %get3A_1261 = tpu.vector_load %arg7[%get3A_1259, %get3A_1260] {strides = array<i32>} : memref<200x128xi32, #tpu.memory_space<vmem>>, vector<16xi32>,
    %shift_right_logical3A_1262 = arith.constant 1 : i32
    %shift_right_logical3A_1263 = vector.broadcast %shift_right_logical3A_1262 : i32 to vector<16xi32>
    %shift_right_logical3A_1264 = arith.shrui %get3A_1261, %shift_right_logical3A_1263 : vector<16xi32>
    %swap3A_1265 = arith.constant 16 : index
    %swap3A_1266 = tpu.vector_load %arg11[%swap3A_1265] {strides = array<i32>} : memref<128xi32, #tpu.memory_space<vmem>>, vector<16xi32>,
    tpu.vector_store %arg11[%swap3A_1265], %shift_right_logical3A_1264 {strides = array<i32>} : memref<128xi32, #tpu.memory_space<vmem>>, vector<16xi32>,
    %get3A_1267 = arith.constant 3 : i32
    %get3A_1268 = arith.index_cast %get3A_1267 : i32 to index
    %get3A_1269 = arith.constant 32 : index
    %get3A_1270 = tpu.vector_load %arg7[%get3A_1268, %get3A_1269] {strides = array<i32>} : memref<200x128xi32, #tpu.memory_space<vmem>>, vector<16xi32>,
    %shift_right_logical3A_1271 = arith.constant 1 : i32
    %shift_right_logical3A_1272 = vector.broadcast %shift_right_logical3A_1271 : i32 to vector<16xi32>
    %shift_right_logical3A_1273 = arith.shrui %get3A_1270, %shift_right_logical3A_1272 : vector<16xi32>
    %swap3A_1274 = arith.constant 32 : index
    %swap3A_1275 = tpu.vector_load %arg11[%swap3A_1274] {strides = array<i32>} : memref<128xi32, #tpu.memory_space<vmem>>, vector<16xi32>,
    tpu.vector_store %arg11[%swap3A_1274], %shift_right_logical3A_1273 {strides = array<i32>} : memref<128xi32, #tpu.memory_space<vmem>>, vector<16xi32>,
    %get3A_1276 = arith.constant 3 : i32
    %get3A_1277 = arith.index_cast %get3A_1276 : i32 to index
    %get3A_1278 = arith.constant 48 : index
    %get3A_1279 = tpu.vector_load %arg7[%get3A_1277, %get3A_1278] {strides = array<i32>} : memref<200x128xi32, #tpu.memory_space<vmem>>, vector<16xi32>,
    %shift_right_logical3A_1280 = arith.constant 1 : i32
    %shift_right_logical3A_1281 = vector.broadcast %shift_right_logical3A_1280 : i32 to vector<16xi32>
    %shift_right_logical3A_1282 = arith.shrui %get3A_1279, %shift_right_logical3A_1281 : vector<16xi32>
    %swap3A_1283 = arith.constant 48 : index
    %swap3A_1284 = tpu.vector_load %arg11[%swap3A_1283] {strides = array<i32>} : memref<128xi32, #tpu.memory_space<vmem>>, vector<16xi32>,
    tpu.vector_store %arg11[%swap3A_1283], %shift_right_logical3A_1282 {strides = array<i32>} : memref<128xi32, #tpu.memory_space<vmem>>, vector<16xi32>,
    %get3A_1285 = arith.constant 3 : i32
    %get3A_1286 = arith.index_cast %get3A_1285 : i32 to index
    %get3A_1287 = arith.constant 64 : index
    %get3A_1288 = tpu.vector_load %arg7[%get3A_1286, %get3A_1287] {strides = array<i32>} : memref<200x128xi32, #tpu.memory_space<vmem>>, vector<16xi32>,
    %shift_right_logical3A_1289 = arith.constant 1 : i32
    %shift_right_logical3A_1290 = vector.broadcast %shift_right_logical3A_1289 : i32 to vector<16xi32>
    %shift_right_logical3A_1291 = arith.shrui %get3A_1288, %shift_right_logical3A_1290 : vector<16xi32>
    %swap3A_1292 = arith.constant 64 : index
    %swap3A_1293 = tpu.vector_load %arg11[%swap3A_1292] {strides = array<i32>} : memref<128xi32, #tpu.memory_space<vmem>>, vector<16xi32>,
    tpu.vector_store %arg11[%swap3A_1292], %shift_right_logical3A_1291 {strides = array<i32>} : memref<128xi32, #tpu.memory_space<vmem>>, vector<16xi32>,
    %get3A_1294 = arith.constant 3 : i32
    %get3A_1295 = arith.index_cast %get3A_1294 : i32 to index
    %get3A_1296 = arith.constant 80 : index
    %get3A_1297 = tpu.vector_load %arg7[%get3A_1295, %get3A_1296] {strides = array<i32>} : memref<200x128xi32, #tpu.memory_space<vmem>>, vector<16xi32>,
    %shift_right_logical3A_1298 = arith.constant 1 : i32
    %shift_right_logical3A_1299 = vector.broadcast %shift_right_logical3A_1298 : i32 to vector<16xi32>
    %shift_right_logical3A_1300 = arith.shrui %get3A_1297, %shift_right_logical3A_1299 : vector<16xi32>
    %swap3A_1301 = arith.constant 80 : index
    %swap3A_1302 = tpu.vector_load %arg11[%swap3A_1301] {strides = array<i32>} : memref<128xi32, #tpu.memory_space<vmem>>, vector<16xi32>,
    tpu.vector_store %arg11[%swap3A_1301], %shift_right_logical3A_1300 {strides = array<i32>} : memref<128xi32, #tpu.memory_space<vmem>>, vector<16xi32>,
    %get3A_1303 = arith.constant 3 : i32
    %get3A_1304 = arith.index_cast %get3A_1303 : i32 to index
    %get3A_1305 = arith.constant 96 : index
    %get3A_1306 = tpu.vector_load %arg7[%get3A_1304, %get3A_1305] {strides = array<i32>} : memref<200x128xi32, #tpu.memory_space<vmem>>, vector<16xi32>,
    %shift_right_logical3A_1307 = arith.constant 1 : i32
    %shift_right_logical3A_1308 = vector.broadcast %shift_right_logical3A_1307 : i32 to vector<16xi32>
    %shift_right_logical3A_1309 = arith.shrui %get3A_1306, %shift_right_logical3A_1308 : vector<16xi32>
    %swap3A_1310 = arith.constant 96 : index
    %swap3A_1311 = tpu.vector_load %arg11[%swap3A_1310] {strides = array<i32>} : memref<128xi32, #tpu.memory_space<vmem>>, vector<16xi32>,
    tpu.vector_store %arg11[%swap3A_1310], %shift_right_logical3A_1309 {strides = array<i32>} : memref<128xi32, #tpu.memory_space<vmem>>, vector<16xi32>,
    %get3A_1312 = arith.constant 3 : i32
    %get3A_1313 = arith.index_cast %get3A_1312 : i32 to index
    %get3A_1314 = arith.constant 112 : index
    %get3A_1315 = tpu.vector_load %arg7[%get3A_1313, %get3A_1314] {strides = array<i32>} : memref<200x128xi32, #tpu.memory_space<vmem>>, vector<16xi32>,
    %shift_right_logical3A_1316 = arith.constant 1 : i32
    %shift_right_logical3A_1317 = vector.broadcast %shift_right_logical3A_1316 : i32 to vector<16xi32>
    %shift_right_logical3A_1318 = arith.shrui %get3A_1315, %shift_right_logical3A_1317 : vector<16xi32>
    %swap3A_1319 = arith.constant 112 : index
    %swap3A_1320 = tpu.vector_load %arg11[%swap3A_1319] {strides = array<i32>} : memref<128xi32, #tpu.memory_space<vmem>>, vector<16xi32>,
    tpu.vector_store %arg11[%swap3A_1319], %shift_right_logical3A_1318 {strides = array<i32>} : memref<128xi32, #tpu.memory_space<vmem>>, vector<16xi32>,
    %dma_start3A_1321 = arith.constant 0 : i32
    %dma_start3A_1322 = arith.constant 0 : i32
    %dma_start3A_1323 = tpu.memref_slice %arg3[%dma_start3A_1321, %dma_start3A_1322] : memref<500000x128xf32, #tpu.memory_space<hbm>> -> memref<500000x128xf32, #tpu.memory_space<hbm>>
    tpu.enqueue_indirect_dma source(%dma_start3A_1323 : memref<500000x128xf32, #tpu.memory_space<hbm>>) target(%arg15 : memref<128x128xf32, #tpu.memory_space<vmem>>) offsets(%arg11 : memref<128xi32, #tpu.memory_space<vmem>>) semaphore(%arg25 : memref<!tpu.dma_semaphore, #tpu.memory_space<semaphore_mem>>)
    %scan3A = arith.constant 0 : i32
    %scan3A_1324 = arith.constant 0 : i32
    %scan3A_1325 = arith.constant 50 : i32
    %scan3A_1326 = arith.addi %scan3A_1324, %scan3A_1325 : i32
    %scan3A_1327 = arith.constant 1 : i32
    scf.for %scan3A_1340 = %scan3A_1324 to %scan3A_1326 step %scan3A_1327  : i32 {
      %mul3A_1341 = arith.constant 4 : i32
      %mul3A_1342 = arith.muli %mul3A_1341, %scan3A_1340 : i32
      %add3A_1343 = arith.constant 0 : i32
      %add3A_1344 = arith.addi %mul3A_1342, %add3A_1343 : i32
      %dma_wait3A_1345 = arith.constant 0 : i32
      %dma_wait3A_1346 = arith.constant 0 : i32
      %dma_wait3A_1347 = tpu.memref_slice %arg3[%dma_wait3A_1345, %dma_wait3A_1346] : memref<500000x128xf32, #tpu.memory_space<hbm>> -> memref<500000x128xf32, #tpu.memory_space<hbm>>
      tpu.wait_indirect_dma semaphore(%arg22 : memref<!tpu.dma_semaphore, #tpu.memory_space<semaphore_mem>>) src(%dma_wait3A_1347 : memref<500000x128xf32, #tpu.memory_space<hbm>>) dst(%arg12 : memref<128x128xf32, #tpu.memory_space<vmem>>)
      %gt3A = arith.constant 0 : i32
      %gt3A_1348 = arith.cmpi sgt, %scan3A_1340, %gt3A : i32
      %convert_element_type3A = arith.extui %gt3A_1348 : i1 to i32
      %cond3A = arith.constant 0 : i32
      %cond3A_1349 = arith.cmpi ne, %convert_element_type3A, %cond3A : i32
      scf.if %cond3A_1349 {
        %sub3A_1464 = arith.constant 2 : i32
        %sub3A_1465 = arith.subi %add3A_1344, %sub3A_1464 : i32
        %mul3A_1466 = arith.constant 128 : i32
        %mul3A_1467 = arith.muli %sub3A_1465, %mul3A_1466 : i32
        %add3A_1468 = arith.addi %mul3A_2, %mul3A_1467 : i32
        %dma_wait3A_1469 = arith.constant 0 : i32
        %dma_wait3A_1470 = tpu.memref_slice %arg6[%add3A_1468, %dma_wait3A_1469] : memref<819200x64xf32, #tpu.memory_space<hbm>> -> memref<128x64xf32, #tpu.memory_space<hbm>>
        %dma_wait3A_1471 = arith.constant 0 : i32
        %dma_wait3A_1472 = tpu.memref_slice %arg6[%add3A_1468, %dma_wait3A_1471] : memref<819200x64xf32, #tpu.memory_space<hbm>> -> memref<128x64xf32, #tpu.memory_space<hbm>>
        tpu.wait_dma2 semaphore(%arg26 : memref<!tpu.dma_semaphore, #tpu.memory_space<semaphore_mem>>) src(%arg16 : memref<128x64xf32, #tpu.memory_space<vmem>>) dst(%dma_wait3A_1472 : memref<128x64xf32, #tpu.memory_space<hbm>>)
      } else {
      }
      %scan3A_1350 = arith.constant 0 : i32
      %scan3A_1351 = arith.constant 0 : i32
      %scan3A_1352 = arith.constant 8 : i32
      %scan3A_1353 = arith.addi %scan3A_1351, %scan3A_1352 : i32
      %scan3A_1354 = arith.constant 1 : i32
      scf.for %scan3A_1464 = %scan3A_1351 to %scan3A_1353 step %scan3A_1354  : i32 {
        %mul3A_1465 = arith.constant 16 : i32
        %mul3A_1466 = arith.muli %scan3A_1464, %mul3A_1465 : i32
        %add3A_1467 = vector.broadcast %mul3A_1466 : i32 to vector<16xi32>
        %add3A_1468 = arith.addi %add3A_1467, %iota3A : vector<16xi32>
        %mul3A_1469 = arith.constant 16 : i32
        %mul3A_1470 = arith.muli %scan3A_1464, %mul3A_1469 : i32
        %get3A_1471 = arith.index_cast %add3A_1344 : i32 to index
        %get3A_1472 = arith.index_cast %mul3A_1470 : i32 to index
        %get3A_1473 = tpu.vector_load %arg7[%get3A_1471, %get3A_1472] {strides = array<i32>} : memref<200x128xi32, #tpu.memory_space<vmem>>, vector<16xi32>,
        %and3A_1474 = arith.constant 1 : i32
        %and3A_1475 = vector.broadcast %and3A_1474 : i32 to vector<16xi32>
        %and3A_1476 = arith.andi %get3A_1473, %and3A_1475 : vector<16xi32>
        %mul3A_1477 = arith.constant 64 : i32
        %mul3A_1478 = vector.broadcast %mul3A_1477 : i32 to vector<16xi32>
        %mul3A_1479 = arith.muli %and3A_1476, %mul3A_1478 : vector<16xi32>
        %scan3A_1480 = arith.constant 0 : i32
        %scan3A_1481 = arith.constant 8 : i32
        %scan3A_1482 = arith.addi %scan3A_1480, %scan3A_1481 : i32
        %scan3A_1483 = arith.constant 1 : i32
        %scan3A_1484:4 = scf.for %scan3A_1534 = %scan3A_1480 to %scan3A_1482 step %scan3A_1483 iter_args(%scan3A_1535 = %broadcast_in_dim3A_1026, %scan3A_1536 = %broadcast_in_dim3A_1026, %scan3A_1537 = %broadcast_in_dim3A_1026, %scan3A_1538 = %broadcast_in_dim3A_1026) -> (vector<16xf32>, vector<16xf32>, vector<16xf32>, vector<16xf32>)  : i32 {
          %mul3A_1539 = arith.constant 8 : i32
          %mul3A_1540 = arith.muli %scan3A_1534, %mul3A_1539 : i32
          %add3A_1541 = arith.constant 0 : i32
          %add3A_1542 = arith.addi %mul3A_1540, %add3A_1541 : i32
          %add3A_1543 = vector.broadcast %add3A_1542 : i32 to vector<16xi32>
          %add3A_1544 = arith.addi %iota3A, %add3A_1543 : vector<16xi32>
          %and3A_1545 = arith.constant 63 : i32
          %and3A_1546 = vector.broadcast %and3A_1545 : i32 to vector<16xi32>
          %and3A_1547 = arith.andi %add3A_1544, %and3A_1546 : vector<16xi32>
          %add3A_1548 = arith.addi %and3A_1547, %mul3A_1479 : vector<16xi32>
          %gather3A_1549 = tpu.vector_load_idx %arg12[%add3A_1468, %add3A_1548] : memref<128x128xf32, #tpu.memory_space<vmem>>[vector<16xi32>, vector<16xi32>], vector<16xf32>,
          %mul3A_1550 = arith.constant 8 : i32
          %mul3A_1551 = arith.muli %scan3A_1534, %mul3A_1550 : i32
          %add3A_1552 = arith.constant 1 : i32
          %add3A_1553 = arith.addi %mul3A_1551, %add3A_1552 : i32
          %add3A_1554 = vector.broadcast %add3A_1553 : i32 to vector<16xi32>
          %add3A_1555 = arith.addi %iota3A, %add3A_1554 : vector<16xi32>
          %and3A_1556 = arith.constant 63 : i32
          %and3A_1557 = vector.broadcast %and3A_1556 : i32 to vector<16xi32>
          %and3A_1558 = arith.andi %add3A_1555, %and3A_1557 : vector<16xi32>
          %add3A_1559 = arith.addi %and3A_1558, %mul3A_1479 : vector<16xi32>
          %gather3A_1560 = tpu.vector_load_idx %arg12[%add3A_1468, %add3A_1559] : memref<128x128xf32, #tpu.memory_space<vmem>>[vector<16xi32>, vector<16xi32>], vector<16xf32>,
          %mul3A_1561 = arith.constant 8 : i32
          %mul3A_1562 = arith.muli %scan3A_1534, %mul3A_1561 : i32
          %add3A_1563 = arith.constant 2 : i32
          %add3A_1564 = arith.addi %mul3A_1562, %add3A_1563 : i32
          %add3A_1565 = vector.broadcast %add3A_1564 : i32 to vector<16xi32>
          %add3A_1566 = arith.addi %iota3A, %add3A_1565 : vector<16xi32>
          %and3A_1567 = arith.constant 63 : i32
          %and3A_1568 = vector.broadcast %and3A_1567 : i32 to vector<16xi32>
          %and3A_1569 = arith.andi %add3A_1566, %and3A_1568 : vector<16xi32>
          %add3A_1570 = arith.addi %and3A_1569, %mul3A_1479 : vector<16xi32>
          %gather3A_1571 = tpu.vector_load_idx %arg12[%add3A_1468, %add3A_1570] : memref<128x128xf32, #tpu.memory_space<vmem>>[vector<16xi32>, vector<16xi32>], vector<16xf32>,
          %mul3A_1572 = arith.constant 8 : i32
          %mul3A_1573 = arith.muli %scan3A_1534, %mul3A_1572 : i32
          %add3A_1574 = arith.constant 3 : i32
          %add3A_1575 = arith.addi %mul3A_1573, %add3A_1574 : i32
          %add3A_1576 = vector.broadcast %add3A_1575 : i32 to vector<16xi32>
          %add3A_1577 = arith.addi %iota3A, %add3A_1576 : vector<16xi32>
          %and3A_1578 = arith.constant 63 : i32
          %and3A_1579 = vector.broadcast %and3A_1578 : i32 to vector<16xi32>
          %and3A_1580 = arith.andi %add3A_1577, %and3A_1579 : vector<16xi32>
          %add3A_1581 = arith.addi %and3A_1580, %mul3A_1479 : vector<16xi32>
          %gather3A_1582 = tpu.vector_load_idx %arg12[%add3A_1468, %add3A_1581] : memref<128x128xf32, #tpu.memory_space<vmem>>[vector<16xi32>, vector<16xi32>], vector<16xf32>,
          %mul3A_1583 = arith.constant 8 : i32
          %mul3A_1584 = arith.muli %scan3A_1534, %mul3A_1583 : i32
          %add3A_1585 = arith.constant 4 : i32
          %add3A_1586 = arith.addi %mul3A_1584, %add3A_1585 : i32
          %add3A_1587 = vector.broadcast %add3A_1586 : i32 to vector<16xi32>
          %add3A_1588 = arith.addi %iota3A, %add3A_1587 : vector<16xi32>
          %and3A_1589 = arith.constant 63 : i32
          %and3A_1590 = vector.broadcast %and3A_1589 : i32 to vector<16xi32>
          %and3A_1591 = arith.andi %add3A_1588, %and3A_1590 : vector<16xi32>
          %add3A_1592 = arith.addi %and3A_1591, %mul3A_1479 : vector<16xi32>
          %gather3A_1593 = tpu.vector_load_idx %arg12[%add3A_1468, %add3A_1592] : memref<128x128xf32, #tpu.memory_space<vmem>>[vector<16xi32>, vector<16xi32>], vector<16xf32>,
          %mul3A_1594 = arith.constant 8 : i32
          %mul3A_1595 = arith.muli %scan3A_1534, %mul3A_1594 : i32
          %add3A_1596 = arith.constant 5 : i32
          %add3A_1597 = arith.addi %mul3A_1595, %add3A_1596 : i32
          %add3A_1598 = vector.broadcast %add3A_1597 : i32 to vector<16xi32>
          %add3A_1599 = arith.addi %iota3A, %add3A_1598 : vector<16xi32>
          %and3A_1600 = arith.constant 63 : i32
          %and3A_1601 = vector.broadcast %and3A_1600 : i32 to vector<16xi32>
          %and3A_1602 = arith.andi %add3A_1599, %and3A_1601 : vector<16xi32>
          %add3A_1603 = arith.addi %and3A_1602, %mul3A_1479 : vector<16xi32>
          %gather3A_1604 = tpu.vector_load_idx %arg12[%add3A_1468, %add3A_1603] : memref<128x128xf32, #tpu.memory_space<vmem>>[vector<16xi32>, vector<16xi32>], vector<16xf32>,
          %mul3A_1605 = arith.constant 8 : i32
          %mul3A_1606 = arith.muli %scan3A_1534, %mul3A_1605 : i32
          %add3A_1607 = arith.constant 6 : i32
          %add3A_1608 = arith.addi %mul3A_1606, %add3A_1607 : i32
          %add3A_1609 = vector.broadcast %add3A_1608 : i32 to vector<16xi32>
          %add3A_1610 = arith.addi %iota3A, %add3A_1609 : vector<16xi32>
          %and3A_1611 = arith.constant 63 : i32
          %and3A_1612 = vector.broadcast %and3A_1611 : i32 to vector<16xi32>
          %and3A_1613 = arith.andi %add3A_1610, %and3A_1612 : vector<16xi32>
          %add3A_1614 = arith.addi %and3A_1613, %mul3A_1479 : vector<16xi32>
          %gather3A_1615 = tpu.vector_load_idx %arg12[%add3A_1468, %add3A_1614] : memref<128x128xf32, #tpu.memory_space<vmem>>[vector<16xi32>, vector<16xi32>], vector<16xf32>,
          %mul3A_1616 = arith.constant 8 : i32
          %mul3A_1617 = arith.muli %scan3A_1534, %mul3A_1616 : i32
          %add3A_1618 = arith.constant 7 : i32
          %add3A_1619 = arith.addi %mul3A_1617, %add3A_1618 : i32
          %add3A_1620 = vector.broadcast %add3A_1619 : i32 to vector<16xi32>
          %add3A_1621 = arith.addi %iota3A, %add3A_1620 : vector<16xi32>
          %and3A_1622 = arith.constant 63 : i32
          %and3A_1623 = vector.broadcast %and3A_1622 : i32 to vector<16xi32>
          %and3A_1624 = arith.andi %add3A_1621, %and3A_1623 : vector<16xi32>
          %add3A_1625 = arith.addi %and3A_1624, %mul3A_1479 : vector<16xi32>
          %gather3A_1626 = tpu.vector_load_idx %arg12[%add3A_1468, %add3A_1625] : memref<128x128xf32, #tpu.memory_space<vmem>>[vector<16xi32>, vector<16xi32>], vector<16xf32>,
          %add3A_1627 = arith.addf %scan3A_1535, %gather3A_1549 : vector<16xf32>
          %mul3A_1628 = arith.mulf %gather3A_1549, %gather3A_1549 : vector<16xf32>
          %add3A_1629 = arith.addf %scan3A_1537, %mul3A_1628 : vector<16xf32>
          %add3A_1630 = arith.addf %scan3A_1536, %gather3A_1560 : vector<16xf32>
          %mul3A_1631 = arith.mulf %gather3A_1560, %gather3A_1560 : vector<16xf32>
          %add3A_1632 = arith.addf %scan3A_1538, %mul3A_1631 : vector<16xf32>
          %add3A_1633 = arith.addf %add3A_1627, %gather3A_1571 : vector<16xf32>
          %mul3A_1634 = arith.mulf %gather3A_1571, %gather3A_1571 : vector<16xf32>
          %add3A_1635 = arith.addf %add3A_1629, %mul3A_1634 : vector<16xf32>
          %add3A_1636 = arith.addf %add3A_1630, %gather3A_1582 : vector<16xf32>
          %mul3A_1637 = arith.mulf %gather3A_1582, %gather3A_1582 : vector<16xf32>
          %add3A_1638 = arith.addf %add3A_1632, %mul3A_1637 : vector<16xf32>
          %add3A_1639 = arith.addf %add3A_1633, %gather3A_1593 : vector<16xf32>
          %mul3A_1640 = arith.mulf %gather3A_1593, %gather3A_1593 : vector<16xf32>
          %add3A_1641 = arith.addf %add3A_1635, %mul3A_1640 : vector<16xf32>
          %add3A_1642 = arith.addf %add3A_1636, %gather3A_1604 : vector<16xf32>
          %mul3A_1643 = arith.mulf %gather3A_1604, %gather3A_1604 : vector<16xf32>
          %add3A_1644 = arith.addf %add3A_1638, %mul3A_1643 : vector<16xf32>
          %add3A_1645 = arith.addf %add3A_1639, %gather3A_1615 : vector<16xf32>
          %mul3A_1646 = arith.mulf %gather3A_1615, %gather3A_1615 : vector<16xf32>
          %add3A_1647 = arith.addf %add3A_1641, %mul3A_1646 : vector<16xf32>
          %add3A_1648 = arith.addf %add3A_1642, %gather3A_1626 : vector<16xf32>
          %mul3A_1649 = arith.mulf %gather3A_1626, %gather3A_1626 : vector<16xf32>
          %add3A_1650 = arith.addf %add3A_1644, %mul3A_1649 : vector<16xf32>
          scf.yield %add3A_1645, %add3A_1648, %add3A_1647, %add3A_1650 : vector<16xf32>, vector<16xf32>, vector<16xf32>, vector<16xf32>
        }
        %scan3A_1485 = arith.constant 8 : i32
        %add3A_1486 = arith.addf %scan3A_1484#0, %scan3A_1484#1 : vector<16xf32>
        %mul3A_1487 = arith.constant 1.562500e-02 : f32
        %mul3A_1488 = vector.broadcast %mul3A_1487 : f32 to vector<16xf32>
        %mul3A_1489 = arith.mulf %add3A_1486, %mul3A_1488 : vector<16xf32>
        %add3A_1490 = arith.addf %scan3A_1484#2, %scan3A_1484#3 : vector<16xf32>
        %mul3A_1491 = arith.constant 1.562500e-02 : f32
        %mul3A_1492 = vector.broadcast %mul3A_1491 : f32 to vector<16xf32>
        %mul3A_1493 = arith.mulf %add3A_1490, %mul3A_1492 : vector<16xf32>
        %mul3A_1494 = arith.mulf %mul3A_1489, %mul3A_1489 : vector<16xf32>
        %sub3A_1495 = arith.subf %mul3A_1493, %mul3A_1494 : vector<16xf32>
        %add3A_1496 = arith.constant 9.99999974E-6 : f32
        %add3A_1497 = vector.broadcast %add3A_1496 : f32 to vector<16xf32>
        %add3A_1498 = arith.addf %sub3A_1495, %add3A_1497 : vector<16xf32>
        %bitcast3A = vector.bitcast %add3A_1498 : vector<16xf32> to vector<16xi32>
        %shift_right_logical3A_1499 = arith.constant 1 : i32
        %shift_right_logical3A_1500 = vector.broadcast %shift_right_logical3A_1499 : i32 to vector<16xi32>
        %shift_right_logical3A_1501 = arith.shrui %bitcast3A, %shift_right_logical3A_1500 : vector<16xi32>
        %sub3A_1502 = arith.constant 1597463007 : i32
        %sub3A_1503 = vector.broadcast %sub3A_1502 : i32 to vector<16xi32>
        %sub3A_1504 = arith.subi %sub3A_1503, %shift_right_logical3A_1501 : vector<16xi32>
        %bitcast3A_1505 = vector.bitcast %sub3A_1504 : vector<16xi32> to vector<16xf32>
        %mul3A_1506 = arith.constant 5.000000e-01 : f32
        %mul3A_1507 = vector.broadcast %mul3A_1506 : f32 to vector<16xf32>
        %mul3A_1508 = arith.mulf %add3A_1498, %mul3A_1507 : vector<16xf32>
        %mul3A_1509 = arith.mulf %mul3A_1508, %bitcast3A_1505 : vector<16xf32>
        %mul3A_1510 = arith.mulf %mul3A_1509, %bitcast3A_1505 : vector<16xf32>
        %sub3A_1511 = arith.constant 1.500000e+00 : f32
        %sub3A_1512 = vector.broadcast %sub3A_1511 : f32 to vector<16xf32>
        %sub3A_1513 = arith.subf %sub3A_1512, %mul3A_1510 : vector<16xf32>
        %mul3A_1514 = arith.mulf %bitcast3A_1505, %sub3A_1513 : vector<16xf32>
        %mul3A_1515 = arith.mulf %mul3A_1508, %mul3A_1514 : vector<16xf32>
        %mul3A_1516 = arith.mulf %mul3A_1515, %mul3A_1514 : vector<16xf32>
        %sub3A_1517 = arith.constant 1.500000e+00 : f32
        %sub3A_1518 = vector.broadcast %sub3A_1517 : f32 to vector<16xf32>
        %sub3A_1519 = arith.subf %sub3A_1518, %mul3A_1516 : vector<16xf32>
        %mul3A_1520 = arith.mulf %mul3A_1514, %sub3A_1519 : vector<16xf32>
        %mul3A_1521 = arith.mulf %mul3A_1508, %mul3A_1520 : vector<16xf32>
        %mul3A_1522 = arith.mulf %mul3A_1521, %mul3A_1520 : vector<16xf32>
        %sub3A_1523 = arith.constant 1.500000e+00 : f32
        %sub3A_1524 = vector.broadcast %sub3A_1523 : f32 to vector<16xf32>
        %sub3A_1525 = arith.subf %sub3A_1524, %mul3A_1522 : vector<16xf32>
        %mul3A_1526 = arith.mulf %mul3A_1520, %sub3A_1525 : vector<16xf32>
        %mul3A_1527 = arith.mulf %mul3A_1489, %mul3A_1526 : vector<16xf32>
        %scan3A_1528 = arith.constant 0 : i32
        %scan3A_1529 = arith.constant 0 : i32
        %scan3A_1530 = arith.constant 8 : i32
        %scan3A_1531 = arith.addi %scan3A_1529, %scan3A_1530 : i32
        %scan3A_1532 = arith.constant 1 : i32
        scf.for %scan3A_1534 = %scan3A_1529 to %scan3A_1531 step %scan3A_1532  : i32 {
          %mul3A_1535 = arith.constant 8 : i32
          %mul3A_1536 = arith.muli %scan3A_1534, %mul3A_1535 : i32
          %add3A_1537 = arith.constant 0 : i32
          %add3A_1538 = arith.addi %mul3A_1536, %add3A_1537 : i32
          %add3A_1539 = vector.broadcast %add3A_1538 : i32 to vector<16xi32>
          %add3A_1540 = arith.addi %iota3A, %add3A_1539 : vector<16xi32>
          %and3A_1541 = arith.constant 63 : i32
          %and3A_1542 = vector.broadcast %and3A_1541 : i32 to vector<16xi32>
          %and3A_1543 = arith.andi %add3A_1540, %and3A_1542 : vector<16xi32>
          %add3A_1544 = arith.addi %and3A_1543, %mul3A_1479 : vector<16xi32>
          %gather3A_1545 = tpu.vector_load_idx %arg12[%add3A_1468, %add3A_1544] : memref<128x128xf32, #tpu.memory_space<vmem>>[vector<16xi32>, vector<16xi32>], vector<16xf32>,
          %get3A_1546 = arith.index_cast %scan3A_1534 : i32 to index
          %get3A_1547 = arith.constant 0 : index
          %get3A_1548 = tpu.vector_load %arg20[%get3A_1546, %get3A_1547] {strides = array<i32>} : memref<8x128xf32, #tpu.memory_space<vmem>>, vector<16xf32>,
          %get3A_1549 = arith.index_cast %scan3A_1534 : i32 to index
          %get3A_1550 = arith.constant 0 : index
          %get3A_1551 = tpu.vector_load %arg21[%get3A_1549, %get3A_1550] {strides = array<i32>} : memref<8x128xf32, #tpu.memory_space<vmem>>, vector<16xf32>,
          %mul3A_1552 = arith.constant 8 : i32
          %mul3A_1553 = arith.muli %scan3A_1534, %mul3A_1552 : i32
          %add3A_1554 = arith.constant 1 : i32
          %add3A_1555 = arith.addi %mul3A_1553, %add3A_1554 : i32
          %add3A_1556 = vector.broadcast %add3A_1555 : i32 to vector<16xi32>
          %add3A_1557 = arith.addi %iota3A, %add3A_1556 : vector<16xi32>
          %and3A_1558 = arith.constant 63 : i32
          %and3A_1559 = vector.broadcast %and3A_1558 : i32 to vector<16xi32>
          %and3A_1560 = arith.andi %add3A_1557, %and3A_1559 : vector<16xi32>
          %add3A_1561 = arith.addi %and3A_1560, %mul3A_1479 : vector<16xi32>
          %gather3A_1562 = tpu.vector_load_idx %arg12[%add3A_1468, %add3A_1561] : memref<128x128xf32, #tpu.memory_space<vmem>>[vector<16xi32>, vector<16xi32>], vector<16xf32>,
          %get3A_1563 = arith.index_cast %scan3A_1534 : i32 to index
          %get3A_1564 = arith.constant 16 : index
          %get3A_1565 = tpu.vector_load %arg20[%get3A_1563, %get3A_1564] {strides = array<i32>} : memref<8x128xf32, #tpu.memory_space<vmem>>, vector<16xf32>,
          %get3A_1566 = arith.index_cast %scan3A_1534 : i32 to index
          %get3A_1567 = arith.constant 16 : index
          %get3A_1568 = tpu.vector_load %arg21[%get3A_1566, %get3A_1567] {strides = array<i32>} : memref<8x128xf32, #tpu.memory_space<vmem>>, vector<16xf32>,
          %mul3A_1569 = arith.constant 8 : i32
          %mul3A_1570 = arith.muli %scan3A_1534, %mul3A_1569 : i32
          %add3A_1571 = arith.constant 2 : i32
          %add3A_1572 = arith.addi %mul3A_1570, %add3A_1571 : i32
          %add3A_1573 = vector.broadcast %add3A_1572 : i32 to vector<16xi32>
          %add3A_1574 = arith.addi %iota3A, %add3A_1573 : vector<16xi32>
          %and3A_1575 = arith.constant 63 : i32
          %and3A_1576 = vector.broadcast %and3A_1575 : i32 to vector<16xi32>
          %and3A_1577 = arith.andi %add3A_1574, %and3A_1576 : vector<16xi32>
          %add3A_1578 = arith.addi %and3A_1577, %mul3A_1479 : vector<16xi32>
          %gather3A_1579 = tpu.vector_load_idx %arg12[%add3A_1468, %add3A_1578] : memref<128x128xf32, #tpu.memory_space<vmem>>[vector<16xi32>, vector<16xi32>], vector<16xf32>,
          %get3A_1580 = arith.index_cast %scan3A_1534 : i32 to index
          %get3A_1581 = arith.constant 32 : index
          %get3A_1582 = tpu.vector_load %arg20[%get3A_1580, %get3A_1581] {strides = array<i32>} : memref<8x128xf32, #tpu.memory_space<vmem>>, vector<16xf32>,
          %get3A_1583 = arith.index_cast %scan3A_1534 : i32 to index
          %get3A_1584 = arith.constant 32 : index
          %get3A_1585 = tpu.vector_load %arg21[%get3A_1583, %get3A_1584] {strides = array<i32>} : memref<8x128xf32, #tpu.memory_space<vmem>>, vector<16xf32>,
          %mul3A_1586 = arith.constant 8 : i32
          %mul3A_1587 = arith.muli %scan3A_1534, %mul3A_1586 : i32
          %add3A_1588 = arith.constant 3 : i32
          %add3A_1589 = arith.addi %mul3A_1587, %add3A_1588 : i32
          %add3A_1590 = vector.broadcast %add3A_1589 : i32 to vector<16xi32>
          %add3A_1591 = arith.addi %iota3A, %add3A_1590 : vector<16xi32>
          %and3A_1592 = arith.constant 63 : i32
          %and3A_1593 = vector.broadcast %and3A_1592 : i32 to vector<16xi32>
          %and3A_1594 = arith.andi %add3A_1591, %and3A_1593 : vector<16xi32>
          %add3A_1595 = arith.addi %and3A_1594, %mul3A_1479 : vector<16xi32>
          %gather3A_1596 = tpu.vector_load_idx %arg12[%add3A_1468, %add3A_1595] : memref<128x128xf32, #tpu.memory_space<vmem>>[vector<16xi32>, vector<16xi32>], vector<16xf32>,
          %get3A_1597 = arith.index_cast %scan3A_1534 : i32 to index
          %get3A_1598 = arith.constant 48 : index
          %get3A_1599 = tpu.vector_load %arg20[%get3A_1597, %get3A_1598] {strides = array<i32>} : memref<8x128xf32, #tpu.memory_space<vmem>>, vector<16xf32>,
          %get3A_1600 = arith.index_cast %scan3A_1534 : i32 to index
          %get3A_1601 = arith.constant 48 : index
          %get3A_1602 = tpu.vector_load %arg21[%get3A_1600, %get3A_1601] {strides = array<i32>} : memref<8x128xf32, #tpu.memory_space<vmem>>, vector<16xf32>,
          %mul3A_1603 = arith.constant 8 : i32
          %mul3A_1604 = arith.muli %scan3A_1534, %mul3A_1603 : i32
          %add3A_1605 = arith.constant 4 : i32
          %add3A_1606 = arith.addi %mul3A_1604, %add3A_1605 : i32
          %add3A_1607 = vector.broadcast %add3A_1606 : i32 to vector<16xi32>
          %add3A_1608 = arith.addi %iota3A, %add3A_1607 : vector<16xi32>
          %and3A_1609 = arith.constant 63 : i32
          %and3A_1610 = vector.broadcast %and3A_1609 : i32 to vector<16xi32>
          %and3A_1611 = arith.andi %add3A_1608, %and3A_1610 : vector<16xi32>
          %add3A_1612 = arith.addi %and3A_1611, %mul3A_1479 : vector<16xi32>
          %gather3A_1613 = tpu.vector_load_idx %arg12[%add3A_1468, %add3A_1612] : memref<128x128xf32, #tpu.memory_space<vmem>>[vector<16xi32>, vector<16xi32>], vector<16xf32>,
          %get3A_1614 = arith.index_cast %scan3A_1534 : i32 to index
          %get3A_1615 = arith.constant 64 : index
          %get3A_1616 = tpu.vector_load %arg20[%get3A_1614, %get3A_1615] {strides = array<i32>} : memref<8x128xf32, #tpu.memory_space<vmem>>, vector<16xf32>,
          %get3A_1617 = arith.index_cast %scan3A_1534 : i32 to index
          %get3A_1618 = arith.constant 64 : index
          %get3A_1619 = tpu.vector_load %arg21[%get3A_1617, %get3A_1618] {strides = array<i32>} : memref<8x128xf32, #tpu.memory_space<vmem>>, vector<16xf32>,
          %mul3A_1620 = arith.constant 8 : i32
          %mul3A_1621 = arith.muli %scan3A_1534, %mul3A_1620 : i32
          %add3A_1622 = arith.constant 5 : i32
          %add3A_1623 = arith.addi %mul3A_1621, %add3A_1622 : i32
          %add3A_1624 = vector.broadcast %add3A_1623 : i32 to vector<16xi32>
          %add3A_1625 = arith.addi %iota3A, %add3A_1624 : vector<16xi32>
          %and3A_1626 = arith.constant 63 : i32
          %and3A_1627 = vector.broadcast %and3A_1626 : i32 to vector<16xi32>
          %and3A_1628 = arith.andi %add3A_1625, %and3A_1627 : vector<16xi32>
          %add3A_1629 = arith.addi %and3A_1628, %mul3A_1479 : vector<16xi32>
          %gather3A_1630 = tpu.vector_load_idx %arg12[%add3A_1468, %add3A_1629] : memref<128x128xf32, #tpu.memory_space<vmem>>[vector<16xi32>, vector<16xi32>], vector<16xf32>,
          %get3A_1631 = arith.index_cast %scan3A_1534 : i32 to index
          %get3A_1632 = arith.constant 80 : index
          %get3A_1633 = tpu.vector_load %arg20[%get3A_1631, %get3A_1632] {strides = array<i32>} : memref<8x128xf32, #tpu.memory_space<vmem>>, vector<16xf32>,
          %get3A_1634 = arith.index_cast %scan3A_1534 : i32 to index
          %get3A_1635 = arith.constant 80 : index
          %get3A_1636 = tpu.vector_load %arg21[%get3A_1634, %get3A_1635] {strides = array<i32>} : memref<8x128xf32, #tpu.memory_space<vmem>>, vector<16xf32>,
          %mul3A_1637 = arith.constant 8 : i32
          %mul3A_1638 = arith.muli %scan3A_1534, %mul3A_1637 : i32
          %add3A_1639 = arith.constant 6 : i32
          %add3A_1640 = arith.addi %mul3A_1638, %add3A_1639 : i32
          %add3A_1641 = vector.broadcast %add3A_1640 : i32 to vector<16xi32>
          %add3A_1642 = arith.addi %iota3A, %add3A_1641 : vector<16xi32>
          %and3A_1643 = arith.constant 63 : i32
          %and3A_1644 = vector.broadcast %and3A_1643 : i32 to vector<16xi32>
          %and3A_1645 = arith.andi %add3A_1642, %and3A_1644 : vector<16xi32>
          %add3A_1646 = arith.addi %and3A_1645, %mul3A_1479 : vector<16xi32>
          %gather3A_1647 = tpu.vector_load_idx %arg12[%add3A_1468, %add3A_1646] : memref<128x128xf32, #tpu.memory_space<vmem>>[vector<16xi32>, vector<16xi32>], vector<16xf32>,
          %get3A_1648 = arith.index_cast %scan3A_1534 : i32 to index
          %get3A_1649 = arith.constant 96 : index
          %get3A_1650 = tpu.vector_load %arg20[%get3A_1648, %get3A_1649] {strides = array<i32>} : memref<8x128xf32, #tpu.memory_space<vmem>>, vector<16xf32>,
          %get3A_1651 = arith.index_cast %scan3A_1534 : i32 to index
          %get3A_1652 = arith.constant 96 : index
          %get3A_1653 = tpu.vector_load %arg21[%get3A_1651, %get3A_1652] {strides = array<i32>} : memref<8x128xf32, #tpu.memory_space<vmem>>, vector<16xf32>,
          %mul3A_1654 = arith.constant 8 : i32
          %mul3A_1655 = arith.muli %scan3A_1534, %mul3A_1654 : i32
          %add3A_1656 = arith.constant 7 : i32
          %add3A_1657 = arith.addi %mul3A_1655, %add3A_1656 : i32
          %add3A_1658 = vector.broadcast %add3A_1657 : i32 to vector<16xi32>
          %add3A_1659 = arith.addi %iota3A, %add3A_1658 : vector<16xi32>
          %and3A_1660 = arith.constant 63 : i32
          %and3A_1661 = vector.broadcast %and3A_1660 : i32 to vector<16xi32>
          %and3A_1662 = arith.andi %add3A_1659, %and3A_1661 : vector<16xi32>
          %add3A_1663 = arith.addi %and3A_1662, %mul3A_1479 : vector<16xi32>
          %gather3A_1664 = tpu.vector_load_idx %arg12[%add3A_1468, %add3A_1663] : memref<128x128xf32, #tpu.memory_space<vmem>>[vector<16xi32>, vector<16xi32>], vector<16xf32>,
          %get3A_1665 = arith.index_cast %scan3A_1534 : i32 to index
          %get3A_1666 = arith.constant 112 : index
          %get3A_1667 = tpu.vector_load %arg20[%get3A_1665, %get3A_1666] {strides = array<i32>} : memref<8x128xf32, #tpu.memory_space<vmem>>, vector<16xf32>,
          %get3A_1668 = arith.index_cast %scan3A_1534 : i32 to index
          %get3A_1669 = arith.constant 112 : index
          %get3A_1670 = tpu.vector_load %arg21[%get3A_1668, %get3A_1669] {strides = array<i32>} : memref<8x128xf32, #tpu.memory_space<vmem>>, vector<16xf32>,
          %mul3A_1671 = arith.mulf %gather3A_1545, %mul3A_1526 : vector<16xf32>
          %sub3A_1672 = arith.subf %mul3A_1671, %mul3A_1527 : vector<16xf32>
          %mul3A_1673 = arith.mulf %sub3A_1672, %get3A_1548 : vector<16xf32>
          %add3A_1674 = arith.addf %mul3A_1673, %get3A_1551 : vector<16xf32>
          tpu.vector_store_idx %arg16[%add3A_1468, %and3A_1543], %add3A_1674 : memref<128x64xf32, #tpu.memory_space<vmem>>[vector<16xi32>, vector<16xi32>], vector<16xf32>,
          %mul3A_1675 = arith.mulf %gather3A_1562, %mul3A_1526 : vector<16xf32>
          %sub3A_1676 = arith.subf %mul3A_1675, %mul3A_1527 : vector<16xf32>
          %mul3A_1677 = arith.mulf %sub3A_1676, %get3A_1565 : vector<16xf32>
          %add3A_1678 = arith.addf %mul3A_1677, %get3A_1568 : vector<16xf32>
          tpu.vector_store_idx %arg16[%add3A_1468, %and3A_1560], %add3A_1678 : memref<128x64xf32, #tpu.memory_space<vmem>>[vector<16xi32>, vector<16xi32>], vector<16xf32>,
          %mul3A_1679 = arith.mulf %gather3A_1579, %mul3A_1526 : vector<16xf32>
          %sub3A_1680 = arith.subf %mul3A_1679, %mul3A_1527 : vector<16xf32>
          %mul3A_1681 = arith.mulf %sub3A_1680, %get3A_1582 : vector<16xf32>
          %add3A_1682 = arith.addf %mul3A_1681, %get3A_1585 : vector<16xf32>
          tpu.vector_store_idx %arg16[%add3A_1468, %and3A_1577], %add3A_1682 : memref<128x64xf32, #tpu.memory_space<vmem>>[vector<16xi32>, vector<16xi32>], vector<16xf32>,
          %mul3A_1683 = arith.mulf %gather3A_1596, %mul3A_1526 : vector<16xf32>
          %sub3A_1684 = arith.subf %mul3A_1683, %mul3A_1527 : vector<16xf32>
          %mul3A_1685 = arith.mulf %sub3A_1684, %get3A_1599 : vector<16xf32>
          %add3A_1686 = arith.addf %mul3A_1685, %get3A_1602 : vector<16xf32>
          tpu.vector_store_idx %arg16[%add3A_1468, %and3A_1594], %add3A_1686 : memref<128x64xf32, #tpu.memory_space<vmem>>[vector<16xi32>, vector<16xi32>], vector<16xf32>,
          %mul3A_1687 = arith.mulf %gather3A_1613, %mul3A_1526 : vector<16xf32>
          %sub3A_1688 = arith.subf %mul3A_1687, %mul3A_1527 : vector<16xf32>
          %mul3A_1689 = arith.mulf %sub3A_1688, %get3A_1616 : vector<16xf32>
          %add3A_1690 = arith.addf %mul3A_1689, %get3A_1619 : vector<16xf32>
          tpu.vector_store_idx %arg16[%add3A_1468, %and3A_1611], %add3A_1690 : memref<128x64xf32, #tpu.memory_space<vmem>>[vector<16xi32>, vector<16xi32>], vector<16xf32>,
          %mul3A_1691 = arith.mulf %gather3A_1630, %mul3A_1526 : vector<16xf32>
          %sub3A_1692 = arith.subf %mul3A_1691, %mul3A_1527 : vector<16xf32>
          %mul3A_1693 = arith.mulf %sub3A_1692, %get3A_1633 : vector<16xf32>
          %add3A_1694 = arith.addf %mul3A_1693, %get3A_1636 : vector<16xf32>
          tpu.vector_store_idx %arg16[%add3A_1468, %and3A_1628], %add3A_1694 : memref<128x64xf32, #tpu.memory_space<vmem>>[vector<16xi32>, vector<16xi32>], vector<16xf32>,
          %mul3A_1695 = arith.mulf %gather3A_1647, %mul3A_1526 : vector<16xf32>
          %sub3A_1696 = arith.subf %mul3A_1695, %mul3A_1527 : vector<16xf32>
          %mul3A_1697 = arith.mulf %sub3A_1696, %get3A_1650 : vector<16xf32>
          %add3A_1698 = arith.addf %mul3A_1697, %get3A_1653 : vector<16xf32>
          tpu.vector_store_idx %arg16[%add3A_1468, %and3A_1645], %add3A_1698 : memref<128x64xf32, #tpu.memory_space<vmem>>[vector<16xi32>, vector<16xi32>], vector<16xf32>,
          %mul3A_1699 = arith.mulf %gather3A_1664, %mul3A_1526 : vector<16xf32>
          %sub3A_1700 = arith.subf %mul3A_1699, %mul3A_1527 : vector<16xf32>
          %mul3A_1701 = arith.mulf %sub3A_1700, %get3A_1667 : vector<16xf32>
          %add3A_1702 = arith.addf %mul3A_1701, %get3A_1670 : vector<16xf32>
          tpu.vector_store_idx %arg16[%add3A_1468, %and3A_1662], %add3A_1702 : memref<128x64xf32, #tpu.memory_space<vmem>>[vector<16xi32>, vector<16xi32>], vector<16xf32>,
        }
        %scan3A_1533 = arith.constant 8 : i32
      }
      %scan3A_1355 = arith.constant 8 : i32
      %mul3A_1356 = arith.constant 128 : i32
      %mul3A_1357 = arith.muli %add3A_1344, %mul3A_1356 : i32
      %add3A_1358 = arith.addi %mul3A_2, %mul3A_1357 : i32
      %dma_start3A_1359 = arith.constant 0 : i32
      %dma_start3A_1360 = tpu.memref_slice %arg6[%add3A_1358, %dma_start3A_1359] : memref<819200x64xf32, #tpu.memory_space<hbm>> -> memref<128x64xf32, #tpu.memory_space<hbm>>
      %dma_start3A_1361 = arith.constant 0 : i32
      %dma_start3A_1362 = tpu.memref_slice %arg6[%add3A_1358, %dma_start3A_1361] : memref<819200x64xf32, #tpu.memory_space<hbm>> -> memref<128x64xf32, #tpu.memory_space<hbm>>
      tpu.enqueue_dma source(%arg16 : memref<128x64xf32, #tpu.memory_space<vmem>>) target(%dma_start3A_1362 : memref<128x64xf32, #tpu.memory_space<hbm>>) target_semaphore(%arg26 : memref<!tpu.dma_semaphore, #tpu.memory_space<semaphore_mem>>)
      %lt3A = arith.constant 49 : i32
      %lt3A_1363 = arith.cmpi slt, %scan3A_1340, %lt3A : i32
      %convert_element_type3A_1364 = arith.extui %lt3A_1363 : i1 to i32
      %cond3A_1365 = arith.constant 0 : i32
      %cond3A_1366 = arith.cmpi ne, %convert_element_type3A_1364, %cond3A_1365 : i32
      scf.if %cond3A_1366 {
        %add3A_1464 = arith.constant 4 : i32
        %add3A_1465 = arith.addi %add3A_1344, %add3A_1464 : i32
        %get3A_1466 = arith.index_cast %add3A_1465 : i32 to index
        %get3A_1467 = arith.constant 0 : index
        %get3A_1468 = tpu.vector_load %arg7[%get3A_1466, %get3A_1467] {strides = array<i32>} : memref<200x128xi32, #tpu.memory_space<vmem>>, vector<16xi32>,
        %shift_right_logical3A_1469 = arith.constant 1 : i32
        %shift_right_logical3A_1470 = vector.broadcast %shift_right_logical3A_1469 : i32 to vector<16xi32>
        %shift_right_logical3A_1471 = arith.shrui %get3A_1468, %shift_right_logical3A_1470 : vector<16xi32>
        %swap3A_1472 = arith.constant 0 : index
        %swap3A_1473 = tpu.vector_load %arg8[%swap3A_1472] {strides = array<i32>} : memref<128xi32, #tpu.memory_space<vmem>>, vector<16xi32>,
        tpu.vector_store %arg8[%swap3A_1472], %shift_right_logical3A_1471 {strides = array<i32>} : memref<128xi32, #tpu.memory_space<vmem>>, vector<16xi32>,
        %get3A_1474 = arith.index_cast %add3A_1465 : i32 to index
        %get3A_1475 = arith.constant 16 : index
        %get3A_1476 = tpu.vector_load %arg7[%get3A_1474, %get3A_1475] {strides = array<i32>} : memref<200x128xi32, #tpu.memory_space<vmem>>, vector<16xi32>,
        %shift_right_logical3A_1477 = arith.constant 1 : i32
        %shift_right_logical3A_1478 = vector.broadcast %shift_right_logical3A_1477 : i32 to vector<16xi32>
        %shift_right_logical3A_1479 = arith.shrui %get3A_1476, %shift_right_logical3A_1478 : vector<16xi32>
        %swap3A_1480 = arith.constant 16 : index
        %swap3A_1481 = tpu.vector_load %arg8[%swap3A_1480] {strides = array<i32>} : memref<128xi32, #tpu.memory_space<vmem>>, vector<16xi32>,
        tpu.vector_store %arg8[%swap3A_1480], %shift_right_logical3A_1479 {strides = array<i32>} : memref<128xi32, #tpu.memory_space<vmem>>, vector<16xi32>,
        %get3A_1482 = arith.index_cast %add3A_1465 : i32 to index
        %get3A_1483 = arith.constant 32 : index
        %get3A_1484 = tpu.vector_load %arg7[%get3A_1482, %get3A_1483] {strides = array<i32>} : memref<200x128xi32, #tpu.memory_space<vmem>>, vector<16xi32>,
        %shift_right_logical3A_1485 = arith.constant 1 : i32
        %shift_right_logical3A_1486 = vector.broadcast %shift_right_logical3A_1485 : i32 to vector<16xi32>
        %shift_right_logical3A_1487 = arith.shrui %get3A_1484, %shift_right_logical3A_1486 : vector<16xi32>
        %swap3A_1488 = arith.constant 32 : index
        %swap3A_1489 = tpu.vector_load %arg8[%swap3A_1488] {strides = array<i32>} : memref<128xi32, #tpu.memory_space<vmem>>, vector<16xi32>,
        tpu.vector_store %arg8[%swap3A_1488], %shift_right_logical3A_1487 {strides = array<i32>} : memref<128xi32, #tpu.memory_space<vmem>>, vector<16xi32>,
        %get3A_1490 = arith.index_cast %add3A_1465 : i32 to index
        %get3A_1491 = arith.constant 48 : index
        %get3A_1492 = tpu.vector_load %arg7[%get3A_1490, %get3A_1491] {strides = array<i32>} : memref<200x128xi32, #tpu.memory_space<vmem>>, vector<16xi32>,
        %shift_right_logical3A_1493 = arith.constant 1 : i32
        %shift_right_logical3A_1494 = vector.broadcast %shift_right_logical3A_1493 : i32 to vector<16xi32>
        %shift_right_logical3A_1495 = arith.shrui %get3A_1492, %shift_right_logical3A_1494 : vector<16xi32>
        %swap3A_1496 = arith.constant 48 : index
        %swap3A_1497 = tpu.vector_load %arg8[%swap3A_1496] {strides = array<i32>} : memref<128xi32, #tpu.memory_space<vmem>>, vector<16xi32>,
        tpu.vector_store %arg8[%swap3A_1496], %shift_right_logical3A_1495 {strides = array<i32>} : memref<128xi32, #tpu.memory_space<vmem>>, vector<16xi32>,
        %get3A_1498 = arith.index_cast %add3A_1465 : i32 to index
        %get3A_1499 = arith.constant 64 : index
        %get3A_1500 = tpu.vector_load %arg7[%get3A_1498, %get3A_1499] {strides = array<i32>} : memref<200x128xi32, #tpu.memory_space<vmem>>, vector<16xi32>,
        %shift_right_logical3A_1501 = arith.constant 1 : i32
        %shift_right_logical3A_1502 = vector.broadcast %shift_right_logical3A_1501 : i32 to vector<16xi32>
        %shift_right_logical3A_1503 = arith.shrui %get3A_1500, %shift_right_logical3A_1502 : vector<16xi32>
        %swap3A_1504 = arith.constant 64 : index
        %swap3A_1505 = tpu.vector_load %arg8[%swap3A_1504] {strides = array<i32>} : memref<128xi32, #tpu.memory_space<vmem>>, vector<16xi32>,
        tpu.vector_store %arg8[%swap3A_1504], %shift_right_logical3A_1503 {strides = array<i32>} : memref<128xi32, #tpu.memory_space<vmem>>, vector<16xi32>,
        %get3A_1506 = arith.index_cast %add3A_1465 : i32 to index
        %get3A_1507 = arith.constant 80 : index
        %get3A_1508 = tpu.vector_load %arg7[%get3A_1506, %get3A_1507] {strides = array<i32>} : memref<200x128xi32, #tpu.memory_space<vmem>>, vector<16xi32>,
        %shift_right_logical3A_1509 = arith.constant 1 : i32
        %shift_right_logical3A_1510 = vector.broadcast %shift_right_logical3A_1509 : i32 to vector<16xi32>
        %shift_right_logical3A_1511 = arith.shrui %get3A_1508, %shift_right_logical3A_1510 : vector<16xi32>
        %swap3A_1512 = arith.constant 80 : index
        %swap3A_1513 = tpu.vector_load %arg8[%swap3A_1512] {strides = array<i32>} : memref<128xi32, #tpu.memory_space<vmem>>, vector<16xi32>,
        tpu.vector_store %arg8[%swap3A_1512], %shift_right_logical3A_1511 {strides = array<i32>} : memref<128xi32, #tpu.memory_space<vmem>>, vector<16xi32>,
        %get3A_1514 = arith.index_cast %add3A_1465 : i32 to index
        %get3A_1515 = arith.constant 96 : index
        %get3A_1516 = tpu.vector_load %arg7[%get3A_1514, %get3A_1515] {strides = array<i32>} : memref<200x128xi32, #tpu.memory_space<vmem>>, vector<16xi32>,
        %shift_right_logical3A_1517 = arith.constant 1 : i32
        %shift_right_logical3A_1518 = vector.broadcast %shift_right_logical3A_1517 : i32 to vector<16xi32>
        %shift_right_logical3A_1519 = arith.shrui %get3A_1516, %shift_right_logical3A_1518 : vector<16xi32>
        %swap3A_1520 = arith.constant 96 : index
        %swap3A_1521 = tpu.vector_load %arg8[%swap3A_1520] {strides = array<i32>} : memref<128xi32, #tpu.memory_space<vmem>>, vector<16xi32>,
        tpu.vector_store %arg8[%swap3A_1520], %shift_right_logical3A_1519 {strides = array<i32>} : memref<128xi32, #tpu.memory_space<vmem>>, vector<16xi32>,
        %get3A_1522 = arith.index_cast %add3A_1465 : i32 to index
        %get3A_1523 = arith.constant 112 : index
        %get3A_1524 = tpu.vector_load %arg7[%get3A_1522, %get3A_1523] {strides = array<i32>} : memref<200x128xi32, #tpu.memory_space<vmem>>, vector<16xi32>,
        %shift_right_logical3A_1525 = arith.constant 1 : i32
        %shift_right_logical3A_1526 = vector.broadcast %shift_right_logical3A_1525 : i32 to vector<16xi32>
        %shift_right_logical3A_1527 = arith.shrui %get3A_1524, %shift_right_logical3A_1526 : vector<16xi32>
        %swap3A_1528 = arith.constant 112 : index
        %swap3A_1529 = tpu.vector_load %arg8[%swap3A_1528] {strides = array<i32>} : memref<128xi32, #tpu.memory_space<vmem>>, vector<16xi32>,
        tpu.vector_store %arg8[%swap3A_1528], %shift_right_logical3A_1527 {strides = array<i32>} : memref<128xi32, #tpu.memory_space<vmem>>, vector<16xi32>,
        %add3A_1530 = arith.constant 4 : i32
        %add3A_1531 = arith.addi %add3A_1344, %add3A_1530 : i32
        %dma_start3A_1532 = arith.constant 0 : i32
        %dma_start3A_1533 = arith.constant 0 : i32
        %dma_start3A_1534 = tpu.memref_slice %arg3[%dma_start3A_1532, %dma_start3A_1533] : memref<500000x128xf32, #tpu.memory_space<hbm>> -> memref<500000x128xf32, #tpu.memory_space<hbm>>
        tpu.enqueue_indirect_dma source(%dma_start3A_1534 : memref<500000x128xf32, #tpu.memory_space<hbm>>) target(%arg12 : memref<128x128xf32, #tpu.memory_space<vmem>>) offsets(%arg8 : memref<128xi32, #tpu.memory_space<vmem>>) semaphore(%arg22 : memref<!tpu.dma_semaphore, #tpu.memory_space<semaphore_mem>>)
      } else {
      }
      %mul3A_1367 = arith.constant 4 : i32
      %mul3A_1368 = arith.muli %mul3A_1367, %scan3A_1340 : i32
      %add3A_1369 = arith.constant 1 : i32
      %add3A_1370 = arith.addi %mul3A_1368, %add3A_1369 : i32
      %dma_wait3A_1371 = arith.constant 0 : i32
      %dma_wait3A_1372 = arith.constant 0 : i32
      %dma_wait3A_1373 = tpu.memref_slice %arg3[%dma_wait3A_1371, %dma_wait3A_1372] : memref<500000x128xf32, #tpu.memory_space<hbm>> -> memref<500000x128xf32, #tpu.memory_space<hbm>>
      tpu.wait_indirect_dma semaphore(%arg23 : memref<!tpu.dma_semaphore, #tpu.memory_space<semaphore_mem>>) src(%dma_wait3A_1373 : memref<500000x128xf32, #tpu.memory_space<hbm>>) dst(%arg13 : memref<128x128xf32, #tpu.memory_space<vmem>>)
      %gt3A_1374 = arith.constant 0 : i32
      %gt3A_1375 = arith.cmpi sgt, %scan3A_1340, %gt3A_1374 : i32
      %convert_element_type3A_1376 = arith.extui %gt3A_1375 : i1 to i32
      %cond3A_1377 = arith.constant 0 : i32
      %cond3A_1378 = arith.cmpi ne, %convert_element_type3A_1376, %cond3A_1377 : i32
      scf.if %cond3A_1378 {
        %sub3A_1464 = arith.constant 2 : i32
        %sub3A_1465 = arith.subi %add3A_1370, %sub3A_1464 : i32
        %mul3A_1466 = arith.constant 128 : i32
        %mul3A_1467 = arith.muli %sub3A_1465, %mul3A_1466 : i32
        %add3A_1468 = arith.addi %mul3A_2, %mul3A_1467 : i32
        %dma_wait3A_1469 = arith.constant 0 : i32
        %dma_wait3A_1470 = tpu.memref_slice %arg6[%add3A_1468, %dma_wait3A_1469] : memref<819200x64xf32, #tpu.memory_space<hbm>> -> memref<128x64xf32, #tpu.memory_space<hbm>>
        %dma_wait3A_1471 = arith.constant 0 : i32
        %dma_wait3A_1472 = tpu.memref_slice %arg6[%add3A_1468, %dma_wait3A_1471] : memref<819200x64xf32, #tpu.memory_space<hbm>> -> memref<128x64xf32, #tpu.memory_space<hbm>>
        tpu.wait_dma2 semaphore(%arg27 : memref<!tpu.dma_semaphore, #tpu.memory_space<semaphore_mem>>) src(%arg17 : memref<128x64xf32, #tpu.memory_space<vmem>>) dst(%dma_wait3A_1472 : memref<128x64xf32, #tpu.memory_space<hbm>>)
      } else {
      }
      %scan3A_1379 = arith.constant 0 : i32
      %scan3A_1380 = arith.constant 0 : i32
      %scan3A_1381 = arith.constant 8 : i32
      %scan3A_1382 = arith.addi %scan3A_1380, %scan3A_1381 : i32
      %scan3A_1383 = arith.constant 1 : i32
      scf.for %scan3A_1464 = %scan3A_1380 to %scan3A_1382 step %scan3A_1383  : i32 {
        %mul3A_1465 = arith.constant 16 : i32
        %mul3A_1466 = arith.muli %scan3A_1464, %mul3A_1465 : i32
        %add3A_1467 = vector.broadcast %mul3A_1466 : i32 to vector<16xi32>
        %add3A_1468 = arith.addi %add3A_1467, %iota3A : vector<16xi32>
        %mul3A_1469 = arith.constant 16 : i32
        %mul3A_1470 = arith.muli %scan3A_1464, %mul3A_1469 : i32
        %get3A_1471 = arith.index_cast %add3A_1370 : i32 to index
        %get3A_1472 = arith.index_cast %mul3A_1470 : i32 to index
        %get3A_1473 = tpu.vector_load %arg7[%get3A_1471, %get3A_1472] {strides = array<i32>} : memref<200x128xi32, #tpu.memory_space<vmem>>, vector<16xi32>,
        %and3A_1474 = arith.constant 1 : i32
        %and3A_1475 = vector.broadcast %and3A_1474 : i32 to vector<16xi32>
        %and3A_1476 = arith.andi %get3A_1473, %and3A_1475 : vector<16xi32>
        %mul3A_1477 = arith.constant 64 : i32
        %mul3A_1478 = vector.broadcast %mul3A_1477 : i32 to vector<16xi32>
        %mul3A_1479 = arith.muli %and3A_1476, %mul3A_1478 : vector<16xi32>
        %scan3A_1480 = arith.constant 0 : i32
        %scan3A_1481 = arith.constant 8 : i32
        %scan3A_1482 = arith.addi %scan3A_1480, %scan3A_1481 : i32
        %scan3A_1483 = arith.constant 1 : i32
        %scan3A_1484:4 = scf.for %scan3A_1534 = %scan3A_1480 to %scan3A_1482 step %scan3A_1483 iter_args(%scan3A_1535 = %broadcast_in_dim3A_1026, %scan3A_1536 = %broadcast_in_dim3A_1026, %scan3A_1537 = %broadcast_in_dim3A_1026, %scan3A_1538 = %broadcast_in_dim3A_1026) -> (vector<16xf32>, vector<16xf32>, vector<16xf32>, vector<16xf32>)  : i32 {
          %mul3A_1539 = arith.constant 8 : i32
          %mul3A_1540 = arith.muli %scan3A_1534, %mul3A_1539 : i32
          %add3A_1541 = arith.constant 0 : i32
          %add3A_1542 = arith.addi %mul3A_1540, %add3A_1541 : i32
          %add3A_1543 = vector.broadcast %add3A_1542 : i32 to vector<16xi32>
          %add3A_1544 = arith.addi %iota3A, %add3A_1543 : vector<16xi32>
          %and3A_1545 = arith.constant 63 : i32
          %and3A_1546 = vector.broadcast %and3A_1545 : i32 to vector<16xi32>
          %and3A_1547 = arith.andi %add3A_1544, %and3A_1546 : vector<16xi32>
          %add3A_1548 = arith.addi %and3A_1547, %mul3A_1479 : vector<16xi32>
          %gather3A_1549 = tpu.vector_load_idx %arg13[%add3A_1468, %add3A_1548] : memref<128x128xf32, #tpu.memory_space<vmem>>[vector<16xi32>, vector<16xi32>], vector<16xf32>,
          %mul3A_1550 = arith.constant 8 : i32
          %mul3A_1551 = arith.muli %scan3A_1534, %mul3A_1550 : i32
          %add3A_1552 = arith.constant 1 : i32
          %add3A_1553 = arith.addi %mul3A_1551, %add3A_1552 : i32
          %add3A_1554 = vector.broadcast %add3A_1553 : i32 to vector<16xi32>
          %add3A_1555 = arith.addi %iota3A, %add3A_1554 : vector<16xi32>
          %and3A_1556 = arith.constant 63 : i32
          %and3A_1557 = vector.broadcast %and3A_1556 : i32 to vector<16xi32>
          %and3A_1558 = arith.andi %add3A_1555, %and3A_1557 : vector<16xi32>
          %add3A_1559 = arith.addi %and3A_1558, %mul3A_1479 : vector<16xi32>
          %gather3A_1560 = tpu.vector_load_idx %arg13[%add3A_1468, %add3A_1559] : memref<128x128xf32, #tpu.memory_space<vmem>>[vector<16xi32>, vector<16xi32>], vector<16xf32>,
          %mul3A_1561 = arith.constant 8 : i32
          %mul3A_1562 = arith.muli %scan3A_1534, %mul3A_1561 : i32
          %add3A_1563 = arith.constant 2 : i32
          %add3A_1564 = arith.addi %mul3A_1562, %add3A_1563 : i32
          %add3A_1565 = vector.broadcast %add3A_1564 : i32 to vector<16xi32>
          %add3A_1566 = arith.addi %iota3A, %add3A_1565 : vector<16xi32>
          %and3A_1567 = arith.constant 63 : i32
          %and3A_1568 = vector.broadcast %and3A_1567 : i32 to vector<16xi32>
          %and3A_1569 = arith.andi %add3A_1566, %and3A_1568 : vector<16xi32>
          %add3A_1570 = arith.addi %and3A_1569, %mul3A_1479 : vector<16xi32>
          %gather3A_1571 = tpu.vector_load_idx %arg13[%add3A_1468, %add3A_1570] : memref<128x128xf32, #tpu.memory_space<vmem>>[vector<16xi32>, vector<16xi32>], vector<16xf32>,
          %mul3A_1572 = arith.constant 8 : i32
          %mul3A_1573 = arith.muli %scan3A_1534, %mul3A_1572 : i32
          %add3A_1574 = arith.constant 3 : i32
          %add3A_1575 = arith.addi %mul3A_1573, %add3A_1574 : i32
          %add3A_1576 = vector.broadcast %add3A_1575 : i32 to vector<16xi32>
          %add3A_1577 = arith.addi %iota3A, %add3A_1576 : vector<16xi32>
          %and3A_1578 = arith.constant 63 : i32
          %and3A_1579 = vector.broadcast %and3A_1578 : i32 to vector<16xi32>
          %and3A_1580 = arith.andi %add3A_1577, %and3A_1579 : vector<16xi32>
          %add3A_1581 = arith.addi %and3A_1580, %mul3A_1479 : vector<16xi32>
          %gather3A_1582 = tpu.vector_load_idx %arg13[%add3A_1468, %add3A_1581] : memref<128x128xf32, #tpu.memory_space<vmem>>[vector<16xi32>, vector<16xi32>], vector<16xf32>,
          %mul3A_1583 = arith.constant 8 : i32
          %mul3A_1584 = arith.muli %scan3A_1534, %mul3A_1583 : i32
          %add3A_1585 = arith.constant 4 : i32
          %add3A_1586 = arith.addi %mul3A_1584, %add3A_1585 : i32
          %add3A_1587 = vector.broadcast %add3A_1586 : i32 to vector<16xi32>
          %add3A_1588 = arith.addi %iota3A, %add3A_1587 : vector<16xi32>
          %and3A_1589 = arith.constant 63 : i32
          %and3A_1590 = vector.broadcast %and3A_1589 : i32 to vector<16xi32>
          %and3A_1591 = arith.andi %add3A_1588, %and3A_1590 : vector<16xi32>
          %add3A_1592 = arith.addi %and3A_1591, %mul3A_1479 : vector<16xi32>
          %gather3A_1593 = tpu.vector_load_idx %arg13[%add3A_1468, %add3A_1592] : memref<128x128xf32, #tpu.memory_space<vmem>>[vector<16xi32>, vector<16xi32>], vector<16xf32>,
          %mul3A_1594 = arith.constant 8 : i32
          %mul3A_1595 = arith.muli %scan3A_1534, %mul3A_1594 : i32
          %add3A_1596 = arith.constant 5 : i32
          %add3A_1597 = arith.addi %mul3A_1595, %add3A_1596 : i32
          %add3A_1598 = vector.broadcast %add3A_1597 : i32 to vector<16xi32>
          %add3A_1599 = arith.addi %iota3A, %add3A_1598 : vector<16xi32>
          %and3A_1600 = arith.constant 63 : i32
          %and3A_1601 = vector.broadcast %and3A_1600 : i32 to vector<16xi32>
          %and3A_1602 = arith.andi %add3A_1599, %and3A_1601 : vector<16xi32>
          %add3A_1603 = arith.addi %and3A_1602, %mul3A_1479 : vector<16xi32>
          %gather3A_1604 = tpu.vector_load_idx %arg13[%add3A_1468, %add3A_1603] : memref<128x128xf32, #tpu.memory_space<vmem>>[vector<16xi32>, vector<16xi32>], vector<16xf32>,
          %mul3A_1605 = arith.constant 8 : i32
          %mul3A_1606 = arith.muli %scan3A_1534, %mul3A_1605 : i32
          %add3A_1607 = arith.constant 6 : i32
          %add3A_1608 = arith.addi %mul3A_1606, %add3A_1607 : i32
          %add3A_1609 = vector.broadcast %add3A_1608 : i32 to vector<16xi32>
          %add3A_1610 = arith.addi %iota3A, %add3A_1609 : vector<16xi32>
          %and3A_1611 = arith.constant 63 : i32
          %and3A_1612 = vector.broadcast %and3A_1611 : i32 to vector<16xi32>
          %and3A_1613 = arith.andi %add3A_1610, %and3A_1612 : vector<16xi32>
          %add3A_1614 = arith.addi %and3A_1613, %mul3A_1479 : vector<16xi32>
          %gather3A_1615 = tpu.vector_load_idx %arg13[%add3A_1468, %add3A_1614] : memref<128x128xf32, #tpu.memory_space<vmem>>[vector<16xi32>, vector<16xi32>], vector<16xf32>,
          %mul3A_1616 = arith.constant 8 : i32
          %mul3A_1617 = arith.muli %scan3A_1534, %mul3A_1616 : i32
          %add3A_1618 = arith.constant 7 : i32
          %add3A_1619 = arith.addi %mul3A_1617, %add3A_1618 : i32
          %add3A_1620 = vector.broadcast %add3A_1619 : i32 to vector<16xi32>
          %add3A_1621 = arith.addi %iota3A, %add3A_1620 : vector<16xi32>
          %and3A_1622 = arith.constant 63 : i32
          %and3A_1623 = vector.broadcast %and3A_1622 : i32 to vector<16xi32>
          %and3A_1624 = arith.andi %add3A_1621, %and3A_1623 : vector<16xi32>
          %add3A_1625 = arith.addi %and3A_1624, %mul3A_1479 : vector<16xi32>
          %gather3A_1626 = tpu.vector_load_idx %arg13[%add3A_1468, %add3A_1625] : memref<128x128xf32, #tpu.memory_space<vmem>>[vector<16xi32>, vector<16xi32>], vector<16xf32>,
          %add3A_1627 = arith.addf %scan3A_1535, %gather3A_1549 : vector<16xf32>
          %mul3A_1628 = arith.mulf %gather3A_1549, %gather3A_1549 : vector<16xf32>
          %add3A_1629 = arith.addf %scan3A_1537, %mul3A_1628 : vector<16xf32>
          %add3A_1630 = arith.addf %scan3A_1536, %gather3A_1560 : vector<16xf32>
          %mul3A_1631 = arith.mulf %gather3A_1560, %gather3A_1560 : vector<16xf32>
          %add3A_1632 = arith.addf %scan3A_1538, %mul3A_1631 : vector<16xf32>
          %add3A_1633 = arith.addf %add3A_1627, %gather3A_1571 : vector<16xf32>
          %mul3A_1634 = arith.mulf %gather3A_1571, %gather3A_1571 : vector<16xf32>
          %add3A_1635 = arith.addf %add3A_1629, %mul3A_1634 : vector<16xf32>
          %add3A_1636 = arith.addf %add3A_1630, %gather3A_1582 : vector<16xf32>
          %mul3A_1637 = arith.mulf %gather3A_1582, %gather3A_1582 : vector<16xf32>
          %add3A_1638 = arith.addf %add3A_1632, %mul3A_1637 : vector<16xf32>
          %add3A_1639 = arith.addf %add3A_1633, %gather3A_1593 : vector<16xf32>
          %mul3A_1640 = arith.mulf %gather3A_1593, %gather3A_1593 : vector<16xf32>
          %add3A_1641 = arith.addf %add3A_1635, %mul3A_1640 : vector<16xf32>
          %add3A_1642 = arith.addf %add3A_1636, %gather3A_1604 : vector<16xf32>
          %mul3A_1643 = arith.mulf %gather3A_1604, %gather3A_1604 : vector<16xf32>
          %add3A_1644 = arith.addf %add3A_1638, %mul3A_1643 : vector<16xf32>
          %add3A_1645 = arith.addf %add3A_1639, %gather3A_1615 : vector<16xf32>
          %mul3A_1646 = arith.mulf %gather3A_1615, %gather3A_1615 : vector<16xf32>
          %add3A_1647 = arith.addf %add3A_1641, %mul3A_1646 : vector<16xf32>
          %add3A_1648 = arith.addf %add3A_1642, %gather3A_1626 : vector<16xf32>
          %mul3A_1649 = arith.mulf %gather3A_1626, %gather3A_1626 : vector<16xf32>
          %add3A_1650 = arith.addf %add3A_1644, %mul3A_1649 : vector<16xf32>
          scf.yield %add3A_1645, %add3A_1648, %add3A_1647, %add3A_1650 : vector<16xf32>, vector<16xf32>, vector<16xf32>, vector<16xf32>
        }
        %scan3A_1485 = arith.constant 8 : i32
        %add3A_1486 = arith.addf %scan3A_1484#0, %scan3A_1484#1 : vector<16xf32>
        %mul3A_1487 = arith.constant 1.562500e-02 : f32
        %mul3A_1488 = vector.broadcast %mul3A_1487 : f32 to vector<16xf32>
        %mul3A_1489 = arith.mulf %add3A_1486, %mul3A_1488 : vector<16xf32>
        %add3A_1490 = arith.addf %scan3A_1484#2, %scan3A_1484#3 : vector<16xf32>
        %mul3A_1491 = arith.constant 1.562500e-02 : f32
        %mul3A_1492 = vector.broadcast %mul3A_1491 : f32 to vector<16xf32>
        %mul3A_1493 = arith.mulf %add3A_1490, %mul3A_1492 : vector<16xf32>
        %mul3A_1494 = arith.mulf %mul3A_1489, %mul3A_1489 : vector<16xf32>
        %sub3A_1495 = arith.subf %mul3A_1493, %mul3A_1494 : vector<16xf32>
        %add3A_1496 = arith.constant 9.99999974E-6 : f32
        %add3A_1497 = vector.broadcast %add3A_1496 : f32 to vector<16xf32>
        %add3A_1498 = arith.addf %sub3A_1495, %add3A_1497 : vector<16xf32>
        %bitcast3A = vector.bitcast %add3A_1498 : vector<16xf32> to vector<16xi32>
        %shift_right_logical3A_1499 = arith.constant 1 : i32
        %shift_right_logical3A_1500 = vector.broadcast %shift_right_logical3A_1499 : i32 to vector<16xi32>
        %shift_right_logical3A_1501 = arith.shrui %bitcast3A, %shift_right_logical3A_1500 : vector<16xi32>
        %sub3A_1502 = arith.constant 1597463007 : i32
        %sub3A_1503 = vector.broadcast %sub3A_1502 : i32 to vector<16xi32>
        %sub3A_1504 = arith.subi %sub3A_1503, %shift_right_logical3A_1501 : vector<16xi32>
        %bitcast3A_1505 = vector.bitcast %sub3A_1504 : vector<16xi32> to vector<16xf32>
        %mul3A_1506 = arith.constant 5.000000e-01 : f32
        %mul3A_1507 = vector.broadcast %mul3A_1506 : f32 to vector<16xf32>
        %mul3A_1508 = arith.mulf %add3A_1498, %mul3A_1507 : vector<16xf32>
        %mul3A_1509 = arith.mulf %mul3A_1508, %bitcast3A_1505 : vector<16xf32>
        %mul3A_1510 = arith.mulf %mul3A_1509, %bitcast3A_1505 : vector<16xf32>
        %sub3A_1511 = arith.constant 1.500000e+00 : f32
        %sub3A_1512 = vector.broadcast %sub3A_1511 : f32 to vector<16xf32>
        %sub3A_1513 = arith.subf %sub3A_1512, %mul3A_1510 : vector<16xf32>
        %mul3A_1514 = arith.mulf %bitcast3A_1505, %sub3A_1513 : vector<16xf32>
        %mul3A_1515 = arith.mulf %mul3A_1508, %mul3A_1514 : vector<16xf32>
        %mul3A_1516 = arith.mulf %mul3A_1515, %mul3A_1514 : vector<16xf32>
        %sub3A_1517 = arith.constant 1.500000e+00 : f32
        %sub3A_1518 = vector.broadcast %sub3A_1517 : f32 to vector<16xf32>
        %sub3A_1519 = arith.subf %sub3A_1518, %mul3A_1516 : vector<16xf32>
        %mul3A_1520 = arith.mulf %mul3A_1514, %sub3A_1519 : vector<16xf32>
        %mul3A_1521 = arith.mulf %mul3A_1508, %mul3A_1520 : vector<16xf32>
        %mul3A_1522 = arith.mulf %mul3A_1521, %mul3A_1520 : vector<16xf32>
        %sub3A_1523 = arith.constant 1.500000e+00 : f32
        %sub3A_1524 = vector.broadcast %sub3A_1523 : f32 to vector<16xf32>
        %sub3A_1525 = arith.subf %sub3A_1524, %mul3A_1522 : vector<16xf32>
        %mul3A_1526 = arith.mulf %mul3A_1520, %sub3A_1525 : vector<16xf32>
        %mul3A_1527 = arith.mulf %mul3A_1489, %mul3A_1526 : vector<16xf32>
        %scan3A_1528 = arith.constant 0 : i32
        %scan3A_1529 = arith.constant 0 : i32
        %scan3A_1530 = arith.constant 8 : i32
        %scan3A_1531 = arith.addi %scan3A_1529, %scan3A_1530 : i32
        %scan3A_1532 = arith.constant 1 : i32
        scf.for %scan3A_1534 = %scan3A_1529 to %scan3A_1531 step %scan3A_1532  : i32 {
          %mul3A_1535 = arith.constant 8 : i32
          %mul3A_1536 = arith.muli %scan3A_1534, %mul3A_1535 : i32
          %add3A_1537 = arith.constant 0 : i32
          %add3A_1538 = arith.addi %mul3A_1536, %add3A_1537 : i32
          %add3A_1539 = vector.broadcast %add3A_1538 : i32 to vector<16xi32>
          %add3A_1540 = arith.addi %iota3A, %add3A_1539 : vector<16xi32>
          %and3A_1541 = arith.constant 63 : i32
          %and3A_1542 = vector.broadcast %and3A_1541 : i32 to vector<16xi32>
          %and3A_1543 = arith.andi %add3A_1540, %and3A_1542 : vector<16xi32>
          %add3A_1544 = arith.addi %and3A_1543, %mul3A_1479 : vector<16xi32>
          %gather3A_1545 = tpu.vector_load_idx %arg13[%add3A_1468, %add3A_1544] : memref<128x128xf32, #tpu.memory_space<vmem>>[vector<16xi32>, vector<16xi32>], vector<16xf32>,
          %get3A_1546 = arith.index_cast %scan3A_1534 : i32 to index
          %get3A_1547 = arith.constant 0 : index
          %get3A_1548 = tpu.vector_load %arg20[%get3A_1546, %get3A_1547] {strides = array<i32>} : memref<8x128xf32, #tpu.memory_space<vmem>>, vector<16xf32>,
          %get3A_1549 = arith.index_cast %scan3A_1534 : i32 to index
          %get3A_1550 = arith.constant 0 : index
          %get3A_1551 = tpu.vector_load %arg21[%get3A_1549, %get3A_1550] {strides = array<i32>} : memref<8x128xf32, #tpu.memory_space<vmem>>, vector<16xf32>,
          %mul3A_1552 = arith.constant 8 : i32
          %mul3A_1553 = arith.muli %scan3A_1534, %mul3A_1552 : i32
          %add3A_1554 = arith.constant 1 : i32
          %add3A_1555 = arith.addi %mul3A_1553, %add3A_1554 : i32
          %add3A_1556 = vector.broadcast %add3A_1555 : i32 to vector<16xi32>
          %add3A_1557 = arith.addi %iota3A, %add3A_1556 : vector<16xi32>
          %and3A_1558 = arith.constant 63 : i32
          %and3A_1559 = vector.broadcast %and3A_1558 : i32 to vector<16xi32>
          %and3A_1560 = arith.andi %add3A_1557, %and3A_1559 : vector<16xi32>
          %add3A_1561 = arith.addi %and3A_1560, %mul3A_1479 : vector<16xi32>
          %gather3A_1562 = tpu.vector_load_idx %arg13[%add3A_1468, %add3A_1561] : memref<128x128xf32, #tpu.memory_space<vmem>>[vector<16xi32>, vector<16xi32>], vector<16xf32>,
          %get3A_1563 = arith.index_cast %scan3A_1534 : i32 to index
          %get3A_1564 = arith.constant 16 : index
          %get3A_1565 = tpu.vector_load %arg20[%get3A_1563, %get3A_1564] {strides = array<i32>} : memref<8x128xf32, #tpu.memory_space<vmem>>, vector<16xf32>,
          %get3A_1566 = arith.index_cast %scan3A_1534 : i32 to index
          %get3A_1567 = arith.constant 16 : index
          %get3A_1568 = tpu.vector_load %arg21[%get3A_1566, %get3A_1567] {strides = array<i32>} : memref<8x128xf32, #tpu.memory_space<vmem>>, vector<16xf32>,
          %mul3A_1569 = arith.constant 8 : i32
          %mul3A_1570 = arith.muli %scan3A_1534, %mul3A_1569 : i32
          %add3A_1571 = arith.constant 2 : i32
          %add3A_1572 = arith.addi %mul3A_1570, %add3A_1571 : i32
          %add3A_1573 = vector.broadcast %add3A_1572 : i32 to vector<16xi32>
          %add3A_1574 = arith.addi %iota3A, %add3A_1573 : vector<16xi32>
          %and3A_1575 = arith.constant 63 : i32
          %and3A_1576 = vector.broadcast %and3A_1575 : i32 to vector<16xi32>
          %and3A_1577 = arith.andi %add3A_1574, %and3A_1576 : vector<16xi32>
          %add3A_1578 = arith.addi %and3A_1577, %mul3A_1479 : vector<16xi32>
          %gather3A_1579 = tpu.vector_load_idx %arg13[%add3A_1468, %add3A_1578] : memref<128x128xf32, #tpu.memory_space<vmem>>[vector<16xi32>, vector<16xi32>], vector<16xf32>,
          %get3A_1580 = arith.index_cast %scan3A_1534 : i32 to index
          %get3A_1581 = arith.constant 32 : index
          %get3A_1582 = tpu.vector_load %arg20[%get3A_1580, %get3A_1581] {strides = array<i32>} : memref<8x128xf32, #tpu.memory_space<vmem>>, vector<16xf32>,
          %get3A_1583 = arith.index_cast %scan3A_1534 : i32 to index
          %get3A_1584 = arith.constant 32 : index
          %get3A_1585 = tpu.vector_load %arg21[%get3A_1583, %get3A_1584] {strides = array<i32>} : memref<8x128xf32, #tpu.memory_space<vmem>>, vector<16xf32>,
          %mul3A_1586 = arith.constant 8 : i32
          %mul3A_1587 = arith.muli %scan3A_1534, %mul3A_1586 : i32
          %add3A_1588 = arith.constant 3 : i32
          %add3A_1589 = arith.addi %mul3A_1587, %add3A_1588 : i32
          %add3A_1590 = vector.broadcast %add3A_1589 : i32 to vector<16xi32>
          %add3A_1591 = arith.addi %iota3A, %add3A_1590 : vector<16xi32>
          %and3A_1592 = arith.constant 63 : i32
          %and3A_1593 = vector.broadcast %and3A_1592 : i32 to vector<16xi32>
          %and3A_1594 = arith.andi %add3A_1591, %and3A_1593 : vector<16xi32>
          %add3A_1595 = arith.addi %and3A_1594, %mul3A_1479 : vector<16xi32>
          %gather3A_1596 = tpu.vector_load_idx %arg13[%add3A_1468, %add3A_1595] : memref<128x128xf32, #tpu.memory_space<vmem>>[vector<16xi32>, vector<16xi32>], vector<16xf32>,
          %get3A_1597 = arith.index_cast %scan3A_1534 : i32 to index
          %get3A_1598 = arith.constant 48 : index
          %get3A_1599 = tpu.vector_load %arg20[%get3A_1597, %get3A_1598] {strides = array<i32>} : memref<8x128xf32, #tpu.memory_space<vmem>>, vector<16xf32>,
          %get3A_1600 = arith.index_cast %scan3A_1534 : i32 to index
          %get3A_1601 = arith.constant 48 : index
          %get3A_1602 = tpu.vector_load %arg21[%get3A_1600, %get3A_1601] {strides = array<i32>} : memref<8x128xf32, #tpu.memory_space<vmem>>, vector<16xf32>,
          %mul3A_1603 = arith.constant 8 : i32
          %mul3A_1604 = arith.muli %scan3A_1534, %mul3A_1603 : i32
          %add3A_1605 = arith.constant 4 : i32
          %add3A_1606 = arith.addi %mul3A_1604, %add3A_1605 : i32
          %add3A_1607 = vector.broadcast %add3A_1606 : i32 to vector<16xi32>
          %add3A_1608 = arith.addi %iota3A, %add3A_1607 : vector<16xi32>
          %and3A_1609 = arith.constant 63 : i32
          %and3A_1610 = vector.broadcast %and3A_1609 : i32 to vector<16xi32>
          %and3A_1611 = arith.andi %add3A_1608, %and3A_1610 : vector<16xi32>
          %add3A_1612 = arith.addi %and3A_1611, %mul3A_1479 : vector<16xi32>
          %gather3A_1613 = tpu.vector_load_idx %arg13[%add3A_1468, %add3A_1612] : memref<128x128xf32, #tpu.memory_space<vmem>>[vector<16xi32>, vector<16xi32>], vector<16xf32>,
          %get3A_1614 = arith.index_cast %scan3A_1534 : i32 to index
          %get3A_1615 = arith.constant 64 : index
          %get3A_1616 = tpu.vector_load %arg20[%get3A_1614, %get3A_1615] {strides = array<i32>} : memref<8x128xf32, #tpu.memory_space<vmem>>, vector<16xf32>,
          %get3A_1617 = arith.index_cast %scan3A_1534 : i32 to index
          %get3A_1618 = arith.constant 64 : index
          %get3A_1619 = tpu.vector_load %arg21[%get3A_1617, %get3A_1618] {strides = array<i32>} : memref<8x128xf32, #tpu.memory_space<vmem>>, vector<16xf32>,
          %mul3A_1620 = arith.constant 8 : i32
          %mul3A_1621 = arith.muli %scan3A_1534, %mul3A_1620 : i32
          %add3A_1622 = arith.constant 5 : i32
          %add3A_1623 = arith.addi %mul3A_1621, %add3A_1622 : i32
          %add3A_1624 = vector.broadcast %add3A_1623 : i32 to vector<16xi32>
          %add3A_1625 = arith.addi %iota3A, %add3A_1624 : vector<16xi32>
          %and3A_1626 = arith.constant 63 : i32
          %and3A_1627 = vector.broadcast %and3A_1626 : i32 to vector<16xi32>
          %and3A_1628 = arith.andi %add3A_1625, %and3A_1627 : vector<16xi32>
          %add3A_1629 = arith.addi %and3A_1628, %mul3A_1479 : vector<16xi32>
          %gather3A_1630 = tpu.vector_load_idx %arg13[%add3A_1468, %add3A_1629] : memref<128x128xf32, #tpu.memory_space<vmem>>[vector<16xi32>, vector<16xi32>], vector<16xf32>,
          %get3A_1631 = arith.index_cast %scan3A_1534 : i32 to index
          %get3A_1632 = arith.constant 80 : index
          %get3A_1633 = tpu.vector_load %arg20[%get3A_1631, %get3A_1632] {strides = array<i32>} : memref<8x128xf32, #tpu.memory_space<vmem>>, vector<16xf32>,
          %get3A_1634 = arith.index_cast %scan3A_1534 : i32 to index
          %get3A_1635 = arith.constant 80 : index
          %get3A_1636 = tpu.vector_load %arg21[%get3A_1634, %get3A_1635] {strides = array<i32>} : memref<8x128xf32, #tpu.memory_space<vmem>>, vector<16xf32>,
          %mul3A_1637 = arith.constant 8 : i32
          %mul3A_1638 = arith.muli %scan3A_1534, %mul3A_1637 : i32
          %add3A_1639 = arith.constant 6 : i32
          %add3A_1640 = arith.addi %mul3A_1638, %add3A_1639 : i32
          %add3A_1641 = vector.broadcast %add3A_1640 : i32 to vector<16xi32>
          %add3A_1642 = arith.addi %iota3A, %add3A_1641 : vector<16xi32>
          %and3A_1643 = arith.constant 63 : i32
          %and3A_1644 = vector.broadcast %and3A_1643 : i32 to vector<16xi32>
          %and3A_1645 = arith.andi %add3A_1642, %and3A_1644 : vector<16xi32>
          %add3A_1646 = arith.addi %and3A_1645, %mul3A_1479 : vector<16xi32>
          %gather3A_1647 = tpu.vector_load_idx %arg13[%add3A_1468, %add3A_1646] : memref<128x128xf32, #tpu.memory_space<vmem>>[vector<16xi32>, vector<16xi32>], vector<16xf32>,
          %get3A_1648 = arith.index_cast %scan3A_1534 : i32 to index
          %get3A_1649 = arith.constant 96 : index
          %get3A_1650 = tpu.vector_load %arg20[%get3A_1648, %get3A_1649] {strides = array<i32>} : memref<8x128xf32, #tpu.memory_space<vmem>>, vector<16xf32>,
          %get3A_1651 = arith.index_cast %scan3A_1534 : i32 to index
          %get3A_1652 = arith.constant 96 : index
          %get3A_1653 = tpu.vector_load %arg21[%get3A_1651, %get3A_1652] {strides = array<i32>} : memref<8x128xf32, #tpu.memory_space<vmem>>, vector<16xf32>,
          %mul3A_1654 = arith.constant 8 : i32
          %mul3A_1655 = arith.muli %scan3A_1534, %mul3A_1654 : i32
          %add3A_1656 = arith.constant 7 : i32
          %add3A_1657 = arith.addi %mul3A_1655, %add3A_1656 : i32
          %add3A_1658 = vector.broadcast %add3A_1657 : i32 to vector<16xi32>
          %add3A_1659 = arith.addi %iota3A, %add3A_1658 : vector<16xi32>
          %and3A_1660 = arith.constant 63 : i32
          %and3A_1661 = vector.broadcast %and3A_1660 : i32 to vector<16xi32>
          %and3A_1662 = arith.andi %add3A_1659, %and3A_1661 : vector<16xi32>
          %add3A_1663 = arith.addi %and3A_1662, %mul3A_1479 : vector<16xi32>
          %gather3A_1664 = tpu.vector_load_idx %arg13[%add3A_1468, %add3A_1663] : memref<128x128xf32, #tpu.memory_space<vmem>>[vector<16xi32>, vector<16xi32>], vector<16xf32>,
          %get3A_1665 = arith.index_cast %scan3A_1534 : i32 to index
          %get3A_1666 = arith.constant 112 : index
          %get3A_1667 = tpu.vector_load %arg20[%get3A_1665, %get3A_1666] {strides = array<i32>} : memref<8x128xf32, #tpu.memory_space<vmem>>, vector<16xf32>,
          %get3A_1668 = arith.index_cast %scan3A_1534 : i32 to index
          %get3A_1669 = arith.constant 112 : index
          %get3A_1670 = tpu.vector_load %arg21[%get3A_1668, %get3A_1669] {strides = array<i32>} : memref<8x128xf32, #tpu.memory_space<vmem>>, vector<16xf32>,
          %mul3A_1671 = arith.mulf %gather3A_1545, %mul3A_1526 : vector<16xf32>
          %sub3A_1672 = arith.subf %mul3A_1671, %mul3A_1527 : vector<16xf32>
          %mul3A_1673 = arith.mulf %sub3A_1672, %get3A_1548 : vector<16xf32>
          %add3A_1674 = arith.addf %mul3A_1673, %get3A_1551 : vector<16xf32>
          tpu.vector_store_idx %arg17[%add3A_1468, %and3A_1543], %add3A_1674 : memref<128x64xf32, #tpu.memory_space<vmem>>[vector<16xi32>, vector<16xi32>], vector<16xf32>,
          %mul3A_1675 = arith.mulf %gather3A_1562, %mul3A_1526 : vector<16xf32>
          %sub3A_1676 = arith.subf %mul3A_1675, %mul3A_1527 : vector<16xf32>
          %mul3A_1677 = arith.mulf %sub3A_1676, %get3A_1565 : vector<16xf32>
          %add3A_1678 = arith.addf %mul3A_1677, %get3A_1568 : vector<16xf32>
          tpu.vector_store_idx %arg17[%add3A_1468, %and3A_1560], %add3A_1678 : memref<128x64xf32, #tpu.memory_space<vmem>>[vector<16xi32>, vector<16xi32>], vector<16xf32>,
          %mul3A_1679 = arith.mulf %gather3A_1579, %mul3A_1526 : vector<16xf32>
          %sub3A_1680 = arith.subf %mul3A_1679, %mul3A_1527 : vector<16xf32>
          %mul3A_1681 = arith.mulf %sub3A_1680, %get3A_1582 : vector<16xf32>
          %add3A_1682 = arith.addf %mul3A_1681, %get3A_1585 : vector<16xf32>
          tpu.vector_store_idx %arg17[%add3A_1468, %and3A_1577], %add3A_1682 : memref<128x64xf32, #tpu.memory_space<vmem>>[vector<16xi32>, vector<16xi32>], vector<16xf32>,
          %mul3A_1683 = arith.mulf %gather3A_1596, %mul3A_1526 : vector<16xf32>
          %sub3A_1684 = arith.subf %mul3A_1683, %mul3A_1527 : vector<16xf32>
          %mul3A_1685 = arith.mulf %sub3A_1684, %get3A_1599 : vector<16xf32>
          %add3A_1686 = arith.addf %mul3A_1685, %get3A_1602 : vector<16xf32>
          tpu.vector_store_idx %arg17[%add3A_1468, %and3A_1594], %add3A_1686 : memref<128x64xf32, #tpu.memory_space<vmem>>[vector<16xi32>, vector<16xi32>], vector<16xf32>,
          %mul3A_1687 = arith.mulf %gather3A_1613, %mul3A_1526 : vector<16xf32>
          %sub3A_1688 = arith.subf %mul3A_1687, %mul3A_1527 : vector<16xf32>
          %mul3A_1689 = arith.mulf %sub3A_1688, %get3A_1616 : vector<16xf32>
          %add3A_1690 = arith.addf %mul3A_1689, %get3A_1619 : vector<16xf32>
          tpu.vector_store_idx %arg17[%add3A_1468, %and3A_1611], %add3A_1690 : memref<128x64xf32, #tpu.memory_space<vmem>>[vector<16xi32>, vector<16xi32>], vector<16xf32>,
          %mul3A_1691 = arith.mulf %gather3A_1630, %mul3A_1526 : vector<16xf32>
          %sub3A_1692 = arith.subf %mul3A_1691, %mul3A_1527 : vector<16xf32>
          %mul3A_1693 = arith.mulf %sub3A_1692, %get3A_1633 : vector<16xf32>
          %add3A_1694 = arith.addf %mul3A_1693, %get3A_1636 : vector<16xf32>
          tpu.vector_store_idx %arg17[%add3A_1468, %and3A_1628], %add3A_1694 : memref<128x64xf32, #tpu.memory_space<vmem>>[vector<16xi32>, vector<16xi32>], vector<16xf32>,
          %mul3A_1695 = arith.mulf %gather3A_1647, %mul3A_1526 : vector<16xf32>
          %sub3A_1696 = arith.subf %mul3A_1695, %mul3A_1527 : vector<16xf32>
          %mul3A_1697 = arith.mulf %sub3A_1696, %get3A_1650 : vector<16xf32>
          %add3A_1698 = arith.addf %mul3A_1697, %get3A_1653 : vector<16xf32>
          tpu.vector_store_idx %arg17[%add3A_1468, %and3A_1645], %add3A_1698 : memref<128x64xf32, #tpu.memory_space<vmem>>[vector<16xi32>, vector<16xi32>], vector<16xf32>,
          %mul3A_1699 = arith.mulf %gather3A_1664, %mul3A_1526 : vector<16xf32>
          %sub3A_1700 = arith.subf %mul3A_1699, %mul3A_1527 : vector<16xf32>
          %mul3A_1701 = arith.mulf %sub3A_1700, %get3A_1667 : vector<16xf32>
          %add3A_1702 = arith.addf %mul3A_1701, %get3A_1670 : vector<16xf32>
          tpu.vector_store_idx %arg17[%add3A_1468, %and3A_1662], %add3A_1702 : memref<128x64xf32, #tpu.memory_space<vmem>>[vector<16xi32>, vector<16xi32>], vector<16xf32>,
        }
        %scan3A_1533 = arith.constant 8 : i32
      }
      %scan3A_1384 = arith.constant 8 : i32
      %mul3A_1385 = arith.constant 128 : i32
      %mul3A_1386 = arith.muli %add3A_1370, %mul3A_1385 : i32
      %add3A_1387 = arith.addi %mul3A_2, %mul3A_1386 : i32
      %dma_start3A_1388 = arith.constant 0 : i32
      %dma_start3A_1389 = tpu.memref_slice %arg6[%add3A_1387, %dma_start3A_1388] : memref<819200x64xf32, #tpu.memory_space<hbm>> -> memref<128x64xf32, #tpu.memory_space<hbm>>
      %dma_start3A_1390 = arith.constant 0 : i32
      %dma_start3A_1391 = tpu.memref_slice %arg6[%add3A_1387, %dma_start3A_1390] : memref<819200x64xf32, #tpu.memory_space<hbm>> -> memref<128x64xf32, #tpu.memory_space<hbm>>
      tpu.enqueue_dma source(%arg17 : memref<128x64xf32, #tpu.memory_space<vmem>>) target(%dma_start3A_1391 : memref<128x64xf32, #tpu.memory_space<hbm>>) target_semaphore(%arg27 : memref<!tpu.dma_semaphore, #tpu.memory_space<semaphore_mem>>)
      %lt3A_1392 = arith.constant 49 : i32
      %lt3A_1393 = arith.cmpi slt, %scan3A_1340, %lt3A_1392 : i32
      %convert_element_type3A_1394 = arith.extui %lt3A_1393 : i1 to i32
      %cond3A_1395 = arith.constant 0 : i32
      %cond3A_1396 = arith.cmpi ne, %convert_element_type3A_1394, %cond3A_1395 : i32
      scf.if %cond3A_1396 {
        %add3A_1464 = arith.constant 4 : i32
        %add3A_1465 = arith.addi %add3A_1370, %add3A_1464 : i32
        %get3A_1466 = arith.index_cast %add3A_1465 : i32 to index
        %get3A_1467 = arith.constant 0 : index
        %get3A_1468 = tpu.vector_load %arg7[%get3A_1466, %get3A_1467] {strides = array<i32>} : memref<200x128xi32, #tpu.memory_space<vmem>>, vector<16xi32>,
        %shift_right_logical3A_1469 = arith.constant 1 : i32
        %shift_right_logical3A_1470 = vector.broadcast %shift_right_logical3A_1469 : i32 to vector<16xi32>
        %shift_right_logical3A_1471 = arith.shrui %get3A_1468, %shift_right_logical3A_1470 : vector<16xi32>
        %swap3A_1472 = arith.constant 0 : index
        %swap3A_1473 = tpu.vector_load %arg9[%swap3A_1472] {strides = array<i32>} : memref<128xi32, #tpu.memory_space<vmem>>, vector<16xi32>,
        tpu.vector_store %arg9[%swap3A_1472], %shift_right_logical3A_1471 {strides = array<i32>} : memref<128xi32, #tpu.memory_space<vmem>>, vector<16xi32>,
        %get3A_1474 = arith.index_cast %add3A_1465 : i32 to index
        %get3A_1475 = arith.constant 16 : index
        %get3A_1476 = tpu.vector_load %arg7[%get3A_1474, %get3A_1475] {strides = array<i32>} : memref<200x128xi32, #tpu.memory_space<vmem>>, vector<16xi32>,
        %shift_right_logical3A_1477 = arith.constant 1 : i32
        %shift_right_logical3A_1478 = vector.broadcast %shift_right_logical3A_1477 : i32 to vector<16xi32>
        %shift_right_logical3A_1479 = arith.shrui %get3A_1476, %shift_right_logical3A_1478 : vector<16xi32>
        %swap3A_1480 = arith.constant 16 : index
        %swap3A_1481 = tpu.vector_load %arg9[%swap3A_1480] {strides = array<i32>} : memref<128xi32, #tpu.memory_space<vmem>>, vector<16xi32>,
        tpu.vector_store %arg9[%swap3A_1480], %shift_right_logical3A_1479 {strides = array<i32>} : memref<128xi32, #tpu.memory_space<vmem>>, vector<16xi32>,
        %get3A_1482 = arith.index_cast %add3A_1465 : i32 to index
        %get3A_1483 = arith.constant 32 : index
        %get3A_1484 = tpu.vector_load %arg7[%get3A_1482, %get3A_1483] {strides = array<i32>} : memref<200x128xi32, #tpu.memory_space<vmem>>, vector<16xi32>,
        %shift_right_logical3A_1485 = arith.constant 1 : i32
        %shift_right_logical3A_1486 = vector.broadcast %shift_right_logical3A_1485 : i32 to vector<16xi32>
        %shift_right_logical3A_1487 = arith.shrui %get3A_1484, %shift_right_logical3A_1486 : vector<16xi32>
        %swap3A_1488 = arith.constant 32 : index
        %swap3A_1489 = tpu.vector_load %arg9[%swap3A_1488] {strides = array<i32>} : memref<128xi32, #tpu.memory_space<vmem>>, vector<16xi32>,
        tpu.vector_store %arg9[%swap3A_1488], %shift_right_logical3A_1487 {strides = array<i32>} : memref<128xi32, #tpu.memory_space<vmem>>, vector<16xi32>,
        %get3A_1490 = arith.index_cast %add3A_1465 : i32 to index
        %get3A_1491 = arith.constant 48 : index
        %get3A_1492 = tpu.vector_load %arg7[%get3A_1490, %get3A_1491] {strides = array<i32>} : memref<200x128xi32, #tpu.memory_space<vmem>>, vector<16xi32>,
        %shift_right_logical3A_1493 = arith.constant 1 : i32
        %shift_right_logical3A_1494 = vector.broadcast %shift_right_logical3A_1493 : i32 to vector<16xi32>
        %shift_right_logical3A_1495 = arith.shrui %get3A_1492, %shift_right_logical3A_1494 : vector<16xi32>
        %swap3A_1496 = arith.constant 48 : index
        %swap3A_1497 = tpu.vector_load %arg9[%swap3A_1496] {strides = array<i32>} : memref<128xi32, #tpu.memory_space<vmem>>, vector<16xi32>,
        tpu.vector_store %arg9[%swap3A_1496], %shift_right_logical3A_1495 {strides = array<i32>} : memref<128xi32, #tpu.memory_space<vmem>>, vector<16xi32>,
        %get3A_1498 = arith.index_cast %add3A_1465 : i32 to index
        %get3A_1499 = arith.constant 64 : index
        %get3A_1500 = tpu.vector_load %arg7[%get3A_1498, %get3A_1499] {strides = array<i32>} : memref<200x128xi32, #tpu.memory_space<vmem>>, vector<16xi32>,
        %shift_right_logical3A_1501 = arith.constant 1 : i32
        %shift_right_logical3A_1502 = vector.broadcast %shift_right_logical3A_1501 : i32 to vector<16xi32>
        %shift_right_logical3A_1503 = arith.shrui %get3A_1500, %shift_right_logical3A_1502 : vector<16xi32>
        %swap3A_1504 = arith.constant 64 : index
        %swap3A_1505 = tpu.vector_load %arg9[%swap3A_1504] {strides = array<i32>} : memref<128xi32, #tpu.memory_space<vmem>>, vector<16xi32>,
        tpu.vector_store %arg9[%swap3A_1504], %shift_right_logical3A_1503 {strides = array<i32>} : memref<128xi32, #tpu.memory_space<vmem>>, vector<16xi32>,
        %get3A_1506 = arith.index_cast %add3A_1465 : i32 to index
        %get3A_1507 = arith.constant 80 : index
        %get3A_1508 = tpu.vector_load %arg7[%get3A_1506, %get3A_1507] {strides = array<i32>} : memref<200x128xi32, #tpu.memory_space<vmem>>, vector<16xi32>,
        %shift_right_logical3A_1509 = arith.constant 1 : i32
        %shift_right_logical3A_1510 = vector.broadcast %shift_right_logical3A_1509 : i32 to vector<16xi32>
        %shift_right_logical3A_1511 = arith.shrui %get3A_1508, %shift_right_logical3A_1510 : vector<16xi32>
        %swap3A_1512 = arith.constant 80 : index
        %swap3A_1513 = tpu.vector_load %arg9[%swap3A_1512] {strides = array<i32>} : memref<128xi32, #tpu.memory_space<vmem>>, vector<16xi32>,
        tpu.vector_store %arg9[%swap3A_1512], %shift_right_logical3A_1511 {strides = array<i32>} : memref<128xi32, #tpu.memory_space<vmem>>, vector<16xi32>,
        %get3A_1514 = arith.index_cast %add3A_1465 : i32 to index
        %get3A_1515 = arith.constant 96 : index
        %get3A_1516 = tpu.vector_load %arg7[%get3A_1514, %get3A_1515] {strides = array<i32>} : memref<200x128xi32, #tpu.memory_space<vmem>>, vector<16xi32>,
        %shift_right_logical3A_1517 = arith.constant 1 : i32
        %shift_right_logical3A_1518 = vector.broadcast %shift_right_logical3A_1517 : i32 to vector<16xi32>
        %shift_right_logical3A_1519 = arith.shrui %get3A_1516, %shift_right_logical3A_1518 : vector<16xi32>
        %swap3A_1520 = arith.constant 96 : index
        %swap3A_1521 = tpu.vector_load %arg9[%swap3A_1520] {strides = array<i32>} : memref<128xi32, #tpu.memory_space<vmem>>, vector<16xi32>,
        tpu.vector_store %arg9[%swap3A_1520], %shift_right_logical3A_1519 {strides = array<i32>} : memref<128xi32, #tpu.memory_space<vmem>>, vector<16xi32>,
        %get3A_1522 = arith.index_cast %add3A_1465 : i32 to index
        %get3A_1523 = arith.constant 112 : index
        %get3A_1524 = tpu.vector_load %arg7[%get3A_1522, %get3A_1523] {strides = array<i32>} : memref<200x128xi32, #tpu.memory_space<vmem>>, vector<16xi32>,
        %shift_right_logical3A_1525 = arith.constant 1 : i32
        %shift_right_logical3A_1526 = vector.broadcast %shift_right_logical3A_1525 : i32 to vector<16xi32>
        %shift_right_logical3A_1527 = arith.shrui %get3A_1524, %shift_right_logical3A_1526 : vector<16xi32>
        %swap3A_1528 = arith.constant 112 : index
        %swap3A_1529 = tpu.vector_load %arg9[%swap3A_1528] {strides = array<i32>} : memref<128xi32, #tpu.memory_space<vmem>>, vector<16xi32>,
        tpu.vector_store %arg9[%swap3A_1528], %shift_right_logical3A_1527 {strides = array<i32>} : memref<128xi32, #tpu.memory_space<vmem>>, vector<16xi32>,
        %add3A_1530 = arith.constant 4 : i32
        %add3A_1531 = arith.addi %add3A_1370, %add3A_1530 : i32
        %dma_start3A_1532 = arith.constant 0 : i32
        %dma_start3A_1533 = arith.constant 0 : i32
        %dma_start3A_1534 = tpu.memref_slice %arg3[%dma_start3A_1532, %dma_start3A_1533] : memref<500000x128xf32, #tpu.memory_space<hbm>> -> memref<500000x128xf32, #tpu.memory_space<hbm>>
        tpu.enqueue_indirect_dma source(%dma_start3A_1534 : memref<500000x128xf32, #tpu.memory_space<hbm>>) target(%arg13 : memref<128x128xf32, #tpu.memory_space<vmem>>) offsets(%arg9 : memref<128xi32, #tpu.memory_space<vmem>>) semaphore(%arg23 : memref<!tpu.dma_semaphore, #tpu.memory_space<semaphore_mem>>)
      } else {
      }
      %mul3A_1397 = arith.constant 4 : i32
      %mul3A_1398 = arith.muli %mul3A_1397, %scan3A_1340 : i32
      %add3A_1399 = arith.constant 2 : i32
      %add3A_1400 = arith.addi %mul3A_1398, %add3A_1399 : i32
      %dma_wait3A_1401 = arith.constant 0 : i32
      %dma_wait3A_1402 = arith.constant 0 : i32
      %dma_wait3A_1403 = tpu.memref_slice %arg3[%dma_wait3A_1401, %dma_wait3A_1402] : memref<500000x128xf32, #tpu.memory_space<hbm>> -> memref<500000x128xf32, #tpu.memory_space<hbm>>
      tpu.wait_indirect_dma semaphore(%arg24 : memref<!tpu.dma_semaphore, #tpu.memory_space<semaphore_mem>>) src(%dma_wait3A_1403 : memref<500000x128xf32, #tpu.memory_space<hbm>>) dst(%arg14 : memref<128x128xf32, #tpu.memory_space<vmem>>)
      %sub3A = arith.constant 2 : i32
      %sub3A_1404 = arith.subi %add3A_1400, %sub3A : i32
      %mul3A_1405 = arith.constant 128 : i32
      %mul3A_1406 = arith.muli %sub3A_1404, %mul3A_1405 : i32
      %add3A_1407 = arith.addi %mul3A_2, %mul3A_1406 : i32
      %dma_wait3A_1408 = arith.constant 0 : i32
      %dma_wait3A_1409 = tpu.memref_slice %arg6[%add3A_1407, %dma_wait3A_1408] : memref<819200x64xf32, #tpu.memory_space<hbm>> -> memref<128x64xf32, #tpu.memory_space<hbm>>
      %dma_wait3A_1410 = arith.constant 0 : i32
      %dma_wait3A_1411 = tpu.memref_slice %arg6[%add3A_1407, %dma_wait3A_1410] : memref<819200x64xf32, #tpu.memory_space<hbm>> -> memref<128x64xf32, #tpu.memory_space<hbm>>
      tpu.wait_dma2 semaphore(%arg26 : memref<!tpu.dma_semaphore, #tpu.memory_space<semaphore_mem>>) src(%arg16 : memref<128x64xf32, #tpu.memory_space<vmem>>) dst(%dma_wait3A_1411 : memref<128x64xf32, #tpu.memory_space<hbm>>)
      %scan3A_1412 = arith.constant 0 : i32
      %scan3A_1413 = arith.constant 0 : i32
      %scan3A_1414 = arith.constant 8 : i32
      %scan3A_1415 = arith.addi %scan3A_1413, %scan3A_1414 : i32
      %scan3A_1416 = arith.constant 1 : i32
      scf.for %scan3A_1464 = %scan3A_1413 to %scan3A_1415 step %scan3A_1416  : i32 {
        %mul3A_1465 = arith.constant 16 : i32
        %mul3A_1466 = arith.muli %scan3A_1464, %mul3A_1465 : i32
        %add3A_1467 = vector.broadcast %mul3A_1466 : i32 to vector<16xi32>
        %add3A_1468 = arith.addi %add3A_1467, %iota3A : vector<16xi32>
        %mul3A_1469 = arith.constant 16 : i32
        %mul3A_1470 = arith.muli %scan3A_1464, %mul3A_1469 : i32
        %get3A_1471 = arith.index_cast %add3A_1400 : i32 to index
        %get3A_1472 = arith.index_cast %mul3A_1470 : i32 to index
        %get3A_1473 = tpu.vector_load %arg7[%get3A_1471, %get3A_1472] {strides = array<i32>} : memref<200x128xi32, #tpu.memory_space<vmem>>, vector<16xi32>,
        %and3A_1474 = arith.constant 1 : i32
        %and3A_1475 = vector.broadcast %and3A_1474 : i32 to vector<16xi32>
        %and3A_1476 = arith.andi %get3A_1473, %and3A_1475 : vector<16xi32>
        %mul3A_1477 = arith.constant 64 : i32
        %mul3A_1478 = vector.broadcast %mul3A_1477 : i32 to vector<16xi32>
        %mul3A_1479 = arith.muli %and3A_1476, %mul3A_1478 : vector<16xi32>
        %scan3A_1480 = arith.constant 0 : i32
        %scan3A_1481 = arith.constant 8 : i32
        %scan3A_1482 = arith.addi %scan3A_1480, %scan3A_1481 : i32
        %scan3A_1483 = arith.constant 1 : i32
        %scan3A_1484:4 = scf.for %scan3A_1534 = %scan3A_1480 to %scan3A_1482 step %scan3A_1483 iter_args(%scan3A_1535 = %broadcast_in_dim3A_1026, %scan3A_1536 = %broadcast_in_dim3A_1026, %scan3A_1537 = %broadcast_in_dim3A_1026, %scan3A_1538 = %broadcast_in_dim3A_1026) -> (vector<16xf32>, vector<16xf32>, vector<16xf32>, vector<16xf32>)  : i32 {
          %mul3A_1539 = arith.constant 8 : i32
          %mul3A_1540 = arith.muli %scan3A_1534, %mul3A_1539 : i32
          %add3A_1541 = arith.constant 0 : i32
          %add3A_1542 = arith.addi %mul3A_1540, %add3A_1541 : i32
          %add3A_1543 = vector.broadcast %add3A_1542 : i32 to vector<16xi32>
          %add3A_1544 = arith.addi %iota3A, %add3A_1543 : vector<16xi32>
          %and3A_1545 = arith.constant 63 : i32
          %and3A_1546 = vector.broadcast %and3A_1545 : i32 to vector<16xi32>
          %and3A_1547 = arith.andi %add3A_1544, %and3A_1546 : vector<16xi32>
          %add3A_1548 = arith.addi %and3A_1547, %mul3A_1479 : vector<16xi32>
          %gather3A_1549 = tpu.vector_load_idx %arg14[%add3A_1468, %add3A_1548] : memref<128x128xf32, #tpu.memory_space<vmem>>[vector<16xi32>, vector<16xi32>], vector<16xf32>,
          %mul3A_1550 = arith.constant 8 : i32
          %mul3A_1551 = arith.muli %scan3A_1534, %mul3A_1550 : i32
          %add3A_1552 = arith.constant 1 : i32
          %add3A_1553 = arith.addi %mul3A_1551, %add3A_1552 : i32
          %add3A_1554 = vector.broadcast %add3A_1553 : i32 to vector<16xi32>
          %add3A_1555 = arith.addi %iota3A, %add3A_1554 : vector<16xi32>
          %and3A_1556 = arith.constant 63 : i32
          %and3A_1557 = vector.broadcast %and3A_1556 : i32 to vector<16xi32>
          %and3A_1558 = arith.andi %add3A_1555, %and3A_1557 : vector<16xi32>
          %add3A_1559 = arith.addi %and3A_1558, %mul3A_1479 : vector<16xi32>
          %gather3A_1560 = tpu.vector_load_idx %arg14[%add3A_1468, %add3A_1559] : memref<128x128xf32, #tpu.memory_space<vmem>>[vector<16xi32>, vector<16xi32>], vector<16xf32>,
          %mul3A_1561 = arith.constant 8 : i32
          %mul3A_1562 = arith.muli %scan3A_1534, %mul3A_1561 : i32
          %add3A_1563 = arith.constant 2 : i32
          %add3A_1564 = arith.addi %mul3A_1562, %add3A_1563 : i32
          %add3A_1565 = vector.broadcast %add3A_1564 : i32 to vector<16xi32>
          %add3A_1566 = arith.addi %iota3A, %add3A_1565 : vector<16xi32>
          %and3A_1567 = arith.constant 63 : i32
          %and3A_1568 = vector.broadcast %and3A_1567 : i32 to vector<16xi32>
          %and3A_1569 = arith.andi %add3A_1566, %and3A_1568 : vector<16xi32>
          %add3A_1570 = arith.addi %and3A_1569, %mul3A_1479 : vector<16xi32>
          %gather3A_1571 = tpu.vector_load_idx %arg14[%add3A_1468, %add3A_1570] : memref<128x128xf32, #tpu.memory_space<vmem>>[vector<16xi32>, vector<16xi32>], vector<16xf32>,
          %mul3A_1572 = arith.constant 8 : i32
          %mul3A_1573 = arith.muli %scan3A_1534, %mul3A_1572 : i32
          %add3A_1574 = arith.constant 3 : i32
          %add3A_1575 = arith.addi %mul3A_1573, %add3A_1574 : i32
          %add3A_1576 = vector.broadcast %add3A_1575 : i32 to vector<16xi32>
          %add3A_1577 = arith.addi %iota3A, %add3A_1576 : vector<16xi32>
          %and3A_1578 = arith.constant 63 : i32
          %and3A_1579 = vector.broadcast %and3A_1578 : i32 to vector<16xi32>
          %and3A_1580 = arith.andi %add3A_1577, %and3A_1579 : vector<16xi32>
          %add3A_1581 = arith.addi %and3A_1580, %mul3A_1479 : vector<16xi32>
          %gather3A_1582 = tpu.vector_load_idx %arg14[%add3A_1468, %add3A_1581] : memref<128x128xf32, #tpu.memory_space<vmem>>[vector<16xi32>, vector<16xi32>], vector<16xf32>,
          %mul3A_1583 = arith.constant 8 : i32
          %mul3A_1584 = arith.muli %scan3A_1534, %mul3A_1583 : i32
          %add3A_1585 = arith.constant 4 : i32
          %add3A_1586 = arith.addi %mul3A_1584, %add3A_1585 : i32
          %add3A_1587 = vector.broadcast %add3A_1586 : i32 to vector<16xi32>
          %add3A_1588 = arith.addi %iota3A, %add3A_1587 : vector<16xi32>
          %and3A_1589 = arith.constant 63 : i32
          %and3A_1590 = vector.broadcast %and3A_1589 : i32 to vector<16xi32>
          %and3A_1591 = arith.andi %add3A_1588, %and3A_1590 : vector<16xi32>
          %add3A_1592 = arith.addi %and3A_1591, %mul3A_1479 : vector<16xi32>
          %gather3A_1593 = tpu.vector_load_idx %arg14[%add3A_1468, %add3A_1592] : memref<128x128xf32, #tpu.memory_space<vmem>>[vector<16xi32>, vector<16xi32>], vector<16xf32>,
          %mul3A_1594 = arith.constant 8 : i32
          %mul3A_1595 = arith.muli %scan3A_1534, %mul3A_1594 : i32
          %add3A_1596 = arith.constant 5 : i32
          %add3A_1597 = arith.addi %mul3A_1595, %add3A_1596 : i32
          %add3A_1598 = vector.broadcast %add3A_1597 : i32 to vector<16xi32>
          %add3A_1599 = arith.addi %iota3A, %add3A_1598 : vector<16xi32>
          %and3A_1600 = arith.constant 63 : i32
          %and3A_1601 = vector.broadcast %and3A_1600 : i32 to vector<16xi32>
          %and3A_1602 = arith.andi %add3A_1599, %and3A_1601 : vector<16xi32>
          %add3A_1603 = arith.addi %and3A_1602, %mul3A_1479 : vector<16xi32>
          %gather3A_1604 = tpu.vector_load_idx %arg14[%add3A_1468, %add3A_1603] : memref<128x128xf32, #tpu.memory_space<vmem>>[vector<16xi32>, vector<16xi32>], vector<16xf32>,
          %mul3A_1605 = arith.constant 8 : i32
          %mul3A_1606 = arith.muli %scan3A_1534, %mul3A_1605 : i32
          %add3A_1607 = arith.constant 6 : i32
          %add3A_1608 = arith.addi %mul3A_1606, %add3A_1607 : i32
          %add3A_1609 = vector.broadcast %add3A_1608 : i32 to vector<16xi32>
          %add3A_1610 = arith.addi %iota3A, %add3A_1609 : vector<16xi32>
          %and3A_1611 = arith.constant 63 : i32
          %and3A_1612 = vector.broadcast %and3A_1611 : i32 to vector<16xi32>
          %and3A_1613 = arith.andi %add3A_1610, %and3A_1612 : vector<16xi32>
          %add3A_1614 = arith.addi %and3A_1613, %mul3A_1479 : vector<16xi32>
          %gather3A_1615 = tpu.vector_load_idx %arg14[%add3A_1468, %add3A_1614] : memref<128x128xf32, #tpu.memory_space<vmem>>[vector<16xi32>, vector<16xi32>], vector<16xf32>,
          %mul3A_1616 = arith.constant 8 : i32
          %mul3A_1617 = arith.muli %scan3A_1534, %mul3A_1616 : i32
          %add3A_1618 = arith.constant 7 : i32
          %add3A_1619 = arith.addi %mul3A_1617, %add3A_1618 : i32
          %add3A_1620 = vector.broadcast %add3A_1619 : i32 to vector<16xi32>
          %add3A_1621 = arith.addi %iota3A, %add3A_1620 : vector<16xi32>
          %and3A_1622 = arith.constant 63 : i32
          %and3A_1623 = vector.broadcast %and3A_1622 : i32 to vector<16xi32>
          %and3A_1624 = arith.andi %add3A_1621, %and3A_1623 : vector<16xi32>
          %add3A_1625 = arith.addi %and3A_1624, %mul3A_1479 : vector<16xi32>
          %gather3A_1626 = tpu.vector_load_idx %arg14[%add3A_1468, %add3A_1625] : memref<128x128xf32, #tpu.memory_space<vmem>>[vector<16xi32>, vector<16xi32>], vector<16xf32>,
          %add3A_1627 = arith.addf %scan3A_1535, %gather3A_1549 : vector<16xf32>
          %mul3A_1628 = arith.mulf %gather3A_1549, %gather3A_1549 : vector<16xf32>
          %add3A_1629 = arith.addf %scan3A_1537, %mul3A_1628 : vector<16xf32>
          %add3A_1630 = arith.addf %scan3A_1536, %gather3A_1560 : vector<16xf32>
          %mul3A_1631 = arith.mulf %gather3A_1560, %gather3A_1560 : vector<16xf32>
          %add3A_1632 = arith.addf %scan3A_1538, %mul3A_1631 : vector<16xf32>
          %add3A_1633 = arith.addf %add3A_1627, %gather3A_1571 : vector<16xf32>
          %mul3A_1634 = arith.mulf %gather3A_1571, %gather3A_1571 : vector<16xf32>
          %add3A_1635 = arith.addf %add3A_1629, %mul3A_1634 : vector<16xf32>
          %add3A_1636 = arith.addf %add3A_1630, %gather3A_1582 : vector<16xf32>
          %mul3A_1637 = arith.mulf %gather3A_1582, %gather3A_1582 : vector<16xf32>
          %add3A_1638 = arith.addf %add3A_1632, %mul3A_1637 : vector<16xf32>
          %add3A_1639 = arith.addf %add3A_1633, %gather3A_1593 : vector<16xf32>
          %mul3A_1640 = arith.mulf %gather3A_1593, %gather3A_1593 : vector<16xf32>
          %add3A_1641 = arith.addf %add3A_1635, %mul3A_1640 : vector<16xf32>
          %add3A_1642 = arith.addf %add3A_1636, %gather3A_1604 : vector<16xf32>
          %mul3A_1643 = arith.mulf %gather3A_1604, %gather3A_1604 : vector<16xf32>
          %add3A_1644 = arith.addf %add3A_1638, %mul3A_1643 : vector<16xf32>
          %add3A_1645 = arith.addf %add3A_1639, %gather3A_1615 : vector<16xf32>
          %mul3A_1646 = arith.mulf %gather3A_1615, %gather3A_1615 : vector<16xf32>
          %add3A_1647 = arith.addf %add3A_1641, %mul3A_1646 : vector<16xf32>
          %add3A_1648 = arith.addf %add3A_1642, %gather3A_1626 : vector<16xf32>
          %mul3A_1649 = arith.mulf %gather3A_1626, %gather3A_1626 : vector<16xf32>
          %add3A_1650 = arith.addf %add3A_1644, %mul3A_1649 : vector<16xf32>
          scf.yield %add3A_1645, %add3A_1648, %add3A_1647, %add3A_1650 : vector<16xf32>, vector<16xf32>, vector<16xf32>, vector<16xf32>
        }
        %scan3A_1485 = arith.constant 8 : i32
        %add3A_1486 = arith.addf %scan3A_1484#0, %scan3A_1484#1 : vector<16xf32>
        %mul3A_1487 = arith.constant 1.562500e-02 : f32
        %mul3A_1488 = vector.broadcast %mul3A_1487 : f32 to vector<16xf32>
        %mul3A_1489 = arith.mulf %add3A_1486, %mul3A_1488 : vector<16xf32>
        %add3A_1490 = arith.addf %scan3A_1484#2, %scan3A_1484#3 : vector<16xf32>
        %mul3A_1491 = arith.constant 1.562500e-02 : f32
        %mul3A_1492 = vector.broadcast %mul3A_1491 : f32 to vector<16xf32>
        %mul3A_1493 = arith.mulf %add3A_1490, %mul3A_1492 : vector<16xf32>
        %mul3A_1494 = arith.mulf %mul3A_1489, %mul3A_1489 : vector<16xf32>
        %sub3A_1495 = arith.subf %mul3A_1493, %mul3A_1494 : vector<16xf32>
        %add3A_1496 = arith.constant 9.99999974E-6 : f32
        %add3A_1497 = vector.broadcast %add3A_1496 : f32 to vector<16xf32>
        %add3A_1498 = arith.addf %sub3A_1495, %add3A_1497 : vector<16xf32>
        %bitcast3A = vector.bitcast %add3A_1498 : vector<16xf32> to vector<16xi32>
        %shift_right_logical3A_1499 = arith.constant 1 : i32
        %shift_right_logical3A_1500 = vector.broadcast %shift_right_logical3A_1499 : i32 to vector<16xi32>
        %shift_right_logical3A_1501 = arith.shrui %bitcast3A, %shift_right_logical3A_1500 : vector<16xi32>
        %sub3A_1502 = arith.constant 1597463007 : i32
        %sub3A_1503 = vector.broadcast %sub3A_1502 : i32 to vector<16xi32>
        %sub3A_1504 = arith.subi %sub3A_1503, %shift_right_logical3A_1501 : vector<16xi32>
        %bitcast3A_1505 = vector.bitcast %sub3A_1504 : vector<16xi32> to vector<16xf32>
        %mul3A_1506 = arith.constant 5.000000e-01 : f32
        %mul3A_1507 = vector.broadcast %mul3A_1506 : f32 to vector<16xf32>
        %mul3A_1508 = arith.mulf %add3A_1498, %mul3A_1507 : vector<16xf32>
        %mul3A_1509 = arith.mulf %mul3A_1508, %bitcast3A_1505 : vector<16xf32>
        %mul3A_1510 = arith.mulf %mul3A_1509, %bitcast3A_1505 : vector<16xf32>
        %sub3A_1511 = arith.constant 1.500000e+00 : f32
        %sub3A_1512 = vector.broadcast %sub3A_1511 : f32 to vector<16xf32>
        %sub3A_1513 = arith.subf %sub3A_1512, %mul3A_1510 : vector<16xf32>
        %mul3A_1514 = arith.mulf %bitcast3A_1505, %sub3A_1513 : vector<16xf32>
        %mul3A_1515 = arith.mulf %mul3A_1508, %mul3A_1514 : vector<16xf32>
        %mul3A_1516 = arith.mulf %mul3A_1515, %mul3A_1514 : vector<16xf32>
        %sub3A_1517 = arith.constant 1.500000e+00 : f32
        %sub3A_1518 = vector.broadcast %sub3A_1517 : f32 to vector<16xf32>
        %sub3A_1519 = arith.subf %sub3A_1518, %mul3A_1516 : vector<16xf32>
        %mul3A_1520 = arith.mulf %mul3A_1514, %sub3A_1519 : vector<16xf32>
        %mul3A_1521 = arith.mulf %mul3A_1508, %mul3A_1520 : vector<16xf32>
        %mul3A_1522 = arith.mulf %mul3A_1521, %mul3A_1520 : vector<16xf32>
        %sub3A_1523 = arith.constant 1.500000e+00 : f32
        %sub3A_1524 = vector.broadcast %sub3A_1523 : f32 to vector<16xf32>
        %sub3A_1525 = arith.subf %sub3A_1524, %mul3A_1522 : vector<16xf32>
        %mul3A_1526 = arith.mulf %mul3A_1520, %sub3A_1525 : vector<16xf32>
        %mul3A_1527 = arith.mulf %mul3A_1489, %mul3A_1526 : vector<16xf32>
        %scan3A_1528 = arith.constant 0 : i32
        %scan3A_1529 = arith.constant 0 : i32
        %scan3A_1530 = arith.constant 8 : i32
        %scan3A_1531 = arith.addi %scan3A_1529, %scan3A_1530 : i32
        %scan3A_1532 = arith.constant 1 : i32
        scf.for %scan3A_1534 = %scan3A_1529 to %scan3A_1531 step %scan3A_1532  : i32 {
          %mul3A_1535 = arith.constant 8 : i32
          %mul3A_1536 = arith.muli %scan3A_1534, %mul3A_1535 : i32
          %add3A_1537 = arith.constant 0 : i32
          %add3A_1538 = arith.addi %mul3A_1536, %add3A_1537 : i32
          %add3A_1539 = vector.broadcast %add3A_1538 : i32 to vector<16xi32>
          %add3A_1540 = arith.addi %iota3A, %add3A_1539 : vector<16xi32>
          %and3A_1541 = arith.constant 63 : i32
          %and3A_1542 = vector.broadcast %and3A_1541 : i32 to vector<16xi32>
          %and3A_1543 = arith.andi %add3A_1540, %and3A_1542 : vector<16xi32>
          %add3A_1544 = arith.addi %and3A_1543, %mul3A_1479 : vector<16xi32>
          %gather3A_1545 = tpu.vector_load_idx %arg14[%add3A_1468, %add3A_1544] : memref<128x128xf32, #tpu.memory_space<vmem>>[vector<16xi32>, vector<16xi32>], vector<16xf32>,
          %get3A_1546 = arith.index_cast %scan3A_1534 : i32 to index
          %get3A_1547 = arith.constant 0 : index
          %get3A_1548 = tpu.vector_load %arg20[%get3A_1546, %get3A_1547] {strides = array<i32>} : memref<8x128xf32, #tpu.memory_space<vmem>>, vector<16xf32>,
          %get3A_1549 = arith.index_cast %scan3A_1534 : i32 to index
          %get3A_1550 = arith.constant 0 : index
          %get3A_1551 = tpu.vector_load %arg21[%get3A_1549, %get3A_1550] {strides = array<i32>} : memref<8x128xf32, #tpu.memory_space<vmem>>, vector<16xf32>,
          %mul3A_1552 = arith.constant 8 : i32
          %mul3A_1553 = arith.muli %scan3A_1534, %mul3A_1552 : i32
          %add3A_1554 = arith.constant 1 : i32
          %add3A_1555 = arith.addi %mul3A_1553, %add3A_1554 : i32
          %add3A_1556 = vector.broadcast %add3A_1555 : i32 to vector<16xi32>
          %add3A_1557 = arith.addi %iota3A, %add3A_1556 : vector<16xi32>
          %and3A_1558 = arith.constant 63 : i32
          %and3A_1559 = vector.broadcast %and3A_1558 : i32 to vector<16xi32>
          %and3A_1560 = arith.andi %add3A_1557, %and3A_1559 : vector<16xi32>
          %add3A_1561 = arith.addi %and3A_1560, %mul3A_1479 : vector<16xi32>
          %gather3A_1562 = tpu.vector_load_idx %arg14[%add3A_1468, %add3A_1561] : memref<128x128xf32, #tpu.memory_space<vmem>>[vector<16xi32>, vector<16xi32>], vector<16xf32>,
          %get3A_1563 = arith.index_cast %scan3A_1534 : i32 to index
          %get3A_1564 = arith.constant 16 : index
          %get3A_1565 = tpu.vector_load %arg20[%get3A_1563, %get3A_1564] {strides = array<i32>} : memref<8x128xf32, #tpu.memory_space<vmem>>, vector<16xf32>,
          %get3A_1566 = arith.index_cast %scan3A_1534 : i32 to index
          %get3A_1567 = arith.constant 16 : index
          %get3A_1568 = tpu.vector_load %arg21[%get3A_1566, %get3A_1567] {strides = array<i32>} : memref<8x128xf32, #tpu.memory_space<vmem>>, vector<16xf32>,
          %mul3A_1569 = arith.constant 8 : i32
          %mul3A_1570 = arith.muli %scan3A_1534, %mul3A_1569 : i32
          %add3A_1571 = arith.constant 2 : i32
          %add3A_1572 = arith.addi %mul3A_1570, %add3A_1571 : i32
          %add3A_1573 = vector.broadcast %add3A_1572 : i32 to vector<16xi32>
          %add3A_1574 = arith.addi %iota3A, %add3A_1573 : vector<16xi32>
          %and3A_1575 = arith.constant 63 : i32
          %and3A_1576 = vector.broadcast %and3A_1575 : i32 to vector<16xi32>
          %and3A_1577 = arith.andi %add3A_1574, %and3A_1576 : vector<16xi32>
          %add3A_1578 = arith.addi %and3A_1577, %mul3A_1479 : vector<16xi32>
          %gather3A_1579 = tpu.vector_load_idx %arg14[%add3A_1468, %add3A_1578] : memref<128x128xf32, #tpu.memory_space<vmem>>[vector<16xi32>, vector<16xi32>], vector<16xf32>,
          %get3A_1580 = arith.index_cast %scan3A_1534 : i32 to index
          %get3A_1581 = arith.constant 32 : index
          %get3A_1582 = tpu.vector_load %arg20[%get3A_1580, %get3A_1581] {strides = array<i32>} : memref<8x128xf32, #tpu.memory_space<vmem>>, vector<16xf32>,
          %get3A_1583 = arith.index_cast %scan3A_1534 : i32 to index
          %get3A_1584 = arith.constant 32 : index
          %get3A_1585 = tpu.vector_load %arg21[%get3A_1583, %get3A_1584] {strides = array<i32>} : memref<8x128xf32, #tpu.memory_space<vmem>>, vector<16xf32>,
          %mul3A_1586 = arith.constant 8 : i32
          %mul3A_1587 = arith.muli %scan3A_1534, %mul3A_1586 : i32
          %add3A_1588 = arith.constant 3 : i32
          %add3A_1589 = arith.addi %mul3A_1587, %add3A_1588 : i32
          %add3A_1590 = vector.broadcast %add3A_1589 : i32 to vector<16xi32>
          %add3A_1591 = arith.addi %iota3A, %add3A_1590 : vector<16xi32>
          %and3A_1592 = arith.constant 63 : i32
          %and3A_1593 = vector.broadcast %and3A_1592 : i32 to vector<16xi32>
          %and3A_1594 = arith.andi %add3A_1591, %and3A_1593 : vector<16xi32>
          %add3A_1595 = arith.addi %and3A_1594, %mul3A_1479 : vector<16xi32>
          %gather3A_1596 = tpu.vector_load_idx %arg14[%add3A_1468, %add3A_1595] : memref<128x128xf32, #tpu.memory_space<vmem>>[vector<16xi32>, vector<16xi32>], vector<16xf32>,
          %get3A_1597 = arith.index_cast %scan3A_1534 : i32 to index
          %get3A_1598 = arith.constant 48 : index
          %get3A_1599 = tpu.vector_load %arg20[%get3A_1597, %get3A_1598] {strides = array<i32>} : memref<8x128xf32, #tpu.memory_space<vmem>>, vector<16xf32>,
          %get3A_1600 = arith.index_cast %scan3A_1534 : i32 to index
          %get3A_1601 = arith.constant 48 : index
          %get3A_1602 = tpu.vector_load %arg21[%get3A_1600, %get3A_1601] {strides = array<i32>} : memref<8x128xf32, #tpu.memory_space<vmem>>, vector<16xf32>,
          %mul3A_1603 = arith.constant 8 : i32
          %mul3A_1604 = arith.muli %scan3A_1534, %mul3A_1603 : i32
          %add3A_1605 = arith.constant 4 : i32
          %add3A_1606 = arith.addi %mul3A_1604, %add3A_1605 : i32
          %add3A_1607 = vector.broadcast %add3A_1606 : i32 to vector<16xi32>
          %add3A_1608 = arith.addi %iota3A, %add3A_1607 : vector<16xi32>
          %and3A_1609 = arith.constant 63 : i32
          %and3A_1610 = vector.broadcast %and3A_1609 : i32 to vector<16xi32>
          %and3A_1611 = arith.andi %add3A_1608, %and3A_1610 : vector<16xi32>
          %add3A_1612 = arith.addi %and3A_1611, %mul3A_1479 : vector<16xi32>
          %gather3A_1613 = tpu.vector_load_idx %arg14[%add3A_1468, %add3A_1612] : memref<128x128xf32, #tpu.memory_space<vmem>>[vector<16xi32>, vector<16xi32>], vector<16xf32>,
          %get3A_1614 = arith.index_cast %scan3A_1534 : i32 to index
          %get3A_1615 = arith.constant 64 : index
          %get3A_1616 = tpu.vector_load %arg20[%get3A_1614, %get3A_1615] {strides = array<i32>} : memref<8x128xf32, #tpu.memory_space<vmem>>, vector<16xf32>,
          %get3A_1617 = arith.index_cast %scan3A_1534 : i32 to index
          %get3A_1618 = arith.constant 64 : index
          %get3A_1619 = tpu.vector_load %arg21[%get3A_1617, %get3A_1618] {strides = array<i32>} : memref<8x128xf32, #tpu.memory_space<vmem>>, vector<16xf32>,
          %mul3A_1620 = arith.constant 8 : i32
          %mul3A_1621 = arith.muli %scan3A_1534, %mul3A_1620 : i32
          %add3A_1622 = arith.constant 5 : i32
          %add3A_1623 = arith.addi %mul3A_1621, %add3A_1622 : i32
          %add3A_1624 = vector.broadcast %add3A_1623 : i32 to vector<16xi32>
          %add3A_1625 = arith.addi %iota3A, %add3A_1624 : vector<16xi32>
          %and3A_1626 = arith.constant 63 : i32
          %and3A_1627 = vector.broadcast %and3A_1626 : i32 to vector<16xi32>
          %and3A_1628 = arith.andi %add3A_1625, %and3A_1627 : vector<16xi32>
          %add3A_1629 = arith.addi %and3A_1628, %mul3A_1479 : vector<16xi32>
          %gather3A_1630 = tpu.vector_load_idx %arg14[%add3A_1468, %add3A_1629] : memref<128x128xf32, #tpu.memory_space<vmem>>[vector<16xi32>, vector<16xi32>], vector<16xf32>,
          %get3A_1631 = arith.index_cast %scan3A_1534 : i32 to index
          %get3A_1632 = arith.constant 80 : index
          %get3A_1633 = tpu.vector_load %arg20[%get3A_1631, %get3A_1632] {strides = array<i32>} : memref<8x128xf32, #tpu.memory_space<vmem>>, vector<16xf32>,
          %get3A_1634 = arith.index_cast %scan3A_1534 : i32 to index
          %get3A_1635 = arith.constant 80 : index
          %get3A_1636 = tpu.vector_load %arg21[%get3A_1634, %get3A_1635] {strides = array<i32>} : memref<8x128xf32, #tpu.memory_space<vmem>>, vector<16xf32>,
          %mul3A_1637 = arith.constant 8 : i32
          %mul3A_1638 = arith.muli %scan3A_1534, %mul3A_1637 : i32
          %add3A_1639 = arith.constant 6 : i32
          %add3A_1640 = arith.addi %mul3A_1638, %add3A_1639 : i32
          %add3A_1641 = vector.broadcast %add3A_1640 : i32 to vector<16xi32>
          %add3A_1642 = arith.addi %iota3A, %add3A_1641 : vector<16xi32>
          %and3A_1643 = arith.constant 63 : i32
          %and3A_1644 = vector.broadcast %and3A_1643 : i32 to vector<16xi32>
          %and3A_1645 = arith.andi %add3A_1642, %and3A_1644 : vector<16xi32>
          %add3A_1646 = arith.addi %and3A_1645, %mul3A_1479 : vector<16xi32>
          %gather3A_1647 = tpu.vector_load_idx %arg14[%add3A_1468, %add3A_1646] : memref<128x128xf32, #tpu.memory_space<vmem>>[vector<16xi32>, vector<16xi32>], vector<16xf32>,
          %get3A_1648 = arith.index_cast %scan3A_1534 : i32 to index
          %get3A_1649 = arith.constant 96 : index
          %get3A_1650 = tpu.vector_load %arg20[%get3A_1648, %get3A_1649] {strides = array<i32>} : memref<8x128xf32, #tpu.memory_space<vmem>>, vector<16xf32>,
          %get3A_1651 = arith.index_cast %scan3A_1534 : i32 to index
          %get3A_1652 = arith.constant 96 : index
          %get3A_1653 = tpu.vector_load %arg21[%get3A_1651, %get3A_1652] {strides = array<i32>} : memref<8x128xf32, #tpu.memory_space<vmem>>, vector<16xf32>,
          %mul3A_1654 = arith.constant 8 : i32
          %mul3A_1655 = arith.muli %scan3A_1534, %mul3A_1654 : i32
          %add3A_1656 = arith.constant 7 : i32
          %add3A_1657 = arith.addi %mul3A_1655, %add3A_1656 : i32
          %add3A_1658 = vector.broadcast %add3A_1657 : i32 to vector<16xi32>
          %add3A_1659 = arith.addi %iota3A, %add3A_1658 : vector<16xi32>
          %and3A_1660 = arith.constant 63 : i32
          %and3A_1661 = vector.broadcast %and3A_1660 : i32 to vector<16xi32>
          %and3A_1662 = arith.andi %add3A_1659, %and3A_1661 : vector<16xi32>
          %add3A_1663 = arith.addi %and3A_1662, %mul3A_1479 : vector<16xi32>
          %gather3A_1664 = tpu.vector_load_idx %arg14[%add3A_1468, %add3A_1663] : memref<128x128xf32, #tpu.memory_space<vmem>>[vector<16xi32>, vector<16xi32>], vector<16xf32>,
          %get3A_1665 = arith.index_cast %scan3A_1534 : i32 to index
          %get3A_1666 = arith.constant 112 : index
          %get3A_1667 = tpu.vector_load %arg20[%get3A_1665, %get3A_1666] {strides = array<i32>} : memref<8x128xf32, #tpu.memory_space<vmem>>, vector<16xf32>,
          %get3A_1668 = arith.index_cast %scan3A_1534 : i32 to index
          %get3A_1669 = arith.constant 112 : index
          %get3A_1670 = tpu.vector_load %arg21[%get3A_1668, %get3A_1669] {strides = array<i32>} : memref<8x128xf32, #tpu.memory_space<vmem>>, vector<16xf32>,
          %mul3A_1671 = arith.mulf %gather3A_1545, %mul3A_1526 : vector<16xf32>
          %sub3A_1672 = arith.subf %mul3A_1671, %mul3A_1527 : vector<16xf32>
          %mul3A_1673 = arith.mulf %sub3A_1672, %get3A_1548 : vector<16xf32>
          %add3A_1674 = arith.addf %mul3A_1673, %get3A_1551 : vector<16xf32>
          tpu.vector_store_idx %arg16[%add3A_1468, %and3A_1543], %add3A_1674 : memref<128x64xf32, #tpu.memory_space<vmem>>[vector<16xi32>, vector<16xi32>], vector<16xf32>,
          %mul3A_1675 = arith.mulf %gather3A_1562, %mul3A_1526 : vector<16xf32>
          %sub3A_1676 = arith.subf %mul3A_1675, %mul3A_1527 : vector<16xf32>
          %mul3A_1677 = arith.mulf %sub3A_1676, %get3A_1565 : vector<16xf32>
          %add3A_1678 = arith.addf %mul3A_1677, %get3A_1568 : vector<16xf32>
          tpu.vector_store_idx %arg16[%add3A_1468, %and3A_1560], %add3A_1678 : memref<128x64xf32, #tpu.memory_space<vmem>>[vector<16xi32>, vector<16xi32>], vector<16xf32>,
          %mul3A_1679 = arith.mulf %gather3A_1579, %mul3A_1526 : vector<16xf32>
          %sub3A_1680 = arith.subf %mul3A_1679, %mul3A_1527 : vector<16xf32>
          %mul3A_1681 = arith.mulf %sub3A_1680, %get3A_1582 : vector<16xf32>
          %add3A_1682 = arith.addf %mul3A_1681, %get3A_1585 : vector<16xf32>
          tpu.vector_store_idx %arg16[%add3A_1468, %and3A_1577], %add3A_1682 : memref<128x64xf32, #tpu.memory_space<vmem>>[vector<16xi32>, vector<16xi32>], vector<16xf32>,
          %mul3A_1683 = arith.mulf %gather3A_1596, %mul3A_1526 : vector<16xf32>
          %sub3A_1684 = arith.subf %mul3A_1683, %mul3A_1527 : vector<16xf32>
          %mul3A_1685 = arith.mulf %sub3A_1684, %get3A_1599 : vector<16xf32>
          %add3A_1686 = arith.addf %mul3A_1685, %get3A_1602 : vector<16xf32>
          tpu.vector_store_idx %arg16[%add3A_1468, %and3A_1594], %add3A_1686 : memref<128x64xf32, #tpu.memory_space<vmem>>[vector<16xi32>, vector<16xi32>], vector<16xf32>,
          %mul3A_1687 = arith.mulf %gather3A_1613, %mul3A_1526 : vector<16xf32>
          %sub3A_1688 = arith.subf %mul3A_1687, %mul3A_1527 : vector<16xf32>
          %mul3A_1689 = arith.mulf %sub3A_1688, %get3A_1616 : vector<16xf32>
          %add3A_1690 = arith.addf %mul3A_1689, %get3A_1619 : vector<16xf32>
          tpu.vector_store_idx %arg16[%add3A_1468, %and3A_1611], %add3A_1690 : memref<128x64xf32, #tpu.memory_space<vmem>>[vector<16xi32>, vector<16xi32>], vector<16xf32>,
          %mul3A_1691 = arith.mulf %gather3A_1630, %mul3A_1526 : vector<16xf32>
          %sub3A_1692 = arith.subf %mul3A_1691, %mul3A_1527 : vector<16xf32>
          %mul3A_1693 = arith.mulf %sub3A_1692, %get3A_1633 : vector<16xf32>
          %add3A_1694 = arith.addf %mul3A_1693, %get3A_1636 : vector<16xf32>
          tpu.vector_store_idx %arg16[%add3A_1468, %and3A_1628], %add3A_1694 : memref<128x64xf32, #tpu.memory_space<vmem>>[vector<16xi32>, vector<16xi32>], vector<16xf32>,
          %mul3A_1695 = arith.mulf %gather3A_1647, %mul3A_1526 : vector<16xf32>
          %sub3A_1696 = arith.subf %mul3A_1695, %mul3A_1527 : vector<16xf32>
          %mul3A_1697 = arith.mulf %sub3A_1696, %get3A_1650 : vector<16xf32>
          %add3A_1698 = arith.addf %mul3A_1697, %get3A_1653 : vector<16xf32>
          tpu.vector_store_idx %arg16[%add3A_1468, %and3A_1645], %add3A_1698 : memref<128x64xf32, #tpu.memory_space<vmem>>[vector<16xi32>, vector<16xi32>], vector<16xf32>,
          %mul3A_1699 = arith.mulf %gather3A_1664, %mul3A_1526 : vector<16xf32>
          %sub3A_1700 = arith.subf %mul3A_1699, %mul3A_1527 : vector<16xf32>
          %mul3A_1701 = arith.mulf %sub3A_1700, %get3A_1667 : vector<16xf32>
          %add3A_1702 = arith.addf %mul3A_1701, %get3A_1670 : vector<16xf32>
          tpu.vector_store_idx %arg16[%add3A_1468, %and3A_1662], %add3A_1702 : memref<128x64xf32, #tpu.memory_space<vmem>>[vector<16xi32>, vector<16xi32>], vector<16xf32>,
        }
        %scan3A_1533 = arith.constant 8 : i32
      }
      %scan3A_1417 = arith.constant 8 : i32
      %mul3A_1418 = arith.constant 128 : i32
      %mul3A_1419 = arith.muli %add3A_1400, %mul3A_1418 : i32
      %add3A_1420 = arith.addi %mul3A_2, %mul3A_1419 : i32
      %dma_start3A_1421 = arith.constant 0 : i32
      %dma_start3A_1422 = tpu.memref_slice %arg6[%add3A_1420, %dma_start3A_1421] : memref<819200x64xf32, #tpu.memory_space<hbm>> -> memref<128x64xf32, #tpu.memory_space<hbm>>
      %dma_start3A_1423 = arith.constant 0 : i32
      %dma_start3A_1424 = tpu.memref_slice %arg6[%add3A_1420, %dma_start3A_1423] : memref<819200x64xf32, #tpu.memory_space<hbm>> -> memref<128x64xf32, #tpu.memory_space<hbm>>
      tpu.enqueue_dma source(%arg16 : memref<128x64xf32, #tpu.memory_space<vmem>>) target(%dma_start3A_1424 : memref<128x64xf32, #tpu.memory_space<hbm>>) target_semaphore(%arg26 : memref<!tpu.dma_semaphore, #tpu.memory_space<semaphore_mem>>)
      %lt3A_1425 = arith.constant 49 : i32
      %lt3A_1426 = arith.cmpi slt, %scan3A_1340, %lt3A_1425 : i32
      %convert_element_type3A_1427 = arith.extui %lt3A_1426 : i1 to i32
      %cond3A_1428 = arith.constant 0 : i32
      %cond3A_1429 = arith.cmpi ne, %convert_element_type3A_1427, %cond3A_1428 : i32
      scf.if %cond3A_1429 {
        %add3A_1464 = arith.constant 4 : i32
        %add3A_1465 = arith.addi %add3A_1400, %add3A_1464 : i32
        %get3A_1466 = arith.index_cast %add3A_1465 : i32 to index
        %get3A_1467 = arith.constant 0 : index
        %get3A_1468 = tpu.vector_load %arg7[%get3A_1466, %get3A_1467] {strides = array<i32>} : memref<200x128xi32, #tpu.memory_space<vmem>>, vector<16xi32>,
        %shift_right_logical3A_1469 = arith.constant 1 : i32
        %shift_right_logical3A_1470 = vector.broadcast %shift_right_logical3A_1469 : i32 to vector<16xi32>
        %shift_right_logical3A_1471 = arith.shrui %get3A_1468, %shift_right_logical3A_1470 : vector<16xi32>
        %swap3A_1472 = arith.constant 0 : index
        %swap3A_1473 = tpu.vector_load %arg10[%swap3A_1472] {strides = array<i32>} : memref<128xi32, #tpu.memory_space<vmem>>, vector<16xi32>,
        tpu.vector_store %arg10[%swap3A_1472], %shift_right_logical3A_1471 {strides = array<i32>} : memref<128xi32, #tpu.memory_space<vmem>>, vector<16xi32>,
        %get3A_1474 = arith.index_cast %add3A_1465 : i32 to index
        %get3A_1475 = arith.constant 16 : index
        %get3A_1476 = tpu.vector_load %arg7[%get3A_1474, %get3A_1475] {strides = array<i32>} : memref<200x128xi32, #tpu.memory_space<vmem>>, vector<16xi32>,
        %shift_right_logical3A_1477 = arith.constant 1 : i32
        %shift_right_logical3A_1478 = vector.broadcast %shift_right_logical3A_1477 : i32 to vector<16xi32>
        %shift_right_logical3A_1479 = arith.shrui %get3A_1476, %shift_right_logical3A_1478 : vector<16xi32>
        %swap3A_1480 = arith.constant 16 : index
        %swap3A_1481 = tpu.vector_load %arg10[%swap3A_1480] {strides = array<i32>} : memref<128xi32, #tpu.memory_space<vmem>>, vector<16xi32>,
        tpu.vector_store %arg10[%swap3A_1480], %shift_right_logical3A_1479 {strides = array<i32>} : memref<128xi32, #tpu.memory_space<vmem>>, vector<16xi32>,
        %get3A_1482 = arith.index_cast %add3A_1465 : i32 to index
        %get3A_1483 = arith.constant 32 : index
        %get3A_1484 = tpu.vector_load %arg7[%get3A_1482, %get3A_1483] {strides = array<i32>} : memref<200x128xi32, #tpu.memory_space<vmem>>, vector<16xi32>,
        %shift_right_logical3A_1485 = arith.constant 1 : i32
        %shift_right_logical3A_1486 = vector.broadcast %shift_right_logical3A_1485 : i32 to vector<16xi32>
        %shift_right_logical3A_1487 = arith.shrui %get3A_1484, %shift_right_logical3A_1486 : vector<16xi32>
        %swap3A_1488 = arith.constant 32 : index
        %swap3A_1489 = tpu.vector_load %arg10[%swap3A_1488] {strides = array<i32>} : memref<128xi32, #tpu.memory_space<vmem>>, vector<16xi32>,
        tpu.vector_store %arg10[%swap3A_1488], %shift_right_logical3A_1487 {strides = array<i32>} : memref<128xi32, #tpu.memory_space<vmem>>, vector<16xi32>,
        %get3A_1490 = arith.index_cast %add3A_1465 : i32 to index
        %get3A_1491 = arith.constant 48 : index
        %get3A_1492 = tpu.vector_load %arg7[%get3A_1490, %get3A_1491] {strides = array<i32>} : memref<200x128xi32, #tpu.memory_space<vmem>>, vector<16xi32>,
        %shift_right_logical3A_1493 = arith.constant 1 : i32
        %shift_right_logical3A_1494 = vector.broadcast %shift_right_logical3A_1493 : i32 to vector<16xi32>
        %shift_right_logical3A_1495 = arith.shrui %get3A_1492, %shift_right_logical3A_1494 : vector<16xi32>
        %swap3A_1496 = arith.constant 48 : index
        %swap3A_1497 = tpu.vector_load %arg10[%swap3A_1496] {strides = array<i32>} : memref<128xi32, #tpu.memory_space<vmem>>, vector<16xi32>,
        tpu.vector_store %arg10[%swap3A_1496], %shift_right_logical3A_1495 {strides = array<i32>} : memref<128xi32, #tpu.memory_space<vmem>>, vector<16xi32>,
        %get3A_1498 = arith.index_cast %add3A_1465 : i32 to index
        %get3A_1499 = arith.constant 64 : index
        %get3A_1500 = tpu.vector_load %arg7[%get3A_1498, %get3A_1499] {strides = array<i32>} : memref<200x128xi32, #tpu.memory_space<vmem>>, vector<16xi32>,
        %shift_right_logical3A_1501 = arith.constant 1 : i32
        %shift_right_logical3A_1502 = vector.broadcast %shift_right_logical3A_1501 : i32 to vector<16xi32>
        %shift_right_logical3A_1503 = arith.shrui %get3A_1500, %shift_right_logical3A_1502 : vector<16xi32>
        %swap3A_1504 = arith.constant 64 : index
        %swap3A_1505 = tpu.vector_load %arg10[%swap3A_1504] {strides = array<i32>} : memref<128xi32, #tpu.memory_space<vmem>>, vector<16xi32>,
        tpu.vector_store %arg10[%swap3A_1504], %shift_right_logical3A_1503 {strides = array<i32>} : memref<128xi32, #tpu.memory_space<vmem>>, vector<16xi32>,
        %get3A_1506 = arith.index_cast %add3A_1465 : i32 to index
        %get3A_1507 = arith.constant 80 : index
        %get3A_1508 = tpu.vector_load %arg7[%get3A_1506, %get3A_1507] {strides = array<i32>} : memref<200x128xi32, #tpu.memory_space<vmem>>, vector<16xi32>,
        %shift_right_logical3A_1509 = arith.constant 1 : i32
        %shift_right_logical3A_1510 = vector.broadcast %shift_right_logical3A_1509 : i32 to vector<16xi32>
        %shift_right_logical3A_1511 = arith.shrui %get3A_1508, %shift_right_logical3A_1510 : vector<16xi32>
        %swap3A_1512 = arith.constant 80 : index
        %swap3A_1513 = tpu.vector_load %arg10[%swap3A_1512] {strides = array<i32>} : memref<128xi32, #tpu.memory_space<vmem>>, vector<16xi32>,
        tpu.vector_store %arg10[%swap3A_1512], %shift_right_logical3A_1511 {strides = array<i32>} : memref<128xi32, #tpu.memory_space<vmem>>, vector<16xi32>,
        %get3A_1514 = arith.index_cast %add3A_1465 : i32 to index
        %get3A_1515 = arith.constant 96 : index
        %get3A_1516 = tpu.vector_load %arg7[%get3A_1514, %get3A_1515] {strides = array<i32>} : memref<200x128xi32, #tpu.memory_space<vmem>>, vector<16xi32>,
        %shift_right_logical3A_1517 = arith.constant 1 : i32
        %shift_right_logical3A_1518 = vector.broadcast %shift_right_logical3A_1517 : i32 to vector<16xi32>
        %shift_right_logical3A_1519 = arith.shrui %get3A_1516, %shift_right_logical3A_1518 : vector<16xi32>
        %swap3A_1520 = arith.constant 96 : index
        %swap3A_1521 = tpu.vector_load %arg10[%swap3A_1520] {strides = array<i32>} : memref<128xi32, #tpu.memory_space<vmem>>, vector<16xi32>,
        tpu.vector_store %arg10[%swap3A_1520], %shift_right_logical3A_1519 {strides = array<i32>} : memref<128xi32, #tpu.memory_space<vmem>>, vector<16xi32>,
        %get3A_1522 = arith.index_cast %add3A_1465 : i32 to index
        %get3A_1523 = arith.constant 112 : index
        %get3A_1524 = tpu.vector_load %arg7[%get3A_1522, %get3A_1523] {strides = array<i32>} : memref<200x128xi32, #tpu.memory_space<vmem>>, vector<16xi32>,
        %shift_right_logical3A_1525 = arith.constant 1 : i32
        %shift_right_logical3A_1526 = vector.broadcast %shift_right_logical3A_1525 : i32 to vector<16xi32>
        %shift_right_logical3A_1527 = arith.shrui %get3A_1524, %shift_right_logical3A_1526 : vector<16xi32>
        %swap3A_1528 = arith.constant 112 : index
        %swap3A_1529 = tpu.vector_load %arg10[%swap3A_1528] {strides = array<i32>} : memref<128xi32, #tpu.memory_space<vmem>>, vector<16xi32>,
        tpu.vector_store %arg10[%swap3A_1528], %shift_right_logical3A_1527 {strides = array<i32>} : memref<128xi32, #tpu.memory_space<vmem>>, vector<16xi32>,
        %add3A_1530 = arith.constant 4 : i32
        %add3A_1531 = arith.addi %add3A_1400, %add3A_1530 : i32
        %dma_start3A_1532 = arith.constant 0 : i32
        %dma_start3A_1533 = arith.constant 0 : i32
        %dma_start3A_1534 = tpu.memref_slice %arg3[%dma_start3A_1532, %dma_start3A_1533] : memref<500000x128xf32, #tpu.memory_space<hbm>> -> memref<500000x128xf32, #tpu.memory_space<hbm>>
        tpu.enqueue_indirect_dma source(%dma_start3A_1534 : memref<500000x128xf32, #tpu.memory_space<hbm>>) target(%arg14 : memref<128x128xf32, #tpu.memory_space<vmem>>) offsets(%arg10 : memref<128xi32, #tpu.memory_space<vmem>>) semaphore(%arg24 : memref<!tpu.dma_semaphore, #tpu.memory_space<semaphore_mem>>)
      } else {
      }
      %mul3A_1430 = arith.constant 4 : i32
      %mul3A_1431 = arith.muli %mul3A_1430, %scan3A_1340 : i32
      %add3A_1432 = arith.constant 3 : i32
      %add3A_1433 = arith.addi %mul3A_1431, %add3A_1432 : i32
      %dma_wait3A_1434 = arith.constant 0 : i32
      %dma_wait3A_1435 = arith.constant 0 : i32
      %dma_wait3A_1436 = tpu.memref_slice %arg3[%dma_wait3A_1434, %dma_wait3A_1435] : memref<500000x128xf32, #tpu.memory_space<hbm>> -> memref<500000x128xf32, #tpu.memory_space<hbm>>
      tpu.wait_indirect_dma semaphore(%arg25 : memref<!tpu.dma_semaphore, #tpu.memory_space<semaphore_mem>>) src(%dma_wait3A_1436 : memref<500000x128xf32, #tpu.memory_space<hbm>>) dst(%arg15 : memref<128x128xf32, #tpu.memory_space<vmem>>)
      %sub3A_1437 = arith.constant 2 : i32
      %sub3A_1438 = arith.subi %add3A_1433, %sub3A_1437 : i32
      %mul3A_1439 = arith.constant 128 : i32
      %mul3A_1440 = arith.muli %sub3A_1438, %mul3A_1439 : i32
      %add3A_1441 = arith.addi %mul3A_2, %mul3A_1440 : i32
      %dma_wait3A_1442 = arith.constant 0 : i32
      %dma_wait3A_1443 = tpu.memref_slice %arg6[%add3A_1441, %dma_wait3A_1442] : memref<819200x64xf32, #tpu.memory_space<hbm>> -> memref<128x64xf32, #tpu.memory_space<hbm>>
      %dma_wait3A_1444 = arith.constant 0 : i32
      %dma_wait3A_1445 = tpu.memref_slice %arg6[%add3A_1441, %dma_wait3A_1444] : memref<819200x64xf32, #tpu.memory_space<hbm>> -> memref<128x64xf32, #tpu.memory_space<hbm>>
      tpu.wait_dma2 semaphore(%arg27 : memref<!tpu.dma_semaphore, #tpu.memory_space<semaphore_mem>>) src(%arg17 : memref<128x64xf32, #tpu.memory_space<vmem>>) dst(%dma_wait3A_1445 : memref<128x64xf32, #tpu.memory_space<hbm>>)
      %scan3A_1446 = arith.constant 0 : i32
      %scan3A_1447 = arith.constant 0 : i32
      %scan3A_1448 = arith.constant 8 : i32
      %scan3A_1449 = arith.addi %scan3A_1447, %scan3A_1448 : i32
      %scan3A_1450 = arith.constant 1 : i32
      scf.for %scan3A_1464 = %scan3A_1447 to %scan3A_1449 step %scan3A_1450  : i32 {
        %mul3A_1465 = arith.constant 16 : i32
        %mul3A_1466 = arith.muli %scan3A_1464, %mul3A_1465 : i32
        %add3A_1467 = vector.broadcast %mul3A_1466 : i32 to vector<16xi32>
        %add3A_1468 = arith.addi %add3A_1467, %iota3A : vector<16xi32>
        %mul3A_1469 = arith.constant 16 : i32
        %mul3A_1470 = arith.muli %scan3A_1464, %mul3A_1469 : i32
        %get3A_1471 = arith.index_cast %add3A_1433 : i32 to index
        %get3A_1472 = arith.index_cast %mul3A_1470 : i32 to index
        %get3A_1473 = tpu.vector_load %arg7[%get3A_1471, %get3A_1472] {strides = array<i32>} : memref<200x128xi32, #tpu.memory_space<vmem>>, vector<16xi32>,
        %and3A_1474 = arith.constant 1 : i32
        %and3A_1475 = vector.broadcast %and3A_1474 : i32 to vector<16xi32>
        %and3A_1476 = arith.andi %get3A_1473, %and3A_1475 : vector<16xi32>
        %mul3A_1477 = arith.constant 64 : i32
        %mul3A_1478 = vector.broadcast %mul3A_1477 : i32 to vector<16xi32>
        %mul3A_1479 = arith.muli %and3A_1476, %mul3A_1478 : vector<16xi32>
        %scan3A_1480 = arith.constant 0 : i32
        %scan3A_1481 = arith.constant 8 : i32
        %scan3A_1482 = arith.addi %scan3A_1480, %scan3A_1481 : i32
        %scan3A_1483 = arith.constant 1 : i32
        %scan3A_1484:4 = scf.for %scan3A_1534 = %scan3A_1480 to %scan3A_1482 step %scan3A_1483 iter_args(%scan3A_1535 = %broadcast_in_dim3A_1026, %scan3A_1536 = %broadcast_in_dim3A_1026, %scan3A_1537 = %broadcast_in_dim3A_1026, %scan3A_1538 = %broadcast_in_dim3A_1026) -> (vector<16xf32>, vector<16xf32>, vector<16xf32>, vector<16xf32>)  : i32 {
          %mul3A_1539 = arith.constant 8 : i32
          %mul3A_1540 = arith.muli %scan3A_1534, %mul3A_1539 : i32
          %add3A_1541 = arith.constant 0 : i32
          %add3A_1542 = arith.addi %mul3A_1540, %add3A_1541 : i32
          %add3A_1543 = vector.broadcast %add3A_1542 : i32 to vector<16xi32>
          %add3A_1544 = arith.addi %iota3A, %add3A_1543 : vector<16xi32>
          %and3A_1545 = arith.constant 63 : i32
          %and3A_1546 = vector.broadcast %and3A_1545 : i32 to vector<16xi32>
          %and3A_1547 = arith.andi %add3A_1544, %and3A_1546 : vector<16xi32>
          %add3A_1548 = arith.addi %and3A_1547, %mul3A_1479 : vector<16xi32>
          %gather3A_1549 = tpu.vector_load_idx %arg15[%add3A_1468, %add3A_1548] : memref<128x128xf32, #tpu.memory_space<vmem>>[vector<16xi32>, vector<16xi32>], vector<16xf32>,
          %mul3A_1550 = arith.constant 8 : i32
          %mul3A_1551 = arith.muli %scan3A_1534, %mul3A_1550 : i32
          %add3A_1552 = arith.constant 1 : i32
          %add3A_1553 = arith.addi %mul3A_1551, %add3A_1552 : i32
          %add3A_1554 = vector.broadcast %add3A_1553 : i32 to vector<16xi32>
          %add3A_1555 = arith.addi %iota3A, %add3A_1554 : vector<16xi32>
          %and3A_1556 = arith.constant 63 : i32
          %and3A_1557 = vector.broadcast %and3A_1556 : i32 to vector<16xi32>
          %and3A_1558 = arith.andi %add3A_1555, %and3A_1557 : vector<16xi32>
          %add3A_1559 = arith.addi %and3A_1558, %mul3A_1479 : vector<16xi32>
          %gather3A_1560 = tpu.vector_load_idx %arg15[%add3A_1468, %add3A_1559] : memref<128x128xf32, #tpu.memory_space<vmem>>[vector<16xi32>, vector<16xi32>], vector<16xf32>,
          %mul3A_1561 = arith.constant 8 : i32
          %mul3A_1562 = arith.muli %scan3A_1534, %mul3A_1561 : i32
          %add3A_1563 = arith.constant 2 : i32
          %add3A_1564 = arith.addi %mul3A_1562, %add3A_1563 : i32
          %add3A_1565 = vector.broadcast %add3A_1564 : i32 to vector<16xi32>
          %add3A_1566 = arith.addi %iota3A, %add3A_1565 : vector<16xi32>
          %and3A_1567 = arith.constant 63 : i32
          %and3A_1568 = vector.broadcast %and3A_1567 : i32 to vector<16xi32>
          %and3A_1569 = arith.andi %add3A_1566, %and3A_1568 : vector<16xi32>
          %add3A_1570 = arith.addi %and3A_1569, %mul3A_1479 : vector<16xi32>
          %gather3A_1571 = tpu.vector_load_idx %arg15[%add3A_1468, %add3A_1570] : memref<128x128xf32, #tpu.memory_space<vmem>>[vector<16xi32>, vector<16xi32>], vector<16xf32>,
          %mul3A_1572 = arith.constant 8 : i32
          %mul3A_1573 = arith.muli %scan3A_1534, %mul3A_1572 : i32
          %add3A_1574 = arith.constant 3 : i32
          %add3A_1575 = arith.addi %mul3A_1573, %add3A_1574 : i32
          %add3A_1576 = vector.broadcast %add3A_1575 : i32 to vector<16xi32>
          %add3A_1577 = arith.addi %iota3A, %add3A_1576 : vector<16xi32>
          %and3A_1578 = arith.constant 63 : i32
          %and3A_1579 = vector.broadcast %and3A_1578 : i32 to vector<16xi32>
          %and3A_1580 = arith.andi %add3A_1577, %and3A_1579 : vector<16xi32>
          %add3A_1581 = arith.addi %and3A_1580, %mul3A_1479 : vector<16xi32>
          %gather3A_1582 = tpu.vector_load_idx %arg15[%add3A_1468, %add3A_1581] : memref<128x128xf32, #tpu.memory_space<vmem>>[vector<16xi32>, vector<16xi32>], vector<16xf32>,
          %mul3A_1583 = arith.constant 8 : i32
          %mul3A_1584 = arith.muli %scan3A_1534, %mul3A_1583 : i32
          %add3A_1585 = arith.constant 4 : i32
          %add3A_1586 = arith.addi %mul3A_1584, %add3A_1585 : i32
          %add3A_1587 = vector.broadcast %add3A_1586 : i32 to vector<16xi32>
          %add3A_1588 = arith.addi %iota3A, %add3A_1587 : vector<16xi32>
          %and3A_1589 = arith.constant 63 : i32
          %and3A_1590 = vector.broadcast %and3A_1589 : i32 to vector<16xi32>
          %and3A_1591 = arith.andi %add3A_1588, %and3A_1590 : vector<16xi32>
          %add3A_1592 = arith.addi %and3A_1591, %mul3A_1479 : vector<16xi32>
          %gather3A_1593 = tpu.vector_load_idx %arg15[%add3A_1468, %add3A_1592] : memref<128x128xf32, #tpu.memory_space<vmem>>[vector<16xi32>, vector<16xi32>], vector<16xf32>,
          %mul3A_1594 = arith.constant 8 : i32
          %mul3A_1595 = arith.muli %scan3A_1534, %mul3A_1594 : i32
          %add3A_1596 = arith.constant 5 : i32
          %add3A_1597 = arith.addi %mul3A_1595, %add3A_1596 : i32
          %add3A_1598 = vector.broadcast %add3A_1597 : i32 to vector<16xi32>
          %add3A_1599 = arith.addi %iota3A, %add3A_1598 : vector<16xi32>
          %and3A_1600 = arith.constant 63 : i32
          %and3A_1601 = vector.broadcast %and3A_1600 : i32 to vector<16xi32>
          %and3A_1602 = arith.andi %add3A_1599, %and3A_1601 : vector<16xi32>
          %add3A_1603 = arith.addi %and3A_1602, %mul3A_1479 : vector<16xi32>
          %gather3A_1604 = tpu.vector_load_idx %arg15[%add3A_1468, %add3A_1603] : memref<128x128xf32, #tpu.memory_space<vmem>>[vector<16xi32>, vector<16xi32>], vector<16xf32>,
          %mul3A_1605 = arith.constant 8 : i32
          %mul3A_1606 = arith.muli %scan3A_1534, %mul3A_1605 : i32
          %add3A_1607 = arith.constant 6 : i32
          %add3A_1608 = arith.addi %mul3A_1606, %add3A_1607 : i32
          %add3A_1609 = vector.broadcast %add3A_1608 : i32 to vector<16xi32>
          %add3A_1610 = arith.addi %iota3A, %add3A_1609 : vector<16xi32>
          %and3A_1611 = arith.constant 63 : i32
          %and3A_1612 = vector.broadcast %and3A_1611 : i32 to vector<16xi32>
          %and3A_1613 = arith.andi %add3A_1610, %and3A_1612 : vector<16xi32>
          %add3A_1614 = arith.addi %and3A_1613, %mul3A_1479 : vector<16xi32>
          %gather3A_1615 = tpu.vector_load_idx %arg15[%add3A_1468, %add3A_1614] : memref<128x128xf32, #tpu.memory_space<vmem>>[vector<16xi32>, vector<16xi32>], vector<16xf32>,
          %mul3A_1616 = arith.constant 8 : i32
          %mul3A_1617 = arith.muli %scan3A_1534, %mul3A_1616 : i32
          %add3A_1618 = arith.constant 7 : i32
          %add3A_1619 = arith.addi %mul3A_1617, %add3A_1618 : i32
          %add3A_1620 = vector.broadcast %add3A_1619 : i32 to vector<16xi32>
          %add3A_1621 = arith.addi %iota3A, %add3A_1620 : vector<16xi32>
          %and3A_1622 = arith.constant 63 : i32
          %and3A_1623 = vector.broadcast %and3A_1622 : i32 to vector<16xi32>
          %and3A_1624 = arith.andi %add3A_1621, %and3A_1623 : vector<16xi32>
          %add3A_1625 = arith.addi %and3A_1624, %mul3A_1479 : vector<16xi32>
          %gather3A_1626 = tpu.vector_load_idx %arg15[%add3A_1468, %add3A_1625] : memref<128x128xf32, #tpu.memory_space<vmem>>[vector<16xi32>, vector<16xi32>], vector<16xf32>,
          %add3A_1627 = arith.addf %scan3A_1535, %gather3A_1549 : vector<16xf32>
          %mul3A_1628 = arith.mulf %gather3A_1549, %gather3A_1549 : vector<16xf32>
          %add3A_1629 = arith.addf %scan3A_1537, %mul3A_1628 : vector<16xf32>
          %add3A_1630 = arith.addf %scan3A_1536, %gather3A_1560 : vector<16xf32>
          %mul3A_1631 = arith.mulf %gather3A_1560, %gather3A_1560 : vector<16xf32>
          %add3A_1632 = arith.addf %scan3A_1538, %mul3A_1631 : vector<16xf32>
          %add3A_1633 = arith.addf %add3A_1627, %gather3A_1571 : vector<16xf32>
          %mul3A_1634 = arith.mulf %gather3A_1571, %gather3A_1571 : vector<16xf32>
          %add3A_1635 = arith.addf %add3A_1629, %mul3A_1634 : vector<16xf32>
          %add3A_1636 = arith.addf %add3A_1630, %gather3A_1582 : vector<16xf32>
          %mul3A_1637 = arith.mulf %gather3A_1582, %gather3A_1582 : vector<16xf32>
          %add3A_1638 = arith.addf %add3A_1632, %mul3A_1637 : vector<16xf32>
          %add3A_1639 = arith.addf %add3A_1633, %gather3A_1593 : vector<16xf32>
          %mul3A_1640 = arith.mulf %gather3A_1593, %gather3A_1593 : vector<16xf32>
          %add3A_1641 = arith.addf %add3A_1635, %mul3A_1640 : vector<16xf32>
          %add3A_1642 = arith.addf %add3A_1636, %gather3A_1604 : vector<16xf32>
          %mul3A_1643 = arith.mulf %gather3A_1604, %gather3A_1604 : vector<16xf32>
          %add3A_1644 = arith.addf %add3A_1638, %mul3A_1643 : vector<16xf32>
          %add3A_1645 = arith.addf %add3A_1639, %gather3A_1615 : vector<16xf32>
          %mul3A_1646 = arith.mulf %gather3A_1615, %gather3A_1615 : vector<16xf32>
          %add3A_1647 = arith.addf %add3A_1641, %mul3A_1646 : vector<16xf32>
          %add3A_1648 = arith.addf %add3A_1642, %gather3A_1626 : vector<16xf32>
          %mul3A_1649 = arith.mulf %gather3A_1626, %gather3A_1626 : vector<16xf32>
          %add3A_1650 = arith.addf %add3A_1644, %mul3A_1649 : vector<16xf32>
          scf.yield %add3A_1645, %add3A_1648, %add3A_1647, %add3A_1650 : vector<16xf32>, vector<16xf32>, vector<16xf32>, vector<16xf32>
        }
        %scan3A_1485 = arith.constant 8 : i32
        %add3A_1486 = arith.addf %scan3A_1484#0, %scan3A_1484#1 : vector<16xf32>
        %mul3A_1487 = arith.constant 1.562500e-02 : f32
        %mul3A_1488 = vector.broadcast %mul3A_1487 : f32 to vector<16xf32>
        %mul3A_1489 = arith.mulf %add3A_1486, %mul3A_1488 : vector<16xf32>
        %add3A_1490 = arith.addf %scan3A_1484#2, %scan3A_1484#3 : vector<16xf32>
        %mul3A_1491 = arith.constant 1.562500e-02 : f32
        %mul3A_1492 = vector.broadcast %mul3A_1491 : f32 to vector<16xf32>
        %mul3A_1493 = arith.mulf %add3A_1490, %mul3A_1492 : vector<16xf32>
        %mul3A_1494 = arith.mulf %mul3A_1489, %mul3A_1489 : vector<16xf32>
        %sub3A_1495 = arith.subf %mul3A_1493, %mul3A_1494 : vector<16xf32>
        %add3A_1496 = arith.constant 9.99999974E-6 : f32
        %add3A_1497 = vector.broadcast %add3A_1496 : f32 to vector<16xf32>
        %add3A_1498 = arith.addf %sub3A_1495, %add3A_1497 : vector<16xf32>
        %bitcast3A = vector.bitcast %add3A_1498 : vector<16xf32> to vector<16xi32>
        %shift_right_logical3A_1499 = arith.constant 1 : i32
        %shift_right_logical3A_1500 = vector.broadcast %shift_right_logical3A_1499 : i32 to vector<16xi32>
        %shift_right_logical3A_1501 = arith.shrui %bitcast3A, %shift_right_logical3A_1500 : vector<16xi32>
        %sub3A_1502 = arith.constant 1597463007 : i32
        %sub3A_1503 = vector.broadcast %sub3A_1502 : i32 to vector<16xi32>
        %sub3A_1504 = arith.subi %sub3A_1503, %shift_right_logical3A_1501 : vector<16xi32>
        %bitcast3A_1505 = vector.bitcast %sub3A_1504 : vector<16xi32> to vector<16xf32>
        %mul3A_1506 = arith.constant 5.000000e-01 : f32
        %mul3A_1507 = vector.broadcast %mul3A_1506 : f32 to vector<16xf32>
        %mul3A_1508 = arith.mulf %add3A_1498, %mul3A_1507 : vector<16xf32>
        %mul3A_1509 = arith.mulf %mul3A_1508, %bitcast3A_1505 : vector<16xf32>
        %mul3A_1510 = arith.mulf %mul3A_1509, %bitcast3A_1505 : vector<16xf32>
        %sub3A_1511 = arith.constant 1.500000e+00 : f32
        %sub3A_1512 = vector.broadcast %sub3A_1511 : f32 to vector<16xf32>
        %sub3A_1513 = arith.subf %sub3A_1512, %mul3A_1510 : vector<16xf32>
        %mul3A_1514 = arith.mulf %bitcast3A_1505, %sub3A_1513 : vector<16xf32>
        %mul3A_1515 = arith.mulf %mul3A_1508, %mul3A_1514 : vector<16xf32>
        %mul3A_1516 = arith.mulf %mul3A_1515, %mul3A_1514 : vector<16xf32>
        %sub3A_1517 = arith.constant 1.500000e+00 : f32
        %sub3A_1518 = vector.broadcast %sub3A_1517 : f32 to vector<16xf32>
        %sub3A_1519 = arith.subf %sub3A_1518, %mul3A_1516 : vector<16xf32>
        %mul3A_1520 = arith.mulf %mul3A_1514, %sub3A_1519 : vector<16xf32>
        %mul3A_1521 = arith.mulf %mul3A_1508, %mul3A_1520 : vector<16xf32>
        %mul3A_1522 = arith.mulf %mul3A_1521, %mul3A_1520 : vector<16xf32>
        %sub3A_1523 = arith.constant 1.500000e+00 : f32
        %sub3A_1524 = vector.broadcast %sub3A_1523 : f32 to vector<16xf32>
        %sub3A_1525 = arith.subf %sub3A_1524, %mul3A_1522 : vector<16xf32>
        %mul3A_1526 = arith.mulf %mul3A_1520, %sub3A_1525 : vector<16xf32>
        %mul3A_1527 = arith.mulf %mul3A_1489, %mul3A_1526 : vector<16xf32>
        %scan3A_1528 = arith.constant 0 : i32
        %scan3A_1529 = arith.constant 0 : i32
        %scan3A_1530 = arith.constant 8 : i32
        %scan3A_1531 = arith.addi %scan3A_1529, %scan3A_1530 : i32
        %scan3A_1532 = arith.constant 1 : i32
        scf.for %scan3A_1534 = %scan3A_1529 to %scan3A_1531 step %scan3A_1532  : i32 {
          %mul3A_1535 = arith.constant 8 : i32
          %mul3A_1536 = arith.muli %scan3A_1534, %mul3A_1535 : i32
          %add3A_1537 = arith.constant 0 : i32
          %add3A_1538 = arith.addi %mul3A_1536, %add3A_1537 : i32
          %add3A_1539 = vector.broadcast %add3A_1538 : i32 to vector<16xi32>
          %add3A_1540 = arith.addi %iota3A, %add3A_1539 : vector<16xi32>
          %and3A_1541 = arith.constant 63 : i32
          %and3A_1542 = vector.broadcast %and3A_1541 : i32 to vector<16xi32>
          %and3A_1543 = arith.andi %add3A_1540, %and3A_1542 : vector<16xi32>
          %add3A_1544 = arith.addi %and3A_1543, %mul3A_1479 : vector<16xi32>
          %gather3A_1545 = tpu.vector_load_idx %arg15[%add3A_1468, %add3A_1544] : memref<128x128xf32, #tpu.memory_space<vmem>>[vector<16xi32>, vector<16xi32>], vector<16xf32>,
          %get3A_1546 = arith.index_cast %scan3A_1534 : i32 to index
          %get3A_1547 = arith.constant 0 : index
          %get3A_1548 = tpu.vector_load %arg20[%get3A_1546, %get3A_1547] {strides = array<i32>} : memref<8x128xf32, #tpu.memory_space<vmem>>, vector<16xf32>,
          %get3A_1549 = arith.index_cast %scan3A_1534 : i32 to index
          %get3A_1550 = arith.constant 0 : index
          %get3A_1551 = tpu.vector_load %arg21[%get3A_1549, %get3A_1550] {strides = array<i32>} : memref<8x128xf32, #tpu.memory_space<vmem>>, vector<16xf32>,
          %mul3A_1552 = arith.constant 8 : i32
          %mul3A_1553 = arith.muli %scan3A_1534, %mul3A_1552 : i32
          %add3A_1554 = arith.constant 1 : i32
          %add3A_1555 = arith.addi %mul3A_1553, %add3A_1554 : i32
          %add3A_1556 = vector.broadcast %add3A_1555 : i32 to vector<16xi32>
          %add3A_1557 = arith.addi %iota3A, %add3A_1556 : vector<16xi32>
          %and3A_1558 = arith.constant 63 : i32
          %and3A_1559 = vector.broadcast %and3A_1558 : i32 to vector<16xi32>
          %and3A_1560 = arith.andi %add3A_1557, %and3A_1559 : vector<16xi32>
          %add3A_1561 = arith.addi %and3A_1560, %mul3A_1479 : vector<16xi32>
          %gather3A_1562 = tpu.vector_load_idx %arg15[%add3A_1468, %add3A_1561] : memref<128x128xf32, #tpu.memory_space<vmem>>[vector<16xi32>, vector<16xi32>], vector<16xf32>,
          %get3A_1563 = arith.index_cast %scan3A_1534 : i32 to index
          %get3A_1564 = arith.constant 16 : index
          %get3A_1565 = tpu.vector_load %arg20[%get3A_1563, %get3A_1564] {strides = array<i32>} : memref<8x128xf32, #tpu.memory_space<vmem>>, vector<16xf32>,
          %get3A_1566 = arith.index_cast %scan3A_1534 : i32 to index
          %get3A_1567 = arith.constant 16 : index
          %get3A_1568 = tpu.vector_load %arg21[%get3A_1566, %get3A_1567] {strides = array<i32>} : memref<8x128xf32, #tpu.memory_space<vmem>>, vector<16xf32>,
          %mul3A_1569 = arith.constant 8 : i32
          %mul3A_1570 = arith.muli %scan3A_1534, %mul3A_1569 : i32
          %add3A_1571 = arith.constant 2 : i32
          %add3A_1572 = arith.addi %mul3A_1570, %add3A_1571 : i32
          %add3A_1573 = vector.broadcast %add3A_1572 : i32 to vector<16xi32>
          %add3A_1574 = arith.addi %iota3A, %add3A_1573 : vector<16xi32>
          %and3A_1575 = arith.constant 63 : i32
          %and3A_1576 = vector.broadcast %and3A_1575 : i32 to vector<16xi32>
          %and3A_1577 = arith.andi %add3A_1574, %and3A_1576 : vector<16xi32>
          %add3A_1578 = arith.addi %and3A_1577, %mul3A_1479 : vector<16xi32>
          %gather3A_1579 = tpu.vector_load_idx %arg15[%add3A_1468, %add3A_1578] : memref<128x128xf32, #tpu.memory_space<vmem>>[vector<16xi32>, vector<16xi32>], vector<16xf32>,
          %get3A_1580 = arith.index_cast %scan3A_1534 : i32 to index
          %get3A_1581 = arith.constant 32 : index
          %get3A_1582 = tpu.vector_load %arg20[%get3A_1580, %get3A_1581] {strides = array<i32>} : memref<8x128xf32, #tpu.memory_space<vmem>>, vector<16xf32>,
          %get3A_1583 = arith.index_cast %scan3A_1534 : i32 to index
          %get3A_1584 = arith.constant 32 : index
          %get3A_1585 = tpu.vector_load %arg21[%get3A_1583, %get3A_1584] {strides = array<i32>} : memref<8x128xf32, #tpu.memory_space<vmem>>, vector<16xf32>,
          %mul3A_1586 = arith.constant 8 : i32
          %mul3A_1587 = arith.muli %scan3A_1534, %mul3A_1586 : i32
          %add3A_1588 = arith.constant 3 : i32
          %add3A_1589 = arith.addi %mul3A_1587, %add3A_1588 : i32
          %add3A_1590 = vector.broadcast %add3A_1589 : i32 to vector<16xi32>
          %add3A_1591 = arith.addi %iota3A, %add3A_1590 : vector<16xi32>
          %and3A_1592 = arith.constant 63 : i32
          %and3A_1593 = vector.broadcast %and3A_1592 : i32 to vector<16xi32>
          %and3A_1594 = arith.andi %add3A_1591, %and3A_1593 : vector<16xi32>
          %add3A_1595 = arith.addi %and3A_1594, %mul3A_1479 : vector<16xi32>
          %gather3A_1596 = tpu.vector_load_idx %arg15[%add3A_1468, %add3A_1595] : memref<128x128xf32, #tpu.memory_space<vmem>>[vector<16xi32>, vector<16xi32>], vector<16xf32>,
          %get3A_1597 = arith.index_cast %scan3A_1534 : i32 to index
          %get3A_1598 = arith.constant 48 : index
          %get3A_1599 = tpu.vector_load %arg20[%get3A_1597, %get3A_1598] {strides = array<i32>} : memref<8x128xf32, #tpu.memory_space<vmem>>, vector<16xf32>,
          %get3A_1600 = arith.index_cast %scan3A_1534 : i32 to index
          %get3A_1601 = arith.constant 48 : index
          %get3A_1602 = tpu.vector_load %arg21[%get3A_1600, %get3A_1601] {strides = array<i32>} : memref<8x128xf32, #tpu.memory_space<vmem>>, vector<16xf32>,
          %mul3A_1603 = arith.constant 8 : i32
          %mul3A_1604 = arith.muli %scan3A_1534, %mul3A_1603 : i32
          %add3A_1605 = arith.constant 4 : i32
          %add3A_1606 = arith.addi %mul3A_1604, %add3A_1605 : i32
          %add3A_1607 = vector.broadcast %add3A_1606 : i32 to vector<16xi32>
          %add3A_1608 = arith.addi %iota3A, %add3A_1607 : vector<16xi32>
          %and3A_1609 = arith.constant 63 : i32
          %and3A_1610 = vector.broadcast %and3A_1609 : i32 to vector<16xi32>
          %and3A_1611 = arith.andi %add3A_1608, %and3A_1610 : vector<16xi32>
          %add3A_1612 = arith.addi %and3A_1611, %mul3A_1479 : vector<16xi32>
          %gather3A_1613 = tpu.vector_load_idx %arg15[%add3A_1468, %add3A_1612] : memref<128x128xf32, #tpu.memory_space<vmem>>[vector<16xi32>, vector<16xi32>], vector<16xf32>,
          %get3A_1614 = arith.index_cast %scan3A_1534 : i32 to index
          %get3A_1615 = arith.constant 64 : index
          %get3A_1616 = tpu.vector_load %arg20[%get3A_1614, %get3A_1615] {strides = array<i32>} : memref<8x128xf32, #tpu.memory_space<vmem>>, vector<16xf32>,
          %get3A_1617 = arith.index_cast %scan3A_1534 : i32 to index
          %get3A_1618 = arith.constant 64 : index
          %get3A_1619 = tpu.vector_load %arg21[%get3A_1617, %get3A_1618] {strides = array<i32>} : memref<8x128xf32, #tpu.memory_space<vmem>>, vector<16xf32>,
          %mul3A_1620 = arith.constant 8 : i32
          %mul3A_1621 = arith.muli %scan3A_1534, %mul3A_1620 : i32
          %add3A_1622 = arith.constant 5 : i32
          %add3A_1623 = arith.addi %mul3A_1621, %add3A_1622 : i32
          %add3A_1624 = vector.broadcast %add3A_1623 : i32 to vector<16xi32>
          %add3A_1625 = arith.addi %iota3A, %add3A_1624 : vector<16xi32>
          %and3A_1626 = arith.constant 63 : i32
          %and3A_1627 = vector.broadcast %and3A_1626 : i32 to vector<16xi32>
          %and3A_1628 = arith.andi %add3A_1625, %and3A_1627 : vector<16xi32>
          %add3A_1629 = arith.addi %and3A_1628, %mul3A_1479 : vector<16xi32>
          %gather3A_1630 = tpu.vector_load_idx %arg15[%add3A_1468, %add3A_1629] : memref<128x128xf32, #tpu.memory_space<vmem>>[vector<16xi32>, vector<16xi32>], vector<16xf32>,
          %get3A_1631 = arith.index_cast %scan3A_1534 : i32 to index
          %get3A_1632 = arith.constant 80 : index
          %get3A_1633 = tpu.vector_load %arg20[%get3A_1631, %get3A_1632] {strides = array<i32>} : memref<8x128xf32, #tpu.memory_space<vmem>>, vector<16xf32>,
          %get3A_1634 = arith.index_cast %scan3A_1534 : i32 to index
          %get3A_1635 = arith.constant 80 : index
          %get3A_1636 = tpu.vector_load %arg21[%get3A_1634, %get3A_1635] {strides = array<i32>} : memref<8x128xf32, #tpu.memory_space<vmem>>, vector<16xf32>,
          %mul3A_1637 = arith.constant 8 : i32
          %mul3A_1638 = arith.muli %scan3A_1534, %mul3A_1637 : i32
          %add3A_1639 = arith.constant 6 : i32
          %add3A_1640 = arith.addi %mul3A_1638, %add3A_1639 : i32
          %add3A_1641 = vector.broadcast %add3A_1640 : i32 to vector<16xi32>
          %add3A_1642 = arith.addi %iota3A, %add3A_1641 : vector<16xi32>
          %and3A_1643 = arith.constant 63 : i32
          %and3A_1644 = vector.broadcast %and3A_1643 : i32 to vector<16xi32>
          %and3A_1645 = arith.andi %add3A_1642, %and3A_1644 : vector<16xi32>
          %add3A_1646 = arith.addi %and3A_1645, %mul3A_1479 : vector<16xi32>
          %gather3A_1647 = tpu.vector_load_idx %arg15[%add3A_1468, %add3A_1646] : memref<128x128xf32, #tpu.memory_space<vmem>>[vector<16xi32>, vector<16xi32>], vector<16xf32>,
          %get3A_1648 = arith.index_cast %scan3A_1534 : i32 to index
          %get3A_1649 = arith.constant 96 : index
          %get3A_1650 = tpu.vector_load %arg20[%get3A_1648, %get3A_1649] {strides = array<i32>} : memref<8x128xf32, #tpu.memory_space<vmem>>, vector<16xf32>,
          %get3A_1651 = arith.index_cast %scan3A_1534 : i32 to index
          %get3A_1652 = arith.constant 96 : index
          %get3A_1653 = tpu.vector_load %arg21[%get3A_1651, %get3A_1652] {strides = array<i32>} : memref<8x128xf32, #tpu.memory_space<vmem>>, vector<16xf32>,
          %mul3A_1654 = arith.constant 8 : i32
          %mul3A_1655 = arith.muli %scan3A_1534, %mul3A_1654 : i32
          %add3A_1656 = arith.constant 7 : i32
          %add3A_1657 = arith.addi %mul3A_1655, %add3A_1656 : i32
          %add3A_1658 = vector.broadcast %add3A_1657 : i32 to vector<16xi32>
          %add3A_1659 = arith.addi %iota3A, %add3A_1658 : vector<16xi32>
          %and3A_1660 = arith.constant 63 : i32
          %and3A_1661 = vector.broadcast %and3A_1660 : i32 to vector<16xi32>
          %and3A_1662 = arith.andi %add3A_1659, %and3A_1661 : vector<16xi32>
          %add3A_1663 = arith.addi %and3A_1662, %mul3A_1479 : vector<16xi32>
          %gather3A_1664 = tpu.vector_load_idx %arg15[%add3A_1468, %add3A_1663] : memref<128x128xf32, #tpu.memory_space<vmem>>[vector<16xi32>, vector<16xi32>], vector<16xf32>,
          %get3A_1665 = arith.index_cast %scan3A_1534 : i32 to index
          %get3A_1666 = arith.constant 112 : index
          %get3A_1667 = tpu.vector_load %arg20[%get3A_1665, %get3A_1666] {strides = array<i32>} : memref<8x128xf32, #tpu.memory_space<vmem>>, vector<16xf32>,
          %get3A_1668 = arith.index_cast %scan3A_1534 : i32 to index
          %get3A_1669 = arith.constant 112 : index
          %get3A_1670 = tpu.vector_load %arg21[%get3A_1668, %get3A_1669] {strides = array<i32>} : memref<8x128xf32, #tpu.memory_space<vmem>>, vector<16xf32>,
          %mul3A_1671 = arith.mulf %gather3A_1545, %mul3A_1526 : vector<16xf32>
          %sub3A_1672 = arith.subf %mul3A_1671, %mul3A_1527 : vector<16xf32>
          %mul3A_1673 = arith.mulf %sub3A_1672, %get3A_1548 : vector<16xf32>
          %add3A_1674 = arith.addf %mul3A_1673, %get3A_1551 : vector<16xf32>
          tpu.vector_store_idx %arg17[%add3A_1468, %and3A_1543], %add3A_1674 : memref<128x64xf32, #tpu.memory_space<vmem>>[vector<16xi32>, vector<16xi32>], vector<16xf32>,
          %mul3A_1675 = arith.mulf %gather3A_1562, %mul3A_1526 : vector<16xf32>
          %sub3A_1676 = arith.subf %mul3A_1675, %mul3A_1527 : vector<16xf32>
          %mul3A_1677 = arith.mulf %sub3A_1676, %get3A_1565 : vector<16xf32>
          %add3A_1678 = arith.addf %mul3A_1677, %get3A_1568 : vector<16xf32>
          tpu.vector_store_idx %arg17[%add3A_1468, %and3A_1560], %add3A_1678 : memref<128x64xf32, #tpu.memory_space<vmem>>[vector<16xi32>, vector<16xi32>], vector<16xf32>,
          %mul3A_1679 = arith.mulf %gather3A_1579, %mul3A_1526 : vector<16xf32>
          %sub3A_1680 = arith.subf %mul3A_1679, %mul3A_1527 : vector<16xf32>
          %mul3A_1681 = arith.mulf %sub3A_1680, %get3A_1582 : vector<16xf32>
          %add3A_1682 = arith.addf %mul3A_1681, %get3A_1585 : vector<16xf32>
          tpu.vector_store_idx %arg17[%add3A_1468, %and3A_1577], %add3A_1682 : memref<128x64xf32, #tpu.memory_space<vmem>>[vector<16xi32>, vector<16xi32>], vector<16xf32>,
          %mul3A_1683 = arith.mulf %gather3A_1596, %mul3A_1526 : vector<16xf32>
          %sub3A_1684 = arith.subf %mul3A_1683, %mul3A_1527 : vector<16xf32>
          %mul3A_1685 = arith.mulf %sub3A_1684, %get3A_1599 : vector<16xf32>
          %add3A_1686 = arith.addf %mul3A_1685, %get3A_1602 : vector<16xf32>
          tpu.vector_store_idx %arg17[%add3A_1468, %and3A_1594], %add3A_1686 : memref<128x64xf32, #tpu.memory_space<vmem>>[vector<16xi32>, vector<16xi32>], vector<16xf32>,
          %mul3A_1687 = arith.mulf %gather3A_1613, %mul3A_1526 : vector<16xf32>
          %sub3A_1688 = arith.subf %mul3A_1687, %mul3A_1527 : vector<16xf32>
          %mul3A_1689 = arith.mulf %sub3A_1688, %get3A_1616 : vector<16xf32>
          %add3A_1690 = arith.addf %mul3A_1689, %get3A_1619 : vector<16xf32>
          tpu.vector_store_idx %arg17[%add3A_1468, %and3A_1611], %add3A_1690 : memref<128x64xf32, #tpu.memory_space<vmem>>[vector<16xi32>, vector<16xi32>], vector<16xf32>,
          %mul3A_1691 = arith.mulf %gather3A_1630, %mul3A_1526 : vector<16xf32>
          %sub3A_1692 = arith.subf %mul3A_1691, %mul3A_1527 : vector<16xf32>
          %mul3A_1693 = arith.mulf %sub3A_1692, %get3A_1633 : vector<16xf32>
          %add3A_1694 = arith.addf %mul3A_1693, %get3A_1636 : vector<16xf32>
          tpu.vector_store_idx %arg17[%add3A_1468, %and3A_1628], %add3A_1694 : memref<128x64xf32, #tpu.memory_space<vmem>>[vector<16xi32>, vector<16xi32>], vector<16xf32>,
          %mul3A_1695 = arith.mulf %gather3A_1647, %mul3A_1526 : vector<16xf32>
          %sub3A_1696 = arith.subf %mul3A_1695, %mul3A_1527 : vector<16xf32>
          %mul3A_1697 = arith.mulf %sub3A_1696, %get3A_1650 : vector<16xf32>
          %add3A_1698 = arith.addf %mul3A_1697, %get3A_1653 : vector<16xf32>
          tpu.vector_store_idx %arg17[%add3A_1468, %and3A_1645], %add3A_1698 : memref<128x64xf32, #tpu.memory_space<vmem>>[vector<16xi32>, vector<16xi32>], vector<16xf32>,
          %mul3A_1699 = arith.mulf %gather3A_1664, %mul3A_1526 : vector<16xf32>
          %sub3A_1700 = arith.subf %mul3A_1699, %mul3A_1527 : vector<16xf32>
          %mul3A_1701 = arith.mulf %sub3A_1700, %get3A_1667 : vector<16xf32>
          %add3A_1702 = arith.addf %mul3A_1701, %get3A_1670 : vector<16xf32>
          tpu.vector_store_idx %arg17[%add3A_1468, %and3A_1662], %add3A_1702 : memref<128x64xf32, #tpu.memory_space<vmem>>[vector<16xi32>, vector<16xi32>], vector<16xf32>,
        }
        %scan3A_1533 = arith.constant 8 : i32
      }
      %scan3A_1451 = arith.constant 8 : i32
      %mul3A_1452 = arith.constant 128 : i32
      %mul3A_1453 = arith.muli %add3A_1433, %mul3A_1452 : i32
      %add3A_1454 = arith.addi %mul3A_2, %mul3A_1453 : i32
      %dma_start3A_1455 = arith.constant 0 : i32
      %dma_start3A_1456 = tpu.memref_slice %arg6[%add3A_1454, %dma_start3A_1455] : memref<819200x64xf32, #tpu.memory_space<hbm>> -> memref<128x64xf32, #tpu.memory_space<hbm>>
      %dma_start3A_1457 = arith.constant 0 : i32
      %dma_start3A_1458 = tpu.memref_slice %arg6[%add3A_1454, %dma_start3A_1457] : memref<819200x64xf32, #tpu.memory_space<hbm>> -> memref<128x64xf32, #tpu.memory_space<hbm>>
      tpu.enqueue_dma source(%arg17 : memref<128x64xf32, #tpu.memory_space<vmem>>) target(%dma_start3A_1458 : memref<128x64xf32, #tpu.memory_space<hbm>>) target_semaphore(%arg27 : memref<!tpu.dma_semaphore, #tpu.memory_space<semaphore_mem>>)
      %lt3A_1459 = arith.constant 49 : i32
      %lt3A_1460 = arith.cmpi slt, %scan3A_1340, %lt3A_1459 : i32
      %convert_element_type3A_1461 = arith.extui %lt3A_1460 : i1 to i32
      %cond3A_1462 = arith.constant 0 : i32
      %cond3A_1463 = arith.cmpi ne, %convert_element_type3A_1461, %cond3A_1462 : i32
      scf.if %cond3A_1463 {
        %add3A_1464 = arith.constant 4 : i32
        %add3A_1465 = arith.addi %add3A_1433, %add3A_1464 : i32
        %get3A_1466 = arith.index_cast %add3A_1465 : i32 to index
        %get3A_1467 = arith.constant 0 : index
        %get3A_1468 = tpu.vector_load %arg7[%get3A_1466, %get3A_1467] {strides = array<i32>} : memref<200x128xi32, #tpu.memory_space<vmem>>, vector<16xi32>,
        %shift_right_logical3A_1469 = arith.constant 1 : i32
        %shift_right_logical3A_1470 = vector.broadcast %shift_right_logical3A_1469 : i32 to vector<16xi32>
        %shift_right_logical3A_1471 = arith.shrui %get3A_1468, %shift_right_logical3A_1470 : vector<16xi32>
        %swap3A_1472 = arith.constant 0 : index
        %swap3A_1473 = tpu.vector_load %arg11[%swap3A_1472] {strides = array<i32>} : memref<128xi32, #tpu.memory_space<vmem>>, vector<16xi32>,
        tpu.vector_store %arg11[%swap3A_1472], %shift_right_logical3A_1471 {strides = array<i32>} : memref<128xi32, #tpu.memory_space<vmem>>, vector<16xi32>,
        %get3A_1474 = arith.index_cast %add3A_1465 : i32 to index
        %get3A_1475 = arith.constant 16 : index
        %get3A_1476 = tpu.vector_load %arg7[%get3A_1474, %get3A_1475] {strides = array<i32>} : memref<200x128xi32, #tpu.memory_space<vmem>>, vector<16xi32>,
        %shift_right_logical3A_1477 = arith.constant 1 : i32
        %shift_right_logical3A_1478 = vector.broadcast %shift_right_logical3A_1477 : i32 to vector<16xi32>
        %shift_right_logical3A_1479 = arith.shrui %get3A_1476, %shift_right_logical3A_1478 : vector<16xi32>
        %swap3A_1480 = arith.constant 16 : index
        %swap3A_1481 = tpu.vector_load %arg11[%swap3A_1480] {strides = array<i32>} : memref<128xi32, #tpu.memory_space<vmem>>, vector<16xi32>,
        tpu.vector_store %arg11[%swap3A_1480], %shift_right_logical3A_1479 {strides = array<i32>} : memref<128xi32, #tpu.memory_space<vmem>>, vector<16xi32>,
        %get3A_1482 = arith.index_cast %add3A_1465 : i32 to index
        %get3A_1483 = arith.constant 32 : index
        %get3A_1484 = tpu.vector_load %arg7[%get3A_1482, %get3A_1483] {strides = array<i32>} : memref<200x128xi32, #tpu.memory_space<vmem>>, vector<16xi32>,
        %shift_right_logical3A_1485 = arith.constant 1 : i32
        %shift_right_logical3A_1486 = vector.broadcast %shift_right_logical3A_1485 : i32 to vector<16xi32>
        %shift_right_logical3A_1487 = arith.shrui %get3A_1484, %shift_right_logical3A_1486 : vector<16xi32>
        %swap3A_1488 = arith.constant 32 : index
        %swap3A_1489 = tpu.vector_load %arg11[%swap3A_1488] {strides = array<i32>} : memref<128xi32, #tpu.memory_space<vmem>>, vector<16xi32>,
        tpu.vector_store %arg11[%swap3A_1488], %shift_right_logical3A_1487 {strides = array<i32>} : memref<128xi32, #tpu.memory_space<vmem>>, vector<16xi32>,
        %get3A_1490 = arith.index_cast %add3A_1465 : i32 to index
        %get3A_1491 = arith.constant 48 : index
        %get3A_1492 = tpu.vector_load %arg7[%get3A_1490, %get3A_1491] {strides = array<i32>} : memref<200x128xi32, #tpu.memory_space<vmem>>, vector<16xi32>,
        %shift_right_logical3A_1493 = arith.constant 1 : i32
        %shift_right_logical3A_1494 = vector.broadcast %shift_right_logical3A_1493 : i32 to vector<16xi32>
        %shift_right_logical3A_1495 = arith.shrui %get3A_1492, %shift_right_logical3A_1494 : vector<16xi32>
        %swap3A_1496 = arith.constant 48 : index
        %swap3A_1497 = tpu.vector_load %arg11[%swap3A_1496] {strides = array<i32>} : memref<128xi32, #tpu.memory_space<vmem>>, vector<16xi32>,
        tpu.vector_store %arg11[%swap3A_1496], %shift_right_logical3A_1495 {strides = array<i32>} : memref<128xi32, #tpu.memory_space<vmem>>, vector<16xi32>,
        %get3A_1498 = arith.index_cast %add3A_1465 : i32 to index
        %get3A_1499 = arith.constant 64 : index
        %get3A_1500 = tpu.vector_load %arg7[%get3A_1498, %get3A_1499] {strides = array<i32>} : memref<200x128xi32, #tpu.memory_space<vmem>>, vector<16xi32>,
        %shift_right_logical3A_1501 = arith.constant 1 : i32
        %shift_right_logical3A_1502 = vector.broadcast %shift_right_logical3A_1501 : i32 to vector<16xi32>
        %shift_right_logical3A_1503 = arith.shrui %get3A_1500, %shift_right_logical3A_1502 : vector<16xi32>
        %swap3A_1504 = arith.constant 64 : index
        %swap3A_1505 = tpu.vector_load %arg11[%swap3A_1504] {strides = array<i32>} : memref<128xi32, #tpu.memory_space<vmem>>, vector<16xi32>,
        tpu.vector_store %arg11[%swap3A_1504], %shift_right_logical3A_1503 {strides = array<i32>} : memref<128xi32, #tpu.memory_space<vmem>>, vector<16xi32>,
        %get3A_1506 = arith.index_cast %add3A_1465 : i32 to index
        %get3A_1507 = arith.constant 80 : index
        %get3A_1508 = tpu.vector_load %arg7[%get3A_1506, %get3A_1507] {strides = array<i32>} : memref<200x128xi32, #tpu.memory_space<vmem>>, vector<16xi32>,
        %shift_right_logical3A_1509 = arith.constant 1 : i32
        %shift_right_logical3A_1510 = vector.broadcast %shift_right_logical3A_1509 : i32 to vector<16xi32>
        %shift_right_logical3A_1511 = arith.shrui %get3A_1508, %shift_right_logical3A_1510 : vector<16xi32>
        %swap3A_1512 = arith.constant 80 : index
        %swap3A_1513 = tpu.vector_load %arg11[%swap3A_1512] {strides = array<i32>} : memref<128xi32, #tpu.memory_space<vmem>>, vector<16xi32>,
        tpu.vector_store %arg11[%swap3A_1512], %shift_right_logical3A_1511 {strides = array<i32>} : memref<128xi32, #tpu.memory_space<vmem>>, vector<16xi32>,
        %get3A_1514 = arith.index_cast %add3A_1465 : i32 to index
        %get3A_1515 = arith.constant 96 : index
        %get3A_1516 = tpu.vector_load %arg7[%get3A_1514, %get3A_1515] {strides = array<i32>} : memref<200x128xi32, #tpu.memory_space<vmem>>, vector<16xi32>,
        %shift_right_logical3A_1517 = arith.constant 1 : i32
        %shift_right_logical3A_1518 = vector.broadcast %shift_right_logical3A_1517 : i32 to vector<16xi32>
        %shift_right_logical3A_1519 = arith.shrui %get3A_1516, %shift_right_logical3A_1518 : vector<16xi32>
        %swap3A_1520 = arith.constant 96 : index
        %swap3A_1521 = tpu.vector_load %arg11[%swap3A_1520] {strides = array<i32>} : memref<128xi32, #tpu.memory_space<vmem>>, vector<16xi32>,
        tpu.vector_store %arg11[%swap3A_1520], %shift_right_logical3A_1519 {strides = array<i32>} : memref<128xi32, #tpu.memory_space<vmem>>, vector<16xi32>,
        %get3A_1522 = arith.index_cast %add3A_1465 : i32 to index
        %get3A_1523 = arith.constant 112 : index
        %get3A_1524 = tpu.vector_load %arg7[%get3A_1522, %get3A_1523] {strides = array<i32>} : memref<200x128xi32, #tpu.memory_space<vmem>>, vector<16xi32>,
        %shift_right_logical3A_1525 = arith.constant 1 : i32
        %shift_right_logical3A_1526 = vector.broadcast %shift_right_logical3A_1525 : i32 to vector<16xi32>
        %shift_right_logical3A_1527 = arith.shrui %get3A_1524, %shift_right_logical3A_1526 : vector<16xi32>
        %swap3A_1528 = arith.constant 112 : index
        %swap3A_1529 = tpu.vector_load %arg11[%swap3A_1528] {strides = array<i32>} : memref<128xi32, #tpu.memory_space<vmem>>, vector<16xi32>,
        tpu.vector_store %arg11[%swap3A_1528], %shift_right_logical3A_1527 {strides = array<i32>} : memref<128xi32, #tpu.memory_space<vmem>>, vector<16xi32>,
        %add3A_1530 = arith.constant 4 : i32
        %add3A_1531 = arith.addi %add3A_1433, %add3A_1530 : i32
        %dma_start3A_1532 = arith.constant 0 : i32
        %dma_start3A_1533 = arith.constant 0 : i32
        %dma_start3A_1534 = tpu.memref_slice %arg3[%dma_start3A_1532, %dma_start3A_1533] : memref<500000x128xf32, #tpu.memory_space<hbm>> -> memref<500000x128xf32, #tpu.memory_space<hbm>>
        tpu.enqueue_indirect_dma source(%dma_start3A_1534 : memref<500000x128xf32, #tpu.memory_space<hbm>>) target(%arg15 : memref<128x128xf32, #tpu.memory_space<vmem>>) offsets(%arg11 : memref<128xi32, #tpu.memory_space<vmem>>) semaphore(%arg25 : memref<!tpu.dma_semaphore, #tpu.memory_space<semaphore_mem>>)
      } else {
      }
    }
    %scan3A_1328 = arith.constant 50 : i32
    %add3A_1329 = arith.constant 25344 : i32
    %add3A_1330 = arith.addi %mul3A_2, %add3A_1329 : i32
    %dma_wait3A = arith.constant 0 : i32
    %dma_wait3A_1331 = tpu.memref_slice %arg6[%add3A_1330, %dma_wait3A] : memref<819200x64xf32, #tpu.memory_space<hbm>> -> memref<128x64xf32, #tpu.memory_space<hbm>>
    %dma_wait3A_1332 = arith.constant 0 : i32
    %dma_wait3A_1333 = tpu.memref_slice %arg6[%add3A_1330, %dma_wait3A_1332] : memref<819200x64xf32, #tpu.memory_space<hbm>> -> memref<128x64xf32, #tpu.memory_space<hbm>>
    tpu.wait_dma2 semaphore(%arg26 : memref<!tpu.dma_semaphore, #tpu.memory_space<semaphore_mem>>) src(%arg16 : memref<128x64xf32, #tpu.memory_space<vmem>>) dst(%dma_wait3A_1333 : memref<128x64xf32, #tpu.memory_space<hbm>>)
    %add3A_1334 = arith.constant 25472 : i32
    %add3A_1335 = arith.addi %mul3A_2, %add3A_1334 : i32
    %dma_wait3A_1336 = arith.constant 0 : i32
    %dma_wait3A_1337 = tpu.memref_slice %arg6[%add3A_1335, %dma_wait3A_1336] : memref<819200x64xf32, #tpu.memory_space<hbm>> -> memref<128x64xf32, #tpu.memory_space<hbm>>
    %dma_wait3A_1338 = arith.constant 0 : i32
    %dma_wait3A_1339 = tpu.memref_slice %arg6[%add3A_1335, %dma_wait3A_1338] : memref<819200x64xf32, #tpu.memory_space<hbm>> -> memref<128x64xf32, #tpu.memory_space<hbm>>
    tpu.wait_dma2 semaphore(%arg27 : memref<!tpu.dma_semaphore, #tpu.memory_space<semaphore_mem>>) src(%arg17 : memref<128x64xf32, #tpu.memory_space<vmem>>) dst(%dma_wait3A_1339 : memref<128x64xf32, #tpu.memory_space<hbm>>)
    return
  }
}

</mosaic_0001>

<sc_bundles>
// kernel: kernel.3.cloned.1.call-start
scs
__scs_entry_jumppad:
0x0: {  	(pc) =	sbr.rel $0x88, $3  }
0x1: {  	(tag) =	ssettag $0x0;
	lr =	simm.s32 $0x1  }
0x2: {  	[smem:$0x3F9D] =	sst lr;
	_ =	strace $0xD0000000  }
0x3: {  	_ = 	snop  }
0x4: {  	_ = 	snop  }
0x5: {  	_ = 	snop  }
0x6: {  	_ = 	snop  }
0x7: {  	_ = 	snop  }
__scs_overlays_trampoline_lowered:
0x8: {  	[smem:$0x3FAC] =	sst s0  }
0x9: {  	[smem:$0x3FAD] =	sst s1  }
0xa: {  	[smem:$0x3FAE] =	sst s2  }
0xb: {  	[smem:$0x3FAF] =	sst s3  }
0xc: {  	[smem:$0x3FB0] =	sst s4  }
0xd: {  	[smem:$0x3FB1] =	sst s5  }
0xe: {  	[smem:$0x3FB2] =	sst s6  }
0xf: {  	[smem:$0x3FB3] =	sst s7  }
0x10: {  	[smem:$0x3FB4] =	sst s8  }
0x11: {  	[smem:$0x3FB5] =	sst s9;
	s0 =	simm.s32 @!p0 $0x0  }
0x12: {  	s1 =	sld [smem:$0x3F9B];
	s0 =	simm.s32 @p0 $0x1  }
0x13: {  	[smem:$0x3FB6] =	sst s0;
	s0 =	simm.s32 @!p1 $0x0  }
0x14: {  	s2 =	sld [smem:$0x3F9A];
	s0 =	simm.s32 @p1 $0x1  }
0x15: {  	[smem:$0x3FB7] =	sst s0;
	s0 =	simm.s32 @!p2 $0x0  }
0x16: {  	s3 =	sld [smem:$0x3FDB];
	s0 =	simm.s32 @p2 $0x1  }
0x17: {  	s4 =	simm.s32 $0x1BF5;
	[smem:$0x3FB9] =	sst s0  }
0x18: {  	s0 =	sld [smem:$0x3F9C];
	_ =	swait.ge [sflag:s4], $0x0  }
0x19: {  	s7 =	sld [smem:$0x3F9D]  }
0x1a: {  	s8 =	sadd.s32 $0xFFFFE003, lr  }
0x1b: {  	s9 =	sadd.s32 $0xFFFFFEF7, lr;
	s5 =	simm.s32 $0xFFFFFFFF;
	p2 =	slt.u32 s8, $0xFFFFF086  }
0x1c: {  	p1 =	slt.u32 s9, $0xF7A;
	s5 =	simm.s32 @!p2 $0x0  }
0x1d: {  	s5 =	simm.s32 @p1 $0x1;
	p0 =	seq.s32 s7, s2  }
0x1e: {  	s7 =	smul.u32 @!p0 $0xF7A, s2;
	p2 =	seq.s32 @!p0 s5, $0x0  }
0x1f: {  	s9 =	smul.u32 $0xF7A, s1;
	s8 =	simm.s32 @!p0 $0x1BF5;
	p2 =	por !p2, p0  }
0x20: {  	[sflag:s8] =	ssyncset.s32 @!p0 $0xFFFFF086;
	s6 =	sadd.s32 @!p0 s3, s7;
	s7 =	simm.s32 @!p0 $0x108  }
0x21: {  	s3 =	sadd.s32 s3, s9;
	s6 =	sadd.s32 @!p0 $0x88, s6;
	s7 =	simm.s32 @p2 $0x1082  }
0x22: {  	[simem:s7], [sflag:s8] =	dma.local @!p0 [hbm:s6], $0xF7A  }
0x23: {  	s9 =	sor.u32 $0xD0000000, s2;
	s6 =	simm.s32 $0x108;
	_ =	swait.ge @!p0 [sflag:s8], $0x0  }
0x24: {  	s3 =	sadd.s32 $0x88, s3;
	s6 =	simm.s32 @!p1 $0x1082;
	[sflag:s4] =	ssyncset.s32 $0xFFFFF086  }
0x25: {  	[simem:s6], [sflag:s4] =	dma.local [hbm:s3], $0xF7A  }
0x26: {  	[smem:$0x3F9D] =	sst s1;
	(tag) =	ssettag s2;
	_ =	strace s9  }
0x27: {  	s1 =	sld [smem:$0x3FAD]  }
0x28: {  	s2 =	sld [smem:$0x3FAE]  }
0x29: {  	s4 =	sld [smem:$0x3FB0]  }
0x2a: {  	p0 =	seq.s32 s5, $0x0;
	s5 =	sld [smem:$0x3FB1]  }
0x2b: {  	s6 =	sld [smem:$0x3FB2]  }
0x2c: {  	s7 =	sld [smem:$0x3FB3]  }
0x2d: {  	s3 =	simm.s32 $0x108;
	s8 =	sld [smem:$0x3FB4]  }
0x2e: {  	s3 =	simm.s32 @!p0 $0x1082;
	s9 =	sld [smem:$0x3FB5]  }
0x2f: {  	lr =	sadd.s32 s0, s3;
	s0 =	sld [smem:$0x3FAC]  }
0x30: {  	s3 =	sld [smem:$0x3FAF]  }
0x31: {  	[smem:$0x3FB8] =	sst s10  }
0x32: {  	s10 =	sld [smem:$0x3FB6];
	_ =	sdelay $0x3  }
0x33: {  	p0 =	seq.s32 s10, $0x1;
	s10 =	sld [smem:$0x3FB8];
	_ =	sdelay $0x3  }
0x34: {  	[smem:$0x3FB8] =	sst s10  }
0x35: {  	s10 =	sld [smem:$0x3FB7];
	_ =	sdelay $0x3  }
0x36: {  	p1 =	seq.s32 s10, $0x1;
	s10 =	sld [smem:$0x3FB8];
	_ =	sdelay $0x3  }
0x37: {  	[smem:$0x3FB8] =	sst s10  }
0x38: {  	s10 =	sld [smem:$0x3FB9]  }
0x39: {  	_ = 	snop;
	(pc) =	sbr.ind lr, $3  }
0x3a: {  	_ = 	snop  }
0x3b: {  	_ = 	snop  }
0x3c: {  	p2 =	seq.s32 s10, $0x1;
	s10 =	sld [smem:$0x3FB8]  }
0x3d: {  	_ =	shalt  }
0x3e: {  	_ =	shalt  }
0x3f: {  	_ =	shalt  }
0x40: {  	_ =	shalt  }
0x41: {  	_ =	shalt  }
0x42: {  	_ =	shalt  }
0x43: {  	_ =	shalt  }
0x44: {  	_ =	shalt  }
0x45: {  	_ =	shalt  }
0x46: {  	_ =	shalt  }
0x47: {  	_ =	shalt  }
0x48: {  	_ =	shalt  }
0x49: {  	_ =	shalt  }
0x4a: {  	_ =	shalt  }
0x4b: {  	_ =	shalt  }
0x4c: {  	_ =	shalt  }
0x4d: {  	_ =	shalt  }
0x4e: {  	_ =	shalt  }
0x4f: {  	_ =	shalt  }
0x50: {  	_ =	shalt  }
0x51: {  	_ =	shalt  }
0x52: {  	_ =	shalt  }
0x53: {  	_ =	shalt  }
0x54: {  	_ =	shalt  }
0x55: {  	_ =	shalt  }
0x56: {  	_ =	shalt  }
0x57: {  	_ =	shalt  }
0x58: {  	_ =	shalt  }
0x59: {  	_ =	shalt  }
0x5a: {  	_ =	shalt  }
0x5b: {  	_ =	shalt  }
0x5c: {  	_ =	shalt  }
0x5d: {  	_ =	shalt  }
0x5e: {  	_ =	shalt  }
0x5f: {  	_ =	shalt  }
0x60: {  	_ =	shalt  }
0x61: {  	_ =	shalt  }
0x62: {  	_ =	shalt  }
0x63: {  	_ =	shalt  }
0x64: {  	_ =	shalt  }
0x65: {  	_ =	shalt  }
0x66: {  	_ =	shalt  }
0x67: {  	_ =	shalt  }
0x68: {  	_ =	shalt  }
0x69: {  	_ =	shalt  }
0x6a: {  	_ =	shalt  }
0x6b: {  	_ =	shalt  }
0x6c: {  	_ =	shalt  }
0x6d: {  	_ =	shalt  }
0x6e: {  	_ =	shalt  }
0x6f: {  	_ =	shalt  }
0x70: {  	_ =	shalt  }
0x71: {  	_ =	shalt  }
0x72: {  	_ =	shalt  }
0x73: {  	_ =	shalt  }
0x74: {  	_ =	shalt  }
0x75: {  	_ =	shalt  }
0x76: {  	_ =	shalt  }
0x77: {  	_ =	shalt  }
0x78: {  	_ =	shalt  }
0x79: {  	_ =	shalt  }
0x7a: {  	_ =	shalt  }
0x7b: {  	_ =	shalt  }
0x7c: {  	_ =	shalt  }
0x7d: {  	_ =	shalt  }
0x7e: {  	_ =	shalt  }
0x7f: {  	_ =	shalt  }
0x80: {  	_ =	shalt  }
0x81: {  	_ =	shalt  }
0x82: {  	_ =	shalt  }
0x83: {  	_ =	shalt  }
0x84: {  	_ =	shalt  }
0x85: {  	_ =	shalt  }
0x86: {  	_ =	shalt  }
0x87: {  	_ =	shalt  }
.Lfunc_end0:
.L_simem_size_0:
called_computation.1_lowered:
.L_overlay_start_0:
0x88: {  	s2 =	sld [smem:$0x3FD9]  }
0x89: {  	s3 =	sld [smem:$0x3FFE];
	_ =	sdelay $0x1  }
0x8a: {  	s1 =	srdreg.scid  }
0x8b: {  	s0 =	sand.u32 $0x1, s1  }
0x8c: {  	s17 =	sshll.u32 s0, $0xA;
	s2 =	sadd.s32 s3, s2  }
0x8d: {  	s2 =	sadd.s32 s2, s17  }
0x8e: {  	[smem:$0x3FC4] =	sst s2  }
0x8f: {  	_ = 	snop  }
0x90: {  	s2 =	sld [smem:$0x3FC7]  }
0x91: {  	s18 =	sld [smem:$0x3FC6]  }
0x92: {  	s4 =	sld [smem:$0x3FD0];
	(tm) =	ssettm $0x1  }
0x93: {  	s5 =	sld [smem:$0x3FFB];
	_ =	sdelay $0x3  }
0x94: {  	_ =	strace s5  }
0x95: {  	s5 =	sld [smem:$0x3FFC];
	_ =	sdelay $0x3  }
0x96: {  	_ =	strace s5  }
0x97: {  	s5 =	sld [smem:$0x3FFD];
	_ =	sdelay $0x3  }
0x98: {  	_ =	strace s5  }
0x99: {  	_ =	strace $0x8FFFFFFF  }
0x9a: {  	s19 =	sld [smem:$0x3FDB];
	_ =	sdelay $0x1  }
0x9b: {  	s6 =	simm.s32 $_scs_section_size  }
0x9c: {  	s7 =	simm.s32 $_size__tile_overlayer_lowered;
	s8 =	simm.s32 $_tile_overlayer_lowered  }
0x9d: {  	s22 =	simm.s32 $0x1BFF;
	s21 =	sshll.u32 s8, $0x1;
	s5 =	sadd.s32 s6, s19  }
0x9e: {  	s9 =	simm.s32 $0x0;
	s20 =	sshll.u32 s7, $0x1;
	s7 =	sadd.s32 s21, s5  }
0x9f: {  	[timem:s9], [sflag:s22] =	dma.local [hbm:s7], s20  }
0xa0: {  	_ =	swait.ge [sflag:s22], s20  }
0xa1: {  	s6 =	ssub.s32 $0x0, s20;
	[sflag:s22] =	ssyncset.done $0x0  }
0xa2: {  	[sflag:s22] =	ssyncadd.s32 s6;
	_ =	sdelay $0x1  }
0xa3: {  	s23 =	simm.s32 $0x1B8B  }
0xa4: {  	_ =	swait.ge [sflag:s23], $0x1  }
0xa5: {  	[sflag:s23] =	ssyncset.done $0x0  }
0xa6: {  	s25 =	simm.s32 $0x1B8E;
	s24 =	sld [smem:$0x3FFE];
	[sflag:s23] =	ssyncadd.s32 $0xFFFFFFFF  }
0xa7: {  	s26 =	simm.s32 $execute0_lowered;
	[smem:$0x3FD2] =	sst s25  }
0xa8: {  	s7 =	sshll.u32 s26, $0x1;
	_ =	strace $0x80000046;
	[dreg:$0x1] =	wrdreg $0xFFFFFFFF  }
0xa9: {  	s28 =	simm.s32 $_size_execute0_lowered;
	s5 =	sadd.s32 s5, s7;
	[dreg:$0x0] =	wrdreg $0x0  }
0xaa: {  	s7 =	sshll.u32 s28, $0x1;
	[dreg:$0x2] =	wrdreg s5  }
0xab: {  	[dreg:$0x3] =	wrdreg s7  }
0xac: {  	[dreg:$0x4] =	wrdreg $0xC0  }
0xad: {  	_ =	task [dreg:s9], $0x5FFFF  }
0xae: {  	[dreg:$0x1] =	wrdreg $0xFFFFFFFF  }
0xaf: {  	[dreg:$0x0] =	wrdreg $0x60  }
0xb0: {  	[dreg:$0x2] =	wrdreg s4  }
0xb1: {  	[dreg:$0x3] =	wrdreg s24  }
0xb2: {  	[dreg:$0x4] =	wrdreg s2  }
0xb3: {  	[dreg:$0x5] =	wrdreg s18  }
0xb4: {  	[dreg:$0x6] =	wrdreg $0x9  }
0xb5: {  	_ =	task.clear_ibuf [dreg:s9], $0x7FFFF;
	_ =	strace $0x90000046  }
0xb6: {  	s29 =	simm.s32 $0x9;
	_ =	strace $0x80000048  }
0xb7: {  	_ =	swait.ge [sflag:s29], $0x1  }
0xb8: {  	[sflag:s29] =	ssyncadd.s32 $0xFFFFFFFF  }
0xb9: {  	_ =	strace $0x90000048  }
0xba: {  	_ =	sfence  }
0xbb: {  	s30 =	sld [smem:$0x0];
	_ =	sdelay $0x2  }
0xbc: {  	s31 =	sshll.u32 s1, $0xD;
	s1 =	sshrl.u32 s1, $0x2  }
0xbd: {  	s3 =	sand.u32 $0x4000, s31;
	s1 =	sadd.s32 s1, s30  }
0xbe: {  	s0 =	sor.u32 s3, s0;
	s1 =	sshll.u32 s1, $0x11  }
0xbf: {  	s0 =	sor.u32 s1, s0  }
0xc0: {  	s0 =	sadd.s32 $0x8F2B, s0  }
0xc1: {  	[sflag:s0] =	ssyncadd.remote.s32 $0x1  }
0xc2: {  	_ =	sfence.sel $0xFFFF  }
0xc3: {  	[dreg:$0x0] =	wrdreg $0xFFFFFFFF;
	(pc) =	sbr.abs _section_cstart, $3  }
0xc4: {  	[dreg:$0x1] =	wrdreg $0xFFFFFFFF  }
0xc5: {  	_ =	task.clear_ibuf [dreg:s9], $0x2FFFF;
	_ =	strace $0x9FFFFFFF  }
0xc6: {  	(tm) =	ssettm $0x7FFFFFFF  }
0xc7: {  	_ =	shalt  }
tec
execute0_lowered:
.L_overlay_start_1:
0x0: {  	(tag) =	ssettag $0x1  }
0x1: {  	v0 =	vlaneseq.u32  }
0x2: {  	v1 =	vadd.s32 $0x1, v0  }
0x3: {  	v2 =	vadd.s32 $0x22, v0;
	[tilespmem:$0x1FC30] =	vst v1  }
0x4: {  	v1 =	vadd.s32 $0x2, v0;
	[tilespmem:$0x1FE40] =	vst v2  }
0x5: {  	[tilespmem:$0x1FC40] =	vst v1;
	v1 =	vadd.s32 $0x3, v0  }
0x6: {  	[tilespmem:$0x1FC50] =	vst v1;
	v1 =	vadd.s32 $0x4, v0  }
0x7: {  	[tilespmem:$0x1FC60] =	vst v1;
	v1 =	vadd.s32 $0x5, v0  }
0x8: {  	[tilespmem:$0x1FC70] =	vst v1;
	v1 =	vadd.s32 $0x6, v0  }
0x9: {  	[tilespmem:$0x1FC80] =	vst v1;
	v1 =	vadd.s32 $0x7, v0  }
0xa: {  	[tilespmem:$0x1FC90] =	vst v1;
	v1 =	vadd.s32 $0x8, v0  }
0xb: {  	[tilespmem:$0x1FCA0] =	vst v1;
	v1 =	vadd.s32 $0x9, v0  }
0xc: {  	[tilespmem:$0x1FCB0] =	vst v1;
	v1 =	vadd.s32 $0xA, v0  }
0xd: {  	[tilespmem:$0x1FCC0] =	vst v1;
	v1 =	vadd.s32 $0xB, v0  }
0xe: {  	[tilespmem:$0x1FCD0] =	vst v1;
	v1 =	vadd.s32 $0xC, v0  }
0xf: {  	[tilespmem:$0x1FCE0] =	vst v1;
	v1 =	vadd.s32 $0xD, v0  }
0x10: {  	[tilespmem:$0x1FCF0] =	vst v1;
	v1 =	vadd.s32 $0xE, v0  }
0x11: {  	[tilespmem:$0x1FD00] =	vst v1;
	v1 =	vadd.s32 $0xF, v0  }
0x12: {  	[tilespmem:$0x1FD10] =	vst v1;
	v1 =	vor.u32 $0x10, v0  }
0x13: {  	[tilespmem:$0x1FD20] =	vst v1;
	v1 =	vadd.s32 $0x11, v0  }
0x14: {  	[tilespmem:$0x1FD30] =	vst v1;
	v1 =	vadd.s32 $0x12, v0  }
0x15: {  	[tilespmem:$0x1FD40] =	vst v1;
	v1 =	vadd.s32 $0x13, v0  }
0x16: {  	[tilespmem:$0x1FD50] =	vst v1;
	v1 =	vadd.s32 $0x14, v0  }
0x17: {  	[tilespmem:$0x1FD60] =	vst v1;
	v1 =	vadd.s32 $0x15, v0  }
0x18: {  	[tilespmem:$0x1FD70] =	vst v1;
	v1 =	vadd.s32 $0x16, v0  }
0x19: {  	[tilespmem:$0x1FD80] =	vst v1;
	v1 =	vadd.s32 $0x17, v0  }
0x1a: {  	[tilespmem:$0x1FD90] =	vst v1;
	v1 =	vadd.s32 $0x18, v0  }
0x1b: {  	[tilespmem:$0x1FDA0] =	vst v1;
	v1 =	vadd.s32 $0x19, v0  }
0x1c: {  	v3 =	vimm.s32 $0x3F3E3D;
	[tilespmem:$0x1FDB0] =	vst v1;
	v1 =	vadd.s32 $0x1A, v0  }
0x1d: {  	vm0 =	vcmask $0x1F10;
	v27 =	vimm.s32 $0x35343332;
	[tilespmem:$0x1FDC0] =	vst v1;
	v1 =	vadd.s32 $0x1B, v0  }
0x1e: {  	v28 =	vimm.s32 $0x39383736;
	v29 =	vimm.s32 $0x3D3C3B3A;
	[tilespmem:$0x1FDD0] =	vst v1;
	v1 =	vadd.s32 $0x1C, v0  }
0x1f: {  	v30 =	vimm.s32 $0x1003F3E;
	v6 =	vimm.s32 $0x36353433;
	[tilespmem:$0x1FDE0] =	vst v1;
	v1 =	vadd.s32 $0x1D, v0  }
0x20: {  	v33 =	vimm.s32 $0x3A393837;
	v7 =	vimm.s32 $0x3E3D3C3B;
	[tilespmem:$0x1FDF0] =	vst v1;
	v1 =	vadd.s32 $0x1E, v0  }
0x21: {  	v8 =	vimm.s32 $0x201003F;
	v36 =	vimm.s32 $0x3020100;
	[tilespmem:$0x1FE00] =	vst v1;
	v1 =	vadd.s32 $0x1F, v0  }
0x22: {  	v38 =	vimm.s32 $0x3F3E3D3C;
	v2 =	vimm.s32 $0x38373635;
	[tilespmem:$0x1FE10] =	vst v1;
	v1 =	vor.u32 $0x20, v0  }
0x23: {  	v4 =	vunpack.c.0.s8.s32 v2;
	v2 =	vimm.s32 $0x3C3B3A39;
	[tilespmem:$0x1FE20] =	vst v1;
	v1 =	vadd.s32 $0x21, v0  }
0x24: {  	v39 =	vimm.s32 $0x37363534;
	v5 =	vunpack.c.0.s8.s32 v2;
	[tilespmem:$0x1FE30] =	vst v1;
	v1 =	vimm.s32 $0x34333231  }
0x25: {  	v2 =	vunpack.c.0.s8.s32 v3;
	v3 =	vadd.s32 $0x23, v0;
	v1 =	vunpack.c.0.s8.s32 v1  }
0x26: {  	v40 =	vimm.s32 $0x3B3A3938;
	v45 =	vimm.s32 $0x4030201;
	[tilespmem:$0x1FE50] =	vst v3;
	v3 =	vadd.s32 $0x24, v0  }
0x27: {  	v46 =	vimm.s32 $0x87654321;
	[tilespmem:$0x1FE60] =	vst v3;
	v3 =	vsel vm0, v2, v5;
	v1 =	vsel vm0, v4, v1  }
0x28: {  	v47 =	vimm.s32 $0x5040302;
	v48 =	vimm.s32 $0x98765432;
	v1 =	vcombine.low v1, v3  }
0x29: {  	v50 =	vimm.s32 $0xA9876543;
	v51 =	vimm.s32 $0x32107654;
	v9 =	vunpack.c.0.s8.s32 v28  }
0x2a: {  	v10 =	vunpack.c.0.s8.s32 v29;
	v31 =	vunpack.c.0.s8.s32 v30;
	[tilespmem:$0x1FE90] =	vst v1;
	v1 =	vunpack.c.0.s8.s32 v27  }
0x2b: {  	v32 =	vunpack.c.0.s8.s32 v6;
	v11 =	vunpack.c.0.s8.s32 v33;
	v12 =	vunpack.c.0.s8.s32 v7  }
0x2c: {  	v34 =	vunpack.c.0.s8.s32 v8;
	v35 =	vsel vm0, v31, v10;
	v1 =	vsel vm0, v9, v1  }
0x2d: {  	vm1 =	vcmask $0x2F10;
	v54 =	vimm.s32 $0xB0A0908;
	v1 =	vcombine.low v1, v35  }
0x2e: {  	v55 =	vimm.s32 $0x54329876;
	v37 =	vsel vm0, v34, v12;
	[tilespmem:$0x1FE80] =	vst v5;
	v5 =	vsel vm0, v11, v32  }
0x2f: {  	vm2 =	vcmask $0x3F30;
	[tilespmem:$0x1FEF0] =	vst v1;
	v1 =	vcombine.low v5, v37;
	v5 =	vunpack.c.l.s4.s8 v46  }
0x30: {  	v58 =	vimm.s32 $0x6543A987;
	v8 =	vunpack.c.0.s8.s32 v36;
	v43 =	vadd.s32 $0x25, v0  }
0x31: {  	v13 =	vunpack.c.0.s8.s32 v38;
	v49 =	vunpack.c.l.s4.s8 v48;
	[tilespmem:$0x1FEE0] =	vst v43;
	v5 =	vunpack.c.0.s8.s32 v5  }
0x32: {  	v59 =	vimm.s32 $0xD0C0B0A;
	v41 =	vunpack.c.0.s8.s32 v39;
	v42 =	vunpack.c.0.s8.s32 v40;
	[tilespmem:$0x1FEA0] =	vst v9  }
0x33: {  	[tilespmem:$0x1FF00] =	vst v1;
	v1 =	vsel vm0, v8, v13;
	v8 =	vunpack.c.0.s8.s32 v49;
	v5 =	vand.u32 $0xF, v5  }
0x34: {  	[tilespmem:$0x1FEB0] =	vst v10;
	v44 =	vsel vm0, v42, v41;
	v10 =	vunpack.c.l.s4.s8 v50;
	v3 =	vcombine.low v3, v5  }
0x35: {  	v7 =	vunpack.c.l.s4.s8 v58;
	[tilespmem:$0x1FEC0] =	vst v11;
	v1 =	vcombine.low v44, v1;
	v8 =	vand.u32 $0xF, v8  }
0x36: {  	v60 =	vunpack.c.0.s8.s32 v59;
	v10 =	vunpack.c.0.s8.s32 v10;
	[tilespmem:$0x1FF50] =	vst v3;
	v3 =	vcombine.low v35, v8  }
0x37: {  	v61 =	vadd.s32 $0x26, v0;
	v11 =	vunpack.c.l.s4.s8 v51;
	[tilespmem:$0x1FF20] =	vst v1;
	v1 =	vunpack.c.0.s8.s32 v45  }
0x38: {  	v52 =	vand.u32 $0xF, v10;
	v10 =	vunpack.c.l.s4.s8 v55;
	[tilespmem:$0x1FF60] =	vst v3;
	v3 =	vimm.s32 $0x43218765  }
0x39: {  	s0 =	rddreg [dreg:$0x0];
	[tilespmem:$0x1FED0] =	vst v12;
	v11 =	vunpack.c.0.s8.s32 v11;
	v1 =	vsel vm0, v1, v2;
	v3 =	vunpack.c.l.s4.s8 v3  }
0x3a: {  	s1 =	rddreg [dreg:$0x1];
	v63 =	vadd.s32 $0x27, v0;
	v36 =	vadd.s32 $0x2C, v0;
	[tilespmem:$0x1FF30] =	vst v1;
	v1 =	vunpack.c.0.s8.s32 v47  }
0x3b: {  	s2 =	srdreg.scid;
	s3 =	stileid.u32;
	[tilespmem:$0x1FF10] =	vst v42;
	v57 =	vunpack.c.0.s8.s32 v10;
	v53 =	vand.u32 $0xF, v11;
	v3 =	vunpack.c.0.s8.s32 v3  }
0x3c: {  	s10 =	simm.s32 $0x1E600;
	s12 =	simm.s32 $0x1E680;
	s15 =	simm.s32 $0x6600;
	[tilespmem:$0x1FF80] =	vst v13;
	v56 =	vsel vm1, v53, v13;
	v5 =	vcombine.low v37, v52;
	v1 =	vsel vm0, v1, v31  }
0x3d: {  	s4 =	simm.s32 $0x0;
	s17 =	simm.s32 $0xA600;
	s19 =	simm.s32 $0xE600;
	v8 =	vunpack.c.0.s8.s32 v54;
	[tilespmem:$0x1FF40] =	vst v1;
	v1 =	vimm.s32 $0x6050403;
	v3 =	vand.u32 $0xF, v3  }
0x3e: {  	s21 =	simm.s32 $0x12600;
	s22 =	simm.s32 $0x1;
	s23 =	simm.s32 $0x16600;
	[tilespmem:$0x1FE70] =	vst v4;
	v1 =	vunpack.c.0.s8.s32 v1;
	v2 =	vsel vm1, v3, v2;
	v3 =	vimm.s32 $0xC0B0A09  }
0x3f: {  	s24 =	simm.s32 $0x2;
	s2 =	sand.u32 $0x1, s2;
	s3 =	sshll.u32 s3, $0x1;
	v40 =	vadd.s32 $0x2D, v0;
	[tilespmem:$0x1FF70] =	vst v5;
	v5 =	vsel vm2, v8, v56;
	v3 =	vunpack.c.0.s8.s32 v3  }
0x40: {  	[smem:$0x7FF] =	sst s4;
	s7 =	ssub.s32 $0x2, s2;
	s2 =	sor.u32 s2, s3;
	v43 =	vor.u32 $0x30, v0;
	[tilespmem:$0x1FF90] =	vst v5;
	v5 =	vand.u32 $0xF, v57;
	v1 =	vsel vm0, v1, v34  }
0x41: {  	s28 =	simm.s32 $0x5;
	s8 =	smul.u32 $0xC80, s2;
	v4 =	vsel vm1, v5, v31;
	_ =	strace $0x80000047;
	[tilespmem:$0x1FFD0] =	vst v1;
	v2 =	vsel vm2, v3, v2;
	v3 =	vimm.s32 $0x76543210  }
.Ltmp0:
0x42: {  	s29 =	simm.s32 $0x4;
	s5 =	sadd.s32 $0xF42E00, s1;
	v7 =	vunpack.c.0.s8.s32 v7;
	[tilespmem:$0x1FFB0] =	vst v2;
	v2 =	vsel vm2, v60, v4;
	v1 =	vunpack.c.l.s4.s8 v3;
	(pc) =	sbr.rel .LBB2_1-.Ltmp0, $4  }
0x43: {  	s30 =	simm.s32 $0x6;
	s6 =	sadd.s32 $0xA00, s1;
	s25 =	sshrl.u32 s7, $0x1;
	v50 =	vadd.s32 $0x29, v0;
	v41 =	vadd.s32 $0x2E, v0;
	[tilespmem:$0x1FFC0] =	vst v2;
	v2 =	vimm.s32 $0xE0D0C0B  }
0x44: {  	s1 =	simm.s32 $0x0;
	s26 =	ssub.s32 s7, s25;
	s0 =	sadd.s32 s0, s8;
	v62 =	vand.u32 $0xF, v7;
	[tilespmem:$0x1FFA0] =	vst v61;
	v2 =	vunpack.c.0.s8.s32 v2;
	v1 =	vunpack.c.0.s8.s32 v1  }
0x45: {  	v42 =	vadd.s32 $0x2F, v0;
	s25 =	simm.s32 $0x1A600;
	s31 =	smax.u32 s26, $0x1;
	v51 =	vadd.s32 $0x2A, v0;
	[dreg:$0x5] =	wrdreg s0;
	[tilespmem:$0x1FFE0] =	vst v63;
	v3 =	vsel vm1, v62, v34  }
0x46: {  	s8 =	smul.u32 $0x320000, s2;
	s26 =	simm.s32 $0x3;
	v35 =	vadd.s32 $0x2B, v0;
	[dreg:$0x6] =	wrdreg s31;
	v62 =	vadd.s32 $0x28, v0;
	v61 =	vsel vm2, v2, v3;
	[tilespmem:$0x1FFF0] =	vst v1  }
.LBB2_28:
0x47: {  	_ =	swait.ge [sflag:s28], $0x4000  }
0x48: {  	[sflag:s28] =	ssyncset.done $0x0  }
0x49: {  	[sflag:s28] =	ssyncadd.s32 $0xFFFFC000  }
0x4a: {  	_ =	swait.ge [sflag:s30], $0x4000  }
0x4b: {  	s1 =	rddreg [dreg:$0x7]  }
0x4c: {  	s0 =	rddreg [dreg:$0x6];
	s1 =	sadd.s32 $0x1, s1  }
0x4d: {  	p0 =	sne.s32 s1, s0  }
.Ltmp1:
0x4e: {  	_ = 	snop;
	(pc) =	sbr.rel @!p0 .LBB2_29-.Ltmp1, $3  }
0x4f: {  	_ =	sdelay $0x1  }
0x50: {  	[sflag:s30] =	ssyncset.done $0x0  }
0x51: {  	[sflag:s30] =	ssyncadd.s32 $0xFFFFC000  }
.LBB2_1:
0x52: {  	[dreg:$0x7] =	wrdreg s1  }
0x53: {  	s0 =	rddreg [dreg:$0x2];
	s9 =	simm.s32 $0x7  }
0x54: {  	[tilespmem:s10], [sflag:$0x7] =	stream.linear.gather [hbm4b:s0+s4], $0x80, $0x38;
	[tilespmem:$0x1EF00] =	vst v63  }
0x55: {  	_ =	swait.ge [sflag:s9], $0x80  }
0x56: {  	[sflag:s9] =	ssyncset.done $0x0  }
0x57: {  	[sflag:s9] =	ssyncadd.s32 $0xFFFFFF80  }
0x58: {  	s11 =	rddreg [dreg:$0x3]  }
0x59: {  	[tilespmem:s12], [sflag:$0x7] =	stream.linear.gather [hbm4b:s11+s4], $0x80, $0x38;
	[tilespmem:$0x1EF00] =	vst v63  }
0x5a: {  	_ =	swait.ge [sflag:s9], $0x80  }
0x5b: {  	[sflag:s9] =	ssyncset.done $0x0  }
0x5c: {  	s13 =	rddreg [dreg:$0x5];
	[sflag:s9] =	ssyncadd.s32 $0xFFFFFF80  }
0x5d: {  	[tilespmem:s4], [sflag:$0x7] =	stream.linear.gather [hbm4b:s13+s4], $0x6400, $0x38;
	[tilespmem:$0x1EF00] =	vst v63  }
0x5e: {  	_ =	swait.ge [sflag:s9], $0x6400  }
0x5f: {  	[sflag:s9] =	ssyncset.done $0x0  }
0x60: {  	[sflag:s9] =	ssyncadd.s32 $0xFFFF9C00  }
0x61: {  	v1 =	vld.idx.msk [tilespmem:v0+s10+$0x0], $0xffff;
	_ =	sdelay $0x3  }
0x62: {  	v2 =	vld [tilespmem:$0x1FC30]  }
0x63: {  	[tilespmem:$0x1E700] =	vst v1  }
0x64: {  	v1 =	vld.idx.msk [tilespmem:v0+s12+$0x0], $0xffff;
	_ =	sdelay $0x4  }
0x65: {  	[tilespmem:$0x1EB00] =	vst v1  }
0x66: {  	v1 =	vld.idx.msk [tilespmem:v2+s10+$0x0], $0xffff;
	_ =	sdelay $0x4  }
0x67: {  	[tilespmem:$0x1E710] =	vst v1  }
0x68: {  	v1 =	vld.idx.msk [tilespmem:v2+s12+$0x0], $0xffff  }
0x69: {  	v2 =	vld [tilespmem:$0x1FC40];
	_ =	sdelay $0x6  }
0x6a: {  	[tilespmem:$0x1EB10] =	vst v1  }
0x6b: {  	v1 =	vld.idx.msk [tilespmem:v2+s10+$0x0], $0xffff;
	_ =	sdelay $0x4  }
0x6c: {  	[tilespmem:$0x1E720] =	vst v1  }
0x6d: {  	v1 =	vld.idx.msk [tilespmem:v2+s12+$0x0], $0xffff  }
0x6e: {  	v2 =	vld [tilespmem:$0x1FC50];
	_ =	sdelay $0x6  }
0x6f: {  	[tilespmem:$0x1EB20] =	vst v1  }
0x70: {  	v1 =	vld.idx.msk [tilespmem:v2+s10+$0x0], $0xffff;
	_ =	sdelay $0x4  }
0x71: {  	[tilespmem:$0x1E730] =	vst v1  }
0x72: {  	v1 =	vld.idx.msk [tilespmem:v2+s12+$0x0], $0xffff  }
0x73: {  	v2 =	vld [tilespmem:$0x1FC60];
	_ =	sdelay $0x6  }
0x74: {  	[tilespmem:$0x1EB30] =	vst v1  }
0x75: {  	v1 =	vld.idx.msk [tilespmem:v2+s10+$0x0], $0xffff;
	_ =	sdelay $0x4  }
0x76: {  	[tilespmem:$0x1E740] =	vst v1  }
0x77: {  	v1 =	vld.idx.msk [tilespmem:v2+s12+$0x0], $0xffff  }
0x78: {  	v2 =	vld [tilespmem:$0x1FC70];
	_ =	sdelay $0x6  }
0x79: {  	[tilespmem:$0x1EB40] =	vst v1  }
0x7a: {  	v1 =	vld.idx.msk [tilespmem:v2+s10+$0x0], $0xffff;
	_ =	sdelay $0x4  }
0x7b: {  	[tilespmem:$0x1E750] =	vst v1  }
0x7c: {  	v1 =	vld.idx.msk [tilespmem:v2+s12+$0x0], $0xffff  }
0x7d: {  	v2 =	vld [tilespmem:$0x1FC80];
	_ =	sdelay $0x6  }
0x7e: {  	[tilespmem:$0x1EB50] =	vst v1  }
0x7f: {  	v1 =	vld.idx.msk [tilespmem:v2+s10+$0x0], $0xffff;
	_ =	sdelay $0x4  }
0x80: {  	[tilespmem:$0x1E760] =	vst v1  }
0x81: {  	v1 =	vld.idx.msk [tilespmem:v2+s12+$0x0], $0xffff  }
0x82: {  	v2 =	vld [tilespmem:$0x1FC90];
	_ =	sdelay $0x6  }
0x83: {  	[tilespmem:$0x1EB60] =	vst v1  }
0x84: {  	v1 =	vld.idx.msk [tilespmem:v2+s10+$0x0], $0xffff;
	_ =	sdelay $0x4  }
0x85: {  	[tilespmem:$0x1E770] =	vst v1  }
0x86: {  	v1 =	vld.idx.msk [tilespmem:v2+s12+$0x0], $0xffff  }
0x87: {  	v2 =	vld [tilespmem:$0x1FCA0];
	_ =	sdelay $0x6  }
0x88: {  	[tilespmem:$0x1EB70] =	vst v1  }
0x89: {  	v1 =	vld.idx.msk [tilespmem:v2+s10+$0x0], $0xffff;
	_ =	sdelay $0x4  }
0x8a: {  	[tilespmem:$0x1E780] =	vst v1  }
0x8b: {  	v1 =	vld.idx.msk [tilespmem:v2+s12+$0x0], $0xffff  }
0x8c: {  	v2 =	vld [tilespmem:$0x1FCB0];
	_ =	sdelay $0x6  }
0x8d: {  	[tilespmem:$0x1EB80] =	vst v1  }
0x8e: {  	v1 =	vld.idx.msk [tilespmem:v2+s10+$0x0], $0xffff;
	_ =	sdelay $0x4  }
0x8f: {  	[tilespmem:$0x1E790] =	vst v1  }
0x90: {  	v1 =	vld.idx.msk [tilespmem:v2+s12+$0x0], $0xffff  }
0x91: {  	v2 =	vld [tilespmem:$0x1FCC0];
	_ =	sdelay $0x6  }
0x92: {  	[tilespmem:$0x1EB90] =	vst v1  }
0x93: {  	v1 =	vld.idx.msk [tilespmem:v2+s10+$0x0], $0xffff;
	_ =	sdelay $0x4  }
0x94: {  	[tilespmem:$0x1E7A0] =	vst v1  }
0x95: {  	v1 =	vld.idx.msk [tilespmem:v2+s12+$0x0], $0xffff  }
0x96: {  	v2 =	vld [tilespmem:$0x1FCD0];
	_ =	sdelay $0x6  }
0x97: {  	[tilespmem:$0x1EBA0] =	vst v1  }
0x98: {  	v1 =	vld.idx.msk [tilespmem:v2+s10+$0x0], $0xffff;
	_ =	sdelay $0x4  }
0x99: {  	[tilespmem:$0x1E7B0] =	vst v1  }
0x9a: {  	v1 =	vld.idx.msk [tilespmem:v2+s12+$0x0], $0xffff  }
0x9b: {  	v2 =	vld [tilespmem:$0x1FCE0];
	_ =	sdelay $0x6  }
0x9c: {  	[tilespmem:$0x1EBB0] =	vst v1  }
0x9d: {  	v1 =	vld.idx.msk [tilespmem:v2+s10+$0x0], $0xffff;
	_ =	sdelay $0x4  }
0x9e: {  	[tilespmem:$0x1E7C0] =	vst v1  }
0x9f: {  	v1 =	vld.idx.msk [tilespmem:v2+s12+$0x0], $0xffff  }
0xa0: {  	v2 =	vld [tilespmem:$0x1FCF0];
	_ =	sdelay $0x6  }
0xa1: {  	[tilespmem:$0x1EBC0] =	vst v1  }
0xa2: {  	v1 =	vld.idx.msk [tilespmem:v2+s10+$0x0], $0xffff;
	_ =	sdelay $0x4  }
0xa3: {  	[tilespmem:$0x1E7D0] =	vst v1  }
0xa4: {  	v1 =	vld.idx.msk [tilespmem:v2+s12+$0x0], $0xffff  }
0xa5: {  	v2 =	vld [tilespmem:$0x1FD00];
	_ =	sdelay $0x6  }
0xa6: {  	[tilespmem:$0x1EBD0] =	vst v1  }
0xa7: {  	v1 =	vld.idx.msk [tilespmem:v2+s10+$0x0], $0xffff;
	_ =	sdelay $0x4  }
0xa8: {  	[tilespmem:$0x1E7E0] =	vst v1  }
0xa9: {  	v1 =	vld.idx.msk [tilespmem:v2+s12+$0x0], $0xffff  }
0xaa: {  	v2 =	vld [tilespmem:$0x1FD10];
	_ =	sdelay $0x6  }
0xab: {  	[tilespmem:$0x1EBE0] =	vst v1  }
0xac: {  	v1 =	vld.idx.msk [tilespmem:v2+s10+$0x0], $0xffff;
	_ =	sdelay $0x4  }
0xad: {  	[tilespmem:$0x1E7F0] =	vst v1  }
0xae: {  	v1 =	vld.idx.msk [tilespmem:v2+s12+$0x0], $0xffff  }
0xaf: {  	v2 =	vld [tilespmem:$0x1FD20];
	_ =	sdelay $0x6  }
0xb0: {  	[tilespmem:$0x1EBF0] =	vst v1  }
0xb1: {  	v1 =	vld.idx.msk [tilespmem:v2+s10+$0x0], $0xffff;
	_ =	sdelay $0x4  }
0xb2: {  	[tilespmem:$0x1E800] =	vst v1  }
0xb3: {  	v1 =	vld.idx.msk [tilespmem:v2+s12+$0x0], $0xffff  }
0xb4: {  	v2 =	vld [tilespmem:$0x1FD30];
	_ =	sdelay $0x6  }
0xb5: {  	[tilespmem:$0x1EC00] =	vst v1  }
0xb6: {  	v1 =	vld.idx.msk [tilespmem:v2+s10+$0x0], $0xffff;
	_ =	sdelay $0x4  }
0xb7: {  	[tilespmem:$0x1E810] =	vst v1  }
0xb8: {  	v1 =	vld.idx.msk [tilespmem:v2+s12+$0x0], $0xffff  }
0xb9: {  	v2 =	vld [tilespmem:$0x1FD40];
	_ =	sdelay $0x6  }
0xba: {  	[tilespmem:$0x1EC10] =	vst v1  }
0xbb: {  	v1 =	vld.idx.msk [tilespmem:v2+s10+$0x0], $0xffff;
	_ =	sdelay $0x4  }
0xbc: {  	[tilespmem:$0x1E820] =	vst v1  }
0xbd: {  	v1 =	vld.idx.msk [tilespmem:v2+s12+$0x0], $0xffff  }
0xbe: {  	v2 =	vld [tilespmem:$0x1FD50];
	_ =	sdelay $0x6  }
0xbf: {  	[tilespmem:$0x1EC20] =	vst v1  }
0xc0: {  	v1 =	vld.idx.msk [tilespmem:v2+s10+$0x0], $0xffff;
	_ =	sdelay $0x4  }
0xc1: {  	[tilespmem:$0x1E830] =	vst v1  }
0xc2: {  	v1 =	vld.idx.msk [tilespmem:v2+s12+$0x0], $0xffff  }
0xc3: {  	v2 =	vld [tilespmem:$0x1FD60];
	_ =	sdelay $0x6  }
0xc4: {  	[tilespmem:$0x1EC30] =	vst v1  }
0xc5: {  	v1 =	vld.idx.msk [tilespmem:v2+s10+$0x0], $0xffff;
	_ =	sdelay $0x4  }
0xc6: {  	[tilespmem:$0x1E840] =	vst v1  }
0xc7: {  	v1 =	vld.idx.msk [tilespmem:v2+s12+$0x0], $0xffff  }
0xc8: {  	v2 =	vld [tilespmem:$0x1FD70];
	_ =	sdelay $0x6  }
0xc9: {  	[tilespmem:$0x1EC40] =	vst v1  }
0xca: {  	v1 =	vld.idx.msk [tilespmem:v2+s10+$0x0], $0xffff;
	_ =	sdelay $0x4  }
0xcb: {  	[tilespmem:$0x1E850] =	vst v1  }
0xcc: {  	v1 =	vld.idx.msk [tilespmem:v2+s12+$0x0], $0xffff  }
0xcd: {  	v2 =	vld [tilespmem:$0x1FD80];
	_ =	sdelay $0x6  }
0xce: {  	[tilespmem:$0x1EC50] =	vst v1  }
0xcf: {  	v1 =	vld.idx.msk [tilespmem:v2+s10+$0x0], $0xffff;
	_ =	sdelay $0x4  }
0xd0: {  	[tilespmem:$0x1E860] =	vst v1  }
0xd1: {  	v1 =	vld.idx.msk [tilespmem:v2+s12+$0x0], $0xffff  }
0xd2: {  	v2 =	vld [tilespmem:$0x1FD90];
	_ =	sdelay $0x6  }
0xd3: {  	[tilespmem:$0x1EC60] =	vst v1  }
0xd4: {  	v1 =	vld.idx.msk [tilespmem:v2+s10+$0x0], $0xffff;
	_ =	sdelay $0x4  }
0xd5: {  	[tilespmem:$0x1E870] =	vst v1  }
0xd6: {  	v1 =	vld.idx.msk [tilespmem:v2+s12+$0x0], $0xffff  }
0xd7: {  	v2 =	vld [tilespmem:$0x1FDA0];
	_ =	sdelay $0x6  }
0xd8: {  	[tilespmem:$0x1EC70] =	vst v1  }
0xd9: {  	v1 =	vld.idx.msk [tilespmem:v2+s10+$0x0], $0xffff;
	_ =	sdelay $0x4  }
0xda: {  	[tilespmem:$0x1E880] =	vst v1  }
0xdb: {  	v1 =	vld.idx.msk [tilespmem:v2+s12+$0x0], $0xffff  }
0xdc: {  	v2 =	vld [tilespmem:$0x1FDB0];
	_ =	sdelay $0x6  }
0xdd: {  	[tilespmem:$0x1EC80] =	vst v1  }
0xde: {  	v1 =	vld.idx.msk [tilespmem:v2+s10+$0x0], $0xffff;
	_ =	sdelay $0x4  }
0xdf: {  	[tilespmem:$0x1E890] =	vst v1  }
0xe0: {  	v1 =	vld.idx.msk [tilespmem:v2+s12+$0x0], $0xffff  }
0xe1: {  	v2 =	vld [tilespmem:$0x1FDC0];
	_ =	sdelay $0x6  }
0xe2: {  	[tilespmem:$0x1EC90] =	vst v1  }
0xe3: {  	v1 =	vld.idx.msk [tilespmem:v2+s10+$0x0], $0xffff;
	_ =	sdelay $0x4  }
0xe4: {  	[tilespmem:$0x1E8A0] =	vst v1  }
0xe5: {  	v1 =	vld.idx.msk [tilespmem:v2+s12+$0x0], $0xffff  }
0xe6: {  	v2 =	vld [tilespmem:$0x1FDD0];
	_ =	sdelay $0x6  }
0xe7: {  	[tilespmem:$0x1ECA0] =	vst v1  }
0xe8: {  	v1 =	vld.idx.msk [tilespmem:v2+s10+$0x0], $0xffff;
	_ =	sdelay $0x4  }
0xe9: {  	[tilespmem:$0x1E8B0] =	vst v1  }
0xea: {  	v1 =	vld.idx.msk [tilespmem:v2+s12+$0x0], $0xffff  }
0xeb: {  	v2 =	vld [tilespmem:$0x1FDE0];
	_ =	sdelay $0x6  }
0xec: {  	[tilespmem:$0x1ECB0] =	vst v1  }
0xed: {  	v1 =	vld.idx.msk [tilespmem:v2+s10+$0x0], $0xffff;
	_ =	sdelay $0x4  }
0xee: {  	[tilespmem:$0x1E8C0] =	vst v1  }
0xef: {  	v1 =	vld.idx.msk [tilespmem:v2+s12+$0x0], $0xffff  }
0xf0: {  	v2 =	vld [tilespmem:$0x1FDF0];
	_ =	sdelay $0x6  }
0xf1: {  	[tilespmem:$0x1ECC0] =	vst v1  }
0xf2: {  	v1 =	vld.idx.msk [tilespmem:v2+s10+$0x0], $0xffff;
	_ =	sdelay $0x4  }
0xf3: {  	[tilespmem:$0x1E8D0] =	vst v1  }
0xf4: {  	v1 =	vld.idx.msk [tilespmem:v2+s12+$0x0], $0xffff  }
0xf5: {  	v2 =	vld [tilespmem:$0x1FE00];
	_ =	sdelay $0x6  }
0xf6: {  	[tilespmem:$0x1ECD0] =	vst v1  }
0xf7: {  	v1 =	vld.idx.msk [tilespmem:v2+s10+$0x0], $0xffff;
	_ =	sdelay $0x4  }
0xf8: {  	[tilespmem:$0x1E8E0] =	vst v1  }
0xf9: {  	v1 =	vld.idx.msk [tilespmem:v2+s12+$0x0], $0xffff  }
0xfa: {  	v2 =	vld [tilespmem:$0x1FE10];
	_ =	sdelay $0x6  }
0xfb: {  	[tilespmem:$0x1ECE0] =	vst v1  }
0xfc: {  	v1 =	vld.idx.msk [tilespmem:v2+s10+$0x0], $0xffff;
	_ =	sdelay $0x4  }
0xfd: {  	[tilespmem:$0x1E8F0] =	vst v1  }
0xfe: {  	v1 =	vld.idx.msk [tilespmem:v2+s12+$0x0], $0xffff  }
0xff: {  	v2 =	vld [tilespmem:$0x1FE20];
	_ =	sdelay $0x6  }
0x100: {  	[tilespmem:$0x1ECF0] =	vst v1  }
0x101: {  	v1 =	vld.idx.msk [tilespmem:v2+s10+$0x0], $0xffff;
	_ =	sdelay $0x4  }
0x102: {  	[tilespmem:$0x1E900] =	vst v1  }
0x103: {  	v1 =	vld.idx.msk [tilespmem:v2+s12+$0x0], $0xffff  }
0x104: {  	v2 =	vld [tilespmem:$0x1FE30];
	_ =	sdelay $0x6  }
0x105: {  	[tilespmem:$0x1ED00] =	vst v1  }
0x106: {  	v1 =	vld.idx.msk [tilespmem:v2+s10+$0x0], $0xffff;
	_ =	sdelay $0x4  }
0x107: {  	[tilespmem:$0x1E910] =	vst v1  }
0x108: {  	v1 =	vld.idx.msk [tilespmem:v2+s12+$0x0], $0xffff  }
0x109: {  	v2 =	vld [tilespmem:$0x1FE40];
	_ =	sdelay $0x6  }
0x10a: {  	[tilespmem:$0x1ED10] =	vst v1  }
0x10b: {  	v1 =	vld.idx.msk [tilespmem:v2+s10+$0x0], $0xffff;
	_ =	sdelay $0x4  }
0x10c: {  	[tilespmem:$0x1E920] =	vst v1  }
0x10d: {  	v1 =	vld.idx.msk [tilespmem:v2+s12+$0x0], $0xffff  }
0x10e: {  	v2 =	vld [tilespmem:$0x1FE50];
	_ =	sdelay $0x6  }
0x10f: {  	[tilespmem:$0x1ED20] =	vst v1  }
0x110: {  	v1 =	vld.idx.msk [tilespmem:v2+s10+$0x0], $0xffff;
	_ =	sdelay $0x4  }
0x111: {  	[tilespmem:$0x1E930] =	vst v1  }
0x112: {  	v1 =	vld.idx.msk [tilespmem:v2+s12+$0x0], $0xffff  }
0x113: {  	v2 =	vld [tilespmem:$0x1FE60];
	_ =	sdelay $0x6  }
0x114: {  	[tilespmem:$0x1ED30] =	vst v1  }
0x115: {  	v1 =	vld.idx.msk [tilespmem:v2+s10+$0x0], $0xffff;
	_ =	sdelay $0x4  }
0x116: {  	[tilespmem:$0x1E940] =	vst v1  }
0x117: {  	v1 =	vld.idx.msk [tilespmem:v2+s12+$0x0], $0xffff  }
0x118: {  	v2 =	vld [tilespmem:$0x1FEE0];
	_ =	sdelay $0x6  }
0x119: {  	[tilespmem:$0x1ED40] =	vst v1  }
0x11a: {  	v1 =	vld.idx.msk [tilespmem:v2+s10+$0x0], $0xffff;
	_ =	sdelay $0x4  }
0x11b: {  	[tilespmem:$0x1E950] =	vst v1  }
0x11c: {  	v1 =	vld.idx.msk [tilespmem:v2+s12+$0x0], $0xffff  }
0x11d: {  	v2 =	vld [tilespmem:$0x1FFA0];
	_ =	sdelay $0x6  }
0x11e: {  	[tilespmem:$0x1ED50] =	vst v1  }
0x11f: {  	v1 =	vld.idx.msk [tilespmem:v2+s10+$0x0], $0xffff;
	_ =	sdelay $0x4  }
0x120: {  	[tilespmem:$0x1E960] =	vst v1  }
0x121: {  	v1 =	vld.idx.msk [tilespmem:v2+s12+$0x0], $0xffff  }
0x122: {  	v2 =	vld [tilespmem:$0x1FFE0];
	_ =	sdelay $0x6  }
0x123: {  	[tilespmem:$0x1ED60] =	vst v1  }
0x124: {  	v1 =	vld.idx.msk [tilespmem:v2+s10+$0x0], $0xffff;
	_ =	sdelay $0x4  }
0x125: {  	[tilespmem:$0x1E970] =	vst v1  }
0x126: {  	v1 =	vld.idx.msk [tilespmem:v2+s12+$0x0], $0xffff;
	_ =	sdelay $0x4  }
0x127: {  	[tilespmem:$0x1ED70] =	vst v1  }
0x128: {  	v1 =	vld.idx.msk [tilespmem:v62+s10+$0x0], $0xffff;
	_ =	sdelay $0x4  }
0x129: {  	[tilespmem:$0x1E980] =	vst v1  }
0x12a: {  	v1 =	vld.idx.msk [tilespmem:v62+s12+$0x0], $0xffff;
	_ =	sdelay $0x4  }
0x12b: {  	[tilespmem:$0x1ED80] =	vst v1  }
0x12c: {  	v1 =	vld.idx.msk [tilespmem:v50+s10+$0x0], $0xffff;
	_ =	sdelay $0x4  }
0x12d: {  	[tilespmem:$0x1E990] =	vst v1  }
0x12e: {  	v1 =	vld.idx.msk [tilespmem:v50+s12+$0x0], $0xffff;
	_ =	sdelay $0x4  }
0x12f: {  	[tilespmem:$0x1ED90] =	vst v1  }
0x130: {  	v1 =	vld.idx.msk [tilespmem:v51+s10+$0x0], $0xffff;
	_ =	sdelay $0x4  }
0x131: {  	[tilespmem:$0x1E9A0] =	vst v1  }
0x132: {  	v1 =	vld.idx.msk [tilespmem:v51+s12+$0x0], $0xffff;
	_ =	sdelay $0x4  }
0x133: {  	[tilespmem:$0x1EDA0] =	vst v1  }
0x134: {  	v1 =	vld.idx.msk [tilespmem:v35+s10+$0x0], $0xffff;
	_ =	sdelay $0x4  }
0x135: {  	[tilespmem:$0x1E9B0] =	vst v1  }
0x136: {  	v1 =	vld.idx.msk [tilespmem:v35+s12+$0x0], $0xffff;
	_ =	sdelay $0x4  }
0x137: {  	[tilespmem:$0x1EDB0] =	vst v1  }
0x138: {  	v1 =	vld.idx.msk [tilespmem:v36+s10+$0x0], $0xffff;
	_ =	sdelay $0x4  }
0x139: {  	[tilespmem:$0x1E9C0] =	vst v1  }
0x13a: {  	v1 =	vld.idx.msk [tilespmem:v36+s12+$0x0], $0xffff;
	_ =	sdelay $0x4  }
0x13b: {  	[tilespmem:$0x1EDC0] =	vst v1  }
0x13c: {  	v1 =	vld.idx.msk [tilespmem:v40+s10+$0x0], $0xffff;
	_ =	sdelay $0x4  }
0x13d: {  	[tilespmem:$0x1E9D0] =	vst v1  }
0x13e: {  	v1 =	vld.idx.msk [tilespmem:v40+s12+$0x0], $0xffff;
	_ =	sdelay $0x4  }
0x13f: {  	[tilespmem:$0x1EDD0] =	vst v1  }
0x140: {  	v1 =	vld.idx.msk [tilespmem:v41+s10+$0x0], $0xffff;
	_ =	sdelay $0x4  }
0x141: {  	[tilespmem:$0x1E9E0] =	vst v1  }
0x142: {  	v1 =	vld.idx.msk [tilespmem:v41+s12+$0x0], $0xffff;
	_ =	sdelay $0x4  }
0x143: {  	[tilespmem:$0x1EDE0] =	vst v1  }
0x144: {  	v1 =	vld.idx.msk [tilespmem:v42+s10+$0x0], $0xffff;
	_ =	sdelay $0x4  }
0x145: {  	[tilespmem:$0x1E9F0] =	vst v1  }
0x146: {  	v1 =	vld.idx.msk [tilespmem:v42+s12+$0x0], $0xffff;
	_ =	sdelay $0x4  }
0x147: {  	[tilespmem:$0x1EDF0] =	vst v1  }
0x148: {  	v1 =	vld.idx.msk [tilespmem:v43+s10+$0x0], $0xffff;
	_ =	sdelay $0x3  }
0x149: {  	v2 =	vld [tilespmem:$0x1FE90]  }
0x14a: {  	[tilespmem:$0x1EA00] =	vst v1  }
0x14b: {  	v1 =	vld.idx.msk [tilespmem:v43+s12+$0x0], $0xffff;
	_ =	sdelay $0x4  }
0x14c: {  	[tilespmem:$0x1EE00] =	vst v1  }
0x14d: {  	v1 =	vld.idx.msk [tilespmem:v2+s10+$0x0], $0xffff;
	_ =	sdelay $0x4  }
0x14e: {  	[tilespmem:$0x1EA10] =	vst v1  }
0x14f: {  	v1 =	vld.idx.msk [tilespmem:v2+s12+$0x0], $0xffff  }
0x150: {  	v2 =	vld [tilespmem:$0x1FEF0];
	_ =	sdelay $0x6  }
0x151: {  	[tilespmem:$0x1EE10] =	vst v1  }
0x152: {  	v1 =	vld.idx.msk [tilespmem:v2+s10+$0x0], $0xffff;
	_ =	sdelay $0x4  }
0x153: {  	[tilespmem:$0x1EA20] =	vst v1  }
0x154: {  	v1 =	vld.idx.msk [tilespmem:v2+s12+$0x0], $0xffff  }
0x155: {  	v2 =	vld [tilespmem:$0x1FF00];
	_ =	sdelay $0x6  }
0x156: {  	[tilespmem:$0x1EE20] =	vst v1  }
0x157: {  	v1 =	vld.idx.msk [tilespmem:v2+s10+$0x0], $0xffff;
	_ =	sdelay $0x3  }
0x158: {  	v3 =	vld [tilespmem:$0x1FF20]  }
0x159: {  	[tilespmem:$0x1EA30] =	vst v1  }
0x15a: {  	v1 =	vld.idx.msk [tilespmem:v2+s12+$0x0], $0xffff;
	_ =	sdelay $0x4  }
0x15b: {  	[tilespmem:$0x1EE30] =	vst v1  }
0x15c: {  	v1 =	vld.idx.msk [tilespmem:v3+s10+$0x0], $0xffff;
	_ =	sdelay $0x3  }
0x15d: {  	v2 =	vld [tilespmem:$0x1FE80]  }
0x15e: {  	[tilespmem:$0x1EA40] =	vst v1;
	v1 =	vld [tilespmem:$0x1FE70];
	_ =	sdelay $0x4  }
0x15f: {  	v1 =	vsel vm0, v2, v1;
	v2 =	vld.idx.msk [tilespmem:v3+s12+$0x0], $0xffff  }
0x160: {  	v3 =	vld [tilespmem:$0x1FF30];
	_ =	sdelay $0x4  }
0x161: {  	v1 =	vcombine.low v1, v3;
	_ =	sdelay $0x4  }
0x162: {  	[tilespmem:$0x1EE40] =	vst v2  }
0x163: {  	v2 =	vld.idx.msk [tilespmem:v1+s10+$0x0], $0xffff;
	_ =	sdelay $0x3  }
0x164: {  	v3 =	vld [tilespmem:$0x1FEB0]  }
0x165: {  	[tilespmem:$0x1EA50] =	vst v2;
	v2 =	vld [tilespmem:$0x1FEA0];
	_ =	sdelay $0x4  }
0x166: {  	v2 =	vsel vm0, v3, v2;
	v3 =	vld [tilespmem:$0x1FF40];
	_ =	sdelay $0x4  }
0x167: {  	v1 =	vld.idx.msk [tilespmem:v1+s12+$0x0], $0xffff;
	v2 =	vcombine.low v2, v3;
	_ =	sdelay $0x4  }
0x168: {  	[tilespmem:$0x1EE50] =	vst v1  }
0x169: {  	v1 =	vld.idx.msk [tilespmem:v2+s10+$0x0], $0xffff;
	_ =	sdelay $0x3  }
0x16a: {  	v3 =	vld [tilespmem:$0x1FED0]  }
0x16b: {  	[tilespmem:$0x1EA60] =	vst v1;
	v1 =	vld [tilespmem:$0x1FEC0];
	_ =	sdelay $0x4  }
0x16c: {  	v1 =	vsel vm0, v3, v1;
	v3 =	vld [tilespmem:$0x1FFD0];
	_ =	sdelay $0x4  }
0x16d: {  	v2 =	vld.idx.msk [tilespmem:v2+s12+$0x0], $0xffff;
	v1 =	vcombine.low v1, v3;
	_ =	sdelay $0x4  }
0x16e: {  	[tilespmem:$0x1EE60] =	vst v2  }
0x16f: {  	v2 =	vld.idx.msk [tilespmem:v1+s10+$0x0], $0xffff;
	_ =	sdelay $0x3  }
0x170: {  	v3 =	vld [tilespmem:$0x1FF10]  }
0x171: {  	[tilespmem:$0x1EA70] =	vst v2;
	v2 =	vld [tilespmem:$0x1FF80];
	_ =	sdelay $0x4  }
0x172: {  	v2 =	vsel vm0, v2, v3;
	v3 =	vld [tilespmem:$0x1FFF0];
	_ =	sdelay $0x4  }
0x173: {  	v1 =	vld.idx.msk [tilespmem:v1+s12+$0x0], $0xffff;
	v2 =	vcombine.low v2, v3;
	_ =	sdelay $0x4  }
0x174: {  	[tilespmem:$0x1EE70] =	vst v1  }
0x175: {  	v1 =	vld.idx.msk [tilespmem:v2+s10+$0x0], $0xffff;
	_ =	sdelay $0x4  }
0x176: {  	[tilespmem:$0x1EA80] =	vst v1  }
0x177: {  	v1 =	vld.idx.msk [tilespmem:v2+s12+$0x0], $0xffff  }
0x178: {  	v2 =	vld [tilespmem:$0x1FF50];
	_ =	sdelay $0x6  }
0x179: {  	[tilespmem:$0x1EE80] =	vst v1  }
0x17a: {  	v1 =	vld.idx.msk [tilespmem:v2+s10+$0x0], $0xffff;
	_ =	sdelay $0x4  }
0x17b: {  	[tilespmem:$0x1EA90] =	vst v1  }
0x17c: {  	v1 =	vld.idx.msk [tilespmem:v2+s12+$0x0], $0xffff  }
0x17d: {  	v2 =	vld [tilespmem:$0x1FF60];
	_ =	sdelay $0x6  }
0x17e: {  	[tilespmem:$0x1EE90] =	vst v1  }
0x17f: {  	v1 =	vld.idx.msk [tilespmem:v2+s10+$0x0], $0xffff;
	_ =	sdelay $0x4  }
0x180: {  	[tilespmem:$0x1EAA0] =	vst v1  }
0x181: {  	v1 =	vld.idx.msk [tilespmem:v2+s12+$0x0], $0xffff  }
0x182: {  	v2 =	vld [tilespmem:$0x1FF70];
	_ =	sdelay $0x6  }
0x183: {  	[tilespmem:$0x1EEA0] =	vst v1  }
0x184: {  	v1 =	vld.idx.msk [tilespmem:v2+s10+$0x0], $0xffff;
	_ =	sdelay $0x4  }
0x185: {  	[tilespmem:$0x1EAB0] =	vst v1  }
0x186: {  	v1 =	vld.idx.msk [tilespmem:v2+s12+$0x0], $0xffff  }
0x187: {  	v2 =	vld [tilespmem:$0x1FF90];
	_ =	sdelay $0x6  }
0x188: {  	[tilespmem:$0x1EEB0] =	vst v1  }
0x189: {  	v1 =	vld.idx.msk [tilespmem:v2+s10+$0x0], $0xffff;
	_ =	sdelay $0x4  }
0x18a: {  	[tilespmem:$0x1EAC0] =	vst v1  }
0x18b: {  	v1 =	vld.idx.msk [tilespmem:v2+s12+$0x0], $0xffff  }
0x18c: {  	v2 =	vld [tilespmem:$0x1FFB0];
	_ =	sdelay $0x6  }
0x18d: {  	[tilespmem:$0x1EEC0] =	vst v1  }
0x18e: {  	v1 =	vld.idx.msk [tilespmem:v2+s10+$0x0], $0xffff;
	_ =	sdelay $0x4  }
0x18f: {  	[tilespmem:$0x1EAD0] =	vst v1  }
0x190: {  	v1 =	vld.idx.msk [tilespmem:v2+s12+$0x0], $0xffff  }
0x191: {  	v2 =	vld [tilespmem:$0x1FFC0];
	_ =	sdelay $0x6  }
0x192: {  	[tilespmem:$0x1EED0] =	vst v1  }
0x193: {  	v1 =	vld.idx.msk [tilespmem:v2+s10+$0x0], $0xffff;
	_ =	sdelay $0x4  }
0x194: {  	[tilespmem:$0x1EAE0] =	vst v1  }
0x195: {  	v1 =	vld.idx.msk [tilespmem:v2+s12+$0x0], $0xffff;
	_ =	sdelay $0x4  }
0x196: {  	[tilespmem:$0x1EEE0] =	vst v1  }
0x197: {  	v1 =	vld.idx.msk [tilespmem:v61+s10+$0x0], $0xffff;
	_ =	sdelay $0x4  }
0x198: {  	v2 =	vld [tilespmem:$0x0];
	[tilespmem:$0x1EAF0] =	vst v1  }
0x199: {  	v1 =	vld.idx.msk [tilespmem:v61+s12+$0x0], $0xffff  }
0x19a: {  	v3 =	vld [tilespmem:$0x10]  }
0x19b: {  	v4 =	vld [tilespmem:$0x20]  }
0x19c: {  	v5 =	vld [tilespmem:$0x30]  }
0x19d: {  	v6 =	vld [tilespmem:$0x40]  }
0x19e: {  	[tilespmem:$0x1EEF0] =	vst v1;
	v1 =	vshrl.u32 v2, $0x1;
	v2 =	vld [tilespmem:$0x50]  }
0x19f: {  	[tilespmem:$0x6400] =	vst v1;
	v1 =	vshrl.u32 v3, $0x1;
	v3 =	vld [tilespmem:$0x60]  }
0x1a0: {  	v52 =	vld [tilespmem:$0x70];
	[tilespmem:$0x6410] =	vst v1;
	v1 =	vshrl.u32 v4, $0x1  }
0x1a1: {  	[tilespmem:$0x6420] =	vst v1;
	v1 =	vshrl.u32 v5, $0x1  }
0x1a2: {  	[tilespmem:$0x6430] =	vst v1;
	v1 =	vshrl.u32 v6, $0x1  }
0x1a3: {  	[tilespmem:$0x6440] =	vst v1;
	v1 =	vshrl.u32 v2, $0x1  }
0x1a4: {  	[tilespmem:$0x6450] =	vst v1;
	v1 =	vshrl.u32 v3, $0x1  }
0x1a5: {  	[tilespmem:$0x6460] =	vst v1;
	v1 =	vshrl.u32 v52, $0x1  }
0x1a6: {  	s14 =	simm.s32 $0x80;
	s16 =	simm.s32 $0x6400;
	[tilespmem:$0x6470] =	vst v1  }
0x1a7: {  	[tilespmem:s15], [sflag:$0x1] =	stream.indirect.gather [hbm4b:s5+s14], $0x80, s16, s14, $0xb8;
	[tilespmem:$0x1EF00] =	vst v63  }
0x1a8: {  	v1 =	vld [tilespmem:$0x80]  }
0x1a9: {  	v2 =	vld [tilespmem:$0x90]  }
0x1aa: {  	v3 =	vld [tilespmem:$0xA0]  }
0x1ab: {  	v53 =	vld [tilespmem:$0xB0]  }
0x1ac: {  	v54 =	vld [tilespmem:$0xC0]  }
0x1ad: {  	v55 =	vld [tilespmem:$0xD0];
	v1 =	vshrl.u32 v1, $0x1  }
0x1ae: {  	[tilespmem:$0x6480] =	vst v1;
	v1 =	vshrl.u32 v2, $0x1;
	v2 =	vld [tilespmem:$0xE0]  }
0x1af: {  	[tilespmem:$0x6490] =	vst v1;
	v1 =	vshrl.u32 v3, $0x1;
	v3 =	vld [tilespmem:$0xF0]  }
0x1b0: {  	[tilespmem:$0x64A0] =	vst v1;
	v1 =	vshrl.u32 v53, $0x1  }
0x1b1: {  	[tilespmem:$0x64B0] =	vst v1;
	v1 =	vshrl.u32 v54, $0x1  }
0x1b2: {  	[tilespmem:$0x64C0] =	vst v1;
	v1 =	vshrl.u32 v55, $0x1  }
0x1b3: {  	[tilespmem:$0x64D0] =	vst v1;
	v1 =	vshrl.u32 v2, $0x1  }
0x1b4: {  	[tilespmem:$0x64E0] =	vst v1;
	v1 =	vshrl.u32 v3, $0x1  }
0x1b5: {  	s18 =	simm.s32 $0x6480;
	[tilespmem:$0x64F0] =	vst v1  }
0x1b6: {  	[tilespmem:s17], [sflag:$0x2] =	stream.indirect.gather [hbm4b:s5+s14], $0x80, s18, s14, $0xb8;
	[tilespmem:$0x1EF00] =	vst v63  }
0x1b7: {  	v1 =	vld [tilespmem:$0x100]  }
0x1b8: {  	v2 =	vld [tilespmem:$0x110]  }
0x1b9: {  	v3 =	vld [tilespmem:$0x120]  }
0x1ba: {  	v56 =	vld [tilespmem:$0x130]  }
0x1bb: {  	v57 =	vld [tilespmem:$0x140]  }
0x1bc: {  	v58 =	vld [tilespmem:$0x150];
	v1 =	vshrl.u32 v1, $0x1  }
0x1bd: {  	[tilespmem:$0x6500] =	vst v1;
	v1 =	vshrl.u32 v2, $0x1;
	v2 =	vld [tilespmem:$0x160]  }
0x1be: {  	[tilespmem:$0x6510] =	vst v1;
	v1 =	vshrl.u32 v3, $0x1;
	v3 =	vld [tilespmem:$0x170]  }
0x1bf: {  	[tilespmem:$0x6520] =	vst v1;
	v1 =	vshrl.u32 v56, $0x1  }
0x1c0: {  	[tilespmem:$0x6530] =	vst v1;
	v1 =	vshrl.u32 v57, $0x1  }
0x1c1: {  	[tilespmem:$0x6540] =	vst v1;
	v1 =	vshrl.u32 v58, $0x1  }
0x1c2: {  	[tilespmem:$0x6550] =	vst v1;
	v1 =	vshrl.u32 v2, $0x1  }
0x1c3: {  	[tilespmem:$0x6560] =	vst v1;
	v1 =	vshrl.u32 v3, $0x1  }
0x1c4: {  	s20 =	simm.s32 $0x6500;
	[tilespmem:$0x6570] =	vst v1  }
0x1c5: {  	[tilespmem:s19], [sflag:$0x3] =	stream.indirect.gather [hbm4b:s5+s14], $0x80, s20, s14, $0xb8;
	[tilespmem:$0x1EF00] =	vst v63  }
0x1c6: {  	v1 =	vld [tilespmem:$0x180]  }
0x1c7: {  	v2 =	vld [tilespmem:$0x190]  }
0x1c8: {  	v3 =	vld [tilespmem:$0x1A0]  }
0x1c9: {  	v59 =	vld [tilespmem:$0x1B0]  }
0x1ca: {  	v60 =	vld [tilespmem:$0x1C0]  }
0x1cb: {  	v63 =	vld [tilespmem:$0x1D0];
	v1 =	vshrl.u32 v1, $0x1  }
0x1cc: {  	[tilespmem:$0x6580] =	vst v1;
	v1 =	vshrl.u32 v2, $0x1;
	v2 =	vld [tilespmem:$0x1E0]  }
0x1cd: {  	[tilespmem:$0x6590] =	vst v1;
	v1 =	vshrl.u32 v3, $0x1;
	v3 =	vld [tilespmem:$0x1F0]  }
0x1ce: {  	[tilespmem:$0x65A0] =	vst v1;
	v1 =	vshrl.u32 v59, $0x1  }
0x1cf: {  	[tilespmem:$0x65B0] =	vst v1;
	v1 =	vshrl.u32 v60, $0x1  }
0x1d0: {  	[tilespmem:$0x65C0] =	vst v1;
	v1 =	vshrl.u32 v63, $0x1  }
0x1d1: {  	[tilespmem:$0x65D0] =	vst v1;
	v1 =	vshrl.u32 v2, $0x1  }
0x1d2: {  	[tilespmem:$0x65E0] =	vst v1;
	v1 =	vshrl.u32 v3, $0x1  }
0x1d3: {  	s31 =	simm.s32 $0x6580;
	s1 =	simm.s32 $0x0;
	[tilespmem:$0x65F0] =	vst v1  }
0x1d4: {  	[tilespmem:s21], [sflag:$0x4] =	stream.indirect.gather [hbm4b:s5+s14], $0x80, s31, s14, $0xb8;
	[tilespmem:$0x1EF00] =	vst v63  }
.LBB2_2:
0x1d5: {  	_ =	swait.ge [sflag:s22], $0x4000  }
0x1d6: {  	p1 =	seq.s32 s1, $0x0;
	[sflag:s22] =	ssyncset.done $0x0  }
0x1d7: {  	s2 =	simm.s32 @!p1 $0x5;
	[sflag:s22] =	ssyncadd.s32 $0xFFFFC000  }
0x1d8: {  	s0 =	sshll.u32 s1, $0x9;
	_ =	swait.ge @!p1 [sflag:s2], $0x4000  }
0x1d9: {  	s3 =	sand.u32 $0x3FFFFE00, s0;
	[sflag:s2] =	ssyncset.done @!p1 $0x0  }
0x1da: {  	s0 =	sshll.u32 s1, $0x2;
	v45 =	vmov s3;
	[sflag:s2] =	ssyncadd.s32 @!p1 $0xFFFFC000;
	s2 =	simm.s32 $0x0  }
.LBB2_3:
0x1db: {  	_ =	sdelay $0x2  }
0x1dc: {  	s7 =	sshll.u32 s2, $0x4  }
0x1dd: {  	v1 =	vld.idx.msk [tilespmem:v45+s7+$0x0 ss:$0x1], $0xffff;
	_ =	sdelay $0x3  }
0x1de: {  	v59 =	vmul.u32 $0x80, v0;
	v2 =	vmov s7  }
0x1df: {  	s13 =	simm.s32 $0x0;
	v2 =	vshll.u32 v2, $0x7;
	v1 =	vshll.u32 v1, $0x6  }
0x1e0: {  	s14 =	simm.s32 $0x3;
	v63 =	vor.u32 v59, v2;
	v2 =	vadd.s32 s13, v0;
	v1 =	vand.u32 $0x40, v1  }
0x1e1: {  	s9 =	simm.s32 $0x1;
	v3 =	vadd.s32 s14, v0;
	v2 =	vand.u32 $0x3F, v2;
	v44 =	vor.u32 v63, v1  }
0x1e2: {  	s16 =	simm.s32 $0x5;
	v3 =	vand.u32 $0x3F, v3;
	v1 =	vadd.s32 s9, v0;
	v2 =	vor.u32 v44, v2  }
0x1e3: {  	s18 =	simm.s32 $0x2;
	v4 =	vadd.s32 s16, v0;
	v1 =	vand.u32 $0x3F, v1;
	v3 =	vor.u32 v44, v3  }
0x1e4: {  	v5 =	vadd.s32 s18, v0;
	v4 =	vand.u32 $0x3F, v4;
	v1 =	vor.u32 v44, v1  }
0x1e5: {  	s20 =	simm.s32 $0x4;
	s31 =	simm.s32 $0x6;
	v6 =	vimm.f32 $0.0e+00;
	v5 =	vand.u32 $0x3F, v5;
	v4 =	vor.u32 v44, v4  }
0x1e6: {  	s11 =	simm.s32 $0x7;
	v7 =	vadd.s32 s20, v0;
	v8 =	vadd.s32 s31, v0;
	v5 =	vor.u32 v44, v5  }
0x1e7: {  	v9 =	vadd.s32 s11, v0;
	s11 =	simm.s32 $0x9;
	v7 =	vand.u32 $0x3F, v7;
	v8 =	vand.u32 $0x3F, v8;
	v2 =	vld.idx.msk [tilespmem:v2+s15+$0x0], $0xffff  }
0x1e8: {  	s14 =	simm.s32 $0xD;
	s16 =	simm.s32 $0xB;
	s18 =	simm.s32 $0xA;
	v9 =	vand.u32 $0x3F, v9;
	v12 =	vadd.s32 s11, v0;
	v7 =	vor.u32 v44, v7;
	v3 =	vld.idx.msk [tilespmem:v3+s15+$0x0], $0xffff  }
0x1e9: {  	v15 =	vadd.s32 s16, v0;
	v16 =	vadd.s32 s14, v0;
	v18 =	vadd.s32 s18, v0;
	v1 =	vld.idx.msk [tilespmem:v1+s15+$0x0], $0xffff  }
0x1ea: {  	v12 =	vand.u32 $0x3F, v12;
	v15 =	vand.u32 $0x3F, v15;
	s9 =	simm.s32 $0x8;
	v8 =	vor.u32 v44, v8;
	v4 =	vld.idx.msk [tilespmem:v4+s15+$0x0], $0xffff  }
0x1eb: {  	s13 =	simm.s32 $0xF;
	v16 =	vand.u32 $0x3F, v16;
	v9 =	vor.u32 v44, v9;
	v11 =	vadd.s32 s9, v0;
	v5 =	vld.idx.msk [tilespmem:v5+s15+$0x0], $0xffff  }
0x1ec: {  	v18 =	vand.u32 $0x3F, v18;
	v14 =	vadd.s32 s13, v0;
	v11 =	vand.u32 $0x3F, v11  }
0x1ed: {  	v14 =	vand.u32 $0x3F, v14;
	v11 =	vor.u32 v44, v11;
	v7 =	vld.idx.msk [tilespmem:v7+s15+$0x0], $0xffff;
	v10 =	vmul.f32 v2, v2  }
0x1ee: {  	v2 =	vadd.f32 v2, v6;
	v13 =	vmul.f32 v1, v1;
	v1 =	vadd.f32 v1, v6  }
0x1ef: {  	v12 =	vor.u32 v44, v12;
	v16 =	vor.u32 v44, v16;
	v18 =	vor.u32 v44, v18;
	v8 =	vld.idx.msk [tilespmem:v8+s15+$0x0], $0xffff  }
0x1f0: {  	v20 =	vld.idx.msk [tilespmem:v9+s15+$0x0], $0xffff;
	v17 =	vmul.f32 v4, v4;
	v2 =	vadd.f32 v5, v2;
	v1 =	vadd.f32 v3, v1  }
0x1f1: {  	v10 =	vadd.f32 v10, v6;
	v3 =	vmul.f32 v3, v3;
	v9 =	vadd.f32 v13, v6  }
0x1f2: {  	s20 =	simm.s32 $0xC;
	v11 =	vld.idx.msk [tilespmem:v11+s15+$0x0], $0xffff;
	v13 =	vmul.f32 v5, v5;
	v2 =	vadd.f32 v7, v2;
	v19 =	vadd.f32 v4, v1  }
0x1f3: {  	v1 =	vor.u32 v44, v15;
	v4 =	vadd.s32 s20, v0;
	v15 =	vmul.f32 v7, v7  }
0x1f4: {  	v5 =	vld.idx.msk [tilespmem:v12+s15+$0x0], $0xffff;
	v3 =	vadd.f32 v3, v9;
	v12 =	vadd.f32 v13, v10;
	v9 =	vmul.f32 v8, v8  }
0x1f5: {  	s31 =	simm.s32 $0xE;
	v10 =	vmul.f32 v20, v20;
	v4 =	vand.u32 $0x3F, v4;
	v21 =	vadd.f32 v8, v2  }
0x1f6: {  	v2 =	vld.idx.msk [tilespmem:v16+s15+$0x0], $0xffff;
	v6 =	vor.u32 v44, v4;
	v4 =	vadd.s32 s31, v0;
	v12 =	vadd.f32 v15, v12  }
0x1f7: {  	v13 =	vadd.f32 v17, v3;
	v3 =	vld.idx.msk [tilespmem:v18+s15+$0x0], $0xffff;
	v7 =	vand.u32 $0x3F, v4;
	v8 =	vadd.f32 v11, v21  }
0x1f8: {  	s7 =	simm.s32 $0x17;
	v7 =	vor.u32 v44, v7;
	v4 =	vld.idx.msk [tilespmem:v1+s15+$0x0], $0xffff;
	v1 =	vmul.f32 v11, v11;
	v11 =	vadd.f32 v20, v19  }
.LBB2_4:
0x1f9: {  	s9 =	sadd.s32 $0xFFFFFFF9, s7  }
0x1fa: {  	s11 =	sadd.s32 $0xFFFFFFFA, s7;
	s14 =	sadd.s32 $0xFFFFFFFE, s7;
	v14 =	vor.u32 v44, v14;
	v9 =	vadd.f32 v9, v12;
	v10 =	vadd.f32 v10, v13;
	s16 =	smov.u32 s7  }
0x1fb: {  	p0 =	sne.s32 s7, $0x3F;
	s7 =	sadd.s32 $0x8, s7;
	v15 =	vmul.f32 v5, v5;
	v12 =	vadd.s32 s9, v0;
	v13 =	vadd.s32 s11, v0;
	s9 =	sadd.s32 $0xFFFFFFFC, s16;
	v6 =	vld.idx.msk [tilespmem:v6+s15+$0x0], $0xffff  }
0x1fc: {  	v5 =	vadd.f32 v5, v11;
	v12 =	vand.u32 $0x3F, v12;
	v13 =	vand.u32 $0x3F, v13  }
0x1fd: {  	v16 =	vadd.s32 s16, v0;
	v11 =	vor.u32 v44, v12;
	v12 =	vor.u32 v44, v13;
	v13 =	vld.idx.msk [tilespmem:v7+s15+$0x0], $0xffff  }
0x1fe: {  	v17 =	vadd.s32 s14, v0;
	v7 =	vadd.s32 s9, v0;
	v5 =	vadd.f32 v4, v5  }
0x1ff: {  	s9 =	sadd.s32 $0xFFFFFFFB, s16;
	v4 =	vmul.f32 v4, v4;
	v8 =	vadd.f32 v3, v8;
	v18 =	vld.idx.msk [tilespmem:v14+s15+$0x0], $0xffff;
	v14 =	vmul.f32 v2, v2  }
0x200: {  	v17 =	vand.u32 $0x3F, v17;
	v19 =	vadd.s32 s9, v0;
	v7 =	vand.u32 $0x3F, v7  }
0x201: {  	v17 =	vor.u32 v44, v17;
	s9 =	sadd.s32 $0xFFFFFFFD, s16;
	v19 =	vand.u32 $0x3F, v19;
	v20 =	vadd.f32 v2, v5  }
0x202: {  	v2 =	vor.u32 v44, v7;
	v5 =	vadd.s32 s9, v0;
	v19 =	vor.u32 v44, v19;
	v11 =	vld.idx.msk [tilespmem:v11+s15+$0x0], $0xffff  }
0x203: {  	v10 =	vadd.f32 v15, v10;
	v7 =	vand.u32 $0x3F, v5;
	v8 =	vadd.f32 v6, v8  }
0x204: {  	v1 =	vadd.f32 v1, v9;
	v3 =	vmul.f32 v3, v3;
	s9 =	sadd.s32 $0xFFFFFFFF, s16;
	v15 =	vmul.f32 v6, v6  }
.Ltmp2:
0x205: {  	v21 =	vadd.f32 v4, v10;
	v6 =	vor.u32 v44, v7;
	v7 =	vadd.s32 s9, v0;
	v5 =	vld.idx.msk [tilespmem:v12+s15+$0x0], $0xffff;
	(pc) =	sbr.rel @p0 .LBB2_4-.Ltmp2, $4  }
0x206: {  	v3 =	vadd.f32 v3, v1;
	v7 =	vand.u32 $0x3F, v7;
	v8 =	vadd.f32 v13, v8  }
0x207: {  	v9 =	vmul.f32 v13, v13;
	v7 =	vor.u32 v44, v7;
	v10 =	vmul.f32 v18, v18;
	v4 =	vld.idx.msk [tilespmem:v2+s15+$0x0], $0xffff  }
0x208: {  	v13 =	vadd.f32 v14, v21;
	v12 =	vadd.f32 v15, v3;
	v1 =	vmul.f32 v11, v11;
	v2 =	vld.idx.msk [tilespmem:v17+s15+$0x0], $0xffff  }
0x209: {  	v14 =	vand.u32 $0x3F, v16;
	v8 =	vadd.f32 v11, v8;
	v11 =	vadd.f32 v18, v20;
	v3 =	vld.idx.msk [tilespmem:v19+s15+$0x0], $0xffff  }
0x20a: {  	_ =	sdelay $0x1  }
0x20b: {  	v14 =	vor.u32 v44, v14;
	_ =	sdelay $0x1  }
0x20c: {  	v6 =	vld.idx.msk [tilespmem:v6+s15+$0x0], $0xffff  }
0x20d: {  	v9 =	vadd.f32 v9, v12  }
0x20e: {  	v10 =	vadd.f32 v10, v13;
	v12 =	vmul.f32 v5, v5;
	v7 =	vld.idx.msk [tilespmem:v7+s15+$0x0], $0xffff;
	v5 =	vadd.f32 v5, v11  }
0x20f: {  	v1 =	vadd.f32 v1, v9;
	v8 =	vadd.f32 v3, v8;
	v3 =	vmul.f32 v3, v3;
	v11 =	vld.idx.msk [tilespmem:v14+s15+$0x0], $0xffff  }
0x210: {  	v9 =	vadd.f32 v12, v10;
	v5 =	vadd.f32 v4, v5;
	v4 =	vmul.f32 v4, v4  }
0x211: {  	v8 =	vadd.f32 v6, v8;
	v6 =	vmul.f32 v6, v6;
	v1 =	vadd.f32 v3, v1  }
0x212: {  	v4 =	vadd.f32 v4, v9;
	v3 =	vmul.f32 v2, v2;
	v2 =	vadd.f32 v2, v5  }
0x213: {  	v5 =	vadd.f32 v7, v8;
	v7 =	vmul.f32 v7, v7;
	v1 =	vadd.f32 v6, v1  }
0x214: {  	v3 =	vadd.f32 v3, v4;
	v6 =	vmul.f32 v11, v11;
	v2 =	vadd.f32 v11, v2  }
0x215: {  	v1 =	vadd.f32 v7, v1  }
0x216: {  	v3 =	vadd.f32 v6, v3;
	v2 =	vadd.f32 v2, v5;
	_ =	sdelay $0x1  }
0x217: {  	v4 =	vmul.f32 $1.562500000e-02, v2;
	v1 =	vadd.f32 v3, v1;
	_ =	sdelay $0x1  }
0x218: {  	v1 =	vmul.f32 $1.562500000e-02, v1;
	v2 =	vmul.f32 v4, v4;
	_ =	sdelay $0x1  }
0x219: {  	v1 =	vsub.f32 v1, v2;
	_ =	sdelay $0x1  }
0x21a: {  	v1 =	vadd.f32 $9.999999740e-06, v1;
	_ =	sdelay $0x1  }
0x21b: {  	v2 =	vshrl.u32 v1, $0x1;
	v1 =	vmul.f32 $5.000000000e-01, v1  }
0x21c: {  	v2 =	vsub.s32 $0x5F3759DF, v2  }
0x21d: {  	v3 =	vmul.f32 v2, v1;
	_ =	sdelay $0x1  }
0x21e: {  	v3 =	vmul.f32 v2, v3;
	_ =	sdelay $0x1  }
0x21f: {  	v3 =	vsub.f32 $1.500000000e+00, v3;
	_ =	sdelay $0x1  }
0x220: {  	v2 =	vmul.f32 v2, v3;
	_ =	sdelay $0x1  }
0x221: {  	v3 =	vmul.f32 v2, v1;
	_ =	sdelay $0x1  }
0x222: {  	v3 =	vmul.f32 v3, v2;
	_ =	sdelay $0x1  }
0x223: {  	s31 =	simm.s32 $0x3;
	v3 =	vsub.f32 $1.500000000e+00, v3  }
0x224: {  	s16 =	simm.s32 $0x2;
	v8 =	vadd.s32 s31, v0  }
0x225: {  	s7 =	simm.s32 $0x1;
	v19 =	vand.u32 $0x3F, v8;
	v5 =	vadd.s32 s16, v0;
	v2 =	vmul.f32 v3, v2  }
0x226: {  	v12 =	vor.u32 v19, v44;
	v21 =	vand.u32 $0x3F, v5;
	v3 =	vadd.s32 s7, v0  }
0x227: {  	v5 =	vor.u32 v21, v44;
	v3 =	vand.u32 $0x3F, v3;
	v1 =	vmul.f32 v2, v1  }
0x228: {  	v6 =	vor.u32 v3, v44  }
0x229: {  	s16 =	simm.s32 $0xF;
	v1 =	vmul.f32 v1, v2  }
0x22a: {  	s9 =	simm.s32 $0x4;
	v15 =	vadd.s32 s16, v0  }
0x22b: {  	v9 =	vadd.s32 s9, v0;
	s31 =	simm.s32 $0xE;
	v46 =	vand.u32 $0x3F, v15;
	v47 =	vld.idx.msk [tilespmem:v12+s15+$0x0], $0xffff;
	v1 =	vsub.f32 $1.500000000e+00, v1  }
0x22c: {  	s18 =	simm.s32 $0x0;
	s11 =	simm.s32 $0x5;
	v39 =	vadd.s32 s31, v0;
	v18 =	vor.u32 v46, v44;
	v26 =	vld.idx.msk [tilespmem:v5+s15+$0x0], $0xffff;
	v33 =	vor.u32 v63, v3  }
0x22d: {  	v23 =	vld.idx.msk [tilespmem:v6+s15+$0x0], $0xffff;
	v6 =	vadd.s32 s11, v0;
	s11 =	simm.s32 $0x8;
	v2 =	vmul.f32 v1, v2;
	v1 =	vadd.s32 s18, v0  }
0x22e: {  	v5 =	vand.u32 $0x3F, v6;
	v3 =	vadd.s32 s11, v0;
	v7 =	vand.u32 $0x3F, v1  }
0x22f: {  	s20 =	simm.s32 $0x7;
	s13 =	simm.s32 $0x1EB40;
	v20 =	vor.u32 v5, v44;
	v24 =	vand.u32 $0x3F, v3;
	v1 =	vmul.f32 v2, v4  }
0x230: {  	v34 =	vld [tilespmem:s13+$0xFFFFFFC0];
	v4 =	vadd.s32 s20, v0;
	v13 =	vor.u32 v7, v44;
	v32 =	vor.u32 v63, v7  }
0x231: {  	v52 =	vld [tilespmem:s13+$0xFFFFFFE0];
	s9 =	simm.s32 $0x6;
	v7 =	vor.u32 v24, v44;
	v47 =	vmul.f32 v47, v2;
	v26 =	vmul.f32 v26, v2  }
0x232: {  	v53 =	vld [tilespmem:s13+$0xFFFFFFD0];
	s20 =	simm.s32 $0xB;
	v10 =	vand.u32 $0x3F, v4;
	v4 =	vand.u32 $0x3F, v9;
	v9 =	vadd.s32 s9, v0  }
0x233: {  	v55 =	vld [tilespmem:s13+$0xFFFFFFF0];
	s7 =	simm.s32 $0x1E740;
	v17 =	vadd.s32 s20, v0;
	v11 =	vor.u32 v10, v44;
	v16 =	vor.u32 v4, v44  }
0x234: {  	s14 =	simm.s32 $0x9;
	v31 =	vld [tilespmem:s7+$0xFFFFFFF0];
	v22 =	vand.u32 $0x3F, v9;
	v6 =	vor.u32 v63, v4;
	v4 =	vor.u32 v63, v5  }
0x235: {  	v27 =	vld [tilespmem:s7+$0xFFFFFFE0];
	v8 =	vor.u32 v63, v10;
	v5 =	vadd.s32 s14, v0;
	v12 =	vand.u32 $0x3F, v17  }
0x236: {  	v29 =	vld [tilespmem:s7+$0xFFFFFFD0];
	s14 =	simm.s32 $0xC;
	v23 =	vmul.f32 v23, v2;
	v47 =	vsub.f32 v47, v1;
	v9 =	vor.u32 v22, v44  }
0x237: {  	v26 =	vsub.f32 v26, v1;
	v3 =	vand.u32 $0x3F, v5;
	v5 =	vadd.s32 s14, v0;
	v58 =	vld.idx.msk [tilespmem:v20+s15+$0x0], $0xffff  }
0x238: {  	v15 =	vor.u32 v12, v44;
	v22 =	vor.u32 v63, v22;
	v14 =	vor.u32 v3, v44;
	v48 =	vld.idx.msk [tilespmem:v13+s15+$0x0], $0xffff  }
0x239: {  	v5 =	vand.u32 $0x3F, v5;
	v3 =	vor.u32 v63, v3;
	v20 =	vor.u32 v63, v19;
	v28 =	vld.idx.msk [tilespmem:v11+s15+$0x0], $0xffff  }
0x23a: {  	s18 =	simm.s32 $0xD;
	v23 =	vsub.f32 v23, v1;
	v10 =	vor.u32 v5, v44;
	v17 =	vor.u32 v63, v5;
	v49 =	vld.idx.msk [tilespmem:v16+s15+$0x0], $0xffff  }
0x23b: {  	v13 =	vand.u32 $0x3F, v39;
	v5 =	vor.u32 v63, v24;
	v11 =	vadd.s32 s18, v0;
	v25 =	vld.idx.msk [tilespmem:v9+s15+$0x0], $0xffff  }
0x23c: {  	s16 =	simm.s32 $0xA;
	v38 =	vld [tilespmem:s7+$0xFFFFFFC0];
	v19 =	vor.u32 v13, v44;
	v23 =	vmul.f32 v23, v29;
	v37 =	vand.u32 $0x3F, v11  }
0x23d: {  	v30 =	vld [tilespmem:s7+$0x10];
	v9 =	vadd.s32 s16, v0;
	v11 =	vor.u32 v37, v44;
	v48 =	vmul.f32 v48, v2  }
0x23e: {  	v60 =	vld [tilespmem:s7+$0x30];
	v9 =	vand.u32 $0x3F, v9;
	v16 =	vor.u32 v63, v37;
	v28 =	vmul.f32 v28, v2  }
0x23f: {  	v54 =	vld [tilespmem:s7+$0x0];
	v37 =	vmul.f32 v58, v2;
	v58 =	vmul.f32 v47, v31;
	v48 =	vsub.f32 v48, v1  }
0x240: {  	v56 =	vld [tilespmem:s13+$0x0];
	v49 =	vmul.f32 v49, v2;
	v25 =	vmul.f32 v25, v2;
	v28 =	vsub.f32 v28, v1  }
0x241: {  	v29 =	vld [tilespmem:s7+$0x20];
	v38 =	vmul.f32 v48, v38;
	v48 =	vmul.f32 v26, v27;
	v26 =	vsub.f32 v37, v1  }
0x242: {  	v27 =	vld [tilespmem:s13+$0x30];
	v57 =	vsub.f32 v49, v1;
	v24 =	vsub.f32 v25, v1;
	v25 =	vor.u32 v63, v21  }
0x243: {  	v28 =	vmul.f32 v28, v60;
	v34 =	vadd.f32 v38, v34;
	v31 =	vmul.f32 v26, v30;
	v30 =	vld [tilespmem:s13+$0x10]  }
0x244: {  	v21 =	vld [tilespmem:s13+$0x20];
	v26 =	vor.u32 v9, v44;
	v60 =	vadd.f32 v23, v53;
	v37 =	vmul.f32 v57, v54  }
0x245: {  	s9 =	simm.s32 $0x17;
	s14 =	simm.s32 $0x1EBC0;
	v23 =	vor.u32 v63, v46;
	[tilespmem:v32+s23+$0x0] =	vst.idx.msk $0xffff, v34;
	v34 =	vadd.f32 v48, v52  }
0x246: {  	s7 =	simm.s32 $0x1E7C0;
	s18 =	simm.s32 $0x1EBC0;
	s16 =	simm.s32 $0x1E7C0;
	v32 =	vadd.f32 v58, v55;
	[tilespmem:v33+s23+$0x0] =	vst.idx.msk $0xffff, v60;
	v33 =	vadd.f32 v37, v56  }
.LBB2_6:
0x247: {  	p0 =	sne.s32 s9, $0x3F;
	s18 =	sadd.s32 $0x80, s18;
	s7 =	sadd.s32 $0x80, s7;
	[tilespmem:v25+s23+$0x0] =	vst.idx.msk $0xffff, v34;
	v24 =	vmul.f32 v24, v29;
	v25 =	vadd.f32 v28, v27  }
0x248: {  	s11 =	smov.u32 s9;
	s9 =	sadd.s32 $0x8, s9;
	[tilespmem:v20+s23+$0x0] =	vst.idx.msk $0xffff, v32;
	v20 =	vadd.f32 v31, v30  }
0x249: {  	[tilespmem:v6+s23+$0x0] =	vst.idx.msk $0xffff, v33;
	v21 =	vadd.f32 v24, v21;
	v6 =	vmov v17  }
0x24a: {  	v17 =	vadd.s32 s11, v0;
	[tilespmem:v4+s23+$0x0] =	vst.idx.msk $0xffff, v20;
	v4 =	vmov v16  }
0x24b: {  	s31 =	sadd.s32 $0xFFFFFFF9, s11;
	[tilespmem:v22+s23+$0x0] =	vst.idx.msk $0xffff, v21  }
0x24c: {  	v16 =	vadd.s32 s31, v0;
	s31 =	sadd.s32 $0xFFFFFFFA, s11;
	[tilespmem:v8+s23+$0x0] =	vst.idx.msk $0xffff, v25;
	v8 =	vmov v23  }
0x24d: {  	v21 =	vand.u32 $0x3F, v16;
	v16 =	vadd.s32 s31, v0;
	s31 =	sadd.s32 $0xFFFFFFFB, s11;
	v23 =	vld.idx.msk [tilespmem:v14+s15+$0x0], $0xffff  }
0x24e: {  	s20 =	sadd.s32 $0xFFFFFFFC, s11;
	v20 =	vor.u32 v21, v44;
	v22 =	vand.u32 $0x3F, v16;
	v26 =	vld.idx.msk [tilespmem:v26+s15+$0x0], $0xffff  }
0x24f: {  	v16 =	vadd.s32 s31, v0;
	s31 =	sadd.s32 $0xFFFFFFFD, s11;
	v14 =	vor.u32 v22, v44;
	v31 =	vld [tilespmem:s16+$0x10]  }
0x250: {  	v24 =	vadd.s32 s20, v0;
	s20 =	sadd.s32 $0xFFFFFFFE, s11;
	v25 =	vadd.s32 s31, v0;
	v32 =	vld [tilespmem:s16+$0xFFFFFFF0]  }
0x251: {  	v27 =	vadd.s32 s20, v0;
	s11 =	sadd.s32 $0xFFFFFFFF, s11;
	v25 =	vand.u32 $0x3F, v25;
	v28 =	vld [tilespmem:s16+$0xFFFFFFE0]  }
0x252: {  	v27 =	vand.u32 $0x3F, v27;
	v29 =	vor.u32 v25, v44;
	v30 =	vld.idx.msk [tilespmem:v18+s15+$0x0], $0xffff  }
0x253: {  	v33 =	vor.u32 v27, v44;
	v34 =	vadd.s32 s11, v0;
	v37 =	vld [tilespmem:s14+$0xFFFFFFC0]  }
0x254: {  	v39 =	vand.u32 $0x3F, v17;
	v38 =	vand.u32 $0x3F, v16;
	v19 =	vld.idx.msk [tilespmem:v19+s15+$0x0], $0xffff  }
0x255: {  	v24 =	vand.u32 $0x3F, v24;
	v18 =	vor.u32 v39, v44;
	v46 =	vld [tilespmem:s16+$0xFFFFFFD0]  }
0x256: {  	v16 =	vor.u32 v24, v44;
	v47 =	vld [tilespmem:s16+$0xFFFFFFC0]  }
0x257: {  	v48 =	vld.idx.msk [tilespmem:v15+s15+$0x0], $0xffff;
	v15 =	vmov v16  }
0x258: {  	v49 =	vld.idx.msk [tilespmem:v7+s15+$0x0], $0xffff;
	v7 =	vmov v20  }
0x259: {  	v17 =	vor.u32 v63, v25;
	v16 =	vor.u32 v63, v27;
	v52 =	vld.idx.msk [tilespmem:v10+s15+$0x0], $0xffff;
	v10 =	vmov v29  }
0x25a: {  	v19 =	vmul.f32 v19, v2;
	v27 =	vld.idx.msk [tilespmem:v11+s15+$0x0], $0xffff;
	v11 =	vmov v33  }
0x25b: {  	v53 =	vor.u32 v63, v22;
	v20 =	vor.u32 v63, v12;
	v12 =	vmov v24;
	v33 =	vld [tilespmem:s14+$0xFFFFFFE0]  }
0x25c: {  	v54 =	vor.u32 v63, v21;
	v29 =	vand.u32 $0x3F, v34;
	v24 =	vsub.f32 v19, v1;
	v34 =	vld [tilespmem:s16+$0x30]  }
0x25d: {  	v25 =	vor.u32 v63, v9;
	v9 =	vmovc v38;
	v19 =	vor.u32 v29, v44;
	v48 =	vmul.f32 v48, v2;
	v21 =	vld [tilespmem:s14+$0x20]  }
0x25e: {  	v22 =	vor.u32 v63, v13;
	v26 =	vmul.f32 v26, v2;
	v13 =	vmovc v29;
	v49 =	vmul.f32 v49, v2;
	v38 =	vld [tilespmem:s14+$0xFFFFFFD0]  }
0x25f: {  	v23 =	vmul.f32 v23, v2;
	v29 =	vmul.f32 v30, v2;
	v48 =	vsub.f32 v48, v1;
	v55 =	vld [tilespmem:s14+$0xFFFFFFF0]  }
0x260: {  	v26 =	vsub.f32 v26, v1;
	v30 =	vsub.f32 v49, v1;
	v49 =	vmul.f32 v27, v2;
	v56 =	vld [tilespmem:s16+$0x0]  }
0x261: {  	v23 =	vsub.f32 v23, v1;
	v57 =	vsub.f32 v29, v1;
	v52 =	vmul.f32 v52, v2;
	v27 =	vld [tilespmem:s14+$0x30]  }
0x262: {  	v60 =	vmul.f32 v26, v28;
	v47 =	vmul.f32 v30, v47;
	v26 =	vsub.f32 v49, v1;
	v58 =	vld [tilespmem:s14+$0x0]  }
.Ltmp3:
0x263: {  	v23 =	vmul.f32 v23, v46;
	v46 =	vsub.f32 v52, v1;
	v28 =	vmul.f32 v57, v34;
	v29 =	vld [tilespmem:s16+$0x20];
	s16 =	smov.u32 s7;
	(pc) =	sbr.rel @p0 .LBB2_6-.Ltmp3, $4  }
0x264: {  	v32 =	vmul.f32 v48, v32;
	v34 =	vadd.f32 v47, v37;
	v31 =	vmul.f32 v26, v31;
	v30 =	vld [tilespmem:s14+$0x10];
	s14 =	smov.u32 s18  }
0x265: {  	v26 =	vor.u32 v9, v44;
	v37 =	vadd.f32 v23, v38;
	v38 =	vmul.f32 v46, v56  }
0x266: {  	v32 =	vadd.f32 v32, v55;
	[tilespmem:v5+s23+$0x0] =	vst.idx.msk $0xffff, v34;
	v34 =	vadd.f32 v60, v33;
	v5 =	vmov v54  }
0x267: {  	v23 =	vor.u32 v63, v39;
	[tilespmem:v3+s23+$0x0] =	vst.idx.msk $0xffff, v37;
	v33 =	vadd.f32 v38, v58;
	v3 =	vmov v53  }
0x268: {  	_ =	sdelay $0x3  }
0x269: {  	[tilespmem:v25+s23+$0x0] =	vst.idx.msk $0xffff, v34;
	v24 =	vmul.f32 v24, v29  }
0x26a: {  	[tilespmem:v20+s23+$0x0] =	vst.idx.msk $0xffff, v32;
	v34 =	vadd.f32 v31, v30  }
0x26b: {  	[tilespmem:v6+s23+$0x0] =	vst.idx.msk $0xffff, v33;
	v37 =	vadd.f32 v24, v21  }
0x26c: {  	v38 =	vadd.f32 v28, v27;
	[tilespmem:v4+s23+$0x0] =	vst.idx.msk $0xffff, v34  }
0x26d: {  	[tilespmem:v22+s23+$0x0] =	vst.idx.msk $0xffff, v37  }
0x26e: {  	[tilespmem:v8+s23+$0x0] =	vst.idx.msk $0xffff, v38  }
0x26f: {  	v4 =	vld.idx.msk [tilespmem:v14+s15+$0x0], $0xffff  }
0x270: {  	v6 =	vld.idx.msk [tilespmem:v26+s15+$0x0], $0xffff  }
0x271: {  	v8 =	vld [tilespmem:s16+$0x10]  }
0x272: {  	v39 =	vld [tilespmem:s16+$0xFFFFFFF0]  }
0x273: {  	v20 =	vld [tilespmem:s16+$0xFFFFFFE0]  }
0x274: {  	v18 =	vld.idx.msk [tilespmem:v18+s15+$0x0], $0xffff  }
0x275: {  	v21 =	vld [tilespmem:s14+$0xFFFFFFC0]  }
0x276: {  	v19 =	vld.idx.msk [tilespmem:v19+s15+$0x0], $0xffff  }
0x277: {  	v22 =	vld [tilespmem:s16+$0xFFFFFFD0]  }
0x278: {  	v44 =	vld [tilespmem:s16+$0xFFFFFFC0]  }
0x279: {  	v7 =	vld.idx.msk [tilespmem:v7+s15+$0x0], $0xffff  }
0x27a: {  	v15 =	vld.idx.msk [tilespmem:v15+s15+$0x0], $0xffff  }
0x27b: {  	v10 =	vld.idx.msk [tilespmem:v10+s15+$0x0], $0xffff  }
0x27c: {  	v11 =	vld.idx.msk [tilespmem:v11+s15+$0x0], $0xffff  }
0x27d: {  	v12 =	vor.u32 v63, v12;
	v25 =	vld [tilespmem:s14+$0xFFFFFFE0]  }
0x27e: {  	v9 =	vor.u32 v63, v9;
	v46 =	vld [tilespmem:s16+$0x30];
	v19 =	vmul.f32 v19, v2;
	v7 =	vmul.f32 v7, v2  }
0x27f: {  	v13 =	vor.u32 v63, v13;
	v48 =	vld [tilespmem:s14+$0xFFFFFFD0];
	v15 =	vmul.f32 v15, v2;
	v4 =	vmul.f32 v4, v2  }
0x280: {  	v49 =	vld [tilespmem:s14+$0xFFFFFFF0];
	v6 =	vmul.f32 v6, v2;
	v18 =	vmul.f32 v18, v2;
	v7 =	vsub.f32 v7, v1  }
0x281: {  	v52 =	vld [tilespmem:s16+$0x0];
	v10 =	vmul.f32 v10, v2;
	v2 =	vmul.f32 v11, v2;
	v4 =	vsub.f32 v4, v1  }
0x282: {  	v53 =	vld [tilespmem:s14+$0x0];
	v19 =	vsub.f32 v19, v1;
	v6 =	vsub.f32 v6, v1;
	v7 =	vmul.f32 v7, v44  }
0x283: {  	v55 =	vld [tilespmem:s16+$0x20];
	v15 =	vsub.f32 v15, v1;
	v54 =	vsub.f32 v18, v1;
	v4 =	vmul.f32 v4, v22  }
0x284: {  	v56 =	vld [tilespmem:s14+$0x10];
	v10 =	vsub.f32 v10, v1;
	v6 =	vmul.f32 v6, v20;
	v7 =	vadd.f32 v7, v21  }
0x285: {  	v47 =	vld [tilespmem:s14+$0x20];
	v1 =	vsub.f32 v2, v1;
	v2 =	vmul.f32 v15, v39;
	v4 =	vadd.f32 v4, v48  }
0x286: {  	v57 =	vld [tilespmem:s14+$0x30];
	v10 =	vmul.f32 v10, v52;
	v58 =	vadd.f32 v6, v25;
	[tilespmem:v5+s23+$0x0] =	vst.idx.msk $0xffff, v7  }
0x287: {  	s2 =	sadd.s32 $0x1, s2;
	v1 =	vmul.f32 v1, v8;
	v2 =	vadd.f32 v2, v49;
	[tilespmem:v3+s23+$0x0] =	vst.idx.msk $0xffff, v4  }
0x288: {  	p0 =	sne.s32 s2, $0x8;
	v60 =	vmul.f32 v19, v55;
	v3 =	vadd.f32 v10, v53;
	[tilespmem:v9+s23+$0x0] =	vst.idx.msk $0xffff, v58  }
.Ltmp4:
0x289: {  	v63 =	vmul.f32 v54, v46;
	v1 =	vadd.f32 v1, v56;
	[tilespmem:v12+s23+$0x0] =	vst.idx.msk $0xffff, v2;
	(pc) =	sbr.rel @p0 .LBB2_3-.Ltmp4, $4  }
0x28a: {  	v2 =	vadd.f32 v60, v47;
	[tilespmem:v17+s23+$0x0] =	vst.idx.msk $0xffff, v3  }
0x28b: {  	v3 =	vadd.f32 v63, v57;
	[tilespmem:v16+s23+$0x0] =	vst.idx.msk $0xffff, v1  }
0x28c: {  	[tilespmem:v13+s23+$0x0] =	vst.idx.msk $0xffff, v2  }
0x28d: {  	[tilespmem:v23+s23+$0x0] =	vst.idx.msk $0xffff, v3  }
0x28e: {  	s2 =	sshll.u32 s1, $0x10  }
0x28f: {  	s2 =	sadd.s32 s8, s2  }
0x290: {  	s2 =	sshrl.u32 s2, $0x3  }
0x291: {  	p0 =	seq.s32 s1, $0x31;
	s2 =	sadd.s32 s6, s2  }
0x292: {  	[hbm4b:s2+s4] =	stream.linear.scatter [tilespmem:s23], [sflag:$0x5], $0x4000, $0x38;
	[tilespmem:$0x1EF00] =	vst v63  }
0x293: {  	v1 =	vld @!p0 [tilespmem:s3+$0x200];
	_ =	sdelay $0x4  }
0x294: {  	v1 =	vshrl.u32 @!p0 v1, $0x1  }
0x295: {  	[tilespmem:$0x6400] =	vst @!p0 v1  }
0x296: {  	v1 =	vld @!p0 [tilespmem:s3+$0x210];
	_ =	sdelay $0x4  }
0x297: {  	v1 =	vshrl.u32 @!p0 v1, $0x1  }
0x298: {  	[tilespmem:$0x6410] =	vst @!p0 v1  }
0x299: {  	v1 =	vld @!p0 [tilespmem:s3+$0x220];
	_ =	sdelay $0x4  }
0x29a: {  	v1 =	vshrl.u32 @!p0 v1, $0x1  }
0x29b: {  	[tilespmem:$0x6420] =	vst @!p0 v1  }
0x29c: {  	v1 =	vld @!p0 [tilespmem:s3+$0x230];
	_ =	sdelay $0x4  }
0x29d: {  	v1 =	vshrl.u32 @!p0 v1, $0x1  }
0x29e: {  	[tilespmem:$0x6430] =	vst @!p0 v1  }
0x29f: {  	v1 =	vld @!p0 [tilespmem:s3+$0x240];
	_ =	sdelay $0x4  }
0x2a0: {  	v1 =	vshrl.u32 @!p0 v1, $0x1  }
0x2a1: {  	[tilespmem:$0x6440] =	vst @!p0 v1  }
0x2a2: {  	v1 =	vld @!p0 [tilespmem:s3+$0x250];
	_ =	sdelay $0x4  }
0x2a3: {  	v1 =	vshrl.u32 @!p0 v1, $0x1  }
0x2a4: {  	[tilespmem:$0x6450] =	vst @!p0 v1  }
0x2a5: {  	v1 =	vld @!p0 [tilespmem:s3+$0x260];
	_ =	sdelay $0x4  }
0x2a6: {  	v1 =	vshrl.u32 @!p0 v1, $0x1  }
0x2a7: {  	[tilespmem:$0x6460] =	vst @!p0 v1  }
0x2a8: {  	v1 =	vld @!p0 [tilespmem:s3+$0x270];
	_ =	sdelay $0x4  }
0x2a9: {  	v1 =	vshrl.u32 @!p0 v1, $0x1  }
0x2aa: {  	s7 =	simm.s32 @!p0 $0x6400;
	s9 =	simm.s32 @!p0 $0x6600;
	s2 =	simm.s32 @!p0 $0x80;
	[tilespmem:$0x6470] =	vst @!p0 v1  }
0x2ab: {  	[tilespmem:s9], [sflag:$0x1] =	stream.indirect.gather @!p0 [hbm4b:s5+s2], $0x80, s7, s2, $0xb8;
	[tilespmem:$0x1EF00] =	vst v63  }
0x2ac: {  	_ =	swait.ge [sflag:s24], $0x4000  }
0x2ad: {  	[sflag:s24] =	ssyncset.done $0x0  }
0x2ae: {  	s2 =	sor.u32 $0x1, s0;
	s7 =	simm.s32 @!p1 $0x6;
	[sflag:s24] =	ssyncadd.s32 $0xFFFFC000  }
0x2af: {  	s31 =	sshll.u32 s2, $0x7;
	_ =	swait.ge @!p1 [sflag:s7], $0x4000  }
0x2b0: {  	s9 =	sand.u32 $0x3FFFFF80, s31;
	[sflag:s7] =	ssyncset.done @!p1 $0x0  }
0x2b1: {  	s14 =	simm.s32 $0x0;
	v45 =	vmov s9;
	[sflag:s7] =	ssyncadd.s32 @!p1 $0xFFFFC000  }
.LBB2_9:
0x2b2: {  	_ =	sdelay $0x2  }
0x2b3: {  	s7 =	sshll.u32 s14, $0x4  }
0x2b4: {  	v1 =	vld.idx.msk [tilespmem:v45+s7+$0x0 ss:$0x1], $0xffff;
	_ =	sdelay $0x3  }
0x2b5: {  	v2 =	vmov s7  }
0x2b6: {  	s31 =	simm.s32 $0x0;
	v2 =	vshll.u32 v2, $0x7;
	v1 =	vshll.u32 v1, $0x6  }
0x2b7: {  	s11 =	simm.s32 $0x5;
	v63 =	vor.u32 v59, v2;
	v2 =	vadd.s32 s31, v0;
	v1 =	vand.u32 $0x40, v1  }
0x2b8: {  	s9 =	simm.s32 $0x1;
	v4 =	vadd.s32 s11, v0;
	v2 =	vand.u32 $0x3F, v2;
	v44 =	vor.u32 v63, v1  }
0x2b9: {  	s13 =	simm.s32 $0x2;
	v4 =	vand.u32 $0x3F, v4;
	v1 =	vadd.s32 s9, v0;
	v2 =	vor.u32 v44, v2  }
0x2ba: {  	v5 =	vadd.s32 s13, v0;
	s9 =	simm.s32 $0x3;
	v1 =	vand.u32 $0x3F, v1;
	v4 =	vor.u32 v44, v4  }
0x2bb: {  	v5 =	vand.u32 $0x3F, v5;
	v3 =	vadd.s32 s9, v0;
	v1 =	vor.u32 v44, v1  }
0x2bc: {  	s16 =	simm.s32 $0x4;
	s18 =	simm.s32 $0x6;
	v6 =	vimm.f32 $0.0e+00;
	v5 =	vor.u32 v44, v5;
	v3 =	vand.u32 $0x3F, v3  }
0x2bd: {  	s20 =	simm.s32 $0x8;
	s11 =	simm.s32 $0x7;
	v7 =	vadd.s32 s16, v0;
	v8 =	vadd.s32 s18, v0;
	v3 =	vor.u32 v44, v3  }
0x2be: {  	v11 =	vadd.s32 s20, v0;
	v9 =	vadd.s32 s11, v0;
	v7 =	vand.u32 $0x3F, v7;
	v2 =	vld.idx.msk [tilespmem:v2+s17+$0x0], $0xffff  }
0x2bf: {  	s13 =	simm.s32 $0xD;
	s16 =	simm.s32 $0xB;
	s18 =	simm.s32 $0xA;
	v8 =	vand.u32 $0x3F, v8;
	v11 =	vand.u32 $0x3F, v11;
	v7 =	vor.u32 v44, v7;
	v4 =	vld.idx.msk [tilespmem:v4+s17+$0x0], $0xffff  }
0x2c0: {  	s11 =	simm.s32 $0xF;
	v15 =	vadd.s32 s16, v0;
	v16 =	vadd.s32 s13, v0;
	v18 =	vadd.s32 s18, v0;
	v1 =	vld.idx.msk [tilespmem:v1+s17+$0x0], $0xffff  }
0x2c1: {  	v9 =	vand.u32 $0x3F, v9;
	v14 =	vadd.s32 s11, v0;
	v8 =	vor.u32 v44, v8;
	v5 =	vld.idx.msk [tilespmem:v5+s17+$0x0], $0xffff  }
0x2c2: {  	s31 =	simm.s32 $0x9;
	v15 =	vand.u32 $0x3F, v15;
	v16 =	vand.u32 $0x3F, v16;
	v9 =	vor.u32 v44, v9;
	v3 =	vld.idx.msk [tilespmem:v3+s17+$0x0], $0xffff  }
0x2c3: {  	v18 =	vand.u32 $0x3F, v18;
	v12 =	vadd.s32 s31, v0;
	v14 =	vand.u32 $0x3F, v14  }
0x2c4: {  	v12 =	vand.u32 $0x3F, v12;
	v11 =	vor.u32 v44, v11;
	v7 =	vld.idx.msk [tilespmem:v7+s17+$0x0], $0xffff;
	v10 =	vmul.f32 v2, v2  }
0x2c5: {  	v2 =	vadd.f32 v2, v6;
	v13 =	vmul.f32 v1, v1;
	v1 =	vadd.f32 v1, v6  }
0x2c6: {  	v12 =	vor.u32 v44, v12;
	v16 =	vor.u32 v44, v16;
	v18 =	vor.u32 v44, v18;
	v8 =	vld.idx.msk [tilespmem:v8+s17+$0x0], $0xffff  }
0x2c7: {  	v20 =	vld.idx.msk [tilespmem:v9+s17+$0x0], $0xffff;
	v17 =	vmul.f32 v4, v4;
	v2 =	vadd.f32 v5, v2;
	v1 =	vadd.f32 v3, v1  }
0x2c8: {  	v10 =	vadd.f32 v10, v6;
	v3 =	vmul.f32 v3, v3;
	v9 =	vadd.f32 v13, v6  }
0x2c9: {  	s20 =	simm.s32 $0xC;
	v11 =	vld.idx.msk [tilespmem:v11+s17+$0x0], $0xffff;
	v13 =	vmul.f32 v5, v5;
	v2 =	vadd.f32 v7, v2;
	v19 =	vadd.f32 v4, v1  }
0x2ca: {  	v1 =	vor.u32 v44, v15;
	v4 =	vadd.s32 s20, v0;
	v15 =	vmul.f32 v7, v7  }
0x2cb: {  	v5 =	vld.idx.msk [tilespmem:v12+s17+$0x0], $0xffff;
	v3 =	vadd.f32 v3, v9;
	v12 =	vadd.f32 v13, v10;
	v9 =	vmul.f32 v8, v8  }
0x2cc: {  	s31 =	simm.s32 $0xE;
	v10 =	vmul.f32 v20, v20;
	v4 =	vand.u32 $0x3F, v4;
	v21 =	vadd.f32 v8, v2  }
0x2cd: {  	v2 =	vld.idx.msk [tilespmem:v16+s17+$0x0], $0xffff;
	v6 =	vor.u32 v44, v4;
	v4 =	vadd.s32 s31, v0;
	v12 =	vadd.f32 v15, v12  }
0x2ce: {  	v13 =	vadd.f32 v17, v3;
	v3 =	vld.idx.msk [tilespmem:v18+s17+$0x0], $0xffff;
	v7 =	vand.u32 $0x3F, v4;
	v8 =	vadd.f32 v11, v21  }
0x2cf: {  	s7 =	simm.s32 $0x17;
	v7 =	vor.u32 v44, v7;
	v4 =	vld.idx.msk [tilespmem:v1+s17+$0x0], $0xffff;
	v1 =	vmul.f32 v11, v11;
	v11 =	vadd.f32 v20, v19  }
.LBB2_10:
0x2d0: {  	s9 =	sadd.s32 $0xFFFFFFF9, s7  }
0x2d1: {  	s11 =	sadd.s32 $0xFFFFFFFA, s7;
	s16 =	sadd.s32 $0xFFFFFFFE, s7;
	v14 =	vor.u32 v44, v14;
	v9 =	vadd.f32 v9, v12;
	v10 =	vadd.f32 v10, v13;
	s18 =	smov.u32 s7  }
0x2d2: {  	p1 =	sne.s32 s7, $0x3F;
	s7 =	sadd.s32 $0x8, s7;
	v15 =	vmul.f32 v5, v5;
	v12 =	vadd.s32 s9, v0;
	v13 =	vadd.s32 s11, v0;
	s9 =	sadd.s32 $0xFFFFFFFC, s18;
	v6 =	vld.idx.msk [tilespmem:v6+s17+$0x0], $0xffff  }
0x2d3: {  	v5 =	vadd.f32 v5, v11;
	v12 =	vand.u32 $0x3F, v12;
	v13 =	vand.u32 $0x3F, v13  }
0x2d4: {  	v16 =	vadd.s32 s18, v0;
	v11 =	vor.u32 v44, v12;
	v12 =	vor.u32 v44, v13;
	v13 =	vld.idx.msk [tilespmem:v7+s17+$0x0], $0xffff  }
0x2d5: {  	v17 =	vadd.s32 s16, v0;
	v7 =	vadd.s32 s9, v0;
	v5 =	vadd.f32 v4, v5  }
0x2d6: {  	s9 =	sadd.s32 $0xFFFFFFFB, s18;
	v4 =	vmul.f32 v4, v4;
	v8 =	vadd.f32 v3, v8;
	v18 =	vld.idx.msk [tilespmem:v14+s17+$0x0], $0xffff;
	v14 =	vmul.f32 v2, v2  }
0x2d7: {  	v17 =	vand.u32 $0x3F, v17;
	v19 =	vadd.s32 s9, v0;
	v7 =	vand.u32 $0x3F, v7  }
0x2d8: {  	v17 =	vor.u32 v44, v17;
	s9 =	sadd.s32 $0xFFFFFFFD, s18;
	v19 =	vand.u32 $0x3F, v19;
	v20 =	vadd.f32 v2, v5  }
0x2d9: {  	v2 =	vor.u32 v44, v7;
	v5 =	vadd.s32 s9, v0;
	v19 =	vor.u32 v44, v19;
	v11 =	vld.idx.msk [tilespmem:v11+s17+$0x0], $0xffff  }
0x2da: {  	v10 =	vadd.f32 v15, v10;
	v7 =	vand.u32 $0x3F, v5;
	v8 =	vadd.f32 v6, v8  }
0x2db: {  	v1 =	vadd.f32 v1, v9;
	v3 =	vmul.f32 v3, v3;
	s9 =	sadd.s32 $0xFFFFFFFF, s18;
	v15 =	vmul.f32 v6, v6  }
.Ltmp5:
0x2dc: {  	v21 =	vadd.f32 v4, v10;
	v6 =	vor.u32 v44, v7;
	v7 =	vadd.s32 s9, v0;
	v5 =	vld.idx.msk [tilespmem:v12+s17+$0x0], $0xffff;
	(pc) =	sbr.rel @p1 .LBB2_10-.Ltmp5, $4  }
0x2dd: {  	v3 =	vadd.f32 v3, v1;
	v7 =	vand.u32 $0x3F, v7;
	v8 =	vadd.f32 v13, v8  }
0x2de: {  	v9 =	vmul.f32 v13, v13;
	v7 =	vor.u32 v44, v7;
	v10 =	vmul.f32 v18, v18;
	v4 =	vld.idx.msk [tilespmem:v2+s17+$0x0], $0xffff  }
0x2df: {  	v13 =	vadd.f32 v14, v21;
	v12 =	vadd.f32 v15, v3;
	v1 =	vmul.f32 v11, v11;
	v2 =	vld.idx.msk [tilespmem:v17+s17+$0x0], $0xffff  }
0x2e0: {  	v14 =	vand.u32 $0x3F, v16;
	v8 =	vadd.f32 v11, v8;
	v11 =	vadd.f32 v18, v20;
	v3 =	vld.idx.msk [tilespmem:v19+s17+$0x0], $0xffff  }
0x2e1: {  	_ =	sdelay $0x1  }
0x2e2: {  	v14 =	vor.u32 v44, v14;
	_ =	sdelay $0x1  }
0x2e3: {  	v6 =	vld.idx.msk [tilespmem:v6+s17+$0x0], $0xffff  }
0x2e4: {  	v9 =	vadd.f32 v9, v12  }
0x2e5: {  	v10 =	vadd.f32 v10, v13;
	v12 =	vmul.f32 v5, v5;
	v7 =	vld.idx.msk [tilespmem:v7+s17+$0x0], $0xffff;
	v5 =	vadd.f32 v5, v11  }
0x2e6: {  	v1 =	vadd.f32 v1, v9;
	v8 =	vadd.f32 v3, v8;
	v3 =	vmul.f32 v3, v3;
	v11 =	vld.idx.msk [tilespmem:v14+s17+$0x0], $0xffff  }
0x2e7: {  	v9 =	vadd.f32 v12, v10;
	v5 =	vadd.f32 v4, v5;
	v4 =	vmul.f32 v4, v4  }
0x2e8: {  	v8 =	vadd.f32 v6, v8;
	v6 =	vmul.f32 v6, v6;
	v1 =	vadd.f32 v3, v1  }
0x2e9: {  	v4 =	vadd.f32 v4, v9;
	v3 =	vmul.f32 v2, v2;
	v2 =	vadd.f32 v2, v5  }
0x2ea: {  	v5 =	vadd.f32 v7, v8;
	v7 =	vmul.f32 v7, v7;
	v1 =	vadd.f32 v6, v1  }
0x2eb: {  	v3 =	vadd.f32 v3, v4;
	v6 =	vmul.f32 v11, v11;
	v2 =	vadd.f32 v11, v2  }
0x2ec: {  	v1 =	vadd.f32 v7, v1  }
0x2ed: {  	v3 =	vadd.f32 v6, v3;
	v2 =	vadd.f32 v2, v5;
	_ =	sdelay $0x1  }
0x2ee: {  	v4 =	vmul.f32 $1.562500000e-02, v2;
	v1 =	vadd.f32 v3, v1;
	_ =	sdelay $0x1  }
0x2ef: {  	v1 =	vmul.f32 $1.562500000e-02, v1;
	v2 =	vmul.f32 v4, v4;
	_ =	sdelay $0x1  }
0x2f0: {  	v1 =	vsub.f32 v1, v2;
	_ =	sdelay $0x1  }
0x2f1: {  	v1 =	vadd.f32 $9.999999740e-06, v1;
	_ =	sdelay $0x1  }
0x2f2: {  	v2 =	vshrl.u32 v1, $0x1;
	v1 =	vmul.f32 $5.000000000e-01, v1  }
0x2f3: {  	v2 =	vsub.s32 $0x5F3759DF, v2  }
0x2f4: {  	v3 =	vmul.f32 v2, v1;
	_ =	sdelay $0x1  }
0x2f5: {  	v3 =	vmul.f32 v2, v3;
	_ =	sdelay $0x1  }
0x2f6: {  	v3 =	vsub.f32 $1.500000000e+00, v3;
	_ =	sdelay $0x1  }
0x2f7: {  	v2 =	vmul.f32 v2, v3;
	_ =	sdelay $0x1  }
0x2f8: {  	v3 =	vmul.f32 v2, v1;
	_ =	sdelay $0x1  }
0x2f9: {  	s16 =	simm.s32 $0x3;
	v3 =	vmul.f32 v3, v2  }
0x2fa: {  	v8 =	vadd.s32 s16, v0  }
0x2fb: {  	s9 =	simm.s32 $0x2;
	v19 =	vand.u32 $0x3F, v8;
	v3 =	vsub.f32 $1.500000000e+00, v3  }
0x2fc: {  	s7 =	simm.s32 $0x1;
	v12 =	vor.u32 v19, v44;
	v5 =	vadd.s32 s9, v0  }
0x2fd: {  	v21 =	vand.u32 $0x3F, v5;
	v2 =	vmul.f32 v3, v2;
	v3 =	vadd.s32 s7, v0  }
0x2fe: {  	v5 =	vor.u32 v21, v44;
	v3 =	vand.u32 $0x3F, v3  }
0x2ff: {  	v1 =	vmul.f32 v2, v1;
	v6 =	vor.u32 v3, v44;
	_ =	sdelay $0x1  }
0x300: {  	v1 =	vmul.f32 v1, v2  }
0x301: {  	v47 =	vld.idx.msk [tilespmem:v12+s17+$0x0], $0xffff  }
0x302: {  	s20 =	simm.s32 $0x5;
	s9 =	simm.s32 $0x4;
	v26 =	vld.idx.msk [tilespmem:v5+s17+$0x0], $0xffff;
	v1 =	vsub.f32 $1.500000000e+00, v1  }
0x303: {  	s11 =	simm.s32 $0x0;
	v9 =	vadd.s32 s9, v0;
	v33 =	vor.u32 v63, v3;
	v23 =	vld.idx.msk [tilespmem:v6+s17+$0x0], $0xffff;
	v6 =	vadd.s32 s20, v0  }
0x304: {  	s20 =	simm.s32 $0xB;
	v2 =	vmul.f32 v1, v2;
	v1 =	vadd.s32 s11, v0;
	v5 =	vand.u32 $0x3F, v6  }
0x305: {  	s11 =	simm.s32 $0x8;
	v17 =	vadd.s32 s20, v0;
	v7 =	vand.u32 $0x3F, v1;
	v20 =	vor.u32 v5, v44  }
0x306: {  	s13 =	simm.s32 $0x7;
	v3 =	vadd.s32 s11, v0;
	v12 =	vand.u32 $0x3F, v17;
	v1 =	vmul.f32 v2, v4  }
0x307: {  	s9 =	simm.s32 $0x1EB40;
	v4 =	vadd.s32 s13, v0;
	v13 =	vor.u32 v7, v44;
	v32 =	vor.u32 v63, v7  }
0x308: {  	s18 =	simm.s32 $0x6;
	v34 =	vld [tilespmem:s9+$0xFFFFFFC0];
	v24 =	vand.u32 $0x3F, v3;
	v47 =	vmul.f32 v47, v2;
	v26 =	vmul.f32 v26, v2  }
0x309: {  	v52 =	vld [tilespmem:s9+$0xFFFFFFE0];
	v10 =	vand.u32 $0x3F, v4;
	v4 =	vand.u32 $0x3F, v9;
	v9 =	vadd.s32 s18, v0  }
0x30a: {  	v53 =	vld [tilespmem:s9+$0xFFFFFFD0];
	v7 =	vor.u32 v24, v44;
	v11 =	vor.u32 v10, v44;
	v16 =	vor.u32 v4, v44  }
0x30b: {  	s16 =	simm.s32 $0x9;
	v55 =	vld [tilespmem:s9+$0xFFFFFFF0];
	s7 =	simm.s32 $0x1E740;
	s18 =	simm.s32 $0xF;
	v22 =	vand.u32 $0x3F, v9;
	v6 =	vor.u32 v63, v4;
	v4 =	vor.u32 v63, v5  }
0x30c: {  	v31 =	vld [tilespmem:s7+$0xFFFFFFF0];
	v8 =	vor.u32 v63, v10;
	v5 =	vadd.s32 s16, v0;
	v15 =	vadd.s32 s18, v0  }
0x30d: {  	s31 =	simm.s32 $0xC;
	v27 =	vld [tilespmem:s7+$0xFFFFFFE0];
	v23 =	vmul.f32 v23, v2;
	v47 =	vsub.f32 v47, v1;
	v26 =	vsub.f32 v26, v1  }
0x30e: {  	v29 =	vld [tilespmem:s7+$0xFFFFFFD0];
	v9 =	vor.u32 v22, v44;
	v3 =	vand.u32 $0x3F, v5;
	v5 =	vadd.s32 s31, v0  }
0x30f: {  	s31 =	simm.s32 $0xE;
	v46 =	vand.u32 $0x3F, v15;
	v15 =	vor.u32 v12, v44;
	v22 =	vor.u32 v63, v22;
	v58 =	vld.idx.msk [tilespmem:v20+s17+$0x0], $0xffff  }
0x310: {  	v14 =	vor.u32 v3, v44;
	v5 =	vand.u32 $0x3F, v5;
	v39 =	vadd.s32 s31, v0;
	v48 =	vld.idx.msk [tilespmem:v13+s17+$0x0], $0xffff  }
0x311: {  	v18 =	vor.u32 v46, v44;
	v3 =	vor.u32 v63, v3;
	v20 =	vor.u32 v63, v19;
	v28 =	vld.idx.msk [tilespmem:v11+s17+$0x0], $0xffff  }
0x312: {  	s18 =	simm.s32 $0xD;
	v23 =	vsub.f32 v23, v1;
	v10 =	vor.u32 v5, v44;
	v17 =	vor.u32 v63, v5;
	v49 =	vld.idx.msk [tilespmem:v16+s17+$0x0], $0xffff  }
0x313: {  	v13 =	vand.u32 $0x3F, v39;
	v5 =	vor.u32 v63, v24;
	v11 =	vadd.s32 s18, v0;
	v25 =	vld.idx.msk [tilespmem:v9+s17+$0x0], $0xffff  }
0x314: {  	v38 =	vld [tilespmem:s7+$0xFFFFFFC0];
	s13 =	simm.s32 $0xA;
	v19 =	vor.u32 v13, v44;
	v23 =	vmul.f32 v23, v29;
	v37 =	vand.u32 $0x3F, v11  }
0x315: {  	v30 =	vld [tilespmem:s7+$0x10];
	v9 =	vadd.s32 s13, v0;
	v11 =	vor.u32 v37, v44;
	v48 =	vmul.f32 v48, v2  }
0x316: {  	v60 =	vld [tilespmem:s7+$0x30];
	v9 =	vand.u32 $0x3F, v9;
	v16 =	vor.u32 v63, v37;
	v28 =	vmul.f32 v28, v2  }
0x317: {  	v54 =	vld [tilespmem:s7+$0x0];
	v37 =	vmul.f32 v58, v2;
	v58 =	vmul.f32 v47, v31;
	v48 =	vsub.f32 v48, v1  }
0x318: {  	v56 =	vld [tilespmem:s9+$0x0];
	v49 =	vmul.f32 v49, v2;
	v25 =	vmul.f32 v25, v2;
	v28 =	vsub.f32 v28, v1  }
0x319: {  	v29 =	vld [tilespmem:s7+$0x20];
	v38 =	vmul.f32 v48, v38;
	v48 =	vmul.f32 v26, v27;
	v26 =	vsub.f32 v37, v1  }
0x31a: {  	v27 =	vld [tilespmem:s9+$0x30];
	v57 =	vsub.f32 v49, v1;
	v24 =	vsub.f32 v25, v1;
	v25 =	vor.u32 v63, v21  }
0x31b: {  	v28 =	vmul.f32 v28, v60;
	v34 =	vadd.f32 v38, v34;
	v31 =	vmul.f32 v26, v30;
	v30 =	vld [tilespmem:s9+$0x10]  }
0x31c: {  	v21 =	vld [tilespmem:s9+$0x20];
	v26 =	vor.u32 v9, v44;
	v60 =	vadd.f32 v23, v53;
	v37 =	vmul.f32 v57, v54  }
0x31d: {  	s11 =	simm.s32 $0x17;
	s16 =	simm.s32 $0x1EBC0;
	v23 =	vor.u32 v63, v46;
	[tilespmem:v32+s25+$0x0] =	vst.idx.msk $0xffff, v34;
	v34 =	vadd.f32 v48, v52  }
0x31e: {  	s7 =	simm.s32 $0x1EBC0;
	s18 =	simm.s32 $0x1E7C0;
	s9 =	simm.s32 $0x1E7C0;
	v32 =	vadd.f32 v58, v55;
	[tilespmem:v33+s25+$0x0] =	vst.idx.msk $0xffff, v60;
	v33 =	vadd.f32 v37, v56  }
.LBB2_12:
0x31f: {  	p1 =	sne.s32 s11, $0x3F;
	s7 =	sadd.s32 $0x80, s7;
	s9 =	sadd.s32 $0x80, s9;
	[tilespmem:v25+s25+$0x0] =	vst.idx.msk $0xffff, v34;
	v24 =	vmul.f32 v24, v29;
	v25 =	vadd.f32 v28, v27  }
0x320: {  	s20 =	smov.u32 s11;
	s11 =	sadd.s32 $0x8, s11;
	[tilespmem:v20+s25+$0x0] =	vst.idx.msk $0xffff, v32;
	v20 =	vadd.f32 v31, v30  }
0x321: {  	[tilespmem:v6+s25+$0x0] =	vst.idx.msk $0xffff, v33;
	v21 =	vadd.f32 v24, v21;
	v6 =	vmov v17  }
0x322: {  	v17 =	vadd.s32 s20, v0;
	[tilespmem:v4+s25+$0x0] =	vst.idx.msk $0xffff, v20;
	v4 =	vmov v16  }
0x323: {  	s31 =	sadd.s32 $0xFFFFFFF9, s20;
	[tilespmem:v22+s25+$0x0] =	vst.idx.msk $0xffff, v21  }
0x324: {  	v16 =	vadd.s32 s31, v0;
	s31 =	sadd.s32 $0xFFFFFFFA, s20;
	[tilespmem:v8+s25+$0x0] =	vst.idx.msk $0xffff, v25;
	v8 =	vmov v23  }
0x325: {  	v21 =	vand.u32 $0x3F, v16;
	v16 =	vadd.s32 s31, v0;
	s31 =	sadd.s32 $0xFFFFFFFB, s20;
	v23 =	vld.idx.msk [tilespmem:v14+s17+$0x0], $0xffff  }
0x326: {  	s13 =	sadd.s32 $0xFFFFFFFC, s20;
	v20 =	vor.u32 v21, v44;
	v22 =	vand.u32 $0x3F, v16;
	v26 =	vld.idx.msk [tilespmem:v26+s17+$0x0], $0xffff  }
0x327: {  	v16 =	vadd.s32 s31, v0;
	s31 =	sadd.s32 $0xFFFFFFFD, s20;
	v14 =	vor.u32 v22, v44;
	v31 =	vld [tilespmem:s18+$0x10]  }
0x328: {  	v24 =	vadd.s32 s13, v0;
	s13 =	sadd.s32 $0xFFFFFFFE, s20;
	v25 =	vadd.s32 s31, v0;
	v32 =	vld [tilespmem:s18+$0xFFFFFFF0]  }
0x329: {  	v27 =	vadd.s32 s13, v0;
	s13 =	sadd.s32 $0xFFFFFFFF, s20;
	v25 =	vand.u32 $0x3F, v25;
	v28 =	vld [tilespmem:s18+$0xFFFFFFE0]  }
0x32a: {  	v27 =	vand.u32 $0x3F, v27;
	v29 =	vor.u32 v25, v44;
	v30 =	vld.idx.msk [tilespmem:v18+s17+$0x0], $0xffff  }
0x32b: {  	v34 =	vadd.s32 s13, v0;
	v33 =	vor.u32 v27, v44;
	v37 =	vld [tilespmem:s16+$0xFFFFFFC0]  }
0x32c: {  	v39 =	vand.u32 $0x3F, v17;
	v38 =	vand.u32 $0x3F, v16;
	v19 =	vld.idx.msk [tilespmem:v19+s17+$0x0], $0xffff  }
0x32d: {  	v24 =	vand.u32 $0x3F, v24;
	v18 =	vor.u32 v39, v44;
	v46 =	vld [tilespmem:s18+$0xFFFFFFD0]  }
0x32e: {  	v16 =	vor.u32 v24, v44;
	v47 =	vld [tilespmem:s18+$0xFFFFFFC0]  }
0x32f: {  	v48 =	vld.idx.msk [tilespmem:v15+s17+$0x0], $0xffff;
	v15 =	vmov v16  }
0x330: {  	v49 =	vld.idx.msk [tilespmem:v7+s17+$0x0], $0xffff;
	v7 =	vmov v20  }
0x331: {  	v17 =	vor.u32 v63, v25;
	v16 =	vor.u32 v63, v27;
	v52 =	vld.idx.msk [tilespmem:v10+s17+$0x0], $0xffff;
	v10 =	vmov v29  }
0x332: {  	v19 =	vmul.f32 v19, v2;
	v27 =	vld.idx.msk [tilespmem:v11+s17+$0x0], $0xffff;
	v11 =	vmov v33  }
0x333: {  	v53 =	vor.u32 v63, v22;
	v20 =	vor.u32 v63, v12;
	v12 =	vmov v24;
	v33 =	vld [tilespmem:s16+$0xFFFFFFE0]  }
0x334: {  	v54 =	vor.u32 v63, v21;
	v29 =	vand.u32 $0x3F, v34;
	v24 =	vsub.f32 v19, v1;
	v34 =	vld [tilespmem:s18+$0x30]  }
0x335: {  	v25 =	vor.u32 v63, v9;
	v9 =	vmovc v38;
	v19 =	vor.u32 v29, v44;
	v48 =	vmul.f32 v48, v2;
	v21 =	vld [tilespmem:s16+$0x20]  }
0x336: {  	v22 =	vor.u32 v63, v13;
	v26 =	vmul.f32 v26, v2;
	v13 =	vmovc v29;
	v49 =	vmul.f32 v49, v2;
	v38 =	vld [tilespmem:s16+$0xFFFFFFD0]  }
0x337: {  	v23 =	vmul.f32 v23, v2;
	v29 =	vmul.f32 v30, v2;
	v48 =	vsub.f32 v48, v1;
	v55 =	vld [tilespmem:s16+$0xFFFFFFF0]  }
0x338: {  	v26 =	vsub.f32 v26, v1;
	v30 =	vsub.f32 v49, v1;
	v49 =	vmul.f32 v27, v2;
	v56 =	vld [tilespmem:s18+$0x0]  }
0x339: {  	v23 =	vsub.f32 v23, v1;
	v57 =	vsub.f32 v29, v1;
	v52 =	vmul.f32 v52, v2;
	v27 =	vld [tilespmem:s16+$0x30]  }
0x33a: {  	v60 =	vmul.f32 v26, v28;
	v47 =	vmul.f32 v30, v47;
	v26 =	vsub.f32 v49, v1;
	v58 =	vld [tilespmem:s16+$0x0]  }
.Ltmp6:
0x33b: {  	v23 =	vmul.f32 v23, v46;
	v46 =	vsub.f32 v52, v1;
	v28 =	vmul.f32 v57, v34;
	v29 =	vld [tilespmem:s18+$0x20];
	s18 =	smov.u32 s9;
	(pc) =	sbr.rel @p1 .LBB2_12-.Ltmp6, $4  }
0x33c: {  	v32 =	vmul.f32 v48, v32;
	v34 =	vadd.f32 v47, v37;
	v31 =	vmul.f32 v26, v31;
	v30 =	vld [tilespmem:s16+$0x10];
	s16 =	smov.u32 s7  }
0x33d: {  	v26 =	vor.u32 v9, v44;
	v37 =	vadd.f32 v23, v38;
	v38 =	vmul.f32 v46, v56  }
0x33e: {  	v32 =	vadd.f32 v32, v55;
	[tilespmem:v5+s25+$0x0] =	vst.idx.msk $0xffff, v34;
	v34 =	vadd.f32 v60, v33;
	v5 =	vmov v54  }
0x33f: {  	v23 =	vor.u32 v63, v39;
	[tilespmem:v3+s25+$0x0] =	vst.idx.msk $0xffff, v37;
	v33 =	vadd.f32 v38, v58;
	v3 =	vmov v53  }
0x340: {  	_ =	sdelay $0x3  }
0x341: {  	[tilespmem:v25+s25+$0x0] =	vst.idx.msk $0xffff, v34;
	v24 =	vmul.f32 v24, v29  }
0x342: {  	[tilespmem:v20+s25+$0x0] =	vst.idx.msk $0xffff, v32;
	v34 =	vadd.f32 v31, v30  }
0x343: {  	[tilespmem:v6+s25+$0x0] =	vst.idx.msk $0xffff, v33;
	v37 =	vadd.f32 v24, v21  }
0x344: {  	v38 =	vadd.f32 v28, v27;
	[tilespmem:v4+s25+$0x0] =	vst.idx.msk $0xffff, v34  }
0x345: {  	[tilespmem:v22+s25+$0x0] =	vst.idx.msk $0xffff, v37  }
0x346: {  	[tilespmem:v8+s25+$0x0] =	vst.idx.msk $0xffff, v38  }
0x347: {  	v4 =	vld.idx.msk [tilespmem:v14+s17+$0x0], $0xffff  }
0x348: {  	v6 =	vld.idx.msk [tilespmem:v26+s17+$0x0], $0xffff  }
0x349: {  	v8 =	vld [tilespmem:s18+$0x10]  }
0x34a: {  	v39 =	vld [tilespmem:s18+$0xFFFFFFF0]  }
0x34b: {  	v20 =	vld [tilespmem:s18+$0xFFFFFFE0]  }
0x34c: {  	v18 =	vld.idx.msk [tilespmem:v18+s17+$0x0], $0xffff  }
0x34d: {  	v21 =	vld [tilespmem:s16+$0xFFFFFFC0]  }
0x34e: {  	v19 =	vld.idx.msk [tilespmem:v19+s17+$0x0], $0xffff  }
0x34f: {  	v22 =	vld [tilespmem:s18+$0xFFFFFFD0]  }
0x350: {  	v44 =	vld [tilespmem:s18+$0xFFFFFFC0]  }
0x351: {  	v7 =	vld.idx.msk [tilespmem:v7+s17+$0x0], $0xffff  }
0x352: {  	v15 =	vld.idx.msk [tilespmem:v15+s17+$0x0], $0xffff  }
0x353: {  	v10 =	vld.idx.msk [tilespmem:v10+s17+$0x0], $0xffff  }
0x354: {  	v11 =	vld.idx.msk [tilespmem:v11+s17+$0x0], $0xffff  }
0x355: {  	v12 =	vor.u32 v63, v12;
	v25 =	vld [tilespmem:s16+$0xFFFFFFE0]  }
0x356: {  	v9 =	vor.u32 v63, v9;
	v46 =	vld [tilespmem:s18+$0x30];
	v19 =	vmul.f32 v19, v2;
	v7 =	vmul.f32 v7, v2  }
0x357: {  	v13 =	vor.u32 v63, v13;
	v48 =	vld [tilespmem:s16+$0xFFFFFFD0];
	v15 =	vmul.f32 v15, v2;
	v4 =	vmul.f32 v4, v2  }
0x358: {  	v49 =	vld [tilespmem:s16+$0xFFFFFFF0];
	v6 =	vmul.f32 v6, v2;
	v18 =	vmul.f32 v18, v2;
	v7 =	vsub.f32 v7, v1  }
0x359: {  	v52 =	vld [tilespmem:s18+$0x0];
	v10 =	vmul.f32 v10, v2;
	v2 =	vmul.f32 v11, v2;
	v4 =	vsub.f32 v4, v1  }
0x35a: {  	v53 =	vld [tilespmem:s16+$0x0];
	v19 =	vsub.f32 v19, v1;
	v6 =	vsub.f32 v6, v1;
	v7 =	vmul.f32 v7, v44  }
0x35b: {  	v55 =	vld [tilespmem:s18+$0x20];
	v15 =	vsub.f32 v15, v1;
	v54 =	vsub.f32 v18, v1;
	v4 =	vmul.f32 v4, v22  }
0x35c: {  	v56 =	vld [tilespmem:s16+$0x10];
	v10 =	vsub.f32 v10, v1;
	v6 =	vmul.f32 v6, v20;
	v7 =	vadd.f32 v7, v21  }
0x35d: {  	v47 =	vld [tilespmem:s16+$0x20];
	v1 =	vsub.f32 v2, v1;
	v2 =	vmul.f32 v15, v39;
	v4 =	vadd.f32 v4, v48  }
0x35e: {  	v57 =	vld [tilespmem:s16+$0x30];
	v10 =	vmul.f32 v10, v52;
	v58 =	vadd.f32 v6, v25;
	[tilespmem:v5+s25+$0x0] =	vst.idx.msk $0xffff, v7  }
0x35f: {  	s14 =	sadd.s32 $0x1, s14;
	v1 =	vmul.f32 v1, v8;
	v2 =	vadd.f32 v2, v49;
	[tilespmem:v3+s25+$0x0] =	vst.idx.msk $0xffff, v4  }
0x360: {  	p1 =	sne.s32 s14, $0x8;
	v60 =	vmul.f32 v19, v55;
	v3 =	vadd.f32 v10, v53;
	[tilespmem:v9+s25+$0x0] =	vst.idx.msk $0xffff, v58  }
.Ltmp7:
0x361: {  	v63 =	vmul.f32 v54, v46;
	v1 =	vadd.f32 v1, v56;
	[tilespmem:v12+s25+$0x0] =	vst.idx.msk $0xffff, v2;
	(pc) =	sbr.rel @p1 .LBB2_9-.Ltmp7, $4  }
0x362: {  	v2 =	vadd.f32 v60, v47;
	[tilespmem:v17+s25+$0x0] =	vst.idx.msk $0xffff, v3  }
0x363: {  	v3 =	vadd.f32 v63, v57;
	[tilespmem:v16+s25+$0x0] =	vst.idx.msk $0xffff, v1  }
0x364: {  	[tilespmem:v13+s25+$0x0] =	vst.idx.msk $0xffff, v2  }
0x365: {  	[tilespmem:v23+s25+$0x0] =	vst.idx.msk $0xffff, v3  }
0x366: {  	s2 =	sshll.u32 s2, $0xE  }
0x367: {  	s2 =	sadd.s32 s8, s2  }
0x368: {  	s2 =	sshrl.u32 s2, $0x3  }
0x369: {  	s2 =	sadd.s32 s6, s2  }
0x36a: {  	[hbm4b:s2+s4] =	stream.linear.scatter [tilespmem:s25], [sflag:$0x6], $0x4000, $0x38;
	[tilespmem:$0x1EF00] =	vst v63  }
0x36b: {  	v1 =	vld @!p0 [tilespmem:s3+$0x280];
	_ =	sdelay $0x4  }
0x36c: {  	v1 =	vshrl.u32 @!p0 v1, $0x1  }
0x36d: {  	[tilespmem:$0x6480] =	vst @!p0 v1  }
0x36e: {  	v1 =	vld @!p0 [tilespmem:s3+$0x290];
	_ =	sdelay $0x4  }
0x36f: {  	v1 =	vshrl.u32 @!p0 v1, $0x1  }
0x370: {  	[tilespmem:$0x6490] =	vst @!p0 v1  }
0x371: {  	v1 =	vld @!p0 [tilespmem:s3+$0x2A0];
	_ =	sdelay $0x4  }
0x372: {  	v1 =	vshrl.u32 @!p0 v1, $0x1  }
0x373: {  	[tilespmem:$0x64A0] =	vst @!p0 v1  }
0x374: {  	v1 =	vld @!p0 [tilespmem:s3+$0x2B0];
	_ =	sdelay $0x4  }
0x375: {  	v1 =	vshrl.u32 @!p0 v1, $0x1  }
0x376: {  	[tilespmem:$0x64B0] =	vst @!p0 v1  }
0x377: {  	v1 =	vld @!p0 [tilespmem:s3+$0x2C0];
	_ =	sdelay $0x4  }
0x378: {  	v1 =	vshrl.u32 @!p0 v1, $0x1  }
0x379: {  	[tilespmem:$0x64C0] =	vst @!p0 v1  }
0x37a: {  	v1 =	vld @!p0 [tilespmem:s3+$0x2D0];
	_ =	sdelay $0x4  }
0x37b: {  	v1 =	vshrl.u32 @!p0 v1, $0x1  }
0x37c: {  	[tilespmem:$0x64D0] =	vst @!p0 v1  }
0x37d: {  	v1 =	vld @!p0 [tilespmem:s3+$0x2E0];
	_ =	sdelay $0x4  }
0x37e: {  	v1 =	vshrl.u32 @!p0 v1, $0x1  }
0x37f: {  	[tilespmem:$0x64E0] =	vst @!p0 v1  }
0x380: {  	v1 =	vld @!p0 [tilespmem:s3+$0x2F0];
	_ =	sdelay $0x4  }
0x381: {  	v1 =	vshrl.u32 @!p0 v1, $0x1  }
0x382: {  	s7 =	simm.s32 @!p0 $0x6480;
	s9 =	simm.s32 @!p0 $0xA600;
	s2 =	simm.s32 @!p0 $0x80;
	[tilespmem:$0x64F0] =	vst @!p0 v1  }
0x383: {  	[tilespmem:s9], [sflag:$0x2] =	stream.indirect.gather @!p0 [hbm4b:s5+s2], $0x80, s7, s2, $0xb8;
	[tilespmem:$0x1EF00] =	vst v63  }
0x384: {  	_ =	swait.ge [sflag:s26], $0x4000  }
0x385: {  	[sflag:s26] =	ssyncset.done $0x0  }
0x386: {  	s2 =	sor.u32 $0x2, s0;
	[sflag:s26] =	ssyncadd.s32 $0xFFFFC000  }
0x387: {  	s31 =	sshll.u32 s2, $0x7;
	_ =	swait.ge [sflag:s28], $0x4000  }
0x388: {  	s7 =	sand.u32 $0x3FFFFF80, s31;
	[sflag:s28] =	ssyncset.done $0x0  }
0x389: {  	s14 =	simm.s32 $0x0;
	v45 =	vmov s7;
	[sflag:s28] =	ssyncadd.s32 $0xFFFFC000  }
.LBB2_15:
0x38a: {  	_ =	sdelay $0x2  }
0x38b: {  	s7 =	sshll.u32 s14, $0x4  }
0x38c: {  	v1 =	vld.idx.msk [tilespmem:v45+s7+$0x0 ss:$0x1], $0xffff;
	_ =	sdelay $0x3  }
0x38d: {  	v2 =	vmov s7  }
0x38e: {  	s31 =	simm.s32 $0x0;
	v2 =	vshll.u32 v2, $0x7;
	v1 =	vshll.u32 v1, $0x6  }
0x38f: {  	s11 =	simm.s32 $0x5;
	v63 =	vor.u32 v59, v2;
	v2 =	vadd.s32 s31, v0;
	v1 =	vand.u32 $0x40, v1  }
0x390: {  	s9 =	simm.s32 $0x1;
	v4 =	vadd.s32 s11, v0;
	v2 =	vand.u32 $0x3F, v2;
	v44 =	vor.u32 v63, v1  }
0x391: {  	s13 =	simm.s32 $0x2;
	v4 =	vand.u32 $0x3F, v4;
	v1 =	vadd.s32 s9, v0;
	v2 =	vor.u32 v44, v2  }
0x392: {  	v5 =	vadd.s32 s13, v0;
	s9 =	simm.s32 $0x3;
	v1 =	vand.u32 $0x3F, v1;
	v4 =	vor.u32 v44, v4  }
0x393: {  	v5 =	vand.u32 $0x3F, v5;
	v3 =	vadd.s32 s9, v0;
	v1 =	vor.u32 v44, v1  }
0x394: {  	s16 =	simm.s32 $0x4;
	s18 =	simm.s32 $0x6;
	v6 =	vimm.f32 $0.0e+00;
	v5 =	vor.u32 v44, v5;
	v3 =	vand.u32 $0x3F, v3  }
0x395: {  	s20 =	simm.s32 $0x8;
	s11 =	simm.s32 $0x7;
	v7 =	vadd.s32 s16, v0;
	v8 =	vadd.s32 s18, v0;
	v3 =	vor.u32 v44, v3  }
0x396: {  	v11 =	vadd.s32 s20, v0;
	v9 =	vadd.s32 s11, v0;
	v7 =	vand.u32 $0x3F, v7;
	v2 =	vld.idx.msk [tilespmem:v2+s19+$0x0], $0xffff  }
0x397: {  	s13 =	simm.s32 $0xD;
	s16 =	simm.s32 $0xB;
	s18 =	simm.s32 $0xA;
	v8 =	vand.u32 $0x3F, v8;
	v11 =	vand.u32 $0x3F, v11;
	v7 =	vor.u32 v44, v7;
	v4 =	vld.idx.msk [tilespmem:v4+s19+$0x0], $0xffff  }
0x398: {  	s11 =	simm.s32 $0xF;
	v15 =	vadd.s32 s16, v0;
	v16 =	vadd.s32 s13, v0;
	v18 =	vadd.s32 s18, v0;
	v1 =	vld.idx.msk [tilespmem:v1+s19+$0x0], $0xffff  }
0x399: {  	v9 =	vand.u32 $0x3F, v9;
	v14 =	vadd.s32 s11, v0;
	v8 =	vor.u32 v44, v8;
	v5 =	vld.idx.msk [tilespmem:v5+s19+$0x0], $0xffff  }
0x39a: {  	s31 =	simm.s32 $0x9;
	v15 =	vand.u32 $0x3F, v15;
	v16 =	vand.u32 $0x3F, v16;
	v9 =	vor.u32 v44, v9;
	v3 =	vld.idx.msk [tilespmem:v3+s19+$0x0], $0xffff  }
0x39b: {  	v18 =	vand.u32 $0x3F, v18;
	v12 =	vadd.s32 s31, v0;
	v14 =	vand.u32 $0x3F, v14  }
0x39c: {  	v12 =	vand.u32 $0x3F, v12;
	v11 =	vor.u32 v44, v11;
	v7 =	vld.idx.msk [tilespmem:v7+s19+$0x0], $0xffff;
	v10 =	vmul.f32 v2, v2  }
0x39d: {  	v2 =	vadd.f32 v2, v6;
	v13 =	vmul.f32 v1, v1;
	v1 =	vadd.f32 v1, v6  }
0x39e: {  	v12 =	vor.u32 v44, v12;
	v16 =	vor.u32 v44, v16;
	v18 =	vor.u32 v44, v18;
	v8 =	vld.idx.msk [tilespmem:v8+s19+$0x0], $0xffff  }
0x39f: {  	v20 =	vld.idx.msk [tilespmem:v9+s19+$0x0], $0xffff;
	v17 =	vmul.f32 v4, v4;
	v2 =	vadd.f32 v5, v2;
	v1 =	vadd.f32 v3, v1  }
0x3a0: {  	v10 =	vadd.f32 v10, v6;
	v3 =	vmul.f32 v3, v3;
	v9 =	vadd.f32 v13, v6  }
0x3a1: {  	s20 =	simm.s32 $0xC;
	v11 =	vld.idx.msk [tilespmem:v11+s19+$0x0], $0xffff;
	v13 =	vmul.f32 v5, v5;
	v2 =	vadd.f32 v7, v2;
	v19 =	vadd.f32 v4, v1  }
0x3a2: {  	v1 =	vor.u32 v44, v15;
	v4 =	vadd.s32 s20, v0;
	v15 =	vmul.f32 v7, v7  }
0x3a3: {  	v5 =	vld.idx.msk [tilespmem:v12+s19+$0x0], $0xffff;
	v3 =	vadd.f32 v3, v9;
	v12 =	vadd.f32 v13, v10;
	v9 =	vmul.f32 v8, v8  }
0x3a4: {  	s31 =	simm.s32 $0xE;
	v10 =	vmul.f32 v20, v20;
	v4 =	vand.u32 $0x3F, v4;
	v21 =	vadd.f32 v8, v2  }
0x3a5: {  	v2 =	vld.idx.msk [tilespmem:v16+s19+$0x0], $0xffff;
	v6 =	vor.u32 v44, v4;
	v4 =	vadd.s32 s31, v0;
	v12 =	vadd.f32 v15, v12  }
0x3a6: {  	v13 =	vadd.f32 v17, v3;
	v3 =	vld.idx.msk [tilespmem:v18+s19+$0x0], $0xffff;
	v7 =	vand.u32 $0x3F, v4;
	v8 =	vadd.f32 v11, v21  }
0x3a7: {  	s7 =	simm.s32 $0x17;
	v7 =	vor.u32 v44, v7;
	v4 =	vld.idx.msk [tilespmem:v1+s19+$0x0], $0xffff;
	v1 =	vmul.f32 v11, v11;
	v11 =	vadd.f32 v20, v19  }
.LBB2_16:
0x3a8: {  	s9 =	sadd.s32 $0xFFFFFFF9, s7  }
0x3a9: {  	s11 =	sadd.s32 $0xFFFFFFFA, s7;
	s13 =	sadd.s32 $0xFFFFFFFE, s7;
	v14 =	vor.u32 v44, v14;
	v9 =	vadd.f32 v9, v12;
	v10 =	vadd.f32 v10, v13;
	s16 =	smov.u32 s7  }
0x3aa: {  	p1 =	sne.s32 s7, $0x3F;
	s7 =	sadd.s32 $0x8, s7;
	v15 =	vmul.f32 v5, v5;
	v12 =	vadd.s32 s9, v0;
	v13 =	vadd.s32 s11, v0;
	s9 =	sadd.s32 $0xFFFFFFFC, s16;
	v6 =	vld.idx.msk [tilespmem:v6+s19+$0x0], $0xffff  }
0x3ab: {  	v5 =	vadd.f32 v5, v11;
	v12 =	vand.u32 $0x3F, v12;
	v13 =	vand.u32 $0x3F, v13  }
0x3ac: {  	v16 =	vadd.s32 s16, v0;
	v11 =	vor.u32 v44, v12;
	v12 =	vor.u32 v44, v13;
	v13 =	vld.idx.msk [tilespmem:v7+s19+$0x0], $0xffff  }
0x3ad: {  	v17 =	vadd.s32 s13, v0;
	v7 =	vadd.s32 s9, v0;
	v5 =	vadd.f32 v4, v5  }
0x3ae: {  	s9 =	sadd.s32 $0xFFFFFFFB, s16;
	v4 =	vmul.f32 v4, v4;
	v8 =	vadd.f32 v3, v8;
	v18 =	vld.idx.msk [tilespmem:v14+s19+$0x0], $0xffff;
	v14 =	vmul.f32 v2, v2  }
0x3af: {  	v17 =	vand.u32 $0x3F, v17;
	v19 =	vadd.s32 s9, v0;
	v7 =	vand.u32 $0x3F, v7  }
0x3b0: {  	v17 =	vor.u32 v44, v17;
	s9 =	sadd.s32 $0xFFFFFFFD, s16;
	v19 =	vand.u32 $0x3F, v19;
	v20 =	vadd.f32 v2, v5  }
0x3b1: {  	v2 =	vor.u32 v44, v7;
	v5 =	vadd.s32 s9, v0;
	v19 =	vor.u32 v44, v19;
	v11 =	vld.idx.msk [tilespmem:v11+s19+$0x0], $0xffff  }
0x3b2: {  	v10 =	vadd.f32 v15, v10;
	v7 =	vand.u32 $0x3F, v5;
	v8 =	vadd.f32 v6, v8  }
0x3b3: {  	v1 =	vadd.f32 v1, v9;
	v3 =	vmul.f32 v3, v3;
	s9 =	sadd.s32 $0xFFFFFFFF, s16;
	v15 =	vmul.f32 v6, v6  }
.Ltmp8:
0x3b4: {  	v21 =	vadd.f32 v4, v10;
	v6 =	vor.u32 v44, v7;
	v7 =	vadd.s32 s9, v0;
	v5 =	vld.idx.msk [tilespmem:v12+s19+$0x0], $0xffff;
	(pc) =	sbr.rel @p1 .LBB2_16-.Ltmp8, $4  }
0x3b5: {  	v3 =	vadd.f32 v3, v1;
	v7 =	vand.u32 $0x3F, v7;
	v8 =	vadd.f32 v13, v8  }
0x3b6: {  	v9 =	vmul.f32 v13, v13;
	v7 =	vor.u32 v44, v7;
	v10 =	vmul.f32 v18, v18;
	v4 =	vld.idx.msk [tilespmem:v2+s19+$0x0], $0xffff  }
0x3b7: {  	v13 =	vadd.f32 v14, v21;
	v12 =	vadd.f32 v15, v3;
	v1 =	vmul.f32 v11, v11;
	v2 =	vld.idx.msk [tilespmem:v17+s19+$0x0], $0xffff  }
0x3b8: {  	v14 =	vand.u32 $0x3F, v16;
	v8 =	vadd.f32 v11, v8;
	v11 =	vadd.f32 v18, v20;
	v3 =	vld.idx.msk [tilespmem:v19+s19+$0x0], $0xffff  }
0x3b9: {  	_ =	sdelay $0x1  }
0x3ba: {  	v14 =	vor.u32 v44, v14;
	_ =	sdelay $0x1  }
0x3bb: {  	v6 =	vld.idx.msk [tilespmem:v6+s19+$0x0], $0xffff  }
0x3bc: {  	v9 =	vadd.f32 v9, v12  }
0x3bd: {  	v10 =	vadd.f32 v10, v13;
	v12 =	vmul.f32 v5, v5;
	v7 =	vld.idx.msk [tilespmem:v7+s19+$0x0], $0xffff;
	v5 =	vadd.f32 v5, v11  }
0x3be: {  	v1 =	vadd.f32 v1, v9;
	v8 =	vadd.f32 v3, v8;
	v3 =	vmul.f32 v3, v3;
	v11 =	vld.idx.msk [tilespmem:v14+s19+$0x0], $0xffff  }
0x3bf: {  	v9 =	vadd.f32 v12, v10;
	v5 =	vadd.f32 v4, v5;
	v4 =	vmul.f32 v4, v4  }
0x3c0: {  	v8 =	vadd.f32 v6, v8;
	v6 =	vmul.f32 v6, v6;
	v1 =	vadd.f32 v3, v1  }
0x3c1: {  	v4 =	vadd.f32 v4, v9;
	v3 =	vmul.f32 v2, v2;
	v2 =	vadd.f32 v2, v5  }
0x3c2: {  	v5 =	vadd.f32 v7, v8;
	v7 =	vmul.f32 v7, v7;
	v1 =	vadd.f32 v6, v1  }
0x3c3: {  	v3 =	vadd.f32 v3, v4;
	v6 =	vmul.f32 v11, v11;
	v2 =	vadd.f32 v11, v2  }
0x3c4: {  	v1 =	vadd.f32 v7, v1  }
0x3c5: {  	v3 =	vadd.f32 v6, v3;
	v2 =	vadd.f32 v2, v5;
	_ =	sdelay $0x1  }
0x3c6: {  	v4 =	vmul.f32 $1.562500000e-02, v2;
	v1 =	vadd.f32 v3, v1;
	_ =	sdelay $0x1  }
0x3c7: {  	v1 =	vmul.f32 $1.562500000e-02, v1;
	v2 =	vmul.f32 v4, v4;
	_ =	sdelay $0x1  }
0x3c8: {  	v1 =	vsub.f32 v1, v2;
	_ =	sdelay $0x1  }
0x3c9: {  	v1 =	vadd.f32 $9.999999740e-06, v1;
	_ =	sdelay $0x1  }
0x3ca: {  	v2 =	vshrl.u32 v1, $0x1;
	v1 =	vmul.f32 $5.000000000e-01, v1  }
0x3cb: {  	v2 =	vsub.s32 $0x5F3759DF, v2  }
0x3cc: {  	v3 =	vmul.f32 v2, v1;
	_ =	sdelay $0x1  }
0x3cd: {  	v3 =	vmul.f32 v2, v3;
	_ =	sdelay $0x1  }
0x3ce: {  	v3 =	vsub.f32 $1.500000000e+00, v3;
	_ =	sdelay $0x1  }
0x3cf: {  	v2 =	vmul.f32 v2, v3;
	_ =	sdelay $0x1  }
0x3d0: {  	v3 =	vmul.f32 v2, v1;
	_ =	sdelay $0x1  }
0x3d1: {  	v3 =	vmul.f32 v3, v2;
	_ =	sdelay $0x1  }
0x3d2: {  	s31 =	simm.s32 $0x3;
	v3 =	vsub.f32 $1.500000000e+00, v3  }
0x3d3: {  	s16 =	simm.s32 $0x2;
	v8 =	vadd.s32 s31, v0  }
0x3d4: {  	s7 =	simm.s32 $0x1;
	v19 =	vand.u32 $0x3F, v8;
	v5 =	vadd.s32 s16, v0;
	v2 =	vmul.f32 v3, v2  }
0x3d5: {  	v12 =	vor.u32 v19, v44;
	v21 =	vand.u32 $0x3F, v5;
	v3 =	vadd.s32 s7, v0  }
0x3d6: {  	v5 =	vor.u32 v21, v44;
	v3 =	vand.u32 $0x3F, v3;
	v1 =	vmul.f32 v2, v1  }
0x3d7: {  	v6 =	vor.u32 v3, v44  }
0x3d8: {  	s16 =	simm.s32 $0xF;
	v1 =	vmul.f32 v1, v2  }
0x3d9: {  	s9 =	simm.s32 $0x4;
	v15 =	vadd.s32 s16, v0  }
0x3da: {  	v9 =	vadd.s32 s9, v0;
	s31 =	simm.s32 $0xE;
	v46 =	vand.u32 $0x3F, v15;
	v47 =	vld.idx.msk [tilespmem:v12+s19+$0x0], $0xffff;
	v1 =	vsub.f32 $1.500000000e+00, v1  }
0x3db: {  	s18 =	simm.s32 $0x0;
	s11 =	simm.s32 $0x5;
	v39 =	vadd.s32 s31, v0;
	v18 =	vor.u32 v46, v44;
	v26 =	vld.idx.msk [tilespmem:v5+s19+$0x0], $0xffff;
	v33 =	vor.u32 v63, v3  }
0x3dc: {  	v23 =	vld.idx.msk [tilespmem:v6+s19+$0x0], $0xffff;
	v6 =	vadd.s32 s11, v0;
	s11 =	simm.s32 $0x8;
	v2 =	vmul.f32 v1, v2;
	v1 =	vadd.s32 s18, v0  }
0x3dd: {  	v5 =	vand.u32 $0x3F, v6;
	v3 =	vadd.s32 s11, v0;
	v7 =	vand.u32 $0x3F, v1  }
0x3de: {  	s20 =	simm.s32 $0x7;
	s7 =	simm.s32 $0x1E740;
	v20 =	vor.u32 v5, v44;
	v24 =	vand.u32 $0x3F, v3;
	v1 =	vmul.f32 v2, v4  }
0x3df: {  	v30 =	vld [tilespmem:s7+$0x10];
	v4 =	vadd.s32 s20, v0;
	v13 =	vor.u32 v7, v44;
	v32 =	vor.u32 v63, v7  }
0x3e0: {  	s9 =	simm.s32 $0x6;
	v31 =	vld [tilespmem:s7+$0xFFFFFFF0];
	v7 =	vor.u32 v24, v44;
	v47 =	vmul.f32 v47, v2;
	v26 =	vmul.f32 v26, v2  }
0x3e1: {  	v27 =	vld [tilespmem:s7+$0xFFFFFFE0];
	s20 =	simm.s32 $0xB;
	v10 =	vand.u32 $0x3F, v4;
	v4 =	vand.u32 $0x3F, v9;
	v9 =	vadd.s32 s9, v0  }
0x3e2: {  	v29 =	vld [tilespmem:s7+$0xFFFFFFD0];
	v17 =	vadd.s32 s20, v0;
	v11 =	vor.u32 v10, v44;
	v16 =	vor.u32 v4, v44  }
0x3e3: {  	s13 =	simm.s32 $0x9;
	v38 =	vld [tilespmem:s7+$0xFFFFFFC0];
	v22 =	vand.u32 $0x3F, v9;
	v6 =	vor.u32 v63, v4;
	v4 =	vor.u32 v63, v5  }
0x3e4: {  	v60 =	vld [tilespmem:s7+$0x30];
	v8 =	vor.u32 v63, v10;
	v5 =	vadd.s32 s13, v0;
	v12 =	vand.u32 $0x3F, v17  }
0x3e5: {  	v54 =	vld [tilespmem:s7+$0x0];
	s13 =	simm.s32 $0xC;
	v23 =	vmul.f32 v23, v2;
	v47 =	vsub.f32 v47, v1;
	v9 =	vor.u32 v22, v44  }
0x3e6: {  	v26 =	vsub.f32 v26, v1;
	v3 =	vand.u32 $0x3F, v5;
	v5 =	vadd.s32 s13, v0;
	v58 =	vld.idx.msk [tilespmem:v20+s19+$0x0], $0xffff  }
0x3e7: {  	v15 =	vor.u32 v12, v44;
	v22 =	vor.u32 v63, v22;
	v14 =	vor.u32 v3, v44;
	v48 =	vld.idx.msk [tilespmem:v13+s19+$0x0], $0xffff  }
0x3e8: {  	v5 =	vand.u32 $0x3F, v5;
	v3 =	vor.u32 v63, v3;
	v20 =	vor.u32 v63, v19;
	v28 =	vld.idx.msk [tilespmem:v11+s19+$0x0], $0xffff  }
0x3e9: {  	s18 =	simm.s32 $0xD;
	v23 =	vsub.f32 v23, v1;
	v10 =	vor.u32 v5, v44;
	v17 =	vor.u32 v63, v5;
	v49 =	vld.idx.msk [tilespmem:v16+s19+$0x0], $0xffff  }
0x3ea: {  	s9 =	simm.s32 $0x1EB40;
	v13 =	vand.u32 $0x3F, v39;
	v5 =	vor.u32 v63, v24;
	v11 =	vadd.s32 s18, v0;
	v25 =	vld.idx.msk [tilespmem:v9+s19+$0x0], $0xffff  }
0x3eb: {  	s16 =	simm.s32 $0xA;
	v34 =	vld [tilespmem:s9+$0xFFFFFFC0];
	v19 =	vor.u32 v13, v44;
	v23 =	vmul.f32 v23, v29;
	v37 =	vand.u32 $0x3F, v11  }
0x3ec: {  	v52 =	vld [tilespmem:s9+$0xFFFFFFE0];
	v9 =	vadd.s32 s16, v0;
	v11 =	vor.u32 v37, v44;
	v48 =	vmul.f32 v48, v2  }
0x3ed: {  	v53 =	vld [tilespmem:s9+$0xFFFFFFD0];
	v9 =	vand.u32 $0x3F, v9;
	v16 =	vor.u32 v63, v37;
	v28 =	vmul.f32 v28, v2  }
0x3ee: {  	v55 =	vld [tilespmem:s9+$0xFFFFFFF0];
	v37 =	vmul.f32 v58, v2;
	v58 =	vmul.f32 v47, v31;
	v48 =	vsub.f32 v48, v1  }
0x3ef: {  	v56 =	vld [tilespmem:s9+$0x0];
	v49 =	vmul.f32 v49, v2;
	v25 =	vmul.f32 v25, v2;
	v28 =	vsub.f32 v28, v1  }
0x3f0: {  	v29 =	vld [tilespmem:s7+$0x20];
	v38 =	vmul.f32 v48, v38;
	v48 =	vmul.f32 v26, v27;
	v26 =	vsub.f32 v37, v1  }
0x3f1: {  	v27 =	vld [tilespmem:s9+$0x30];
	v57 =	vsub.f32 v49, v1;
	v24 =	vsub.f32 v25, v1;
	v25 =	vor.u32 v63, v21  }
0x3f2: {  	v28 =	vmul.f32 v28, v60;
	v34 =	vadd.f32 v38, v34;
	v31 =	vmul.f32 v26, v30;
	v30 =	vld [tilespmem:s9+$0x10]  }
0x3f3: {  	v21 =	vld [tilespmem:s9+$0x20];
	v26 =	vor.u32 v9, v44;
	v60 =	vadd.f32 v23, v53;
	v37 =	vmul.f32 v57, v54  }
0x3f4: {  	s11 =	simm.s32 $0x17;
	s7 =	simm.s32 $0x1EBC0;
	v23 =	vor.u32 v63, v46;
	[tilespmem:v32+s23+$0x0] =	vst.idx.msk $0xffff, v34;
	v34 =	vadd.f32 v48, v52  }
0x3f5: {  	s18 =	simm.s32 $0x1E7C0;
	s16 =	simm.s32 $0x1EBC0;
	s9 =	simm.s32 $0x1E7C0;
	v32 =	vadd.f32 v58, v55;
	[tilespmem:v33+s23+$0x0] =	vst.idx.msk $0xffff, v60;
	v33 =	vadd.f32 v37, v56  }
.LBB2_18:
0x3f6: {  	p1 =	sne.s32 s11, $0x3F;
	s7 =	sadd.s32 $0x80, s7;
	s9 =	sadd.s32 $0x80, s9;
	[tilespmem:v25+s23+$0x0] =	vst.idx.msk $0xffff, v34;
	v24 =	vmul.f32 v24, v29;
	v25 =	vadd.f32 v28, v27  }
0x3f7: {  	s13 =	smov.u32 s11;
	s11 =	sadd.s32 $0x8, s11;
	[tilespmem:v20+s23+$0x0] =	vst.idx.msk $0xffff, v32;
	v20 =	vadd.f32 v31, v30  }
0x3f8: {  	[tilespmem:v6+s23+$0x0] =	vst.idx.msk $0xffff, v33;
	v21 =	vadd.f32 v24, v21;
	v6 =	vmov v17  }
0x3f9: {  	v17 =	vadd.s32 s13, v0;
	[tilespmem:v4+s23+$0x0] =	vst.idx.msk $0xffff, v20;
	v4 =	vmov v16  }
0x3fa: {  	s20 =	sadd.s32 $0xFFFFFFF9, s13;
	[tilespmem:v22+s23+$0x0] =	vst.idx.msk $0xffff, v21  }
0x3fb: {  	v16 =	vadd.s32 s20, v0;
	s20 =	sadd.s32 $0xFFFFFFFA, s13;
	[tilespmem:v8+s23+$0x0] =	vst.idx.msk $0xffff, v25;
	v8 =	vmov v23  }
0x3fc: {  	v21 =	vand.u32 $0x3F, v16;
	v16 =	vadd.s32 s20, v0;
	s20 =	sadd.s32 $0xFFFFFFFB, s13;
	v23 =	vld.idx.msk [tilespmem:v14+s19+$0x0], $0xffff  }
0x3fd: {  	s31 =	sadd.s32 $0xFFFFFFFC, s13;
	v20 =	vor.u32 v21, v44;
	v22 =	vand.u32 $0x3F, v16;
	v26 =	vld.idx.msk [tilespmem:v26+s19+$0x0], $0xffff  }
0x3fe: {  	v16 =	vadd.s32 s20, v0;
	s20 =	sadd.s32 $0xFFFFFFFD, s13;
	v14 =	vor.u32 v22, v44;
	v31 =	vld [tilespmem:s18+$0x10]  }
0x3ff: {  	v24 =	vadd.s32 s31, v0;
	v25 =	vadd.s32 s20, v0;
	s20 =	sadd.s32 $0xFFFFFFFE, s13;
	v32 =	vld [tilespmem:s18+$0xFFFFFFF0]  }
0x400: {  	s13 =	sadd.s32 $0xFFFFFFFF, s13;
	v25 =	vand.u32 $0x3F, v25;
	v27 =	vadd.s32 s20, v0;
	v28 =	vld [tilespmem:s18+$0xFFFFFFE0]  }
0x401: {  	v29 =	vor.u32 v25, v44;
	v27 =	vand.u32 $0x3F, v27;
	v30 =	vld.idx.msk [tilespmem:v18+s19+$0x0], $0xffff  }
0x402: {  	v34 =	vadd.s32 s13, v0;
	v33 =	vor.u32 v27, v44;
	v37 =	vld [tilespmem:s16+$0xFFFFFFC0]  }
0x403: {  	v39 =	vand.u32 $0x3F, v17;
	v38 =	vand.u32 $0x3F, v16;
	v19 =	vld.idx.msk [tilespmem:v19+s19+$0x0], $0xffff  }
0x404: {  	v24 =	vand.u32 $0x3F, v24;
	v18 =	vor.u32 v39, v44;
	v46 =	vld [tilespmem:s18+$0xFFFFFFD0]  }
0x405: {  	v16 =	vor.u32 v24, v44;
	v47 =	vld [tilespmem:s18+$0xFFFFFFC0]  }
0x406: {  	v48 =	vld.idx.msk [tilespmem:v15+s19+$0x0], $0xffff;
	v15 =	vmov v16  }
0x407: {  	v49 =	vld.idx.msk [tilespmem:v7+s19+$0x0], $0xffff;
	v7 =	vmov v20  }
0x408: {  	v17 =	vor.u32 v63, v25;
	v16 =	vor.u32 v63, v27;
	v52 =	vld.idx.msk [tilespmem:v10+s19+$0x0], $0xffff;
	v10 =	vmov v29  }
0x409: {  	v19 =	vmul.f32 v19, v2;
	v27 =	vld.idx.msk [tilespmem:v11+s19+$0x0], $0xffff;
	v11 =	vmov v33  }
0x40a: {  	v53 =	vor.u32 v63, v22;
	v20 =	vor.u32 v63, v12;
	v12 =	vmov v24;
	v33 =	vld [tilespmem:s16+$0xFFFFFFE0]  }
0x40b: {  	v54 =	vor.u32 v63, v21;
	v29 =	vand.u32 $0x3F, v34;
	v24 =	vsub.f32 v19, v1;
	v34 =	vld [tilespmem:s18+$0x30]  }
0x40c: {  	v25 =	vor.u32 v63, v9;
	v9 =	vmovc v38;
	v19 =	vor.u32 v29, v44;
	v48 =	vmul.f32 v48, v2;
	v21 =	vld [tilespmem:s16+$0x20]  }
0x40d: {  	v22 =	vor.u32 v63, v13;
	v26 =	vmul.f32 v26, v2;
	v13 =	vmovc v29;
	v49 =	vmul.f32 v49, v2;
	v38 =	vld [tilespmem:s16+$0xFFFFFFD0]  }
0x40e: {  	v23 =	vmul.f32 v23, v2;
	v29 =	vmul.f32 v30, v2;
	v48 =	vsub.f32 v48, v1;
	v55 =	vld [tilespmem:s16+$0xFFFFFFF0]  }
0x40f: {  	v26 =	vsub.f32 v26, v1;
	v30 =	vsub.f32 v49, v1;
	v49 =	vmul.f32 v27, v2;
	v56 =	vld [tilespmem:s18+$0x0]  }
0x410: {  	v23 =	vsub.f32 v23, v1;
	v57 =	vsub.f32 v29, v1;
	v52 =	vmul.f32 v52, v2;
	v27 =	vld [tilespmem:s16+$0x30]  }
0x411: {  	v60 =	vmul.f32 v26, v28;
	v47 =	vmul.f32 v30, v47;
	v26 =	vsub.f32 v49, v1;
	v58 =	vld [tilespmem:s16+$0x0]  }
.Ltmp9:
0x412: {  	v23 =	vmul.f32 v23, v46;
	v46 =	vsub.f32 v52, v1;
	v28 =	vmul.f32 v57, v34;
	v29 =	vld [tilespmem:s18+$0x20];
	s18 =	smov.u32 s9;
	(pc) =	sbr.rel @p1 .LBB2_18-.Ltmp9, $4  }
0x413: {  	v32 =	vmul.f32 v48, v32;
	v34 =	vadd.f32 v47, v37;
	v31 =	vmul.f32 v26, v31;
	v30 =	vld [tilespmem:s16+$0x10];
	s16 =	smov.u32 s7  }
0x414: {  	v26 =	vor.u32 v9, v44;
	v37 =	vadd.f32 v23, v38;
	v38 =	vmul.f32 v46, v56  }
0x415: {  	v32 =	vadd.f32 v32, v55;
	[tilespmem:v5+s23+$0x0] =	vst.idx.msk $0xffff, v34;
	v34 =	vadd.f32 v60, v33;
	v5 =	vmov v54  }
0x416: {  	v23 =	vor.u32 v63, v39;
	[tilespmem:v3+s23+$0x0] =	vst.idx.msk $0xffff, v37;
	v33 =	vadd.f32 v38, v58;
	v3 =	vmov v53  }
0x417: {  	_ =	sdelay $0x3  }
0x418: {  	[tilespmem:v25+s23+$0x0] =	vst.idx.msk $0xffff, v34;
	v24 =	vmul.f32 v24, v29  }
0x419: {  	[tilespmem:v20+s23+$0x0] =	vst.idx.msk $0xffff, v32;
	v34 =	vadd.f32 v31, v30  }
0x41a: {  	[tilespmem:v6+s23+$0x0] =	vst.idx.msk $0xffff, v33;
	v37 =	vadd.f32 v24, v21  }
0x41b: {  	v38 =	vadd.f32 v28, v27;
	[tilespmem:v4+s23+$0x0] =	vst.idx.msk $0xffff, v34  }
0x41c: {  	[tilespmem:v22+s23+$0x0] =	vst.idx.msk $0xffff, v37  }
0x41d: {  	[tilespmem:v8+s23+$0x0] =	vst.idx.msk $0xffff, v38  }
0x41e: {  	v4 =	vld.idx.msk [tilespmem:v14+s19+$0x0], $0xffff  }
0x41f: {  	v6 =	vld.idx.msk [tilespmem:v26+s19+$0x0], $0xffff  }
0x420: {  	v8 =	vld [tilespmem:s18+$0x10]  }
0x421: {  	v39 =	vld [tilespmem:s18+$0xFFFFFFF0]  }
0x422: {  	v20 =	vld [tilespmem:s18+$0xFFFFFFE0]  }
0x423: {  	v18 =	vld.idx.msk [tilespmem:v18+s19+$0x0], $0xffff  }
0x424: {  	v21 =	vld [tilespmem:s16+$0xFFFFFFC0]  }
0x425: {  	v19 =	vld.idx.msk [tilespmem:v19+s19+$0x0], $0xffff  }
0x426: {  	v22 =	vld [tilespmem:s18+$0xFFFFFFD0]  }
0x427: {  	v44 =	vld [tilespmem:s18+$0xFFFFFFC0]  }
0x428: {  	v7 =	vld.idx.msk [tilespmem:v7+s19+$0x0], $0xffff  }
0x429: {  	v15 =	vld.idx.msk [tilespmem:v15+s19+$0x0], $0xffff  }
0x42a: {  	v10 =	vld.idx.msk [tilespmem:v10+s19+$0x0], $0xffff  }
0x42b: {  	v11 =	vld.idx.msk [tilespmem:v11+s19+$0x0], $0xffff  }
0x42c: {  	v12 =	vor.u32 v63, v12;
	v25 =	vld [tilespmem:s16+$0xFFFFFFE0]  }
0x42d: {  	v9 =	vor.u32 v63, v9;
	v46 =	vld [tilespmem:s18+$0x30];
	v19 =	vmul.f32 v19, v2;
	v7 =	vmul.f32 v7, v2  }
0x42e: {  	v13 =	vor.u32 v63, v13;
	v48 =	vld [tilespmem:s16+$0xFFFFFFD0];
	v15 =	vmul.f32 v15, v2;
	v4 =	vmul.f32 v4, v2  }
0x42f: {  	v49 =	vld [tilespmem:s16+$0xFFFFFFF0];
	v6 =	vmul.f32 v6, v2;
	v18 =	vmul.f32 v18, v2;
	v7 =	vsub.f32 v7, v1  }
0x430: {  	v52 =	vld [tilespmem:s18+$0x0];
	v10 =	vmul.f32 v10, v2;
	v2 =	vmul.f32 v11, v2;
	v4 =	vsub.f32 v4, v1  }
0x431: {  	v53 =	vld [tilespmem:s16+$0x0];
	v19 =	vsub.f32 v19, v1;
	v6 =	vsub.f32 v6, v1;
	v7 =	vmul.f32 v7, v44  }
0x432: {  	v55 =	vld [tilespmem:s18+$0x20];
	v15 =	vsub.f32 v15, v1;
	v54 =	vsub.f32 v18, v1;
	v4 =	vmul.f32 v4, v22  }
0x433: {  	v56 =	vld [tilespmem:s16+$0x10];
	v10 =	vsub.f32 v10, v1;
	v6 =	vmul.f32 v6, v20;
	v7 =	vadd.f32 v7, v21  }
0x434: {  	v47 =	vld [tilespmem:s16+$0x20];
	v1 =	vsub.f32 v2, v1;
	v2 =	vmul.f32 v15, v39;
	v4 =	vadd.f32 v4, v48  }
0x435: {  	v57 =	vld [tilespmem:s16+$0x30];
	v10 =	vmul.f32 v10, v52;
	v58 =	vadd.f32 v6, v25;
	[tilespmem:v5+s23+$0x0] =	vst.idx.msk $0xffff, v7  }
0x436: {  	s14 =	sadd.s32 $0x1, s14;
	v1 =	vmul.f32 v1, v8;
	v2 =	vadd.f32 v2, v49;
	[tilespmem:v3+s23+$0x0] =	vst.idx.msk $0xffff, v4  }
0x437: {  	p1 =	sne.s32 s14, $0x8;
	v60 =	vmul.f32 v19, v55;
	v3 =	vadd.f32 v10, v53;
	[tilespmem:v9+s23+$0x0] =	vst.idx.msk $0xffff, v58  }
.Ltmp10:
0x438: {  	v63 =	vmul.f32 v54, v46;
	v1 =	vadd.f32 v1, v56;
	[tilespmem:v12+s23+$0x0] =	vst.idx.msk $0xffff, v2;
	(pc) =	sbr.rel @p1 .LBB2_15-.Ltmp10, $4  }
0x439: {  	v2 =	vadd.f32 v60, v47;
	[tilespmem:v17+s23+$0x0] =	vst.idx.msk $0xffff, v3  }
0x43a: {  	v3 =	vadd.f32 v63, v57;
	[tilespmem:v16+s23+$0x0] =	vst.idx.msk $0xffff, v1  }
0x43b: {  	[tilespmem:v13+s23+$0x0] =	vst.idx.msk $0xffff, v2  }
0x43c: {  	[tilespmem:v23+s23+$0x0] =	vst.idx.msk $0xffff, v3  }
0x43d: {  	s2 =	sshll.u32 s2, $0xE  }
0x43e: {  	s2 =	sadd.s32 s8, s2  }
0x43f: {  	s2 =	sshrl.u32 s2, $0x3  }
0x440: {  	s2 =	sadd.s32 s6, s2  }
0x441: {  	[hbm4b:s2+s4] =	stream.linear.scatter [tilespmem:s23], [sflag:$0x5], $0x4000, $0x38;
	[tilespmem:$0x1EF00] =	vst v63  }
0x442: {  	v1 =	vld @!p0 [tilespmem:s3+$0x300];
	_ =	sdelay $0x4  }
0x443: {  	v1 =	vshrl.u32 @!p0 v1, $0x1  }
0x444: {  	[tilespmem:$0x6500] =	vst @!p0 v1  }
0x445: {  	v1 =	vld @!p0 [tilespmem:s3+$0x310];
	_ =	sdelay $0x4  }
0x446: {  	v1 =	vshrl.u32 @!p0 v1, $0x1  }
0x447: {  	[tilespmem:$0x6510] =	vst @!p0 v1  }
0x448: {  	v1 =	vld @!p0 [tilespmem:s3+$0x320];
	_ =	sdelay $0x4  }
0x449: {  	v1 =	vshrl.u32 @!p0 v1, $0x1  }
0x44a: {  	[tilespmem:$0x6520] =	vst @!p0 v1  }
0x44b: {  	v1 =	vld @!p0 [tilespmem:s3+$0x330];
	_ =	sdelay $0x4  }
0x44c: {  	v1 =	vshrl.u32 @!p0 v1, $0x1  }
0x44d: {  	[tilespmem:$0x6530] =	vst @!p0 v1  }
0x44e: {  	v1 =	vld @!p0 [tilespmem:s3+$0x340];
	_ =	sdelay $0x4  }
0x44f: {  	v1 =	vshrl.u32 @!p0 v1, $0x1  }
0x450: {  	[tilespmem:$0x6540] =	vst @!p0 v1  }
0x451: {  	v1 =	vld @!p0 [tilespmem:s3+$0x350];
	_ =	sdelay $0x4  }
0x452: {  	v1 =	vshrl.u32 @!p0 v1, $0x1  }
0x453: {  	[tilespmem:$0x6550] =	vst @!p0 v1  }
0x454: {  	v1 =	vld @!p0 [tilespmem:s3+$0x360];
	_ =	sdelay $0x4  }
0x455: {  	v1 =	vshrl.u32 @!p0 v1, $0x1  }
0x456: {  	[tilespmem:$0x6560] =	vst @!p0 v1  }
0x457: {  	v1 =	vld @!p0 [tilespmem:s3+$0x370];
	_ =	sdelay $0x4  }
0x458: {  	v1 =	vshrl.u32 @!p0 v1, $0x1  }
0x459: {  	s7 =	simm.s32 @!p0 $0x6500;
	s9 =	simm.s32 @!p0 $0xE600;
	s2 =	simm.s32 @!p0 $0x80;
	[tilespmem:$0x6570] =	vst @!p0 v1  }
0x45a: {  	[tilespmem:s9], [sflag:$0x3] =	stream.indirect.gather @!p0 [hbm4b:s5+s2], $0x80, s7, s2, $0xb8;
	[tilespmem:$0x1EF00] =	vst v63  }
0x45b: {  	_ =	swait.ge [sflag:s29], $0x4000  }
0x45c: {  	[sflag:s29] =	ssyncset.done $0x0  }
0x45d: {  	s0 =	sor.u32 $0x3, s0;
	[sflag:s29] =	ssyncadd.s32 $0xFFFFC000  }
0x45e: {  	s20 =	sshll.u32 s0, $0x7;
	_ =	swait.ge [sflag:s30], $0x4000  }
0x45f: {  	s31 =	sand.u32 $0x3FFFFF80, s20;
	[sflag:s30] =	ssyncset.done $0x0  }
0x460: {  	v45 =	vmov s31;
	s2 =	simm.s32 $0x0;
	[sflag:s30] =	ssyncadd.s32 $0xFFFFC000  }
.LBB2_21:
0x461: {  	_ =	sdelay $0x2  }
0x462: {  	s7 =	sshll.u32 s2, $0x4  }
0x463: {  	v1 =	vld.idx.msk [tilespmem:v45+s7+$0x0 ss:$0x1], $0xffff;
	_ =	sdelay $0x3  }
0x464: {  	v2 =	vmov s7  }
0x465: {  	s13 =	simm.s32 $0x0;
	v2 =	vshll.u32 v2, $0x7;
	v1 =	vshll.u32 v1, $0x6  }
0x466: {  	s14 =	simm.s32 $0x3;
	v63 =	vor.u32 v59, v2;
	v2 =	vadd.s32 s13, v0;
	v1 =	vand.u32 $0x40, v1  }
0x467: {  	s9 =	simm.s32 $0x1;
	v3 =	vadd.s32 s14, v0;
	v2 =	vand.u32 $0x3F, v2;
	v44 =	vor.u32 v63, v1  }
0x468: {  	s16 =	simm.s32 $0x5;
	v3 =	vand.u32 $0x3F, v3;
	v1 =	vadd.s32 s9, v0;
	v2 =	vor.u32 v44, v2  }
0x469: {  	s18 =	simm.s32 $0x2;
	v4 =	vadd.s32 s16, v0;
	v1 =	vand.u32 $0x3F, v1;
	v3 =	vor.u32 v44, v3  }
0x46a: {  	v5 =	vadd.s32 s18, v0;
	v4 =	vand.u32 $0x3F, v4;
	v1 =	vor.u32 v44, v1  }
0x46b: {  	s20 =	simm.s32 $0x4;
	s31 =	simm.s32 $0x6;
	v6 =	vimm.f32 $0.0e+00;
	v5 =	vand.u32 $0x3F, v5;
	v4 =	vor.u32 v44, v4  }
0x46c: {  	s11 =	simm.s32 $0x7;
	v7 =	vadd.s32 s20, v0;
	v8 =	vadd.s32 s31, v0;
	v5 =	vor.u32 v44, v5  }
0x46d: {  	v9 =	vadd.s32 s11, v0;
	s11 =	simm.s32 $0x9;
	v7 =	vand.u32 $0x3F, v7;
	v8 =	vand.u32 $0x3F, v8;
	v2 =	vld.idx.msk [tilespmem:v2+s21+$0x0], $0xffff  }
0x46e: {  	s14 =	simm.s32 $0xD;
	s16 =	simm.s32 $0xB;
	s18 =	simm.s32 $0xA;
	v9 =	vand.u32 $0x3F, v9;
	v12 =	vadd.s32 s11, v0;
	v7 =	vor.u32 v44, v7;
	v3 =	vld.idx.msk [tilespmem:v3+s21+$0x0], $0xffff  }
0x46f: {  	v15 =	vadd.s32 s16, v0;
	v16 =	vadd.s32 s14, v0;
	v18 =	vadd.s32 s18, v0;
	v1 =	vld.idx.msk [tilespmem:v1+s21+$0x0], $0xffff  }
0x470: {  	v12 =	vand.u32 $0x3F, v12;
	v15 =	vand.u32 $0x3F, v15;
	s9 =	simm.s32 $0x8;
	v8 =	vor.u32 v44, v8;
	v4 =	vld.idx.msk [tilespmem:v4+s21+$0x0], $0xffff  }
0x471: {  	s13 =	simm.s32 $0xF;
	v16 =	vand.u32 $0x3F, v16;
	v9 =	vor.u32 v44, v9;
	v11 =	vadd.s32 s9, v0;
	v5 =	vld.idx.msk [tilespmem:v5+s21+$0x0], $0xffff  }
0x472: {  	v18 =	vand.u32 $0x3F, v18;
	v14 =	vadd.s32 s13, v0;
	v11 =	vand.u32 $0x3F, v11  }
0x473: {  	v14 =	vand.u32 $0x3F, v14;
	v11 =	vor.u32 v44, v11;
	v7 =	vld.idx.msk [tilespmem:v7+s21+$0x0], $0xffff;
	v10 =	vmul.f32 v2, v2  }
0x474: {  	v2 =	vadd.f32 v2, v6;
	v13 =	vmul.f32 v1, v1;
	v1 =	vadd.f32 v1, v6  }
0x475: {  	v12 =	vor.u32 v44, v12;
	v16 =	vor.u32 v44, v16;
	v18 =	vor.u32 v44, v18;
	v8 =	vld.idx.msk [tilespmem:v8+s21+$0x0], $0xffff  }
0x476: {  	v20 =	vld.idx.msk [tilespmem:v9+s21+$0x0], $0xffff;
	v17 =	vmul.f32 v4, v4;
	v2 =	vadd.f32 v5, v2;
	v1 =	vadd.f32 v3, v1  }
0x477: {  	v10 =	vadd.f32 v10, v6;
	v3 =	vmul.f32 v3, v3;
	v9 =	vadd.f32 v13, v6  }
0x478: {  	s20 =	simm.s32 $0xC;
	v11 =	vld.idx.msk [tilespmem:v11+s21+$0x0], $0xffff;
	v13 =	vmul.f32 v5, v5;
	v2 =	vadd.f32 v7, v2;
	v19 =	vadd.f32 v4, v1  }
0x479: {  	v1 =	vor.u32 v44, v15;
	v4 =	vadd.s32 s20, v0;
	v15 =	vmul.f32 v7, v7  }
0x47a: {  	v5 =	vld.idx.msk [tilespmem:v12+s21+$0x0], $0xffff;
	v3 =	vadd.f32 v3, v9;
	v12 =	vadd.f32 v13, v10;
	v9 =	vmul.f32 v8, v8  }
0x47b: {  	s31 =	simm.s32 $0xE;
	v10 =	vmul.f32 v20, v20;
	v4 =	vand.u32 $0x3F, v4;
	v21 =	vadd.f32 v8, v2  }
0x47c: {  	v2 =	vld.idx.msk [tilespmem:v16+s21+$0x0], $0xffff;
	v6 =	vor.u32 v44, v4;
	v4 =	vadd.s32 s31, v0;
	v12 =	vadd.f32 v15, v12  }
0x47d: {  	v13 =	vadd.f32 v17, v3;
	v3 =	vld.idx.msk [tilespmem:v18+s21+$0x0], $0xffff;
	v7 =	vand.u32 $0x3F, v4;
	v8 =	vadd.f32 v11, v21  }
0x47e: {  	s7 =	simm.s32 $0x17;
	v7 =	vor.u32 v44, v7;
	v4 =	vld.idx.msk [tilespmem:v1+s21+$0x0], $0xffff;
	v1 =	vmul.f32 v11, v11;
	v11 =	vadd.f32 v20, v19  }
.LBB2_22:
0x47f: {  	s9 =	sadd.s32 $0xFFFFFFF9, s7  }
0x480: {  	s11 =	sadd.s32 $0xFFFFFFFA, s7;
	s13 =	sadd.s32 $0xFFFFFFFE, s7;
	v14 =	vor.u32 v44, v14;
	v9 =	vadd.f32 v9, v12;
	v10 =	vadd.f32 v10, v13;
	s14 =	smov.u32 s7  }
0x481: {  	p1 =	sne.s32 s7, $0x3F;
	s7 =	sadd.s32 $0x8, s7;
	v15 =	vmul.f32 v5, v5;
	v12 =	vadd.s32 s9, v0;
	v13 =	vadd.s32 s11, v0;
	s9 =	sadd.s32 $0xFFFFFFFC, s14;
	v6 =	vld.idx.msk [tilespmem:v6+s21+$0x0], $0xffff  }
0x482: {  	v5 =	vadd.f32 v5, v11;
	v12 =	vand.u32 $0x3F, v12;
	v13 =	vand.u32 $0x3F, v13  }
0x483: {  	v16 =	vadd.s32 s14, v0;
	v11 =	vor.u32 v44, v12;
	v12 =	vor.u32 v44, v13;
	v13 =	vld.idx.msk [tilespmem:v7+s21+$0x0], $0xffff  }
0x484: {  	v17 =	vadd.s32 s13, v0;
	v7 =	vadd.s32 s9, v0;
	v5 =	vadd.f32 v4, v5  }
0x485: {  	s9 =	sadd.s32 $0xFFFFFFFB, s14;
	v4 =	vmul.f32 v4, v4;
	v8 =	vadd.f32 v3, v8;
	v18 =	vld.idx.msk [tilespmem:v14+s21+$0x0], $0xffff;
	v14 =	vmul.f32 v2, v2  }
0x486: {  	v17 =	vand.u32 $0x3F, v17;
	v19 =	vadd.s32 s9, v0;
	v7 =	vand.u32 $0x3F, v7  }
0x487: {  	v17 =	vor.u32 v44, v17;
	s9 =	sadd.s32 $0xFFFFFFFD, s14;
	v19 =	vand.u32 $0x3F, v19;
	v20 =	vadd.f32 v2, v5  }
0x488: {  	v2 =	vor.u32 v44, v7;
	v5 =	vadd.s32 s9, v0;
	v19 =	vor.u32 v44, v19;
	v11 =	vld.idx.msk [tilespmem:v11+s21+$0x0], $0xffff  }
0x489: {  	v10 =	vadd.f32 v15, v10;
	v7 =	vand.u32 $0x3F, v5;
	v8 =	vadd.f32 v6, v8  }
0x48a: {  	v1 =	vadd.f32 v1, v9;
	v3 =	vmul.f32 v3, v3;
	s9 =	sadd.s32 $0xFFFFFFFF, s14;
	v15 =	vmul.f32 v6, v6  }
.Ltmp11:
0x48b: {  	v21 =	vadd.f32 v4, v10;
	v6 =	vor.u32 v44, v7;
	v7 =	vadd.s32 s9, v0;
	v5 =	vld.idx.msk [tilespmem:v12+s21+$0x0], $0xffff;
	(pc) =	sbr.rel @p1 .LBB2_22-.Ltmp11, $4  }
0x48c: {  	v3 =	vadd.f32 v3, v1;
	v7 =	vand.u32 $0x3F, v7;
	v8 =	vadd.f32 v13, v8  }
0x48d: {  	v9 =	vmul.f32 v13, v13;
	v7 =	vor.u32 v44, v7;
	v10 =	vmul.f32 v18, v18;
	v4 =	vld.idx.msk [tilespmem:v2+s21+$0x0], $0xffff  }
0x48e: {  	v13 =	vadd.f32 v14, v21;
	v12 =	vadd.f32 v15, v3;
	v1 =	vmul.f32 v11, v11;
	v2 =	vld.idx.msk [tilespmem:v17+s21+$0x0], $0xffff  }
0x48f: {  	v14 =	vand.u32 $0x3F, v16;
	v8 =	vadd.f32 v11, v8;
	v11 =	vadd.f32 v18, v20;
	v3 =	vld.idx.msk [tilespmem:v19+s21+$0x0], $0xffff  }
0x490: {  	_ =	sdelay $0x1  }
0x491: {  	v14 =	vor.u32 v44, v14;
	_ =	sdelay $0x1  }
0x492: {  	v6 =	vld.idx.msk [tilespmem:v6+s21+$0x0], $0xffff  }
0x493: {  	v9 =	vadd.f32 v9, v12  }
0x494: {  	v10 =	vadd.f32 v10, v13;
	v12 =	vmul.f32 v5, v5;
	v7 =	vld.idx.msk [tilespmem:v7+s21+$0x0], $0xffff;
	v5 =	vadd.f32 v5, v11  }
0x495: {  	v1 =	vadd.f32 v1, v9;
	v8 =	vadd.f32 v3, v8;
	v3 =	vmul.f32 v3, v3;
	v11 =	vld.idx.msk [tilespmem:v14+s21+$0x0], $0xffff  }
0x496: {  	v9 =	vadd.f32 v12, v10;
	v5 =	vadd.f32 v4, v5;
	v4 =	vmul.f32 v4, v4  }
0x497: {  	v8 =	vadd.f32 v6, v8;
	v6 =	vmul.f32 v6, v6;
	v1 =	vadd.f32 v3, v1  }
0x498: {  	v4 =	vadd.f32 v4, v9;
	v3 =	vmul.f32 v2, v2;
	v2 =	vadd.f32 v2, v5  }
0x499: {  	v5 =	vadd.f32 v7, v8;
	v7 =	vmul.f32 v7, v7;
	v1 =	vadd.f32 v6, v1  }
0x49a: {  	v3 =	vadd.f32 v3, v4;
	v6 =	vmul.f32 v11, v11;
	v2 =	vadd.f32 v11, v2  }
0x49b: {  	v1 =	vadd.f32 v7, v1  }
0x49c: {  	v3 =	vadd.f32 v6, v3;
	v2 =	vadd.f32 v2, v5;
	_ =	sdelay $0x1  }
0x49d: {  	v4 =	vmul.f32 $1.562500000e-02, v2;
	v1 =	vadd.f32 v3, v1;
	_ =	sdelay $0x1  }
0x49e: {  	v1 =	vmul.f32 $1.562500000e-02, v1;
	v2 =	vmul.f32 v4, v4;
	_ =	sdelay $0x1  }
0x49f: {  	v1 =	vsub.f32 v1, v2;
	_ =	sdelay $0x1  }
0x4a0: {  	v1 =	vadd.f32 $9.999999740e-06, v1;
	_ =	sdelay $0x1  }
0x4a1: {  	v2 =	vshrl.u32 v1, $0x1;
	v1 =	vmul.f32 $5.000000000e-01, v1  }
0x4a2: {  	v2 =	vsub.s32 $0x5F3759DF, v2  }
0x4a3: {  	v3 =	vmul.f32 v2, v1;
	_ =	sdelay $0x1  }
0x4a4: {  	v3 =	vmul.f32 v2, v3;
	_ =	sdelay $0x1  }
0x4a5: {  	v3 =	vsub.f32 $1.500000000e+00, v3;
	_ =	sdelay $0x1  }
0x4a6: {  	v2 =	vmul.f32 v2, v3;
	_ =	sdelay $0x1  }
0x4a7: {  	v3 =	vmul.f32 v2, v1;
	_ =	sdelay $0x1  }
0x4a8: {  	s31 =	simm.s32 $0x3;
	v3 =	vmul.f32 v3, v2  }
0x4a9: {  	v8 =	vadd.s32 s31, v0  }
0x4aa: {  	s16 =	simm.s32 $0x2;
	v19 =	vand.u32 $0x3F, v8;
	v3 =	vsub.f32 $1.500000000e+00, v3  }
0x4ab: {  	s7 =	simm.s32 $0x1;
	v12 =	vor.u32 v19, v44;
	v5 =	vadd.s32 s16, v0  }
0x4ac: {  	v21 =	vand.u32 $0x3F, v5;
	v2 =	vmul.f32 v3, v2;
	v3 =	vadd.s32 s7, v0  }
0x4ad: {  	v5 =	vor.u32 v21, v44;
	v3 =	vand.u32 $0x3F, v3  }
0x4ae: {  	v1 =	vmul.f32 v2, v1;
	v6 =	vor.u32 v3, v44  }
0x4af: {  	s14 =	simm.s32 $0xF  }
0x4b0: {  	v15 =	vadd.s32 s14, v0;
	v1 =	vmul.f32 v1, v2  }
0x4b1: {  	v46 =	vand.u32 $0x3F, v15;
	v47 =	vld.idx.msk [tilespmem:v12+s21+$0x0], $0xffff  }
0x4b2: {  	s9 =	simm.s32 $0x4;
	s13 =	simm.s32 $0x5;
	v18 =	vor.u32 v46, v44;
	s31 =	simm.s32 $0xE;
	v26 =	vld.idx.msk [tilespmem:v5+s21+$0x0], $0xffff;
	v1 =	vsub.f32 $1.500000000e+00, v1  }
0x4b3: {  	s18 =	simm.s32 $0x0;
	v9 =	vadd.s32 s9, v0;
	v39 =	vadd.s32 s31, v0;
	v23 =	vld.idx.msk [tilespmem:v6+s21+$0x0], $0xffff;
	v6 =	vadd.s32 s13, v0  }
0x4b4: {  	v2 =	vmul.f32 v1, v2;
	v1 =	vadd.s32 s18, v0;
	v5 =	vand.u32 $0x3F, v6  }
0x4b5: {  	s20 =	simm.s32 $0x7;
	v33 =	vor.u32 v63, v3;
	v7 =	vand.u32 $0x3F, v1;
	v20 =	vor.u32 v5, v44  }
0x4b6: {  	s9 =	simm.s32 $0x1EB40;
	v1 =	vmul.f32 v2, v4;
	v4 =	vadd.s32 s20, v0;
	v13 =	vor.u32 v7, v44  }
0x4b7: {  	s11 =	simm.s32 $0x6;
	v34 =	vld [tilespmem:s9+$0xFFFFFFC0];
	v32 =	vor.u32 v63, v7;
	v47 =	vmul.f32 v47, v2;
	v26 =	vmul.f32 v26, v2  }
0x4b8: {  	v52 =	vld [tilespmem:s9+$0xFFFFFFE0];
	s20 =	simm.s32 $0xB;
	v10 =	vand.u32 $0x3F, v4;
	v4 =	vand.u32 $0x3F, v9;
	v9 =	vadd.s32 s11, v0  }
0x4b9: {  	v53 =	vld [tilespmem:s9+$0xFFFFFFD0];
	v17 =	vadd.s32 s20, v0;
	v11 =	vor.u32 v10, v44;
	v16 =	vor.u32 v4, v44  }
0x4ba: {  	v55 =	vld [tilespmem:s9+$0xFFFFFFF0];
	s7 =	simm.s32 $0x1E740;
	s13 =	simm.s32 $0x9;
	s11 =	simm.s32 $0x8;
	v22 =	vand.u32 $0x3F, v9;
	v6 =	vor.u32 v63, v4;
	v4 =	vor.u32 v63, v5  }
0x4bb: {  	v31 =	vld [tilespmem:s7+$0xFFFFFFF0];
	v8 =	vor.u32 v63, v10;
	v3 =	vadd.s32 s11, v0;
	v5 =	vadd.s32 s13, v0  }
0x4bc: {  	v27 =	vld [tilespmem:s7+$0xFFFFFFE0];
	v12 =	vand.u32 $0x3F, v17;
	v23 =	vmul.f32 v23, v2;
	v47 =	vsub.f32 v47, v1  }
0x4bd: {  	s14 =	simm.s32 $0xC;
	v29 =	vld [tilespmem:s7+$0xFFFFFFD0];
	v26 =	vsub.f32 v26, v1;
	v9 =	vor.u32 v22, v44;
	v24 =	vand.u32 $0x3F, v3  }
0x4be: {  	v3 =	vand.u32 $0x3F, v5;
	v5 =	vadd.s32 s14, v0;
	v15 =	vor.u32 v12, v44;
	v58 =	vld.idx.msk [tilespmem:v20+s21+$0x0], $0xffff  }
0x4bf: {  	v22 =	vor.u32 v63, v22;
	v7 =	vor.u32 v24, v44;
	v14 =	vor.u32 v3, v44;
	v48 =	vld.idx.msk [tilespmem:v13+s21+$0x0], $0xffff  }
0x4c0: {  	v5 =	vand.u32 $0x3F, v5;
	v3 =	vor.u32 v63, v3;
	v20 =	vor.u32 v63, v19;
	v28 =	vld.idx.msk [tilespmem:v11+s21+$0x0], $0xffff  }
0x4c1: {  	s18 =	simm.s32 $0xD;
	v23 =	vsub.f32 v23, v1;
	v10 =	vor.u32 v5, v44;
	v17 =	vor.u32 v63, v5;
	v49 =	vld.idx.msk [tilespmem:v16+s21+$0x0], $0xffff  }
0x4c2: {  	v13 =	vand.u32 $0x3F, v39;
	v5 =	vor.u32 v63, v24;
	v11 =	vadd.s32 s18, v0;
	v25 =	vld.idx.msk [tilespmem:v9+s21+$0x0], $0xffff  }
0x4c3: {  	s16 =	simm.s32 $0xA;
	v38 =	vld [tilespmem:s7+$0xFFFFFFC0];
	v19 =	vor.u32 v13, v44;
	v23 =	vmul.f32 v23, v29;
	v37 =	vand.u32 $0x3F, v11  }
0x4c4: {  	v30 =	vld [tilespmem:s7+$0x10];
	v9 =	vadd.s32 s16, v0;
	v11 =	vor.u32 v37, v44;
	v48 =	vmul.f32 v48, v2  }
0x4c5: {  	v60 =	vld [tilespmem:s7+$0x30];
	v9 =	vand.u32 $0x3F, v9;
	v16 =	vor.u32 v63, v37;
	v28 =	vmul.f32 v28, v2  }
0x4c6: {  	v54 =	vld [tilespmem:s7+$0x0];
	v37 =	vmul.f32 v58, v2;
	v58 =	vmul.f32 v47, v31;
	v48 =	vsub.f32 v48, v1  }
0x4c7: {  	v56 =	vld [tilespmem:s9+$0x0];
	v49 =	vmul.f32 v49, v2;
	v25 =	vmul.f32 v25, v2;
	v28 =	vsub.f32 v28, v1  }
0x4c8: {  	v29 =	vld [tilespmem:s7+$0x20];
	v38 =	vmul.f32 v48, v38;
	v48 =	vmul.f32 v26, v27;
	v26 =	vsub.f32 v37, v1  }
0x4c9: {  	v27 =	vld [tilespmem:s9+$0x30];
	v57 =	vsub.f32 v49, v1;
	v24 =	vsub.f32 v25, v1;
	v25 =	vor.u32 v63, v21  }
0x4ca: {  	v28 =	vmul.f32 v28, v60;
	v34 =	vadd.f32 v38, v34;
	v31 =	vmul.f32 v26, v30;
	v30 =	vld [tilespmem:s9+$0x10]  }
0x4cb: {  	v21 =	vld [tilespmem:s9+$0x20];
	v26 =	vor.u32 v9, v44;
	v60 =	vadd.f32 v23, v53;
	v37 =	vmul.f32 v57, v54  }
0x4cc: {  	s11 =	simm.s32 $0x17;
	s14 =	simm.s32 $0x1EBC0;
	v23 =	vor.u32 v63, v46;
	[tilespmem:v32+s25+$0x0] =	vst.idx.msk $0xffff, v34;
	v34 =	vadd.f32 v48, v52  }
0x4cd: {  	s7 =	simm.s32 $0x1EBC0;
	s16 =	simm.s32 $0x1E7C0;
	s9 =	simm.s32 $0x1E7C0;
	v32 =	vadd.f32 v58, v55;
	[tilespmem:v33+s25+$0x0] =	vst.idx.msk $0xffff, v60;
	v33 =	vadd.f32 v37, v56  }
.LBB2_24:
0x4ce: {  	p1 =	sne.s32 s11, $0x3F;
	s7 =	sadd.s32 $0x80, s7;
	s9 =	sadd.s32 $0x80, s9;
	[tilespmem:v25+s25+$0x0] =	vst.idx.msk $0xffff, v34;
	v24 =	vmul.f32 v24, v29;
	v25 =	vadd.f32 v28, v27  }
0x4cf: {  	s13 =	smov.u32 s11;
	s11 =	sadd.s32 $0x8, s11;
	[tilespmem:v20+s25+$0x0] =	vst.idx.msk $0xffff, v32;
	v20 =	vadd.f32 v31, v30  }
0x4d0: {  	[tilespmem:v6+s25+$0x0] =	vst.idx.msk $0xffff, v33;
	v21 =	vadd.f32 v24, v21;
	v6 =	vmov v17  }
0x4d1: {  	v17 =	vadd.s32 s13, v0;
	[tilespmem:v4+s25+$0x0] =	vst.idx.msk $0xffff, v20;
	v4 =	vmov v16  }
0x4d2: {  	s18 =	sadd.s32 $0xFFFFFFF9, s13;
	[tilespmem:v22+s25+$0x0] =	vst.idx.msk $0xffff, v21  }
0x4d3: {  	v16 =	vadd.s32 s18, v0;
	s18 =	sadd.s32 $0xFFFFFFFA, s13;
	[tilespmem:v8+s25+$0x0] =	vst.idx.msk $0xffff, v25;
	v8 =	vmov v23  }
0x4d4: {  	v21 =	vand.u32 $0x3F, v16;
	v16 =	vadd.s32 s18, v0;
	s18 =	sadd.s32 $0xFFFFFFFB, s13;
	v23 =	vld.idx.msk [tilespmem:v14+s21+$0x0], $0xffff  }
0x4d5: {  	s20 =	sadd.s32 $0xFFFFFFFC, s13;
	v20 =	vor.u32 v21, v44;
	v22 =	vand.u32 $0x3F, v16;
	v26 =	vld.idx.msk [tilespmem:v26+s21+$0x0], $0xffff  }
0x4d6: {  	v16 =	vadd.s32 s18, v0;
	s18 =	sadd.s32 $0xFFFFFFFD, s13;
	v14 =	vor.u32 v22, v44;
	v31 =	vld [tilespmem:s16+$0x10]  }
0x4d7: {  	v24 =	vadd.s32 s20, v0;
	v25 =	vadd.s32 s18, v0;
	s18 =	sadd.s32 $0xFFFFFFFE, s13;
	v32 =	vld [tilespmem:s16+$0xFFFFFFF0]  }
0x4d8: {  	s13 =	sadd.s32 $0xFFFFFFFF, s13;
	v25 =	vand.u32 $0x3F, v25;
	v27 =	vadd.s32 s18, v0;
	v28 =	vld [tilespmem:s16+$0xFFFFFFE0]  }
0x4d9: {  	v29 =	vor.u32 v25, v44;
	v27 =	vand.u32 $0x3F, v27;
	v30 =	vld.idx.msk [tilespmem:v18+s21+$0x0], $0xffff  }
0x4da: {  	v34 =	vadd.s32 s13, v0;
	v33 =	vor.u32 v27, v44;
	v37 =	vld [tilespmem:s14+$0xFFFFFFC0]  }
0x4db: {  	v39 =	vand.u32 $0x3F, v17;
	v38 =	vand.u32 $0x3F, v16;
	v19 =	vld.idx.msk [tilespmem:v19+s21+$0x0], $0xffff  }
0x4dc: {  	v24 =	vand.u32 $0x3F, v24;
	v18 =	vor.u32 v39, v44;
	v46 =	vld [tilespmem:s16+$0xFFFFFFD0]  }
0x4dd: {  	v16 =	vor.u32 v24, v44;
	v47 =	vld [tilespmem:s16+$0xFFFFFFC0]  }
0x4de: {  	v48 =	vld.idx.msk [tilespmem:v15+s21+$0x0], $0xffff;
	v15 =	vmov v16  }
0x4df: {  	v49 =	vld.idx.msk [tilespmem:v7+s21+$0x0], $0xffff;
	v7 =	vmov v20  }
0x4e0: {  	v17 =	vor.u32 v63, v25;
	v16 =	vor.u32 v63, v27;
	v52 =	vld.idx.msk [tilespmem:v10+s21+$0x0], $0xffff;
	v10 =	vmov v29  }
0x4e1: {  	v19 =	vmul.f32 v19, v2;
	v27 =	vld.idx.msk [tilespmem:v11+s21+$0x0], $0xffff;
	v11 =	vmov v33  }
0x4e2: {  	v53 =	vor.u32 v63, v22;
	v20 =	vor.u32 v63, v12;
	v12 =	vmov v24;
	v33 =	vld [tilespmem:s14+$0xFFFFFFE0]  }
0x4e3: {  	v54 =	vor.u32 v63, v21;
	v29 =	vand.u32 $0x3F, v34;
	v24 =	vsub.f32 v19, v1;
	v34 =	vld [tilespmem:s16+$0x30]  }
0x4e4: {  	v25 =	vor.u32 v63, v9;
	v9 =	vmovc v38;
	v19 =	vor.u32 v29, v44;
	v48 =	vmul.f32 v48, v2;
	v21 =	vld [tilespmem:s14+$0x20]  }
0x4e5: {  	v22 =	vor.u32 v63, v13;
	v26 =	vmul.f32 v26, v2;
	v13 =	vmovc v29;
	v49 =	vmul.f32 v49, v2;
	v38 =	vld [tilespmem:s14+$0xFFFFFFD0]  }
0x4e6: {  	v23 =	vmul.f32 v23, v2;
	v29 =	vmul.f32 v30, v2;
	v48 =	vsub.f32 v48, v1;
	v55 =	vld [tilespmem:s14+$0xFFFFFFF0]  }
0x4e7: {  	v26 =	vsub.f32 v26, v1;
	v30 =	vsub.f32 v49, v1;
	v49 =	vmul.f32 v27, v2;
	v56 =	vld [tilespmem:s16+$0x0]  }
0x4e8: {  	v23 =	vsub.f32 v23, v1;
	v57 =	vsub.f32 v29, v1;
	v52 =	vmul.f32 v52, v2;
	v27 =	vld [tilespmem:s14+$0x30]  }
0x4e9: {  	v60 =	vmul.f32 v26, v28;
	v47 =	vmul.f32 v30, v47;
	v26 =	vsub.f32 v49, v1;
	v58 =	vld [tilespmem:s14+$0x0]  }
.Ltmp12:
0x4ea: {  	v23 =	vmul.f32 v23, v46;
	v46 =	vsub.f32 v52, v1;
	v28 =	vmul.f32 v57, v34;
	v29 =	vld [tilespmem:s16+$0x20];
	s16 =	smov.u32 s9;
	(pc) =	sbr.rel @p1 .LBB2_24-.Ltmp12, $4  }
0x4eb: {  	v32 =	vmul.f32 v48, v32;
	v34 =	vadd.f32 v47, v37;
	v31 =	vmul.f32 v26, v31;
	v30 =	vld [tilespmem:s14+$0x10];
	s14 =	smov.u32 s7  }
0x4ec: {  	v26 =	vor.u32 v9, v44;
	v37 =	vadd.f32 v23, v38;
	v38 =	vmul.f32 v46, v56  }
0x4ed: {  	v32 =	vadd.f32 v32, v55;
	[tilespmem:v5+s25+$0x0] =	vst.idx.msk $0xffff, v34;
	v34 =	vadd.f32 v60, v33;
	v5 =	vmov v54  }
0x4ee: {  	v23 =	vor.u32 v63, v39;
	[tilespmem:v3+s25+$0x0] =	vst.idx.msk $0xffff, v37;
	v33 =	vadd.f32 v38, v58;
	v3 =	vmov v53  }
0x4ef: {  	_ =	sdelay $0x3  }
0x4f0: {  	[tilespmem:v25+s25+$0x0] =	vst.idx.msk $0xffff, v34;
	v24 =	vmul.f32 v24, v29  }
0x4f1: {  	[tilespmem:v20+s25+$0x0] =	vst.idx.msk $0xffff, v32;
	v34 =	vadd.f32 v31, v30  }
0x4f2: {  	[tilespmem:v6+s25+$0x0] =	vst.idx.msk $0xffff, v33;
	v37 =	vadd.f32 v24, v21  }
0x4f3: {  	v38 =	vadd.f32 v28, v27;
	[tilespmem:v4+s25+$0x0] =	vst.idx.msk $0xffff, v34  }
0x4f4: {  	[tilespmem:v22+s25+$0x0] =	vst.idx.msk $0xffff, v37  }
0x4f5: {  	[tilespmem:v8+s25+$0x0] =	vst.idx.msk $0xffff, v38  }
0x4f6: {  	v4 =	vld.idx.msk [tilespmem:v14+s21+$0x0], $0xffff  }
0x4f7: {  	v6 =	vld.idx.msk [tilespmem:v26+s21+$0x0], $0xffff  }
0x4f8: {  	v8 =	vld [tilespmem:s16+$0x10]  }
0x4f9: {  	v39 =	vld [tilespmem:s16+$0xFFFFFFF0]  }
0x4fa: {  	v20 =	vld [tilespmem:s16+$0xFFFFFFE0]  }
0x4fb: {  	v18 =	vld.idx.msk [tilespmem:v18+s21+$0x0], $0xffff  }
0x4fc: {  	v21 =	vld [tilespmem:s14+$0xFFFFFFC0]  }
0x4fd: {  	v19 =	vld.idx.msk [tilespmem:v19+s21+$0x0], $0xffff  }
0x4fe: {  	v22 =	vld [tilespmem:s16+$0xFFFFFFD0]  }
0x4ff: {  	v44 =	vld [tilespmem:s16+$0xFFFFFFC0]  }
0x500: {  	v7 =	vld.idx.msk [tilespmem:v7+s21+$0x0], $0xffff  }
0x501: {  	v15 =	vld.idx.msk [tilespmem:v15+s21+$0x0], $0xffff  }
0x502: {  	v10 =	vld.idx.msk [tilespmem:v10+s21+$0x0], $0xffff  }
0x503: {  	v11 =	vld.idx.msk [tilespmem:v11+s21+$0x0], $0xffff  }
0x504: {  	v12 =	vor.u32 v63, v12;
	v25 =	vld [tilespmem:s14+$0xFFFFFFE0]  }
0x505: {  	v9 =	vor.u32 v63, v9;
	v46 =	vld [tilespmem:s16+$0x30];
	v19 =	vmul.f32 v19, v2;
	v7 =	vmul.f32 v7, v2  }
0x506: {  	v13 =	vor.u32 v63, v13;
	v48 =	vld [tilespmem:s14+$0xFFFFFFD0];
	v15 =	vmul.f32 v15, v2;
	v4 =	vmul.f32 v4, v2  }
0x507: {  	v49 =	vld [tilespmem:s14+$0xFFFFFFF0];
	v6 =	vmul.f32 v6, v2;
	v18 =	vmul.f32 v18, v2;
	v7 =	vsub.f32 v7, v1  }
0x508: {  	v52 =	vld [tilespmem:s16+$0x0];
	v10 =	vmul.f32 v10, v2;
	v2 =	vmul.f32 v11, v2;
	v4 =	vsub.f32 v4, v1  }
0x509: {  	v53 =	vld [tilespmem:s14+$0x0];
	v19 =	vsub.f32 v19, v1;
	v6 =	vsub.f32 v6, v1;
	v7 =	vmul.f32 v7, v44  }
0x50a: {  	v55 =	vld [tilespmem:s16+$0x20];
	v15 =	vsub.f32 v15, v1;
	v54 =	vsub.f32 v18, v1;
	v4 =	vmul.f32 v4, v22  }
0x50b: {  	v56 =	vld [tilespmem:s14+$0x10];
	v10 =	vsub.f32 v10, v1;
	v6 =	vmul.f32 v6, v20;
	v7 =	vadd.f32 v7, v21  }
0x50c: {  	v47 =	vld [tilespmem:s14+$0x20];
	v1 =	vsub.f32 v2, v1;
	v2 =	vmul.f32 v15, v39;
	v4 =	vadd.f32 v4, v48  }
0x50d: {  	v57 =	vld [tilespmem:s14+$0x30];
	v10 =	vmul.f32 v10, v52;
	v58 =	vadd.f32 v6, v25;
	[tilespmem:v5+s25+$0x0] =	vst.idx.msk $0xffff, v7  }
0x50e: {  	s2 =	sadd.s32 $0x1, s2;
	v1 =	vmul.f32 v1, v8;
	v2 =	vadd.f32 v2, v49;
	[tilespmem:v3+s25+$0x0] =	vst.idx.msk $0xffff, v4  }
0x50f: {  	p1 =	sne.s32 s2, $0x8;
	v60 =	vmul.f32 v19, v55;
	v3 =	vadd.f32 v10, v53;
	[tilespmem:v9+s25+$0x0] =	vst.idx.msk $0xffff, v58  }
.Ltmp13:
0x510: {  	v63 =	vmul.f32 v54, v46;
	v1 =	vadd.f32 v1, v56;
	[tilespmem:v12+s25+$0x0] =	vst.idx.msk $0xffff, v2;
	(pc) =	sbr.rel @p1 .LBB2_21-.Ltmp13, $4  }
0x511: {  	v2 =	vadd.f32 v60, v47;
	[tilespmem:v17+s25+$0x0] =	vst.idx.msk $0xffff, v3  }
0x512: {  	v3 =	vadd.f32 v63, v57;
	[tilespmem:v16+s25+$0x0] =	vst.idx.msk $0xffff, v1  }
0x513: {  	[tilespmem:v13+s25+$0x0] =	vst.idx.msk $0xffff, v2  }
0x514: {  	[tilespmem:v23+s25+$0x0] =	vst.idx.msk $0xffff, v3  }
.Ltmp14:
0x515: {  	s0 =	sshll.u32 s0, $0xE;
	(pc) =	sbr.rel @p0 .LBB2_28-.Ltmp14, $4  }
0x516: {  	s0 =	sadd.s32 s8, s0  }
0x517: {  	s0 =	sshrl.u32 s0, $0x3  }
0x518: {  	s0 =	sadd.s32 s6, s0  }
0x519: {  	[hbm4b:s0+s4] =	stream.linear.scatter [tilespmem:s25], [sflag:$0x6], $0x4000, $0x38;
	[tilespmem:$0x1EF00] =	vst v63  }
0x51a: {  	v1 =	vld [tilespmem:s3+$0x380];
	_ =	sdelay $0x4  }
0x51b: {  	v1 =	vshrl.u32 v1, $0x1  }
0x51c: {  	[tilespmem:$0x6580] =	vst v1  }
0x51d: {  	v1 =	vld [tilespmem:s3+$0x390];
	_ =	sdelay $0x4  }
0x51e: {  	v1 =	vshrl.u32 v1, $0x1  }
0x51f: {  	[tilespmem:$0x6590] =	vst v1  }
0x520: {  	v1 =	vld [tilespmem:s3+$0x3A0];
	_ =	sdelay $0x4  }
0x521: {  	v1 =	vshrl.u32 v1, $0x1  }
0x522: {  	[tilespmem:$0x65A0] =	vst v1  }
0x523: {  	v1 =	vld [tilespmem:s3+$0x3B0];
	_ =	sdelay $0x4  }
0x524: {  	v1 =	vshrl.u32 v1, $0x1  }
0x525: {  	[tilespmem:$0x65B0] =	vst v1  }
0x526: {  	v1 =	vld [tilespmem:s3+$0x3C0];
	_ =	sdelay $0x4  }
0x527: {  	v1 =	vshrl.u32 v1, $0x1  }
0x528: {  	[tilespmem:$0x65C0] =	vst v1  }
0x529: {  	v1 =	vld [tilespmem:s3+$0x3D0];
	_ =	sdelay $0x4  }
0x52a: {  	v1 =	vshrl.u32 v1, $0x1  }
0x52b: {  	[tilespmem:$0x65D0] =	vst v1  }
0x52c: {  	v1 =	vld [tilespmem:s3+$0x3E0];
	_ =	sdelay $0x4  }
0x52d: {  	v1 =	vshrl.u32 v1, $0x1  }
0x52e: {  	[tilespmem:$0x65E0] =	vst v1  }
0x52f: {  	v1 =	vld [tilespmem:s3+$0x3F0];
	_ =	sdelay $0x2  }
.Ltmp15:
0x530: {  	_ = 	snop;
	(pc) =	sbr.rel .LBB2_2-.Ltmp15, $4  }
0x531: {  	_ = 	snop  }
0x532: {  	v1 =	vshrl.u32 v1, $0x1  }
0x533: {  	s0 =	simm.s32 $0x80;
	s2 =	simm.s32 $0x6580;
	s1 =	sadd.s32 $0x1, s1;
	[tilespmem:$0x65F0] =	vst v1  }
0x534: {  	[tilespmem:s21], [sflag:$0x4] =	stream.indirect.gather [hbm4b:s5+s0], $0x80, s2, s0, $0xb8;
	[tilespmem:$0x1EF00] =	vst v63  }
.LBB2_29:
0x535: {  	_ =	sfence.sel $0x180000  }
0x536: {  	[bflag:$0x0] =	sbarrier.arrive $0xFFFF  }
0x537: {  	_ =	strace $0x90000047  }
0x538: {  	s0 =	stileid.u32;
	[bflag:$0x2] =	sbarrier.arrive $0xFFFF  }
0x539: {  	p0 =	sne.s32 s0, $0x0;
	s0 =	rddreg [dreg:$0x4]  }
0x53a: {  	s0 =	sadd.s32 @!p0 $0x100000, s0  }
0x53b: {  	[sflag:s0] =	ssyncadd.tile.s32 @!p0 $0x1;
	_ =	shalt  }
.Lfunc_end2:
_tile_overlayer_lowered:
.L_overlay_start_2:
0x53c: {  	(tag) =	ssettag $0x2  }
0x53d: {  	s0 =	rddreg [dreg:$0x0];
	s2 =	stileid.u32  }
0x53e: {  	s1 =	rddreg [dreg:$0x1];
	p0 =	sne.s32 s2, $0x0  }
0x53f: {  	s3 =	rddreg [dreg:$0x2];
	[bflag:$0x3] =	sbarrier.arrive $0xFFFF;
	s2 =	simm.s32 @!p0 $0x1C07  }
0x540: {  	[timem:s3], [sflag:s2] =	dma.local @!p0 [hbm:s0], s1  }
0x541: {  	s0 =	simm.s32 @!p0 $0x7  }
0x542: {  	_ =	swait.ge @!p0 [sflag:s0], s1  }
0x543: {  	s1 =	ssub.s32 @!p0 $0x0, s1;
	[sflag:s0] =	ssyncset.done @!p0 $0x0  }
0x544: {  	[sflag:s0] =	ssyncadd.s32 @!p0 s1  }
0x545: {  	[bflag:$0x3] =	sbarrier.arrive $0xFFFF  }
0x546: {  	_ =	shalt  }

// kernel: sparse-core-data-format-call.cloned.1.call-start
scs
called_computation_lowered:
.L_overlay_start_0:
0x0: {  	s2 =	sld [smem:$0x3FD9]  }
0x1: {  	s3 =	sld [smem:$0x3FFE];
	_ =	sdelay $0x1  }
0x2: {  	s1 =	srdreg.scid  }
0x3: {  	s0 =	sand.u32 $0x1, s1  }
0x4: {  	s18 =	sshll.u32 s0, $0xA;
	s2 =	sadd.s32 s3, s2  }
0x5: {  	s2 =	sadd.s32 s2, s18  }
0x6: {  	[smem:$0x3FC4] =	sst s2  }
0x7: {  	_ = 	snop  }
0x8: {  	s2 =	sld [smem:$0x3FD0];
	(tm) =	ssettm $0x1  }
0x9: {  	s19 =	sld [smem:$0x3FFB];
	_ =	sdelay $0x3  }
0xa: {  	_ =	strace s19  }
0xb: {  	s3 =	sld [smem:$0x3FFC];
	_ =	sdelay $0x3  }
0xc: {  	_ =	strace s3  }
0xd: {  	s3 =	sld [smem:$0x3FFD];
	_ =	sdelay $0x3  }
0xe: {  	_ =	strace s3  }
0xf: {  	_ =	strace $0x8FFFFFFF  }
0x10: {  	s20 =	sld [smem:$0x3FDB];
	_ =	sdelay $0x1  }
0x11: {  	s4 =	simm.s32 $_scs_section_size  }
0x12: {  	s5 =	simm.s32 $_size__tile_overlayer_lowered;
	s6 =	simm.s32 $_tile_overlayer_lowered  }
0x13: {  	s23 =	simm.s32 $0x1BFF;
	s22 =	sshll.u32 s6, $0x1;
	s3 =	sadd.s32 s4, s20  }
0x14: {  	s7 =	simm.s32 $0x0;
	s21 =	sshll.u32 s5, $0x1;
	s5 =	sadd.s32 s22, s3  }
0x15: {  	[timem:s7], [sflag:s23] =	dma.local [hbm:s5], s21  }
0x16: {  	_ =	swait.ge [sflag:s23], s21  }
0x17: {  	s4 =	ssub.s32 $0x0, s21;
	[sflag:s23] =	ssyncset.done $0x0  }
0x18: {  	[sflag:s23] =	ssyncadd.s32 s4;
	_ =	sdelay $0x1  }
0x19: {  	s24 =	simm.s32 $0x1B8B  }
0x1a: {  	_ =	swait.ge [sflag:s24], $0x1  }
0x1b: {  	[sflag:s24] =	ssyncset.done $0x0  }
0x1c: {  	s26 =	simm.s32 $0x1B8E;
	s25 =	sld [smem:$0x3FFE];
	[sflag:s24] =	ssyncadd.s32 $0xFFFFFFFF  }
0x1d: {  	s27 =	simm.s32 $execute0_lowered;
	[smem:$0x3FD2] =	sst s26  }
0x1e: {  	s5 =	sshll.u32 s27, $0x1;
	_ =	strace $0x80000049;
	[dreg:$0x1] =	wrdreg $0xFFFFFFFF  }
0x1f: {  	s28 =	simm.s32 $_size_execute0_lowered;
	s3 =	sadd.s32 s3, s5;
	[dreg:$0x0] =	wrdreg $0x0  }
0x20: {  	s5 =	sshll.u32 s28, $0x1;
	[dreg:$0x2] =	wrdreg s3  }
0x21: {  	[dreg:$0x3] =	wrdreg s5  }
0x22: {  	[dreg:$0x4] =	wrdreg $0xC0  }
0x23: {  	_ =	task [dreg:s7], $0x5FFFF  }
0x24: {  	[dreg:$0x1] =	wrdreg $0xFFFFFFFF  }
0x25: {  	[dreg:$0x0] =	wrdreg $0x60  }
0x26: {  	[dreg:$0x2] =	wrdreg s25  }
0x27: {  	[dreg:$0x3] =	wrdreg s2  }
0x28: {  	[dreg:$0x4] =	wrdreg $0x9  }
0x29: {  	_ =	task.clear_ibuf [dreg:s7], $0x5FFFF;
	_ =	strace $0x90000049  }
0x2a: {  	s29 =	simm.s32 $0x9;
	_ =	strace $0x8000004B  }
0x2b: {  	_ =	swait.ge [sflag:s29], $0x1  }
0x2c: {  	[sflag:s29] =	ssyncadd.s32 $0xFFFFFFFF  }
0x2d: {  	_ =	strace $0x9000004B  }
0x2e: {  	_ =	sfence  }
0x2f: {  	s30 =	sld [smem:$0x0];
	_ =	sdelay $0x2  }
0x30: {  	s31 =	sshll.u32 s1, $0xD;
	s1 =	sshrl.u32 s1, $0x2  }
0x31: {  	s3 =	sand.u32 $0x4000, s31;
	s1 =	sadd.s32 s1, s30  }
0x32: {  	s0 =	sor.u32 s3, s0;
	s1 =	sshll.u32 s1, $0x11  }
0x33: {  	s0 =	sor.u32 s1, s0  }
0x34: {  	s0 =	sadd.s32 $0x8F2B, s0  }
0x35: {  	[sflag:s0] =	ssyncadd.remote.s32 $0x1  }
0x36: {  	_ =	sfence.sel $0xFFFF  }
0x37: {  	[dreg:$0x0] =	wrdreg $0xFFFFFFFF;
	(pc) =	sbr.abs _section_cstart, $3  }
0x38: {  	[dreg:$0x1] =	wrdreg $0xFFFFFFFF  }
0x39: {  	_ =	task.clear_ibuf [dreg:s7], $0x2FFFF;
	_ =	strace $0x9FFFFFFF  }
0x3a: {  	(tm) =	ssettm $0x7FFFFFFF  }
0x3b: {  	_ =	shalt  }
tec
execute0_lowered:
.L_overlay_start_1:
0x0: {  	(tag) =	ssettag $0x1  }
0x1: {  	s0 =	srdreg.scid  }
0x2: {  	s1 =	sshll.u32 s0, $0x4  }
0x3: {  	s0 =	stileid.u32;
	s1 =	sand.u32 $0x10, s1  }
0x4: {  	s1 =	sor.u32 s0, s1  }
0x5: {  	s6 =	rddreg [dreg:$0x0];
	s4 =	simm.s32 $0x1;
	s2 =	sshll.u32 s1, $0x7  }
0x6: {  	s7 =	simm.s32 $0x2;
	s12 =	simm.s32 $0x0;
	s1 =	ssub.s32 $0x1000, s2  }
0x7: {  	s8 =	simm.s32 $0x8000;
	s13 =	simm.s32 $0x0;
	s3 =	sand.u32 $0xF80, s1  }
0x8: {  	s9 =	simm.s32 $0x0;
	s5 =	sshrl.u32 s1, $0xC;
	p0 =	sne.s32 s3, $0x0  }
.Ltmp0:
0x9: {  	s1 =	rddreg [dreg:$0x2];
	s4 =	simm.s32 @!p0 $0x0;
	(pc) =	sbr.rel .LBB1_1-.Ltmp0, $4  }
0xa: {  	s11 =	simm.s32 $0x0;
	s3 =	rddreg [dreg:$0x1];
	s5 =	sadd.s32 s4, s5  }
0xb: {  	_ =	strace $0x8000004A;
	s4 =	simm.s32 $0x1;
	s5 =	smul.u32 $0xC8, s5  }
0xc: {  	s6 =	sadd.s32 $0xA00, s6;
	s10 =	smov.u32 s2;
	[sflag:s4] =	ssyncpa.u1 $0x0  }
0xd: {  	p0 =	por $0x0, $0x0;
	[sflag:s7] =	ssyncpa.u1 $0x0;
	s7 =	sor.u32 $0x1, s5  }
.LBB1_4:
0xe: {  	s16 =	sshll.u32 s13, $0x3;
	s17 =	sand.u32 $0x78, s13  }
0xf: {  	s30 =	sand.u32 $0x7E00, s13;
	s12 =	sshll.u32 s12, $0xF;
	s16 =	sand.u32 $0xC00, s16  }
0x10: {  	[tilespmem:s15+$0x810 ss:$0x81] =	vst.msk $0xffff, v2;
	s31 =	sand.u32 $0x7, s13;
	s16 =	sor.u32 s17, s16;
	s17 =	sadd.s32 s3, s30  }
0x11: {  	[tilespmem:s15+$0x1020 ss:$0x81] =	vst.msk $0xffff, v0;
	s13 =	sshll.u32 s31, $0x12;
	s12 =	sadd.s32 s12, s17;
	s16 =	sshrl.u32 s16, $0x3  }
0x12: {  	[tilespmem:s15+$0x0 ss:$0x81] =	vst.msk $0xffff, v1;
	s13 =	sor.u32 $0x400, s13;
	s12 =	sadd.s32 s16, s12  }
0x13: {  	[hbm4b:s12+s13] =	stream.strided.scatter [tilespmem:s14], [sflag:$0x2], $0x2000, s8, s13, $0x20;
	[tilespmem:$0x8080] =	vst v63  }
.LBB1_5:
0x14: {  	s14 =	sadd.s32 $0x1, s9  }
0x15: {  	s12 =	sadd.s32 $0x1000, s10;
	s16 =	smov.u32 s10;
	p2 =	sgt.s32 s14, $0xC7  }
0x16: {  	s16 =	smov.u32 @p2 s12  }
0x17: {  	s14 =	simm.s32 @p2 $0x0;
	p2 =	sgt.s32 s16, $0xFFF  }
0x18: {  	s16 =	smov.u32 @p2 s2;
	p2 =	sne.s32 s11, s7  }
.Ltmp1:
0x19: {  	p1 =	slt.u32 s11, $0x2;
	(pc) =	sbr.rel @!p2 .LBB1_6-.Ltmp1, $4  }
0x1a: {  	s15 =	simm.s32 @!p1 $0x2  }
0x1b: {  	s13 =	smov.u32 s10;
	p0 =	por !p0, !p0;
	_ =	swait.ge @!p1 [sflag:s15], $0x2000  }
0x1c: {  	s12 =	smov.u32 s9;
	[sflag:s15] =	ssyncset.done @!p1 $0x0;
	s9 =	smov.u32 s14  }
0x1d: {  	s11 =	sadd.s32 $0x1, s11;
	[sflag:s15] =	ssyncadd.s32 @!p1 $0xFFFFE000;
	s10 =	smov.u32 s16  }
.LBB1_1:
0x1e: {  	p1 =	sge.u32 s11, s5  }
0x1f: {  	s14 =	sand.u32 @!p1 $0x1FFFFFF, s9  }
0x20: {  	s15 =	smulhi.u32 @!p1 $0x147AE15, s14;
	_ =	sdelay $0x1  }
0x21: {  	s15 =	smul.u32 @!p1 $0xC8, s15  }
0x22: {  	s16 =	sxor.u32 @!p1 $0xFFFFFFFF, s11;
	s17 =	smul.u32 @!p1 $0xC80, s10  }
0x23: {  	s31 =	sadd.s32 $0xFFFFFFFF, s11;
	s16 =	sshll.u32 @!p1 s16, $0xD;
	s14 =	ssub.s32 @!p1 s14, s15  }
0x24: {  	s15 =	sand.u32 @!p1 $0x2000, s16;
	s16 =	sadd.s32 @!p1 s6, s17;
	s14 =	sshll.u32 @!p1 s14, $0x4  }
0x25: {  	s17 =	simm.s32 @!p1 $0x6400;
	s14 =	sadd.s32 @!p1 s14, s16;
	s16 =	simm.s32 @!p1 $0x40  }
0x26: {  	[tilespmem:s15], [sflag:$0x1] =	stream.strided.gather @!p1 [hbm4b:s14+s16], $0x2000, s17, s16, $0x38;
	[tilespmem:$0x8080] =	vst v63  }
0x27: {  	p1 =	sge.u32 s31, s5  }
.Ltmp2:
0x28: {  	_ = 	snop;
	(pc) =	sbr.rel @p1 .LBB1_5-.Ltmp2, $1  }
0x29: {  	_ =	sdelay $0x3  }
0x2a: {  	s14 =	simm.s32 $0x1  }
0x2b: {  	_ =	swait.ge [sflag:s4], $0x2000;
	s14 =	simm.s32 @!p0 $0x0  }
0x2c: {  	[sflag:s4] =	ssyncset.done $0x0;
	s15 =	sshll.u32 s14, $0xD  }
0x2d: {  	[sflag:s4] =	ssyncadd.s32 $0xFFFFE000;
	s18 =	sor.u32 $0x20, s15  }
0x2e: {  	s14 =	smul.u32 $0x8100, s14;
	v3 =	vld [tilespmem:s18+$0x10]  }
0x2f: {  	s30 =	sand.u32 $0x1, s11;
	v2 =	vld [tilespmem:s18+$0xFFFFFFF0]  }
0x30: {  	s15 =	smul.u32 $0x8100, s30;
	s14 =	sshrl.u32 s14, $0x2;
	v0 =	vld [tilespmem:s18+$0x0]  }
0x31: {  	v1 =	vld [tilespmem:s18+$0xFFFFFFE0];
	s16 =	sor.u32 $0x4000, s14  }
0x32: {  	s31 =	sshrl.u32 s15, $0x2;
	s15 =	sadd.s32 $0x0, s16  }
0x33: {  	s17 =	simm.s32 $0x4;
	s18 =	sadd.s32 $0x40, s18;
	s14 =	sor.u32 $0x4000, s31;
	[tilespmem:s15+$0x1830 ss:$0x81] =	vst.msk $0xffff, v3  }
.LBB1_3:
0x34: {  	v3 =	vld [tilespmem:s18+$0x10];
	p1 =	sne.s32 s17, $0x1FC;
	[tilespmem:s15+$0x810 ss:$0x81] =	vst.msk $0xffff, v2;
	s19 =	smov.u32 s17;
	s17 =	sadd.s32 $0x4, s17  }
.Ltmp3:
0x35: {  	v2 =	vld [tilespmem:s18+$0xFFFFFFF0];
	[tilespmem:s15+$0x1020 ss:$0x81] =	vst.msk $0xffff, v0;
	(pc) =	sbr.rel @p1 .LBB1_3-.Ltmp3, $4  }
0x36: {  	v0 =	vld [tilespmem:s18+$0x0];
	[tilespmem:s15+$0x0 ss:$0x81] =	vst.msk $0xffff, v1  }
0x37: {  	s15 =	sshra.s32 s19, $0x2;
	v1 =	vld [tilespmem:s18+$0xFFFFFFE0]  }
0x38: {  	s15 =	sadd.s32 s15, s16  }
0x39: {  	s18 =	sadd.s32 $0x40, s18;
	[tilespmem:s15+$0x1830 ss:$0x81] =	vst.msk $0xffff, v3  }
.Ltmp4:
0x3a: {  	_ = 	snop;
	(pc) =	sbr.rel .LBB1_4-.Ltmp4, $1  }
0x3b: {  	_ =	sdelay $0x3  }
.LBB1_6:
0x3c: {  	_ =	sfence.sel $0x180000  }
0x3d: {  	s2 =	simm.s32 $0x1;
	[bflag:$0x0] =	sbarrier.arrive $0xFFFF  }
0x3e: {  	s31 =	simm.s32 $0x2;
	[sflag:s2] =	ssyncpa.u1 $0x1  }
0x3f: {  	[sflag:s31] =	ssyncpa.u1 $0x1  }
0x40: {  	p0 =	sne.s32 s0, $0x0;
	_ =	strace $0x9000004A  }
0x41: {  	s0 =	sadd.s32 @!p0 $0x100000, s1;
	[bflag:$0x2] =	sbarrier.arrive $0xFFFF  }
0x42: {  	[sflag:s0] =	ssyncadd.tile.s32 @!p0 $0x1;
	_ =	shalt  }
.Lfunc_end1:
_tile_overlayer_lowered:
.L_overlay_start_2:
0x43: {  	(tag) =	ssettag $0x2  }
0x44: {  	s0 =	rddreg [dreg:$0x0];
	s2 =	stileid.u32  }
0x45: {  	s1 =	rddreg [dreg:$0x1];
	p0 =	sne.s32 s2, $0x0  }
0x46: {  	s3 =	rddreg [dreg:$0x2];
	[bflag:$0x3] =	sbarrier.arrive $0xFFFF;
	s2 =	simm.s32 @!p0 $0x1C01  }
0x47: {  	[timem:s3], [sflag:s2] =	dma.local @!p0 [hbm:s0], s1  }
0x48: {  	s0 =	simm.s32 @!p0 $0x1  }
0x49: {  	_ =	swait.ge @!p0 [sflag:s0], s1  }
0x4a: {  	s1 =	ssub.s32 @!p0 $0x0, s1;
	[sflag:s0] =	ssyncset.done @!p0 $0x0  }
0x4b: {  	[sflag:s0] =	ssyncadd.s32 @!p0 s1  }
0x4c: {  	[bflag:$0x3] =	sbarrier.arrive $0xFFFF  }
0x4d: {  	_ =	shalt  }

</sc_bundles>
